<compile_context>
chip_gen: v7x
topology: tpu7x:2x2x1
jax: 0.10.2.dev20260603
libtpu: 0.0.44.dev20260713+nightly
codegen_flags: <defaults>
</compile_context>

<pallas_src>
import functools

import jax
import jax.numpy as jnp
from jax import lax
from jax.experimental import pallas as pl
from jax.experimental.pallas import tpu as pltpu
from jax.experimental.pallas import tpu_sc as plsc

NUM_USER = 10000
NUM_ITEM = 10000
DIM = 128
HDIM = DIM // 2
NUM_EDGES = 320000
NUM_PAIRS = 4096

NC = 2
NS = 16
LANES = 16
NW = NC * NS
EPT = NUM_EDGES // NS
CHUNK = 80
NCH = EPT // CHUNK
NBUF = 5
CNTW = 16
PPW = NUM_PAIRS // NW
OWN = 640
OWN_LAST = NUM_ITEM - OWN * (NS - 1)
CORE_ROWS = NUM_ITEM // NC
OWNC = 320
OWNC_LAST = CORE_ROWS - OWNC * (NS - 1)
ZB = 128


def _make_agg():
    mesh = plsc.VectorSubcoreMesh(core_axis_name="c", subcore_axis_name="s",
                                  num_cores=NC, num_subcores=NS)

    @functools.partial(
        pl.kernel,
        out_type=[
            jax.ShapeDtypeStruct((NC, NUM_ITEM, HDIM), jnp.float32),
            jax.ShapeDtypeStruct((NUM_ITEM, CNTW), jnp.float32),
            jax.ShapeDtypeStruct((NC, NUM_USER, HDIM), jnp.float32),
            jax.ShapeDtypeStruct((NUM_USER, CNTW), jnp.float32),
        ],
        mesh=mesh,
        scratch_types=[
            pltpu.VMEM((NCH, 1, CHUNK), jnp.int32),
            pltpu.VMEM((NCH, 1, CHUNK), jnp.int32),
            pltpu.VMEM((NBUF, CHUNK, HDIM), jnp.float32),
            pltpu.VMEM((ZB, HDIM), jnp.float32),
            pltpu.VMEM((ZB, CNTW), jnp.float32),
            pltpu.VMEM((CHUNK, CNTW), jnp.float32),
            pltpu.VMEM_SHARED((NUM_ITEM, HDIM), jnp.float32),
            pltpu.VMEM_SHARED((NUM_ITEM, CNTW), jnp.float32),
        ] + [pltpu.SemaphoreType.DMA] * NBUF,
        compiler_params=pltpu.CompilerParams(use_tc_tiling_on_sc=False),
    )
    def agg(edges_u2i, edges_i2u,
            x_user_lo, x_user_hi, x_item_lo, x_item_hi,
            sum_item, cnt_item, sum_user, cnt_user,
            src_v, dst_v, rows_v, zrow_v, zcnt_v, ones_v, acc_sh, cnt_sh,
            *sems):
        c = lax.axis_index("c")
        s = lax.axis_index("s")
        tbase = pl.multiple_of(s * OWN, 8)
        cbase = pl.multiple_of(c * CORE_ROWS + s * OWNC, 8)

        zero16 = jnp.zeros((LANES,), jnp.float32)
        one16 = jnp.ones((LANES,), jnp.float32)

        def zrow_fill(i, carry):
            for k in range(HDIM // LANES):
                zrow_v[i, pl.ds(k * LANES, LANES)] = zero16
            return carry

        lax.fori_loop(0, ZB, zrow_fill, 0)

        def zcnt_fill(i, carry):
            zcnt_v[i, pl.ds(0, LANES)] = zero16
            return carry

        lax.fori_loop(0, ZB, zcnt_fill, 0)

        def ones_fill(i, carry):
            ones_v[i, pl.ds(0, LANES)] = one16
            return carry

        lax.fori_loop(0, CHUNK, ones_fill, 0)

        def copy_blocks(mk_src, mk_dst, nrows):
            r = 0
            while r < nrows:
                n = min(ZB, nrows - r)
                pltpu.sync_copy(mk_src(r, n), mk_dst(r, n))
                r += n

        def split_last(fn, nreg, nlast):
            @pl.when(s < NS - 1)
            def _():
                fn(nreg)

            @pl.when(s == NS - 1)
            def _():
                fn(nlast)

        def run_phase(x_lo, x_hi, edges_hbm, out_sum, out_cnt):
            split_last(lambda nr: copy_blocks(
                lambda r, n: zrow_v.at[pl.ds(0, n)],
                lambda r, n: acc_sh.at[pl.ds(tbase + r, n)], nr), OWN, OWN_LAST)
            split_last(lambda nr: copy_blocks(
                lambda r, n: zcnt_v.at[pl.ds(0, n)],
                lambda r, n: cnt_sh.at[pl.ds(tbase + r, n)], nr), OWN, OWN_LAST)
            plsc.subcore_barrier()

            pltpu.sync_copy(edges_hbm.at[0, s], src_v)
            pltpu.sync_copy(edges_hbm.at[1, s], dst_v)

            def start_gather(j, b):
                @pl.when(c == 0)
                def _():
                    pltpu.async_copy(x_lo.at[src_v.at[j, 0]], rows_v.at[b],
                                     sems[b])

                @pl.when(c == 1)
                def _():
                    pltpu.async_copy(x_hi.at[src_v.at[j, 0]], rows_v.at[b],
                                     sems[b])

            for b in range(NBUF):
                start_gather(b, b)

            def ring_body(i, carry):
                j0 = i * NBUF
                for b in range(NBUF):
                    j = j0 + b
                    pltpu.make_async_copy(x_lo.at[src_v.at[0, 0]],
                                          rows_v.at[b], sems[b]).wait()
                    pltpu.sync_copy(rows_v.at[b], acc_sh.at[dst_v.at[j, 0]],
                                    add=True)
                    pltpu.sync_copy(ones_v, cnt_sh.at[dst_v.at[j, 0]],
                                    add=True)

                    @pl.when(j + NBUF < NCH)
                    def _():
                        start_gather(j + NBUF, b)
                return carry

            lax.fori_loop(0, NCH // NBUF, ring_body, 0)
            plsc.subcore_barrier()

            split_last(lambda nr: copy_blocks(
                lambda r, n: acc_sh.at[pl.ds(tbase + r, n)],
                lambda r, n: out_sum.at[c, pl.ds(tbase + r, n)], nr), OWN, OWN_LAST)
            split_last(lambda nr: copy_blocks(
                lambda r, n: cnt_sh.at[pl.ds(cbase + r, n)],
                lambda r, n: out_cnt.at[pl.ds(cbase + r, n)], nr), OWNC, OWNC_LAST)
            plsc.subcore_barrier()

        run_phase(x_user_lo, x_user_hi, edges_u2i, sum_item, cnt_item)
        run_phase(x_item_lo, x_item_hi, edges_i2u, sum_user, cnt_user)

    return agg


RBLK = 2000


def _dense_block(x_ref, s_ref, c_ref, w_self_ref, w_agg_ref, o_ref):
    ssum = jnp.concatenate([s_ref[0], s_ref[1]], axis=-1)
    cnt = c_ref[:, 0:1]
    agg = ssum / jnp.clip(cnt, 1.0, None)
    z = (lax.dot_general(x_ref[...], w_self_ref[...], (((1,), (0,)), ((), ())),
                         precision=lax.Precision.HIGHEST)
         + lax.dot_general(agg, w_agg_ref[...], (((1,), (0,)), ((), ())),
                           precision=lax.Precision.HIGHEST))
    o_ref[...] = jnp.maximum(z, 0.0)


def _dense_body(xu, su, cu, wus, wiu, xi, si, ci, wis, wui, zu, zi):
    _dense_block(xu, su, cu, wus, wiu, zu)
    _dense_block(xi, si, ci, wis, wui, zi)


def _make_dense():
    row_spec = pl.BlockSpec((RBLK, DIM), lambda i: (i, 0))
    sum_spec = pl.BlockSpec((NC, RBLK, HDIM), lambda i: (0, i, 0))
    cnt_spec = pl.BlockSpec((RBLK, CNTW), lambda i: (i, 0))
    w_spec = pl.BlockSpec((DIM, DIM), lambda i: (0, 0))
    return pl.pallas_call(
        _dense_body,
        grid=(NUM_USER // RBLK,),
        in_specs=[row_spec, sum_spec, cnt_spec, w_spec, w_spec,
                  row_spec, sum_spec, cnt_spec, w_spec, w_spec],
        out_specs=[row_spec, row_spec],
        out_shape=[jax.ShapeDtypeStruct((NUM_USER, DIM), jnp.float32),
                   jax.ShapeDtypeStruct((NUM_ITEM, DIM), jnp.float32)],
    )


def _make_score():
    mesh = plsc.VectorSubcoreMesh(core_axis_name="c", subcore_axis_name="s",
                                  num_cores=NC, num_subcores=NS)

    @functools.partial(
        pl.kernel,
        out_type=jax.ShapeDtypeStruct((NUM_PAIRS,), jnp.float32),
        mesh=mesh,
        scratch_types=[
            pltpu.VMEM((PPW,), jnp.int32),
            pltpu.VMEM((PPW,), jnp.int32),
            pltpu.VMEM((PPW, DIM), jnp.float32),
            pltpu.VMEM((PPW, DIM), jnp.float32),
            pltpu.VMEM((PPW * LANES,), jnp.float32),
            pltpu.VMEM((PPW,), jnp.float32),
            pltpu.SemaphoreType.DMA,
            pltpu.SemaphoreType.DMA,
        ],
        compiler_params=pltpu.CompilerParams(needs_layout_passes=False),
    )
    def score(row_hbm, col_hbm, zu_hbm, zi_hbm, out_hbm,
              row_v, col_v, zu_v, zi_v, part_v, out_v, sem_a, sem_b):
        c = lax.axis_index("c")
        s = lax.axis_index("s")
        w = s * NC + c
        base = pl.multiple_of(w * PPW, 8)
        pltpu.sync_copy(row_hbm.at[pl.ds(base, PPW)], row_v)
        pltpu.sync_copy(col_hbm.at[pl.ds(base, PPW)], col_v)
        cp_a = pltpu.async_copy(zu_hbm.at[row_v], zu_v, sem_a)
        cp_b = pltpu.async_copy(zi_hbm.at[col_v], zi_v, sem_b)
        cp_a.wait()
        cp_b.wait()

        def pair_body(p, carry):
            acc = zu_v[p, pl.ds(0, LANES)] * zi_v[p, pl.ds(0, LANES)]
            for k in range(1, DIM // LANES):
                acc = acc + zu_v[p, pl.ds(k * LANES, LANES)] * zi_v[p, pl.ds(k * LANES, LANES)]
            part_v[pl.ds(p * LANES, LANES)] = acc
            return carry

        lax.fori_loop(0, PPW, pair_body, 0)

        for g in range(PPW // LANES):
            ids = lax.iota(jnp.int32, LANES) + g * LANES
            flat = ids * LANES
            tot = plsc.load_gather(part_v, [flat])
            for k in range(1, LANES):
                tot = tot + plsc.load_gather(part_v, [flat + k])
            out_v[pl.ds(g * LANES, LANES)] = tot
        pltpu.sync_copy(out_v, out_hbm.at[pl.ds(base, PPW)])

    return score


def kernel(x_user, x_item, edge_index_u2i, edge_index_i2u, edge_label_index,
           W_user_self, W_item_self, W_u2i, W_i2u):
    e_u2i = edge_index_u2i.astype(jnp.int32).reshape(2, NS, NCH, 1, CHUNK)
    e_i2u = edge_index_i2u.astype(jnp.int32).reshape(2, NS, NCH, 1, CHUNK)
    eli = edge_label_index.astype(jnp.int32)
    x_user_lo = x_user[:, :HDIM]
    x_user_hi = x_user[:, HDIM:]
    x_item_lo = x_item[:, :HDIM]
    x_item_hi = x_item[:, HDIM:]

    agg = _make_agg()
    si, ci, su, cu = agg(e_u2i, e_i2u,
                         x_user_lo, x_user_hi, x_item_lo, x_item_hi)

    dense = _make_dense()
    z_user, z_item = dense(x_user, su, cu, W_user_self, W_i2u,
                           x_item, si, ci, W_item_self, W_u2i)

    score = _make_score()
    return score(eli[0], eli[1], z_user, z_item)

# --- scband reference (transcript-rebuilt; emitter-appended) ---
"""Pipeline reference for scband-recommender-model-69518340653459 (READ-ONLY COPY).

The authoritative reference and input builder live on the scoring server;
editing this copy changes nothing except your own understanding.
"""

import jax, jax.numpy as jnp
import numpy as np

N_USER = 10000
N_ITEM = 10000
D = 128
E = 320000
B = 4096


def setup_inputs(seed: int = 0) -> dict:
    key = jax.random.key(seed)
    ks = jax.random.split(key, 10)
    x_user = jax.random.normal(ks[0], (N_USER, D), dtype=jnp.float32)
    x_item = jax.random.normal(ks[1], (N_ITEM, D), dtype=jnp.float32)
    edge_index_u2i = jax.random.randint(ks[2], (2, E), 0, N_USER, dtype=jnp.int64) if jax.config.jax_enable_x64 else jax.random.randint(ks[2], (2, E), 0, N_USER).astype(jnp.int32)
    edge_index_i2u = jax.random.randint(ks[3], (2, E), 0, N_ITEM).astype(edge_index_u2i.dtype)
    edge_label_index = jax.random.randint(ks[4], (2, B), 0, N_USER).astype(edge_index_u2i.dtype)
    scale = 1.0 / np.sqrt(D)
    W_user_self = jax.random.normal(ks[5], (D, D), dtype=jnp.float32) * scale
    W_item_self = jax.random.normal(ks[6], (D, D), dtype=jnp.float32) * scale
    W_u2i = jax.random.normal(ks[7], (D, D), dtype=jnp.float32) * scale
    W_i2u = jax.random.normal(ks[8], (D, D), dtype=jnp.float32) * scale
    return {
        "x_user": x_user,
        "x_item": x_item,
        "edge_index_u2i": edge_index_u2i,
        "edge_index_i2u": edge_index_i2u,
        "edge_label_index": edge_label_index,
        "W_user_self": W_user_self,
        "W_item_self": W_item_self,
        "W_u2i": W_u2i,
        "W_i2u": W_i2u,
    }


def _mean_agg(x_src, edge_index, num_dst):
    src = edge_index[0]
    dst = edge_index[1]
    msgs = jnp.take(x_src, src, axis=0)
    summed = jax.ops.segment_sum(msgs, dst, num_segments=num_dst)
    cnt = jax.ops.segment_sum(jnp.ones((edge_index.shape[1],), jnp.float32), dst, num_segments=num_dst)
    return summed / jnp.clip(cnt, 1.0, None)[:, None]


def reference(x_user, x_item, edge_index_u2i, edge_index_i2u, edge_label_index,
              W_user_self, W_item_self, W_u2i, W_i2u):
    # Hetero GNN encoder: one hetero SAGE-style layer with mean aggregation.
    agg_item = _mean_agg(x_user, edge_index_u2i, N_ITEM)
    agg_user = _mean_agg(x_item, edge_index_i2u, N_USER)
    z_item = jax.nn.relu(x_item @ W_item_self + agg_item @ W_u2i)
    z_user = jax.nn.relu(x_user @ W_user_self + agg_user @ W_i2u)
    # target_edge_type = ('user', 'rates', 'item')
    row = edge_label_index[0]
    col = edge_label_index[1]
    z_src = jnp.take(z_user, row, axis=0)
    z_dst = jnp.take(z_item, col, axis=0)
    return (z_src * z_dst).sum(axis=-1)

if __name__ == "__main__":
    import jax
    _d = setup_inputs()
    print(jax.jit(kernel)(*tuple(_d.values())))

</pallas_src>

<mosaic_0001>
#map = affine_map<(d0, d1) -> (0, 0, 0, 0, 0)>
#map1 = affine_map<(d0, d1) -> (0, 0)>
#map2 = affine_map<(d0, d1) -> (0, 0, 0)>
module attributes {stable_mosaic.version = 14 : i64} {
  func.func @agg(%arg0: i32, %arg1: i32, %arg2: memref<2x16x250x1x80xi32, #tpu.memory_space<hbm>>, %arg3: memref<2x16x250x1x80xi32, #tpu.memory_space<hbm>>, %arg4: memref<10000x64xf32, #tpu.memory_space<hbm>>, %arg5: memref<10000x64xf32, #tpu.memory_space<hbm>>, %arg6: memref<10000x64xf32, #tpu.memory_space<hbm>>, %arg7: memref<10000x64xf32, #tpu.memory_space<hbm>>, %arg8: memref<2x10000x64xf32, #tpu.memory_space<hbm>>, %arg9: memref<10000x16xf32, #tpu.memory_space<hbm>>, %arg10: memref<2x10000x64xf32, #tpu.memory_space<hbm>>, %arg11: memref<10000x16xf32, #tpu.memory_space<hbm>>, %arg12: memref<250x1x80xi32, #tpu.memory_space<vmem>>, %arg13: memref<250x1x80xi32, #tpu.memory_space<vmem>>, %arg14: memref<5x80x64xf32, #tpu.memory_space<vmem>>, %arg15: memref<128x64xf32, #tpu.memory_space<vmem>>, %arg16: memref<128x16xf32, #tpu.memory_space<vmem>>, %arg17: memref<80x16xf32, #tpu.memory_space<vmem>>, %arg18: memref<10000x64xf32, #tpu.memory_space<vmem_shared>>, %arg19: memref<10000x16xf32, #tpu.memory_space<vmem_shared>>, %arg20: memref<!tpu.dma_semaphore, #tpu.memory_space<semaphore_mem>>, %arg21: memref<!tpu.dma_semaphore, #tpu.memory_space<semaphore_mem>>, %arg22: memref<!tpu.dma_semaphore, #tpu.memory_space<semaphore_mem>>, %arg23: memref<!tpu.dma_semaphore, #tpu.memory_space<semaphore_mem>>, %arg24: memref<!tpu.dma_semaphore, #tpu.memory_space<semaphore_mem>>) attributes {dimension_semantics = [#tpu.dimension_semantics<core_parallel>, #tpu.dimension_semantics<subcore_parallel>], iteration_bounds = array<i64: 2, 16>, scalar_prefetch = 0 : i64, scratch_operands = 13 : i64, tpu.core_type = #tpu.core_type<sc_vector_subcore>, window_params = [{transform_indices = #map}, {transform_indices = #map}, {transform_indices = #map1}, {transform_indices = #map1}, {transform_indices = #map1}, {transform_indices = #map1}, {transform_indices = #map2}, {transform_indices = #map1}, {transform_indices = #map2}, {transform_indices = #map1}]} {
    %mul3A = arith.constant 640 : i32
    %mul3A_0 = arith.muli %arg1, %mul3A : i32
    %multiple_of3A = tpu.assume_multiple %mul3A_0, 8 : i32
    %mul3A_1 = arith.constant 5000 : i32
    %mul3A_2 = arith.muli %arg0, %mul3A_1 : i32
    %mul3A_3 = arith.constant 320 : i32
    %mul3A_4 = arith.muli %arg1, %mul3A_3 : i32
    %add3A = arith.addi %mul3A_2, %mul3A_4 : i32
    %multiple_of3A_5 = tpu.assume_multiple %add3A, 8 : i32
    %broadcast_in_dim3A = arith.constant 0.000000e+00 : f32
    %broadcast_in_dim3A_6 = vector.broadcast %broadcast_in_dim3A : f32 to vector<16xf32>
    %broadcast_in_dim3A_7 = arith.constant 1.000000e+00 : f32
    %broadcast_in_dim3A_8 = vector.broadcast %broadcast_in_dim3A_7 : f32 to vector<16xf32>
    %scan3A = arith.constant 0 : i32
    %scan3A_9 = arith.constant 0 : i32
    %scan3A_10 = arith.constant 128 : i32
    %scan3A_11 = arith.addi %scan3A_9, %scan3A_10 : i32
    %scan3A_12 = arith.constant 1 : i32
    scf.for %scan3A_222 = %scan3A_9 to %scan3A_11 step %scan3A_12  : i32 {
      %swap3A = arith.index_cast %scan3A_222 : i32 to index
      %swap3A_223 = arith.constant 0 : index
      %swap3A_224 = tpu.vector_load %arg15[%swap3A, %swap3A_223] {strides = array<i32>} : memref<128x64xf32, #tpu.memory_space<vmem>>, vector<1x16xf32>,
      %swap3A_225 = vector.shape_cast %swap3A_224 : vector<1x16xf32> to vector<16xf32>
      %swap3A_226 = vector.shape_cast %broadcast_in_dim3A_6 : vector<16xf32> to vector<1x16xf32>
      tpu.vector_store %arg15[%swap3A, %swap3A_223], %swap3A_226 {strides = array<i32>} : memref<128x64xf32, #tpu.memory_space<vmem>>, vector<1x16xf32>,
      %swap3A_227 = arith.index_cast %scan3A_222 : i32 to index
      %swap3A_228 = arith.constant 16 : index
      %swap3A_229 = tpu.vector_load %arg15[%swap3A_227, %swap3A_228] {strides = array<i32>} : memref<128x64xf32, #tpu.memory_space<vmem>>, vector<1x16xf32>,
      %swap3A_230 = vector.shape_cast %swap3A_229 : vector<1x16xf32> to vector<16xf32>
      %swap3A_231 = vector.shape_cast %broadcast_in_dim3A_6 : vector<16xf32> to vector<1x16xf32>
      tpu.vector_store %arg15[%swap3A_227, %swap3A_228], %swap3A_231 {strides = array<i32>} : memref<128x64xf32, #tpu.memory_space<vmem>>, vector<1x16xf32>,
      %swap3A_232 = arith.index_cast %scan3A_222 : i32 to index
      %swap3A_233 = arith.constant 32 : index
      %swap3A_234 = tpu.vector_load %arg15[%swap3A_232, %swap3A_233] {strides = array<i32>} : memref<128x64xf32, #tpu.memory_space<vmem>>, vector<1x16xf32>,
      %swap3A_235 = vector.shape_cast %swap3A_234 : vector<1x16xf32> to vector<16xf32>
      %swap3A_236 = vector.shape_cast %broadcast_in_dim3A_6 : vector<16xf32> to vector<1x16xf32>
      tpu.vector_store %arg15[%swap3A_232, %swap3A_233], %swap3A_236 {strides = array<i32>} : memref<128x64xf32, #tpu.memory_space<vmem>>, vector<1x16xf32>,
      %swap3A_237 = arith.index_cast %scan3A_222 : i32 to index
      %swap3A_238 = arith.constant 48 : index
      %swap3A_239 = tpu.vector_load %arg15[%swap3A_237, %swap3A_238] {strides = array<i32>} : memref<128x64xf32, #tpu.memory_space<vmem>>, vector<1x16xf32>,
      %swap3A_240 = vector.shape_cast %swap3A_239 : vector<1x16xf32> to vector<16xf32>
      %swap3A_241 = vector.shape_cast %broadcast_in_dim3A_6 : vector<16xf32> to vector<1x16xf32>
      tpu.vector_store %arg15[%swap3A_237, %swap3A_238], %swap3A_241 {strides = array<i32>} : memref<128x64xf32, #tpu.memory_space<vmem>>, vector<1x16xf32>,
    }
    %scan3A_13 = arith.constant 128 : i32
    %scan3A_14 = arith.constant 0 : i32
    %scan3A_15 = arith.constant 0 : i32
    %scan3A_16 = arith.constant 128 : i32
    %scan3A_17 = arith.addi %scan3A_15, %scan3A_16 : i32
    %scan3A_18 = arith.constant 1 : i32
    scf.for %scan3A_222 = %scan3A_15 to %scan3A_17 step %scan3A_18  : i32 {
      %swap3A = arith.index_cast %scan3A_222 : i32 to index
      %swap3A_223 = arith.constant 0 : index
      %swap3A_224 = tpu.vector_load %arg16[%swap3A, %swap3A_223] {strides = array<i32>} : memref<128x16xf32, #tpu.memory_space<vmem>>, vector<1x16xf32>,
      %swap3A_225 = vector.shape_cast %swap3A_224 : vector<1x16xf32> to vector<16xf32>
      %swap3A_226 = vector.shape_cast %broadcast_in_dim3A_6 : vector<16xf32> to vector<1x16xf32>
      tpu.vector_store %arg16[%swap3A, %swap3A_223], %swap3A_226 {strides = array<i32>} : memref<128x16xf32, #tpu.memory_space<vmem>>, vector<1x16xf32>,
    }
    %scan3A_19 = arith.constant 128 : i32
    %scan3A_20 = arith.constant 0 : i32
    %scan3A_21 = arith.constant 0 : i32
    %scan3A_22 = arith.constant 80 : i32
    %scan3A_23 = arith.addi %scan3A_21, %scan3A_22 : i32
    %scan3A_24 = arith.constant 1 : i32
    scf.for %scan3A_222 = %scan3A_21 to %scan3A_23 step %scan3A_24  : i32 {
      %swap3A = arith.index_cast %scan3A_222 : i32 to index
      %swap3A_223 = arith.constant 0 : index
      %swap3A_224 = tpu.vector_load %arg17[%swap3A, %swap3A_223] {strides = array<i32>} : memref<80x16xf32, #tpu.memory_space<vmem>>, vector<1x16xf32>,
      %swap3A_225 = vector.shape_cast %swap3A_224 : vector<1x16xf32> to vector<16xf32>
      %swap3A_226 = vector.shape_cast %broadcast_in_dim3A_8 : vector<16xf32> to vector<1x16xf32>
      tpu.vector_store %arg17[%swap3A, %swap3A_223], %swap3A_226 {strides = array<i32>} : memref<80x16xf32, #tpu.memory_space<vmem>>, vector<1x16xf32>,
    }
    %scan3A_25 = arith.constant 80 : i32
    %lt3A = arith.constant 15 : i32
    %lt3A_26 = arith.cmpi slt, %arg1, %lt3A : i32
    %convert_element_type3A = arith.extui %lt3A_26 : i1 to i32
    %cond3A = arith.constant 0 : i32
    %cond3A_27 = arith.cmpi ne, %convert_element_type3A, %cond3A : i32
    scf.if %cond3A_27 {
      %add3A_222 = arith.constant 0 : i32
      %add3A_223 = arith.addi %multiple_of3A, %add3A_222 : i32
      "tpu.region"() ({
        %run_scoped3A_232 = tpu.sem_alloc : memref<!tpu.dma_semaphore, #tpu.memory_space<semaphore_mem>>
        %dma_start3A = arith.constant 0 : i32
        %dma_start3A_233 = arith.constant 0 : i32
        %dma_start3A_234 = tpu.memref_slice %arg15[%dma_start3A, %dma_start3A_233] : memref<128x64xf32, #tpu.memory_space<vmem>> -> memref<128x64xf32, #tpu.memory_space<vmem>>
        %dma_start3A_235 = arith.constant 0 : i32
        %dma_start3A_236 = tpu.memref_slice %arg18[%add3A_223, %dma_start3A_235] : memref<10000x64xf32, #tpu.memory_space<vmem_shared>> -> memref<128x64xf32, #tpu.memory_space<vmem_shared>>
        %dma_start3A_237 = arith.constant 0 : i32
        %dma_start3A_238 = tpu.memref_slice %arg18[%add3A_223, %dma_start3A_237] : memref<10000x64xf32, #tpu.memory_space<vmem_shared>> -> memref<128x64xf32, #tpu.memory_space<vmem_shared>>
        %dma_start3A_239 = arith.constant 0 : i32
        %dma_start3A_240 = arith.constant 0 : i32
        %dma_start3A_241 = tpu.memref_slice %arg15[%dma_start3A_239, %dma_start3A_240] : memref<128x64xf32, #tpu.memory_space<vmem>> -> memref<128x64xf32, #tpu.memory_space<vmem>>
        tpu.enqueue_dma source(%dma_start3A_241 : memref<128x64xf32, #tpu.memory_space<vmem>>) target(%dma_start3A_238 : memref<128x64xf32, #tpu.memory_space<vmem_shared>>) target_semaphore(%run_scoped3A_232 : memref<!tpu.dma_semaphore, #tpu.memory_space<semaphore_mem>>)
        %dma_wait3A = arith.constant 0 : i32
        %dma_wait3A_242 = arith.constant 0 : i32
        %dma_wait3A_243 = tpu.memref_slice %arg15[%dma_wait3A, %dma_wait3A_242] : memref<128x64xf32, #tpu.memory_space<vmem>> -> memref<128x64xf32, #tpu.memory_space<vmem>>
        %dma_wait3A_244 = arith.constant 0 : i32
        %dma_wait3A_245 = tpu.memref_slice %arg18[%add3A_223, %dma_wait3A_244] : memref<10000x64xf32, #tpu.memory_space<vmem_shared>> -> memref<128x64xf32, #tpu.memory_space<vmem_shared>>
        %dma_wait3A_246 = arith.constant 0 : i32
        %dma_wait3A_247 = tpu.memref_slice %arg18[%add3A_223, %dma_wait3A_246] : memref<10000x64xf32, #tpu.memory_space<vmem_shared>> -> memref<128x64xf32, #tpu.memory_space<vmem_shared>>
        %dma_wait3A_248 = arith.constant 0 : i32
        %dma_wait3A_249 = arith.constant 0 : i32
        %dma_wait3A_250 = tpu.memref_slice %arg15[%dma_wait3A_248, %dma_wait3A_249] : memref<128x64xf32, #tpu.memory_space<vmem>> -> memref<128x64xf32, #tpu.memory_space<vmem>>
        tpu.wait_dma2 semaphore(%run_scoped3A_232 : memref<!tpu.dma_semaphore, #tpu.memory_space<semaphore_mem>>) src(%dma_wait3A_250 : memref<128x64xf32, #tpu.memory_space<vmem>>) dst(%dma_wait3A_247 : memref<128x64xf32, #tpu.memory_space<vmem_shared>>)
        tpu.yield
      }) : () -> ()
      %add3A_224 = arith.constant 128 : i32
      %add3A_225 = arith.addi %multiple_of3A, %add3A_224 : i32
      "tpu.region"() ({
        %run_scoped3A_232 = tpu.sem_alloc : memref<!tpu.dma_semaphore, #tpu.memory_space<semaphore_mem>>
        %dma_start3A = arith.constant 0 : i32
        %dma_start3A_233 = arith.constant 0 : i32
        %dma_start3A_234 = tpu.memref_slice %arg15[%dma_start3A, %dma_start3A_233] : memref<128x64xf32, #tpu.memory_space<vmem>> -> memref<128x64xf32, #tpu.memory_space<vmem>>
        %dma_start3A_235 = arith.constant 0 : i32
        %dma_start3A_236 = tpu.memref_slice %arg18[%add3A_225, %dma_start3A_235] : memref<10000x64xf32, #tpu.memory_space<vmem_shared>> -> memref<128x64xf32, #tpu.memory_space<vmem_shared>>
        %dma_start3A_237 = arith.constant 0 : i32
        %dma_start3A_238 = tpu.memref_slice %arg18[%add3A_225, %dma_start3A_237] : memref<10000x64xf32, #tpu.memory_space<vmem_shared>> -> memref<128x64xf32, #tpu.memory_space<vmem_shared>>
        %dma_start3A_239 = arith.constant 0 : i32
        %dma_start3A_240 = arith.constant 0 : i32
        %dma_start3A_241 = tpu.memref_slice %arg15[%dma_start3A_239, %dma_start3A_240] : memref<128x64xf32, #tpu.memory_space<vmem>> -> memref<128x64xf32, #tpu.memory_space<vmem>>
        tpu.enqueue_dma source(%dma_start3A_241 : memref<128x64xf32, #tpu.memory_space<vmem>>) target(%dma_start3A_238 : memref<128x64xf32, #tpu.memory_space<vmem_shared>>) target_semaphore(%run_scoped3A_232 : memref<!tpu.dma_semaphore, #tpu.memory_space<semaphore_mem>>)
        %dma_wait3A = arith.constant 0 : i32
        %dma_wait3A_242 = arith.constant 0 : i32
        %dma_wait3A_243 = tpu.memref_slice %arg15[%dma_wait3A, %dma_wait3A_242] : memref<128x64xf32, #tpu.memory_space<vmem>> -> memref<128x64xf32, #tpu.memory_space<vmem>>
        %dma_wait3A_244 = arith.constant 0 : i32
        %dma_wait3A_245 = tpu.memref_slice %arg18[%add3A_225, %dma_wait3A_244] : memref<10000x64xf32, #tpu.memory_space<vmem_shared>> -> memref<128x64xf32, #tpu.memory_space<vmem_shared>>
        %dma_wait3A_246 = arith.constant 0 : i32
        %dma_wait3A_247 = tpu.memref_slice %arg18[%add3A_225, %dma_wait3A_246] : memref<10000x64xf32, #tpu.memory_space<vmem_shared>> -> memref<128x64xf32, #tpu.memory_space<vmem_shared>>
        %dma_wait3A_248 = arith.constant 0 : i32
        %dma_wait3A_249 = arith.constant 0 : i32
        %dma_wait3A_250 = tpu.memref_slice %arg15[%dma_wait3A_248, %dma_wait3A_249] : memref<128x64xf32, #tpu.memory_space<vmem>> -> memref<128x64xf32, #tpu.memory_space<vmem>>
        tpu.wait_dma2 semaphore(%run_scoped3A_232 : memref<!tpu.dma_semaphore, #tpu.memory_space<semaphore_mem>>) src(%dma_wait3A_250 : memref<128x64xf32, #tpu.memory_space<vmem>>) dst(%dma_wait3A_247 : memref<128x64xf32, #tpu.memory_space<vmem_shared>>)
        tpu.yield
      }) : () -> ()
      %add3A_226 = arith.constant 256 : i32
      %add3A_227 = arith.addi %multiple_of3A, %add3A_226 : i32
      "tpu.region"() ({
        %run_scoped3A_232 = tpu.sem_alloc : memref<!tpu.dma_semaphore, #tpu.memory_space<semaphore_mem>>
        %dma_start3A = arith.constant 0 : i32
        %dma_start3A_233 = arith.constant 0 : i32
        %dma_start3A_234 = tpu.memref_slice %arg15[%dma_start3A, %dma_start3A_233] : memref<128x64xf32, #tpu.memory_space<vmem>> -> memref<128x64xf32, #tpu.memory_space<vmem>>
        %dma_start3A_235 = arith.constant 0 : i32
        %dma_start3A_236 = tpu.memref_slice %arg18[%add3A_227, %dma_start3A_235] : memref<10000x64xf32, #tpu.memory_space<vmem_shared>> -> memref<128x64xf32, #tpu.memory_space<vmem_shared>>
        %dma_start3A_237 = arith.constant 0 : i32
        %dma_start3A_238 = tpu.memref_slice %arg18[%add3A_227, %dma_start3A_237] : memref<10000x64xf32, #tpu.memory_space<vmem_shared>> -> memref<128x64xf32, #tpu.memory_space<vmem_shared>>
        %dma_start3A_239 = arith.constant 0 : i32
        %dma_start3A_240 = arith.constant 0 : i32
        %dma_start3A_241 = tpu.memref_slice %arg15[%dma_start3A_239, %dma_start3A_240] : memref<128x64xf32, #tpu.memory_space<vmem>> -> memref<128x64xf32, #tpu.memory_space<vmem>>
        tpu.enqueue_dma source(%dma_start3A_241 : memref<128x64xf32, #tpu.memory_space<vmem>>) target(%dma_start3A_238 : memref<128x64xf32, #tpu.memory_space<vmem_shared>>) target_semaphore(%run_scoped3A_232 : memref<!tpu.dma_semaphore, #tpu.memory_space<semaphore_mem>>)
        %dma_wait3A = arith.constant 0 : i32
        %dma_wait3A_242 = arith.constant 0 : i32
        %dma_wait3A_243 = tpu.memref_slice %arg15[%dma_wait3A, %dma_wait3A_242] : memref<128x64xf32, #tpu.memory_space<vmem>> -> memref<128x64xf32, #tpu.memory_space<vmem>>
        %dma_wait3A_244 = arith.constant 0 : i32
        %dma_wait3A_245 = tpu.memref_slice %arg18[%add3A_227, %dma_wait3A_244] : memref<10000x64xf32, #tpu.memory_space<vmem_shared>> -> memref<128x64xf32, #tpu.memory_space<vmem_shared>>
        %dma_wait3A_246 = arith.constant 0 : i32
        %dma_wait3A_247 = tpu.memref_slice %arg18[%add3A_227, %dma_wait3A_246] : memref<10000x64xf32, #tpu.memory_space<vmem_shared>> -> memref<128x64xf32, #tpu.memory_space<vmem_shared>>
        %dma_wait3A_248 = arith.constant 0 : i32
        %dma_wait3A_249 = arith.constant 0 : i32
        %dma_wait3A_250 = tpu.memref_slice %arg15[%dma_wait3A_248, %dma_wait3A_249] : memref<128x64xf32, #tpu.memory_space<vmem>> -> memref<128x64xf32, #tpu.memory_space<vmem>>
        tpu.wait_dma2 semaphore(%run_scoped3A_232 : memref<!tpu.dma_semaphore, #tpu.memory_space<semaphore_mem>>) src(%dma_wait3A_250 : memref<128x64xf32, #tpu.memory_space<vmem>>) dst(%dma_wait3A_247 : memref<128x64xf32, #tpu.memory_space<vmem_shared>>)
        tpu.yield
      }) : () -> ()
      %add3A_228 = arith.constant 384 : i32
      %add3A_229 = arith.addi %multiple_of3A, %add3A_228 : i32
      "tpu.region"() ({
        %run_scoped3A_232 = tpu.sem_alloc : memref<!tpu.dma_semaphore, #tpu.memory_space<semaphore_mem>>
        %dma_start3A = arith.constant 0 : i32
        %dma_start3A_233 = arith.constant 0 : i32
        %dma_start3A_234 = tpu.memref_slice %arg15[%dma_start3A, %dma_start3A_233] : memref<128x64xf32, #tpu.memory_space<vmem>> -> memref<128x64xf32, #tpu.memory_space<vmem>>
        %dma_start3A_235 = arith.constant 0 : i32
        %dma_start3A_236 = tpu.memref_slice %arg18[%add3A_229, %dma_start3A_235] : memref<10000x64xf32, #tpu.memory_space<vmem_shared>> -> memref<128x64xf32, #tpu.memory_space<vmem_shared>>
        %dma_start3A_237 = arith.constant 0 : i32
        %dma_start3A_238 = tpu.memref_slice %arg18[%add3A_229, %dma_start3A_237] : memref<10000x64xf32, #tpu.memory_space<vmem_shared>> -> memref<128x64xf32, #tpu.memory_space<vmem_shared>>
        %dma_start3A_239 = arith.constant 0 : i32
        %dma_start3A_240 = arith.constant 0 : i32
        %dma_start3A_241 = tpu.memref_slice %arg15[%dma_start3A_239, %dma_start3A_240] : memref<128x64xf32, #tpu.memory_space<vmem>> -> memref<128x64xf32, #tpu.memory_space<vmem>>
        tpu.enqueue_dma source(%dma_start3A_241 : memref<128x64xf32, #tpu.memory_space<vmem>>) target(%dma_start3A_238 : memref<128x64xf32, #tpu.memory_space<vmem_shared>>) target_semaphore(%run_scoped3A_232 : memref<!tpu.dma_semaphore, #tpu.memory_space<semaphore_mem>>)
        %dma_wait3A = arith.constant 0 : i32
        %dma_wait3A_242 = arith.constant 0 : i32
        %dma_wait3A_243 = tpu.memref_slice %arg15[%dma_wait3A, %dma_wait3A_242] : memref<128x64xf32, #tpu.memory_space<vmem>> -> memref<128x64xf32, #tpu.memory_space<vmem>>
        %dma_wait3A_244 = arith.constant 0 : i32
        %dma_wait3A_245 = tpu.memref_slice %arg18[%add3A_229, %dma_wait3A_244] : memref<10000x64xf32, #tpu.memory_space<vmem_shared>> -> memref<128x64xf32, #tpu.memory_space<vmem_shared>>
        %dma_wait3A_246 = arith.constant 0 : i32
        %dma_wait3A_247 = tpu.memref_slice %arg18[%add3A_229, %dma_wait3A_246] : memref<10000x64xf32, #tpu.memory_space<vmem_shared>> -> memref<128x64xf32, #tpu.memory_space<vmem_shared>>
        %dma_wait3A_248 = arith.constant 0 : i32
        %dma_wait3A_249 = arith.constant 0 : i32
        %dma_wait3A_250 = tpu.memref_slice %arg15[%dma_wait3A_248, %dma_wait3A_249] : memref<128x64xf32, #tpu.memory_space<vmem>> -> memref<128x64xf32, #tpu.memory_space<vmem>>
        tpu.wait_dma2 semaphore(%run_scoped3A_232 : memref<!tpu.dma_semaphore, #tpu.memory_space<semaphore_mem>>) src(%dma_wait3A_250 : memref<128x64xf32, #tpu.memory_space<vmem>>) dst(%dma_wait3A_247 : memref<128x64xf32, #tpu.memory_space<vmem_shared>>)
        tpu.yield
      }) : () -> ()
      %add3A_230 = arith.constant 512 : i32
      %add3A_231 = arith.addi %multiple_of3A, %add3A_230 : i32
      "tpu.region"() ({
        %run_scoped3A_232 = tpu.sem_alloc : memref<!tpu.dma_semaphore, #tpu.memory_space<semaphore_mem>>
        %dma_start3A = arith.constant 0 : i32
        %dma_start3A_233 = arith.constant 0 : i32
        %dma_start3A_234 = tpu.memref_slice %arg15[%dma_start3A, %dma_start3A_233] : memref<128x64xf32, #tpu.memory_space<vmem>> -> memref<128x64xf32, #tpu.memory_space<vmem>>
        %dma_start3A_235 = arith.constant 0 : i32
        %dma_start3A_236 = tpu.memref_slice %arg18[%add3A_231, %dma_start3A_235] : memref<10000x64xf32, #tpu.memory_space<vmem_shared>> -> memref<128x64xf32, #tpu.memory_space<vmem_shared>>
        %dma_start3A_237 = arith.constant 0 : i32
        %dma_start3A_238 = tpu.memref_slice %arg18[%add3A_231, %dma_start3A_237] : memref<10000x64xf32, #tpu.memory_space<vmem_shared>> -> memref<128x64xf32, #tpu.memory_space<vmem_shared>>
        %dma_start3A_239 = arith.constant 0 : i32
        %dma_start3A_240 = arith.constant 0 : i32
        %dma_start3A_241 = tpu.memref_slice %arg15[%dma_start3A_239, %dma_start3A_240] : memref<128x64xf32, #tpu.memory_space<vmem>> -> memref<128x64xf32, #tpu.memory_space<vmem>>
        tpu.enqueue_dma source(%dma_start3A_241 : memref<128x64xf32, #tpu.memory_space<vmem>>) target(%dma_start3A_238 : memref<128x64xf32, #tpu.memory_space<vmem_shared>>) target_semaphore(%run_scoped3A_232 : memref<!tpu.dma_semaphore, #tpu.memory_space<semaphore_mem>>)
        %dma_wait3A = arith.constant 0 : i32
        %dma_wait3A_242 = arith.constant 0 : i32
        %dma_wait3A_243 = tpu.memref_slice %arg15[%dma_wait3A, %dma_wait3A_242] : memref<128x64xf32, #tpu.memory_space<vmem>> -> memref<128x64xf32, #tpu.memory_space<vmem>>
        %dma_wait3A_244 = arith.constant 0 : i32
        %dma_wait3A_245 = tpu.memref_slice %arg18[%add3A_231, %dma_wait3A_244] : memref<10000x64xf32, #tpu.memory_space<vmem_shared>> -> memref<128x64xf32, #tpu.memory_space<vmem_shared>>
        %dma_wait3A_246 = arith.constant 0 : i32
        %dma_wait3A_247 = tpu.memref_slice %arg18[%add3A_231, %dma_wait3A_246] : memref<10000x64xf32, #tpu.memory_space<vmem_shared>> -> memref<128x64xf32, #tpu.memory_space<vmem_shared>>
        %dma_wait3A_248 = arith.constant 0 : i32
        %dma_wait3A_249 = arith.constant 0 : i32
        %dma_wait3A_250 = tpu.memref_slice %arg15[%dma_wait3A_248, %dma_wait3A_249] : memref<128x64xf32, #tpu.memory_space<vmem>> -> memref<128x64xf32, #tpu.memory_space<vmem>>
        tpu.wait_dma2 semaphore(%run_scoped3A_232 : memref<!tpu.dma_semaphore, #tpu.memory_space<semaphore_mem>>) src(%dma_wait3A_250 : memref<128x64xf32, #tpu.memory_space<vmem>>) dst(%dma_wait3A_247 : memref<128x64xf32, #tpu.memory_space<vmem_shared>>)
        tpu.yield
      }) : () -> ()
    } else {
    }
    %eq3A = arith.constant 15 : i32
    %eq3A_28 = arith.cmpi eq, %arg1, %eq3A : i32
    %convert_element_type3A_29 = arith.extui %eq3A_28 : i1 to i32
    %cond3A_30 = arith.constant 0 : i32
    %cond3A_31 = arith.cmpi ne, %convert_element_type3A_29, %cond3A_30 : i32
    scf.if %cond3A_31 {
      %add3A_222 = arith.constant 0 : i32
      %add3A_223 = arith.addi %multiple_of3A, %add3A_222 : i32
      "tpu.region"() ({
        %run_scoped3A_230 = tpu.sem_alloc : memref<!tpu.dma_semaphore, #tpu.memory_space<semaphore_mem>>
        %dma_start3A = arith.constant 0 : i32
        %dma_start3A_231 = arith.constant 0 : i32
        %dma_start3A_232 = tpu.memref_slice %arg15[%dma_start3A, %dma_start3A_231] : memref<128x64xf32, #tpu.memory_space<vmem>> -> memref<128x64xf32, #tpu.memory_space<vmem>>
        %dma_start3A_233 = arith.constant 0 : i32
        %dma_start3A_234 = tpu.memref_slice %arg18[%add3A_223, %dma_start3A_233] : memref<10000x64xf32, #tpu.memory_space<vmem_shared>> -> memref<128x64xf32, #tpu.memory_space<vmem_shared>>
        %dma_start3A_235 = arith.constant 0 : i32
        %dma_start3A_236 = tpu.memref_slice %arg18[%add3A_223, %dma_start3A_235] : memref<10000x64xf32, #tpu.memory_space<vmem_shared>> -> memref<128x64xf32, #tpu.memory_space<vmem_shared>>
        %dma_start3A_237 = arith.constant 0 : i32
        %dma_start3A_238 = arith.constant 0 : i32
        %dma_start3A_239 = tpu.memref_slice %arg15[%dma_start3A_237, %dma_start3A_238] : memref<128x64xf32, #tpu.memory_space<vmem>> -> memref<128x64xf32, #tpu.memory_space<vmem>>
        tpu.enqueue_dma source(%dma_start3A_239 : memref<128x64xf32, #tpu.memory_space<vmem>>) target(%dma_start3A_236 : memref<128x64xf32, #tpu.memory_space<vmem_shared>>) target_semaphore(%run_scoped3A_230 : memref<!tpu.dma_semaphore, #tpu.memory_space<semaphore_mem>>)
        %dma_wait3A = arith.constant 0 : i32
        %dma_wait3A_240 = arith.constant 0 : i32
        %dma_wait3A_241 = tpu.memref_slice %arg15[%dma_wait3A, %dma_wait3A_240] : memref<128x64xf32, #tpu.memory_space<vmem>> -> memref<128x64xf32, #tpu.memory_space<vmem>>
        %dma_wait3A_242 = arith.constant 0 : i32
        %dma_wait3A_243 = tpu.memref_slice %arg18[%add3A_223, %dma_wait3A_242] : memref<10000x64xf32, #tpu.memory_space<vmem_shared>> -> memref<128x64xf32, #tpu.memory_space<vmem_shared>>
        %dma_wait3A_244 = arith.constant 0 : i32
        %dma_wait3A_245 = tpu.memref_slice %arg18[%add3A_223, %dma_wait3A_244] : memref<10000x64xf32, #tpu.memory_space<vmem_shared>> -> memref<128x64xf32, #tpu.memory_space<vmem_shared>>
        %dma_wait3A_246 = arith.constant 0 : i32
        %dma_wait3A_247 = arith.constant 0 : i32
        %dma_wait3A_248 = tpu.memref_slice %arg15[%dma_wait3A_246, %dma_wait3A_247] : memref<128x64xf32, #tpu.memory_space<vmem>> -> memref<128x64xf32, #tpu.memory_space<vmem>>
        tpu.wait_dma2 semaphore(%run_scoped3A_230 : memref<!tpu.dma_semaphore, #tpu.memory_space<semaphore_mem>>) src(%dma_wait3A_248 : memref<128x64xf32, #tpu.memory_space<vmem>>) dst(%dma_wait3A_245 : memref<128x64xf32, #tpu.memory_space<vmem_shared>>)
        tpu.yield
      }) : () -> ()
      %add3A_224 = arith.constant 128 : i32
      %add3A_225 = arith.addi %multiple_of3A, %add3A_224 : i32
      "tpu.region"() ({
        %run_scoped3A_230 = tpu.sem_alloc : memref<!tpu.dma_semaphore, #tpu.memory_space<semaphore_mem>>
        %dma_start3A = arith.constant 0 : i32
        %dma_start3A_231 = arith.constant 0 : i32
        %dma_start3A_232 = tpu.memref_slice %arg15[%dma_start3A, %dma_start3A_231] : memref<128x64xf32, #tpu.memory_space<vmem>> -> memref<128x64xf32, #tpu.memory_space<vmem>>
        %dma_start3A_233 = arith.constant 0 : i32
        %dma_start3A_234 = tpu.memref_slice %arg18[%add3A_225, %dma_start3A_233] : memref<10000x64xf32, #tpu.memory_space<vmem_shared>> -> memref<128x64xf32, #tpu.memory_space<vmem_shared>>
        %dma_start3A_235 = arith.constant 0 : i32
        %dma_start3A_236 = tpu.memref_slice %arg18[%add3A_225, %dma_start3A_235] : memref<10000x64xf32, #tpu.memory_space<vmem_shared>> -> memref<128x64xf32, #tpu.memory_space<vmem_shared>>
        %dma_start3A_237 = arith.constant 0 : i32
        %dma_start3A_238 = arith.constant 0 : i32
        %dma_start3A_239 = tpu.memref_slice %arg15[%dma_start3A_237, %dma_start3A_238] : memref<128x64xf32, #tpu.memory_space<vmem>> -> memref<128x64xf32, #tpu.memory_space<vmem>>
        tpu.enqueue_dma source(%dma_start3A_239 : memref<128x64xf32, #tpu.memory_space<vmem>>) target(%dma_start3A_236 : memref<128x64xf32, #tpu.memory_space<vmem_shared>>) target_semaphore(%run_scoped3A_230 : memref<!tpu.dma_semaphore, #tpu.memory_space<semaphore_mem>>)
        %dma_wait3A = arith.constant 0 : i32
        %dma_wait3A_240 = arith.constant 0 : i32
        %dma_wait3A_241 = tpu.memref_slice %arg15[%dma_wait3A, %dma_wait3A_240] : memref<128x64xf32, #tpu.memory_space<vmem>> -> memref<128x64xf32, #tpu.memory_space<vmem>>
        %dma_wait3A_242 = arith.constant 0 : i32
        %dma_wait3A_243 = tpu.memref_slice %arg18[%add3A_225, %dma_wait3A_242] : memref<10000x64xf32, #tpu.memory_space<vmem_shared>> -> memref<128x64xf32, #tpu.memory_space<vmem_shared>>
        %dma_wait3A_244 = arith.constant 0 : i32
        %dma_wait3A_245 = tpu.memref_slice %arg18[%add3A_225, %dma_wait3A_244] : memref<10000x64xf32, #tpu.memory_space<vmem_shared>> -> memref<128x64xf32, #tpu.memory_space<vmem_shared>>
        %dma_wait3A_246 = arith.constant 0 : i32
        %dma_wait3A_247 = arith.constant 0 : i32
        %dma_wait3A_248 = tpu.memref_slice %arg15[%dma_wait3A_246, %dma_wait3A_247] : memref<128x64xf32, #tpu.memory_space<vmem>> -> memref<128x64xf32, #tpu.memory_space<vmem>>
        tpu.wait_dma2 semaphore(%run_scoped3A_230 : memref<!tpu.dma_semaphore, #tpu.memory_space<semaphore_mem>>) src(%dma_wait3A_248 : memref<128x64xf32, #tpu.memory_space<vmem>>) dst(%dma_wait3A_245 : memref<128x64xf32, #tpu.memory_space<vmem_shared>>)
        tpu.yield
      }) : () -> ()
      %add3A_226 = arith.constant 256 : i32
      %add3A_227 = arith.addi %multiple_of3A, %add3A_226 : i32
      "tpu.region"() ({
        %run_scoped3A_230 = tpu.sem_alloc : memref<!tpu.dma_semaphore, #tpu.memory_space<semaphore_mem>>
        %dma_start3A = arith.constant 0 : i32
        %dma_start3A_231 = arith.constant 0 : i32
        %dma_start3A_232 = tpu.memref_slice %arg15[%dma_start3A, %dma_start3A_231] : memref<128x64xf32, #tpu.memory_space<vmem>> -> memref<128x64xf32, #tpu.memory_space<vmem>>
        %dma_start3A_233 = arith.constant 0 : i32
        %dma_start3A_234 = tpu.memref_slice %arg18[%add3A_227, %dma_start3A_233] : memref<10000x64xf32, #tpu.memory_space<vmem_shared>> -> memref<128x64xf32, #tpu.memory_space<vmem_shared>>
        %dma_start3A_235 = arith.constant 0 : i32
        %dma_start3A_236 = tpu.memref_slice %arg18[%add3A_227, %dma_start3A_235] : memref<10000x64xf32, #tpu.memory_space<vmem_shared>> -> memref<128x64xf32, #tpu.memory_space<vmem_shared>>
        %dma_start3A_237 = arith.constant 0 : i32
        %dma_start3A_238 = arith.constant 0 : i32
        %dma_start3A_239 = tpu.memref_slice %arg15[%dma_start3A_237, %dma_start3A_238] : memref<128x64xf32, #tpu.memory_space<vmem>> -> memref<128x64xf32, #tpu.memory_space<vmem>>
        tpu.enqueue_dma source(%dma_start3A_239 : memref<128x64xf32, #tpu.memory_space<vmem>>) target(%dma_start3A_236 : memref<128x64xf32, #tpu.memory_space<vmem_shared>>) target_semaphore(%run_scoped3A_230 : memref<!tpu.dma_semaphore, #tpu.memory_space<semaphore_mem>>)
        %dma_wait3A = arith.constant 0 : i32
        %dma_wait3A_240 = arith.constant 0 : i32
        %dma_wait3A_241 = tpu.memref_slice %arg15[%dma_wait3A, %dma_wait3A_240] : memref<128x64xf32, #tpu.memory_space<vmem>> -> memref<128x64xf32, #tpu.memory_space<vmem>>
        %dma_wait3A_242 = arith.constant 0 : i32
        %dma_wait3A_243 = tpu.memref_slice %arg18[%add3A_227, %dma_wait3A_242] : memref<10000x64xf32, #tpu.memory_space<vmem_shared>> -> memref<128x64xf32, #tpu.memory_space<vmem_shared>>
        %dma_wait3A_244 = arith.constant 0 : i32
        %dma_wait3A_245 = tpu.memref_slice %arg18[%add3A_227, %dma_wait3A_244] : memref<10000x64xf32, #tpu.memory_space<vmem_shared>> -> memref<128x64xf32, #tpu.memory_space<vmem_shared>>
        %dma_wait3A_246 = arith.constant 0 : i32
        %dma_wait3A_247 = arith.constant 0 : i32
        %dma_wait3A_248 = tpu.memref_slice %arg15[%dma_wait3A_246, %dma_wait3A_247] : memref<128x64xf32, #tpu.memory_space<vmem>> -> memref<128x64xf32, #tpu.memory_space<vmem>>
        tpu.wait_dma2 semaphore(%run_scoped3A_230 : memref<!tpu.dma_semaphore, #tpu.memory_space<semaphore_mem>>) src(%dma_wait3A_248 : memref<128x64xf32, #tpu.memory_space<vmem>>) dst(%dma_wait3A_245 : memref<128x64xf32, #tpu.memory_space<vmem_shared>>)
        tpu.yield
      }) : () -> ()
      %add3A_228 = arith.constant 384 : i32
      %add3A_229 = arith.addi %multiple_of3A, %add3A_228 : i32
      "tpu.region"() ({
        %run_scoped3A_230 = tpu.sem_alloc : memref<!tpu.dma_semaphore, #tpu.memory_space<semaphore_mem>>
        %dma_start3A = arith.constant 0 : i32
        %dma_start3A_231 = arith.constant 0 : i32
        %dma_start3A_232 = tpu.memref_slice %arg15[%dma_start3A, %dma_start3A_231] : memref<128x64xf32, #tpu.memory_space<vmem>> -> memref<16x64xf32, #tpu.memory_space<vmem>>
        %dma_start3A_233 = arith.constant 0 : i32
        %dma_start3A_234 = tpu.memref_slice %arg18[%add3A_229, %dma_start3A_233] : memref<10000x64xf32, #tpu.memory_space<vmem_shared>> -> memref<16x64xf32, #tpu.memory_space<vmem_shared>>
        %dma_start3A_235 = arith.constant 0 : i32
        %dma_start3A_236 = tpu.memref_slice %arg18[%add3A_229, %dma_start3A_235] : memref<10000x64xf32, #tpu.memory_space<vmem_shared>> -> memref<16x64xf32, #tpu.memory_space<vmem_shared>>
        %dma_start3A_237 = arith.constant 0 : i32
        %dma_start3A_238 = arith.constant 0 : i32
        %dma_start3A_239 = tpu.memref_slice %arg15[%dma_start3A_237, %dma_start3A_238] : memref<128x64xf32, #tpu.memory_space<vmem>> -> memref<16x64xf32, #tpu.memory_space<vmem>>
        tpu.enqueue_dma source(%dma_start3A_239 : memref<16x64xf32, #tpu.memory_space<vmem>>) target(%dma_start3A_236 : memref<16x64xf32, #tpu.memory_space<vmem_shared>>) target_semaphore(%run_scoped3A_230 : memref<!tpu.dma_semaphore, #tpu.memory_space<semaphore_mem>>)
        %dma_wait3A = arith.constant 0 : i32
        %dma_wait3A_240 = arith.constant 0 : i32
        %dma_wait3A_241 = tpu.memref_slice %arg15[%dma_wait3A, %dma_wait3A_240] : memref<128x64xf32, #tpu.memory_space<vmem>> -> memref<16x64xf32, #tpu.memory_space<vmem>>
        %dma_wait3A_242 = arith.constant 0 : i32
        %dma_wait3A_243 = tpu.memref_slice %arg18[%add3A_229, %dma_wait3A_242] : memref<10000x64xf32, #tpu.memory_space<vmem_shared>> -> memref<16x64xf32, #tpu.memory_space<vmem_shared>>
        %dma_wait3A_244 = arith.constant 0 : i32
        %dma_wait3A_245 = tpu.memref_slice %arg18[%add3A_229, %dma_wait3A_244] : memref<10000x64xf32, #tpu.memory_space<vmem_shared>> -> memref<16x64xf32, #tpu.memory_space<vmem_shared>>
        %dma_wait3A_246 = arith.constant 0 : i32
        %dma_wait3A_247 = arith.constant 0 : i32
        %dma_wait3A_248 = tpu.memref_slice %arg15[%dma_wait3A_246, %dma_wait3A_247] : memref<128x64xf32, #tpu.memory_space<vmem>> -> memref<16x64xf32, #tpu.memory_space<vmem>>
        tpu.wait_dma2 semaphore(%run_scoped3A_230 : memref<!tpu.dma_semaphore, #tpu.memory_space<semaphore_mem>>) src(%dma_wait3A_248 : memref<16x64xf32, #tpu.memory_space<vmem>>) dst(%dma_wait3A_245 : memref<16x64xf32, #tpu.memory_space<vmem_shared>>)
        tpu.yield
      }) : () -> ()
    } else {
    }
    %lt3A_32 = arith.constant 15 : i32
    %lt3A_33 = arith.cmpi slt, %arg1, %lt3A_32 : i32
    %convert_element_type3A_34 = arith.extui %lt3A_33 : i1 to i32
    %cond3A_35 = arith.constant 0 : i32
    %cond3A_36 = arith.cmpi ne, %convert_element_type3A_34, %cond3A_35 : i32
    scf.if %cond3A_36 {
      %add3A_222 = arith.constant 0 : i32
      %add3A_223 = arith.addi %multiple_of3A, %add3A_222 : i32
      "tpu.region"() ({
        %run_scoped3A_232 = tpu.sem_alloc : memref<!tpu.dma_semaphore, #tpu.memory_space<semaphore_mem>>
        %dma_start3A = arith.constant 0 : i32
        %dma_start3A_233 = arith.constant 0 : i32
        %dma_start3A_234 = tpu.memref_slice %arg16[%dma_start3A, %dma_start3A_233] : memref<128x16xf32, #tpu.memory_space<vmem>> -> memref<128x16xf32, #tpu.memory_space<vmem>>
        %dma_start3A_235 = arith.constant 0 : i32
        %dma_start3A_236 = tpu.memref_slice %arg19[%add3A_223, %dma_start3A_235] : memref<10000x16xf32, #tpu.memory_space<vmem_shared>> -> memref<128x16xf32, #tpu.memory_space<vmem_shared>>
        %dma_start3A_237 = arith.constant 0 : i32
        %dma_start3A_238 = tpu.memref_slice %arg19[%add3A_223, %dma_start3A_237] : memref<10000x16xf32, #tpu.memory_space<vmem_shared>> -> memref<128x16xf32, #tpu.memory_space<vmem_shared>>
        %dma_start3A_239 = arith.constant 0 : i32
        %dma_start3A_240 = arith.constant 0 : i32
        %dma_start3A_241 = tpu.memref_slice %arg16[%dma_start3A_239, %dma_start3A_240] : memref<128x16xf32, #tpu.memory_space<vmem>> -> memref<128x16xf32, #tpu.memory_space<vmem>>
        tpu.enqueue_dma source(%dma_start3A_241 : memref<128x16xf32, #tpu.memory_space<vmem>>) target(%dma_start3A_238 : memref<128x16xf32, #tpu.memory_space<vmem_shared>>) target_semaphore(%run_scoped3A_232 : memref<!tpu.dma_semaphore, #tpu.memory_space<semaphore_mem>>)
        %dma_wait3A = arith.constant 0 : i32
        %dma_wait3A_242 = arith.constant 0 : i32
        %dma_wait3A_243 = tpu.memref_slice %arg16[%dma_wait3A, %dma_wait3A_242] : memref<128x16xf32, #tpu.memory_space<vmem>> -> memref<128x16xf32, #tpu.memory_space<vmem>>
        %dma_wait3A_244 = arith.constant 0 : i32
        %dma_wait3A_245 = tpu.memref_slice %arg19[%add3A_223, %dma_wait3A_244] : memref<10000x16xf32, #tpu.memory_space<vmem_shared>> -> memref<128x16xf32, #tpu.memory_space<vmem_shared>>
        %dma_wait3A_246 = arith.constant 0 : i32
        %dma_wait3A_247 = tpu.memref_slice %arg19[%add3A_223, %dma_wait3A_246] : memref<10000x16xf32, #tpu.memory_space<vmem_shared>> -> memref<128x16xf32, #tpu.memory_space<vmem_shared>>
        %dma_wait3A_248 = arith.constant 0 : i32
        %dma_wait3A_249 = arith.constant 0 : i32
        %dma_wait3A_250 = tpu.memref_slice %arg16[%dma_wait3A_248, %dma_wait3A_249] : memref<128x16xf32, #tpu.memory_space<vmem>> -> memref<128x16xf32, #tpu.memory_space<vmem>>
        tpu.wait_dma2 semaphore(%run_scoped3A_232 : memref<!tpu.dma_semaphore, #tpu.memory_space<semaphore_mem>>) src(%dma_wait3A_250 : memref<128x16xf32, #tpu.memory_space<vmem>>) dst(%dma_wait3A_247 : memref<128x16xf32, #tpu.memory_space<vmem_shared>>)
        tpu.yield
      }) : () -> ()
      %add3A_224 = arith.constant 128 : i32
      %add3A_225 = arith.addi %multiple_of3A, %add3A_224 : i32
      "tpu.region"() ({
        %run_scoped3A_232 = tpu.sem_alloc : memref<!tpu.dma_semaphore, #tpu.memory_space<semaphore_mem>>
        %dma_start3A = arith.constant 0 : i32
        %dma_start3A_233 = arith.constant 0 : i32
        %dma_start3A_234 = tpu.memref_slice %arg16[%dma_start3A, %dma_start3A_233] : memref<128x16xf32, #tpu.memory_space<vmem>> -> memref<128x16xf32, #tpu.memory_space<vmem>>
        %dma_start3A_235 = arith.constant 0 : i32
        %dma_start3A_236 = tpu.memref_slice %arg19[%add3A_225, %dma_start3A_235] : memref<10000x16xf32, #tpu.memory_space<vmem_shared>> -> memref<128x16xf32, #tpu.memory_space<vmem_shared>>
        %dma_start3A_237 = arith.constant 0 : i32
        %dma_start3A_238 = tpu.memref_slice %arg19[%add3A_225, %dma_start3A_237] : memref<10000x16xf32, #tpu.memory_space<vmem_shared>> -> memref<128x16xf32, #tpu.memory_space<vmem_shared>>
        %dma_start3A_239 = arith.constant 0 : i32
        %dma_start3A_240 = arith.constant 0 : i32
        %dma_start3A_241 = tpu.memref_slice %arg16[%dma_start3A_239, %dma_start3A_240] : memref<128x16xf32, #tpu.memory_space<vmem>> -> memref<128x16xf32, #tpu.memory_space<vmem>>
        tpu.enqueue_dma source(%dma_start3A_241 : memref<128x16xf32, #tpu.memory_space<vmem>>) target(%dma_start3A_238 : memref<128x16xf32, #tpu.memory_space<vmem_shared>>) target_semaphore(%run_scoped3A_232 : memref<!tpu.dma_semaphore, #tpu.memory_space<semaphore_mem>>)
        %dma_wait3A = arith.constant 0 : i32
        %dma_wait3A_242 = arith.constant 0 : i32
        %dma_wait3A_243 = tpu.memref_slice %arg16[%dma_wait3A, %dma_wait3A_242] : memref<128x16xf32, #tpu.memory_space<vmem>> -> memref<128x16xf32, #tpu.memory_space<vmem>>
        %dma_wait3A_244 = arith.constant 0 : i32
        %dma_wait3A_245 = tpu.memref_slice %arg19[%add3A_225, %dma_wait3A_244] : memref<10000x16xf32, #tpu.memory_space<vmem_shared>> -> memref<128x16xf32, #tpu.memory_space<vmem_shared>>
        %dma_wait3A_246 = arith.constant 0 : i32
        %dma_wait3A_247 = tpu.memref_slice %arg19[%add3A_225, %dma_wait3A_246] : memref<10000x16xf32, #tpu.memory_space<vmem_shared>> -> memref<128x16xf32, #tpu.memory_space<vmem_shared>>
        %dma_wait3A_248 = arith.constant 0 : i32
        %dma_wait3A_249 = arith.constant 0 : i32
        %dma_wait3A_250 = tpu.memref_slice %arg16[%dma_wait3A_248, %dma_wait3A_249] : memref<128x16xf32, #tpu.memory_space<vmem>> -> memref<128x16xf32, #tpu.memory_space<vmem>>
        tpu.wait_dma2 semaphore(%run_scoped3A_232 : memref<!tpu.dma_semaphore, #tpu.memory_space<semaphore_mem>>) src(%dma_wait3A_250 : memref<128x16xf32, #tpu.memory_space<vmem>>) dst(%dma_wait3A_247 : memref<128x16xf32, #tpu.memory_space<vmem_shared>>)
        tpu.yield
      }) : () -> ()
      %add3A_226 = arith.constant 256 : i32
      %add3A_227 = arith.addi %multiple_of3A, %add3A_226 : i32
      "tpu.region"() ({
        %run_scoped3A_232 = tpu.sem_alloc : memref<!tpu.dma_semaphore, #tpu.memory_space<semaphore_mem>>
        %dma_start3A = arith.constant 0 : i32
        %dma_start3A_233 = arith.constant 0 : i32
        %dma_start3A_234 = tpu.memref_slice %arg16[%dma_start3A, %dma_start3A_233] : memref<128x16xf32, #tpu.memory_space<vmem>> -> memref<128x16xf32, #tpu.memory_space<vmem>>
        %dma_start3A_235 = arith.constant 0 : i32
        %dma_start3A_236 = tpu.memref_slice %arg19[%add3A_227, %dma_start3A_235] : memref<10000x16xf32, #tpu.memory_space<vmem_shared>> -> memref<128x16xf32, #tpu.memory_space<vmem_shared>>
        %dma_start3A_237 = arith.constant 0 : i32
        %dma_start3A_238 = tpu.memref_slice %arg19[%add3A_227, %dma_start3A_237] : memref<10000x16xf32, #tpu.memory_space<vmem_shared>> -> memref<128x16xf32, #tpu.memory_space<vmem_shared>>
        %dma_start3A_239 = arith.constant 0 : i32
        %dma_start3A_240 = arith.constant 0 : i32
        %dma_start3A_241 = tpu.memref_slice %arg16[%dma_start3A_239, %dma_start3A_240] : memref<128x16xf32, #tpu.memory_space<vmem>> -> memref<128x16xf32, #tpu.memory_space<vmem>>
        tpu.enqueue_dma source(%dma_start3A_241 : memref<128x16xf32, #tpu.memory_space<vmem>>) target(%dma_start3A_238 : memref<128x16xf32, #tpu.memory_space<vmem_shared>>) target_semaphore(%run_scoped3A_232 : memref<!tpu.dma_semaphore, #tpu.memory_space<semaphore_mem>>)
        %dma_wait3A = arith.constant 0 : i32
        %dma_wait3A_242 = arith.constant 0 : i32
        %dma_wait3A_243 = tpu.memref_slice %arg16[%dma_wait3A, %dma_wait3A_242] : memref<128x16xf32, #tpu.memory_space<vmem>> -> memref<128x16xf32, #tpu.memory_space<vmem>>
        %dma_wait3A_244 = arith.constant 0 : i32
        %dma_wait3A_245 = tpu.memref_slice %arg19[%add3A_227, %dma_wait3A_244] : memref<10000x16xf32, #tpu.memory_space<vmem_shared>> -> memref<128x16xf32, #tpu.memory_space<vmem_shared>>
        %dma_wait3A_246 = arith.constant 0 : i32
        %dma_wait3A_247 = tpu.memref_slice %arg19[%add3A_227, %dma_wait3A_246] : memref<10000x16xf32, #tpu.memory_space<vmem_shared>> -> memref<128x16xf32, #tpu.memory_space<vmem_shared>>
        %dma_wait3A_248 = arith.constant 0 : i32
        %dma_wait3A_249 = arith.constant 0 : i32
        %dma_wait3A_250 = tpu.memref_slice %arg16[%dma_wait3A_248, %dma_wait3A_249] : memref<128x16xf32, #tpu.memory_space<vmem>> -> memref<128x16xf32, #tpu.memory_space<vmem>>
        tpu.wait_dma2 semaphore(%run_scoped3A_232 : memref<!tpu.dma_semaphore, #tpu.memory_space<semaphore_mem>>) src(%dma_wait3A_250 : memref<128x16xf32, #tpu.memory_space<vmem>>) dst(%dma_wait3A_247 : memref<128x16xf32, #tpu.memory_space<vmem_shared>>)
        tpu.yield
      }) : () -> ()
      %add3A_228 = arith.constant 384 : i32
      %add3A_229 = arith.addi %multiple_of3A, %add3A_228 : i32
      "tpu.region"() ({
        %run_scoped3A_232 = tpu.sem_alloc : memref<!tpu.dma_semaphore, #tpu.memory_space<semaphore_mem>>
        %dma_start3A = arith.constant 0 : i32
        %dma_start3A_233 = arith.constant 0 : i32
        %dma_start3A_234 = tpu.memref_slice %arg16[%dma_start3A, %dma_start3A_233] : memref<128x16xf32, #tpu.memory_space<vmem>> -> memref<128x16xf32, #tpu.memory_space<vmem>>
        %dma_start3A_235 = arith.constant 0 : i32
        %dma_start3A_236 = tpu.memref_slice %arg19[%add3A_229, %dma_start3A_235] : memref<10000x16xf32, #tpu.memory_space<vmem_shared>> -> memref<128x16xf32, #tpu.memory_space<vmem_shared>>
        %dma_start3A_237 = arith.constant 0 : i32
        %dma_start3A_238 = tpu.memref_slice %arg19[%add3A_229, %dma_start3A_237] : memref<10000x16xf32, #tpu.memory_space<vmem_shared>> -> memref<128x16xf32, #tpu.memory_space<vmem_shared>>
        %dma_start3A_239 = arith.constant 0 : i32
        %dma_start3A_240 = arith.constant 0 : i32
        %dma_start3A_241 = tpu.memref_slice %arg16[%dma_start3A_239, %dma_start3A_240] : memref<128x16xf32, #tpu.memory_space<vmem>> -> memref<128x16xf32, #tpu.memory_space<vmem>>
        tpu.enqueue_dma source(%dma_start3A_241 : memref<128x16xf32, #tpu.memory_space<vmem>>) target(%dma_start3A_238 : memref<128x16xf32, #tpu.memory_space<vmem_shared>>) target_semaphore(%run_scoped3A_232 : memref<!tpu.dma_semaphore, #tpu.memory_space<semaphore_mem>>)
        %dma_wait3A = arith.constant 0 : i32
        %dma_wait3A_242 = arith.constant 0 : i32
        %dma_wait3A_243 = tpu.memref_slice %arg16[%dma_wait3A, %dma_wait3A_242] : memref<128x16xf32, #tpu.memory_space<vmem>> -> memref<128x16xf32, #tpu.memory_space<vmem>>
        %dma_wait3A_244 = arith.constant 0 : i32
        %dma_wait3A_245 = tpu.memref_slice %arg19[%add3A_229, %dma_wait3A_244] : memref<10000x16xf32, #tpu.memory_space<vmem_shared>> -> memref<128x16xf32, #tpu.memory_space<vmem_shared>>
        %dma_wait3A_246 = arith.constant 0 : i32
        %dma_wait3A_247 = tpu.memref_slice %arg19[%add3A_229, %dma_wait3A_246] : memref<10000x16xf32, #tpu.memory_space<vmem_shared>> -> memref<128x16xf32, #tpu.memory_space<vmem_shared>>
        %dma_wait3A_248 = arith.constant 0 : i32
        %dma_wait3A_249 = arith.constant 0 : i32
        %dma_wait3A_250 = tpu.memref_slice %arg16[%dma_wait3A_248, %dma_wait3A_249] : memref<128x16xf32, #tpu.memory_space<vmem>> -> memref<128x16xf32, #tpu.memory_space<vmem>>
        tpu.wait_dma2 semaphore(%run_scoped3A_232 : memref<!tpu.dma_semaphore, #tpu.memory_space<semaphore_mem>>) src(%dma_wait3A_250 : memref<128x16xf32, #tpu.memory_space<vmem>>) dst(%dma_wait3A_247 : memref<128x16xf32, #tpu.memory_space<vmem_shared>>)
        tpu.yield
      }) : () -> ()
      %add3A_230 = arith.constant 512 : i32
      %add3A_231 = arith.addi %multiple_of3A, %add3A_230 : i32
      "tpu.region"() ({
        %run_scoped3A_232 = tpu.sem_alloc : memref<!tpu.dma_semaphore, #tpu.memory_space<semaphore_mem>>
        %dma_start3A = arith.constant 0 : i32
        %dma_start3A_233 = arith.constant 0 : i32
        %dma_start3A_234 = tpu.memref_slice %arg16[%dma_start3A, %dma_start3A_233] : memref<128x16xf32, #tpu.memory_space<vmem>> -> memref<128x16xf32, #tpu.memory_space<vmem>>
        %dma_start3A_235 = arith.constant 0 : i32
        %dma_start3A_236 = tpu.memref_slice %arg19[%add3A_231, %dma_start3A_235] : memref<10000x16xf32, #tpu.memory_space<vmem_shared>> -> memref<128x16xf32, #tpu.memory_space<vmem_shared>>
        %dma_start3A_237 = arith.constant 0 : i32
        %dma_start3A_238 = tpu.memref_slice %arg19[%add3A_231, %dma_start3A_237] : memref<10000x16xf32, #tpu.memory_space<vmem_shared>> -> memref<128x16xf32, #tpu.memory_space<vmem_shared>>
        %dma_start3A_239 = arith.constant 0 : i32
        %dma_start3A_240 = arith.constant 0 : i32
        %dma_start3A_241 = tpu.memref_slice %arg16[%dma_start3A_239, %dma_start3A_240] : memref<128x16xf32, #tpu.memory_space<vmem>> -> memref<128x16xf32, #tpu.memory_space<vmem>>
        tpu.enqueue_dma source(%dma_start3A_241 : memref<128x16xf32, #tpu.memory_space<vmem>>) target(%dma_start3A_238 : memref<128x16xf32, #tpu.memory_space<vmem_shared>>) target_semaphore(%run_scoped3A_232 : memref<!tpu.dma_semaphore, #tpu.memory_space<semaphore_mem>>)
        %dma_wait3A = arith.constant 0 : i32
        %dma_wait3A_242 = arith.constant 0 : i32
        %dma_wait3A_243 = tpu.memref_slice %arg16[%dma_wait3A, %dma_wait3A_242] : memref<128x16xf32, #tpu.memory_space<vmem>> -> memref<128x16xf32, #tpu.memory_space<vmem>>
        %dma_wait3A_244 = arith.constant 0 : i32
        %dma_wait3A_245 = tpu.memref_slice %arg19[%add3A_231, %dma_wait3A_244] : memref<10000x16xf32, #tpu.memory_space<vmem_shared>> -> memref<128x16xf32, #tpu.memory_space<vmem_shared>>
        %dma_wait3A_246 = arith.constant 0 : i32
        %dma_wait3A_247 = tpu.memref_slice %arg19[%add3A_231, %dma_wait3A_246] : memref<10000x16xf32, #tpu.memory_space<vmem_shared>> -> memref<128x16xf32, #tpu.memory_space<vmem_shared>>
        %dma_wait3A_248 = arith.constant 0 : i32
        %dma_wait3A_249 = arith.constant 0 : i32
        %dma_wait3A_250 = tpu.memref_slice %arg16[%dma_wait3A_248, %dma_wait3A_249] : memref<128x16xf32, #tpu.memory_space<vmem>> -> memref<128x16xf32, #tpu.memory_space<vmem>>
        tpu.wait_dma2 semaphore(%run_scoped3A_232 : memref<!tpu.dma_semaphore, #tpu.memory_space<semaphore_mem>>) src(%dma_wait3A_250 : memref<128x16xf32, #tpu.memory_space<vmem>>) dst(%dma_wait3A_247 : memref<128x16xf32, #tpu.memory_space<vmem_shared>>)
        tpu.yield
      }) : () -> ()
    } else {
    }
    %eq3A_37 = arith.constant 15 : i32
    %eq3A_38 = arith.cmpi eq, %arg1, %eq3A_37 : i32
    %convert_element_type3A_39 = arith.extui %eq3A_38 : i1 to i32
    %cond3A_40 = arith.constant 0 : i32
    %cond3A_41 = arith.cmpi ne, %convert_element_type3A_39, %cond3A_40 : i32
    scf.if %cond3A_41 {
      %add3A_222 = arith.constant 0 : i32
      %add3A_223 = arith.addi %multiple_of3A, %add3A_222 : i32
      "tpu.region"() ({
        %run_scoped3A_230 = tpu.sem_alloc : memref<!tpu.dma_semaphore, #tpu.memory_space<semaphore_mem>>
        %dma_start3A = arith.constant 0 : i32
        %dma_start3A_231 = arith.constant 0 : i32
        %dma_start3A_232 = tpu.memref_slice %arg16[%dma_start3A, %dma_start3A_231] : memref<128x16xf32, #tpu.memory_space<vmem>> -> memref<128x16xf32, #tpu.memory_space<vmem>>
        %dma_start3A_233 = arith.constant 0 : i32
        %dma_start3A_234 = tpu.memref_slice %arg19[%add3A_223, %dma_start3A_233] : memref<10000x16xf32, #tpu.memory_space<vmem_shared>> -> memref<128x16xf32, #tpu.memory_space<vmem_shared>>
        %dma_start3A_235 = arith.constant 0 : i32
        %dma_start3A_236 = tpu.memref_slice %arg19[%add3A_223, %dma_start3A_235] : memref<10000x16xf32, #tpu.memory_space<vmem_shared>> -> memref<128x16xf32, #tpu.memory_space<vmem_shared>>
        %dma_start3A_237 = arith.constant 0 : i32
        %dma_start3A_238 = arith.constant 0 : i32
        %dma_start3A_239 = tpu.memref_slice %arg16[%dma_start3A_237, %dma_start3A_238] : memref<128x16xf32, #tpu.memory_space<vmem>> -> memref<128x16xf32, #tpu.memory_space<vmem>>
        tpu.enqueue_dma source(%dma_start3A_239 : memref<128x16xf32, #tpu.memory_space<vmem>>) target(%dma_start3A_236 : memref<128x16xf32, #tpu.memory_space<vmem_shared>>) target_semaphore(%run_scoped3A_230 : memref<!tpu.dma_semaphore, #tpu.memory_space<semaphore_mem>>)
        %dma_wait3A = arith.constant 0 : i32
        %dma_wait3A_240 = arith.constant 0 : i32
        %dma_wait3A_241 = tpu.memref_slice %arg16[%dma_wait3A, %dma_wait3A_240] : memref<128x16xf32, #tpu.memory_space<vmem>> -> memref<128x16xf32, #tpu.memory_space<vmem>>
        %dma_wait3A_242 = arith.constant 0 : i32
        %dma_wait3A_243 = tpu.memref_slice %arg19[%add3A_223, %dma_wait3A_242] : memref<10000x16xf32, #tpu.memory_space<vmem_shared>> -> memref<128x16xf32, #tpu.memory_space<vmem_shared>>
        %dma_wait3A_244 = arith.constant 0 : i32
        %dma_wait3A_245 = tpu.memref_slice %arg19[%add3A_223, %dma_wait3A_244] : memref<10000x16xf32, #tpu.memory_space<vmem_shared>> -> memref<128x16xf32, #tpu.memory_space<vmem_shared>>
        %dma_wait3A_246 = arith.constant 0 : i32
        %dma_wait3A_247 = arith.constant 0 : i32
        %dma_wait3A_248 = tpu.memref_slice %arg16[%dma_wait3A_246, %dma_wait3A_247] : memref<128x16xf32, #tpu.memory_space<vmem>> -> memref<128x16xf32, #tpu.memory_space<vmem>>
        tpu.wait_dma2 semaphore(%run_scoped3A_230 : memref<!tpu.dma_semaphore, #tpu.memory_space<semaphore_mem>>) src(%dma_wait3A_248 : memref<128x16xf32, #tpu.memory_space<vmem>>) dst(%dma_wait3A_245 : memref<128x16xf32, #tpu.memory_space<vmem_shared>>)
        tpu.yield
      }) : () -> ()
      %add3A_224 = arith.constant 128 : i32
      %add3A_225 = arith.addi %multiple_of3A, %add3A_224 : i32
      "tpu.region"() ({
        %run_scoped3A_230 = tpu.sem_alloc : memref<!tpu.dma_semaphore, #tpu.memory_space<semaphore_mem>>
        %dma_start3A = arith.constant 0 : i32
        %dma_start3A_231 = arith.constant 0 : i32
        %dma_start3A_232 = tpu.memref_slice %arg16[%dma_start3A, %dma_start3A_231] : memref<128x16xf32, #tpu.memory_space<vmem>> -> memref<128x16xf32, #tpu.memory_space<vmem>>
        %dma_start3A_233 = arith.constant 0 : i32
        %dma_start3A_234 = tpu.memref_slice %arg19[%add3A_225, %dma_start3A_233] : memref<10000x16xf32, #tpu.memory_space<vmem_shared>> -> memref<128x16xf32, #tpu.memory_space<vmem_shared>>
        %dma_start3A_235 = arith.constant 0 : i32
        %dma_start3A_236 = tpu.memref_slice %arg19[%add3A_225, %dma_start3A_235] : memref<10000x16xf32, #tpu.memory_space<vmem_shared>> -> memref<128x16xf32, #tpu.memory_space<vmem_shared>>
        %dma_start3A_237 = arith.constant 0 : i32
        %dma_start3A_238 = arith.constant 0 : i32
        %dma_start3A_239 = tpu.memref_slice %arg16[%dma_start3A_237, %dma_start3A_238] : memref<128x16xf32, #tpu.memory_space<vmem>> -> memref<128x16xf32, #tpu.memory_space<vmem>>
        tpu.enqueue_dma source(%dma_start3A_239 : memref<128x16xf32, #tpu.memory_space<vmem>>) target(%dma_start3A_236 : memref<128x16xf32, #tpu.memory_space<vmem_shared>>) target_semaphore(%run_scoped3A_230 : memref<!tpu.dma_semaphore, #tpu.memory_space<semaphore_mem>>)
        %dma_wait3A = arith.constant 0 : i32
        %dma_wait3A_240 = arith.constant 0 : i32
        %dma_wait3A_241 = tpu.memref_slice %arg16[%dma_wait3A, %dma_wait3A_240] : memref<128x16xf32, #tpu.memory_space<vmem>> -> memref<128x16xf32, #tpu.memory_space<vmem>>
        %dma_wait3A_242 = arith.constant 0 : i32
        %dma_wait3A_243 = tpu.memref_slice %arg19[%add3A_225, %dma_wait3A_242] : memref<10000x16xf32, #tpu.memory_space<vmem_shared>> -> memref<128x16xf32, #tpu.memory_space<vmem_shared>>
        %dma_wait3A_244 = arith.constant 0 : i32
        %dma_wait3A_245 = tpu.memref_slice %arg19[%add3A_225, %dma_wait3A_244] : memref<10000x16xf32, #tpu.memory_space<vmem_shared>> -> memref<128x16xf32, #tpu.memory_space<vmem_shared>>
        %dma_wait3A_246 = arith.constant 0 : i32
        %dma_wait3A_247 = arith.constant 0 : i32
        %dma_wait3A_248 = tpu.memref_slice %arg16[%dma_wait3A_246, %dma_wait3A_247] : memref<128x16xf32, #tpu.memory_space<vmem>> -> memref<128x16xf32, #tpu.memory_space<vmem>>
        tpu.wait_dma2 semaphore(%run_scoped3A_230 : memref<!tpu.dma_semaphore, #tpu.memory_space<semaphore_mem>>) src(%dma_wait3A_248 : memref<128x16xf32, #tpu.memory_space<vmem>>) dst(%dma_wait3A_245 : memref<128x16xf32, #tpu.memory_space<vmem_shared>>)
        tpu.yield
      }) : () -> ()
      %add3A_226 = arith.constant 256 : i32
      %add3A_227 = arith.addi %multiple_of3A, %add3A_226 : i32
      "tpu.region"() ({
        %run_scoped3A_230 = tpu.sem_alloc : memref<!tpu.dma_semaphore, #tpu.memory_space<semaphore_mem>>
        %dma_start3A = arith.constant 0 : i32
        %dma_start3A_231 = arith.constant 0 : i32
        %dma_start3A_232 = tpu.memref_slice %arg16[%dma_start3A, %dma_start3A_231] : memref<128x16xf32, #tpu.memory_space<vmem>> -> memref<128x16xf32, #tpu.memory_space<vmem>>
        %dma_start3A_233 = arith.constant 0 : i32
        %dma_start3A_234 = tpu.memref_slice %arg19[%add3A_227, %dma_start3A_233] : memref<10000x16xf32, #tpu.memory_space<vmem_shared>> -> memref<128x16xf32, #tpu.memory_space<vmem_shared>>
        %dma_start3A_235 = arith.constant 0 : i32
        %dma_start3A_236 = tpu.memref_slice %arg19[%add3A_227, %dma_start3A_235] : memref<10000x16xf32, #tpu.memory_space<vmem_shared>> -> memref<128x16xf32, #tpu.memory_space<vmem_shared>>
        %dma_start3A_237 = arith.constant 0 : i32
        %dma_start3A_238 = arith.constant 0 : i32
        %dma_start3A_239 = tpu.memref_slice %arg16[%dma_start3A_237, %dma_start3A_238] : memref<128x16xf32, #tpu.memory_space<vmem>> -> memref<128x16xf32, #tpu.memory_space<vmem>>
        tpu.enqueue_dma source(%dma_start3A_239 : memref<128x16xf32, #tpu.memory_space<vmem>>) target(%dma_start3A_236 : memref<128x16xf32, #tpu.memory_space<vmem_shared>>) target_semaphore(%run_scoped3A_230 : memref<!tpu.dma_semaphore, #tpu.memory_space<semaphore_mem>>)
        %dma_wait3A = arith.constant 0 : i32
        %dma_wait3A_240 = arith.constant 0 : i32
        %dma_wait3A_241 = tpu.memref_slice %arg16[%dma_wait3A, %dma_wait3A_240] : memref<128x16xf32, #tpu.memory_space<vmem>> -> memref<128x16xf32, #tpu.memory_space<vmem>>
        %dma_wait3A_242 = arith.constant 0 : i32
        %dma_wait3A_243 = tpu.memref_slice %arg19[%add3A_227, %dma_wait3A_242] : memref<10000x16xf32, #tpu.memory_space<vmem_shared>> -> memref<128x16xf32, #tpu.memory_space<vmem_shared>>
        %dma_wait3A_244 = arith.constant 0 : i32
        %dma_wait3A_245 = tpu.memref_slice %arg19[%add3A_227, %dma_wait3A_244] : memref<10000x16xf32, #tpu.memory_space<vmem_shared>> -> memref<128x16xf32, #tpu.memory_space<vmem_shared>>
        %dma_wait3A_246 = arith.constant 0 : i32
        %dma_wait3A_247 = arith.constant 0 : i32
        %dma_wait3A_248 = tpu.memref_slice %arg16[%dma_wait3A_246, %dma_wait3A_247] : memref<128x16xf32, #tpu.memory_space<vmem>> -> memref<128x16xf32, #tpu.memory_space<vmem>>
        tpu.wait_dma2 semaphore(%run_scoped3A_230 : memref<!tpu.dma_semaphore, #tpu.memory_space<semaphore_mem>>) src(%dma_wait3A_248 : memref<128x16xf32, #tpu.memory_space<vmem>>) dst(%dma_wait3A_245 : memref<128x16xf32, #tpu.memory_space<vmem_shared>>)
        tpu.yield
      }) : () -> ()
      %add3A_228 = arith.constant 384 : i32
      %add3A_229 = arith.addi %multiple_of3A, %add3A_228 : i32
      "tpu.region"() ({
        %run_scoped3A_230 = tpu.sem_alloc : memref<!tpu.dma_semaphore, #tpu.memory_space<semaphore_mem>>
        %dma_start3A = arith.constant 0 : i32
        %dma_start3A_231 = arith.constant 0 : i32
        %dma_start3A_232 = tpu.memref_slice %arg16[%dma_start3A, %dma_start3A_231] : memref<128x16xf32, #tpu.memory_space<vmem>> -> memref<16x16xf32, #tpu.memory_space<vmem>>
        %dma_start3A_233 = arith.constant 0 : i32
        %dma_start3A_234 = tpu.memref_slice %arg19[%add3A_229, %dma_start3A_233] : memref<10000x16xf32, #tpu.memory_space<vmem_shared>> -> memref<16x16xf32, #tpu.memory_space<vmem_shared>>
        %dma_start3A_235 = arith.constant 0 : i32
        %dma_start3A_236 = tpu.memref_slice %arg19[%add3A_229, %dma_start3A_235] : memref<10000x16xf32, #tpu.memory_space<vmem_shared>> -> memref<16x16xf32, #tpu.memory_space<vmem_shared>>
        %dma_start3A_237 = arith.constant 0 : i32
        %dma_start3A_238 = arith.constant 0 : i32
        %dma_start3A_239 = tpu.memref_slice %arg16[%dma_start3A_237, %dma_start3A_238] : memref<128x16xf32, #tpu.memory_space<vmem>> -> memref<16x16xf32, #tpu.memory_space<vmem>>
        tpu.enqueue_dma source(%dma_start3A_239 : memref<16x16xf32, #tpu.memory_space<vmem>>) target(%dma_start3A_236 : memref<16x16xf32, #tpu.memory_space<vmem_shared>>) target_semaphore(%run_scoped3A_230 : memref<!tpu.dma_semaphore, #tpu.memory_space<semaphore_mem>>)
        %dma_wait3A = arith.constant 0 : i32
        %dma_wait3A_240 = arith.constant 0 : i32
        %dma_wait3A_241 = tpu.memref_slice %arg16[%dma_wait3A, %dma_wait3A_240] : memref<128x16xf32, #tpu.memory_space<vmem>> -> memref<16x16xf32, #tpu.memory_space<vmem>>
        %dma_wait3A_242 = arith.constant 0 : i32
        %dma_wait3A_243 = tpu.memref_slice %arg19[%add3A_229, %dma_wait3A_242] : memref<10000x16xf32, #tpu.memory_space<vmem_shared>> -> memref<16x16xf32, #tpu.memory_space<vmem_shared>>
        %dma_wait3A_244 = arith.constant 0 : i32
        %dma_wait3A_245 = tpu.memref_slice %arg19[%add3A_229, %dma_wait3A_244] : memref<10000x16xf32, #tpu.memory_space<vmem_shared>> -> memref<16x16xf32, #tpu.memory_space<vmem_shared>>
        %dma_wait3A_246 = arith.constant 0 : i32
        %dma_wait3A_247 = arith.constant 0 : i32
        %dma_wait3A_248 = tpu.memref_slice %arg16[%dma_wait3A_246, %dma_wait3A_247] : memref<128x16xf32, #tpu.memory_space<vmem>> -> memref<16x16xf32, #tpu.memory_space<vmem>>
        tpu.wait_dma2 semaphore(%run_scoped3A_230 : memref<!tpu.dma_semaphore, #tpu.memory_space<semaphore_mem>>) src(%dma_wait3A_248 : memref<16x16xf32, #tpu.memory_space<vmem>>) dst(%dma_wait3A_245 : memref<16x16xf32, #tpu.memory_space<vmem_shared>>)
        tpu.yield
      }) : () -> ()
    } else {
    }
    %barrier3A = arith.constant 0 : index
    tpu.barrier barrier_id(%barrier3A)
    %run_scoped3A = arith.constant 0 : i32
    "tpu.region"() ({
      %run_scoped3A_222 = tpu.sem_alloc : memref<!tpu.dma_semaphore, #tpu.memory_space<semaphore_mem>>
      %dma_start3A = arith.constant 0 : i32
      %dma_start3A_223 = arith.constant 0 : i32
      %dma_start3A_224 = arith.constant 0 : i32
      %dma_start3A_225 = tpu.memref_slice %arg2[%run_scoped3A, %arg1, %dma_start3A, %dma_start3A_223, %dma_start3A_224] : memref<2x16x250x1x80xi32, #tpu.memory_space<hbm>> -> memref<1x1x250x1x80xi32, #tpu.memory_space<hbm>>
      %dma_start3A_226 = tpu.memref_squeeze %dma_start3A_225 : memref<1x1x250x1x80xi32, #tpu.memory_space<hbm>> -> memref<250x1x80xi32, #tpu.memory_space<hbm>>
      %dma_start3A_227 = arith.constant 0 : i32
      %dma_start3A_228 = arith.constant 0 : i32
      %dma_start3A_229 = arith.constant 0 : i32
      %dma_start3A_230 = tpu.memref_slice %arg2[%run_scoped3A, %arg1, %dma_start3A_227, %dma_start3A_228, %dma_start3A_229] : memref<2x16x250x1x80xi32, #tpu.memory_space<hbm>> -> memref<1x1x250x1x80xi32, #tpu.memory_space<hbm>>
      %dma_start3A_231 = tpu.memref_squeeze %dma_start3A_230 : memref<1x1x250x1x80xi32, #tpu.memory_space<hbm>> -> memref<250x1x80xi32, #tpu.memory_space<hbm>>
      tpu.enqueue_dma source(%dma_start3A_231 : memref<250x1x80xi32, #tpu.memory_space<hbm>>) target(%arg12 : memref<250x1x80xi32, #tpu.memory_space<vmem>>) target_semaphore(%run_scoped3A_222 : memref<!tpu.dma_semaphore, #tpu.memory_space<semaphore_mem>>)
      %dma_wait3A = arith.constant 0 : i32
      %dma_wait3A_232 = arith.constant 0 : i32
      %dma_wait3A_233 = arith.constant 0 : i32
      %dma_wait3A_234 = tpu.memref_slice %arg2[%run_scoped3A, %arg1, %dma_wait3A, %dma_wait3A_232, %dma_wait3A_233] : memref<2x16x250x1x80xi32, #tpu.memory_space<hbm>> -> memref<1x1x250x1x80xi32, #tpu.memory_space<hbm>>
      %dma_wait3A_235 = tpu.memref_squeeze %dma_wait3A_234 : memref<1x1x250x1x80xi32, #tpu.memory_space<hbm>> -> memref<250x1x80xi32, #tpu.memory_space<hbm>>
      %dma_wait3A_236 = arith.constant 0 : i32
      %dma_wait3A_237 = arith.constant 0 : i32
      %dma_wait3A_238 = arith.constant 0 : i32
      %dma_wait3A_239 = tpu.memref_slice %arg2[%run_scoped3A, %arg1, %dma_wait3A_236, %dma_wait3A_237, %dma_wait3A_238] : memref<2x16x250x1x80xi32, #tpu.memory_space<hbm>> -> memref<1x1x250x1x80xi32, #tpu.memory_space<hbm>>
      %dma_wait3A_240 = tpu.memref_squeeze %dma_wait3A_239 : memref<1x1x250x1x80xi32, #tpu.memory_space<hbm>> -> memref<250x1x80xi32, #tpu.memory_space<hbm>>
      tpu.wait_dma2 semaphore(%run_scoped3A_222 : memref<!tpu.dma_semaphore, #tpu.memory_space<semaphore_mem>>) src(%dma_wait3A_240 : memref<250x1x80xi32, #tpu.memory_space<hbm>>) dst(%arg12 : memref<250x1x80xi32, #tpu.memory_space<vmem>>)
      tpu.yield
    }) : () -> ()
    %run_scoped3A_42 = arith.constant 1 : i32
    "tpu.region"() ({
      %run_scoped3A_222 = tpu.sem_alloc : memref<!tpu.dma_semaphore, #tpu.memory_space<semaphore_mem>>
      %dma_start3A = arith.constant 0 : i32
      %dma_start3A_223 = arith.constant 0 : i32
      %dma_start3A_224 = arith.constant 0 : i32
      %dma_start3A_225 = tpu.memref_slice %arg2[%run_scoped3A_42, %arg1, %dma_start3A, %dma_start3A_223, %dma_start3A_224] : memref<2x16x250x1x80xi32, #tpu.memory_space<hbm>> -> memref<1x1x250x1x80xi32, #tpu.memory_space<hbm>>
      %dma_start3A_226 = tpu.memref_squeeze %dma_start3A_225 : memref<1x1x250x1x80xi32, #tpu.memory_space<hbm>> -> memref<250x1x80xi32, #tpu.memory_space<hbm>>
      %dma_start3A_227 = arith.constant 0 : i32
      %dma_start3A_228 = arith.constant 0 : i32
      %dma_start3A_229 = arith.constant 0 : i32
      %dma_start3A_230 = tpu.memref_slice %arg2[%run_scoped3A_42, %arg1, %dma_start3A_227, %dma_start3A_228, %dma_start3A_229] : memref<2x16x250x1x80xi32, #tpu.memory_space<hbm>> -> memref<1x1x250x1x80xi32, #tpu.memory_space<hbm>>
      %dma_start3A_231 = tpu.memref_squeeze %dma_start3A_230 : memref<1x1x250x1x80xi32, #tpu.memory_space<hbm>> -> memref<250x1x80xi32, #tpu.memory_space<hbm>>
      tpu.enqueue_dma source(%dma_start3A_231 : memref<250x1x80xi32, #tpu.memory_space<hbm>>) target(%arg13 : memref<250x1x80xi32, #tpu.memory_space<vmem>>) target_semaphore(%run_scoped3A_222 : memref<!tpu.dma_semaphore, #tpu.memory_space<semaphore_mem>>)
      %dma_wait3A = arith.constant 0 : i32
      %dma_wait3A_232 = arith.constant 0 : i32
      %dma_wait3A_233 = arith.constant 0 : i32
      %dma_wait3A_234 = tpu.memref_slice %arg2[%run_scoped3A_42, %arg1, %dma_wait3A, %dma_wait3A_232, %dma_wait3A_233] : memref<2x16x250x1x80xi32, #tpu.memory_space<hbm>> -> memref<1x1x250x1x80xi32, #tpu.memory_space<hbm>>
      %dma_wait3A_235 = tpu.memref_squeeze %dma_wait3A_234 : memref<1x1x250x1x80xi32, #tpu.memory_space<hbm>> -> memref<250x1x80xi32, #tpu.memory_space<hbm>>
      %dma_wait3A_236 = arith.constant 0 : i32
      %dma_wait3A_237 = arith.constant 0 : i32
      %dma_wait3A_238 = arith.constant 0 : i32
      %dma_wait3A_239 = tpu.memref_slice %arg2[%run_scoped3A_42, %arg1, %dma_wait3A_236, %dma_wait3A_237, %dma_wait3A_238] : memref<2x16x250x1x80xi32, #tpu.memory_space<hbm>> -> memref<1x1x250x1x80xi32, #tpu.memory_space<hbm>>
      %dma_wait3A_240 = tpu.memref_squeeze %dma_wait3A_239 : memref<1x1x250x1x80xi32, #tpu.memory_space<hbm>> -> memref<250x1x80xi32, #tpu.memory_space<hbm>>
      tpu.wait_dma2 semaphore(%run_scoped3A_222 : memref<!tpu.dma_semaphore, #tpu.memory_space<semaphore_mem>>) src(%dma_wait3A_240 : memref<250x1x80xi32, #tpu.memory_space<hbm>>) dst(%arg13 : memref<250x1x80xi32, #tpu.memory_space<vmem>>)
      tpu.yield
    }) : () -> ()
    %eq3A_43 = arith.constant 0 : i32
    %eq3A_44 = arith.cmpi eq, %arg0, %eq3A_43 : i32
    %convert_element_type3A_45 = arith.extui %eq3A_44 : i1 to i32
    %cond3A_46 = arith.constant 0 : i32
    %cond3A_47 = arith.cmpi ne, %convert_element_type3A_45, %cond3A_46 : i32
    scf.if %cond3A_47 {
      %dma_start3A = arith.constant 0 : i32
      %dma_start3A_222 = arith.constant 0 : i32
      %dma_start3A_223 = arith.constant 0 : i32
      %dma_start3A_224 = arith.constant 0 : i32
      %dma_start3A_225 = arith.constant 0 : i32
      %dma_start3A_226 = tpu.memref_slice %arg14[%dma_start3A_223, %dma_start3A_224, %dma_start3A_225] : memref<5x80x64xf32, #tpu.memory_space<vmem>> -> memref<1x80x64xf32, #tpu.memory_space<vmem>>
      %dma_start3A_227 = tpu.memref_squeeze %dma_start3A_226 : memref<1x80x64xf32, #tpu.memory_space<vmem>> -> memref<80x64xf32, #tpu.memory_space<vmem>>
      %dma_start3A_228 = arith.constant 0 : i32
      %dma_start3A_229 = tpu.memref_slice %arg12[%dma_start3A, %dma_start3A_222, %dma_start3A_228] : memref<250x1x80xi32, #tpu.memory_space<vmem>> -> memref<1x1x80xi32, #tpu.memory_space<vmem>>
      %dma_start3A_230 = tpu.memref_squeeze %dma_start3A_229 : memref<1x1x80xi32, #tpu.memory_space<vmem>> -> memref<80xi32, #tpu.memory_space<vmem>>
      %dma_start3A_231 = arith.constant 0 : i32
      %dma_start3A_232 = arith.constant 0 : i32
      %dma_start3A_233 = tpu.memref_slice %arg4[%dma_start3A_231, %dma_start3A_232] : memref<10000x64xf32, #tpu.memory_space<hbm>> -> memref<10000x64xf32, #tpu.memory_space<hbm>>
      tpu.enqueue_indirect_dma source(%dma_start3A_233 : memref<10000x64xf32, #tpu.memory_space<hbm>>) target(%dma_start3A_227 : memref<80x64xf32, #tpu.memory_space<vmem>>) offsets(%dma_start3A_230 : memref<80xi32, #tpu.memory_space<vmem>>) semaphore(%arg20 : memref<!tpu.dma_semaphore, #tpu.memory_space<semaphore_mem>>)
    } else {
    }
    %eq3A_48 = arith.constant 1 : i32
    %eq3A_49 = arith.cmpi eq, %arg0, %eq3A_48 : i32
    %convert_element_type3A_50 = arith.extui %eq3A_49 : i1 to i32
    %cond3A_51 = arith.constant 0 : i32
    %cond3A_52 = arith.cmpi ne, %convert_element_type3A_50, %cond3A_51 : i32
    scf.if %cond3A_52 {
      %dma_start3A = arith.constant 0 : i32
      %dma_start3A_222 = arith.constant 0 : i32
      %dma_start3A_223 = arith.constant 0 : i32
      %dma_start3A_224 = arith.constant 0 : i32
      %dma_start3A_225 = arith.constant 0 : i32
      %dma_start3A_226 = tpu.memref_slice %arg14[%dma_start3A_223, %dma_start3A_224, %dma_start3A_225] : memref<5x80x64xf32, #tpu.memory_space<vmem>> -> memref<1x80x64xf32, #tpu.memory_space<vmem>>
      %dma_start3A_227 = tpu.memref_squeeze %dma_start3A_226 : memref<1x80x64xf32, #tpu.memory_space<vmem>> -> memref<80x64xf32, #tpu.memory_space<vmem>>
      %dma_start3A_228 = arith.constant 0 : i32
      %dma_start3A_229 = tpu.memref_slice %arg12[%dma_start3A, %dma_start3A_222, %dma_start3A_228] : memref<250x1x80xi32, #tpu.memory_space<vmem>> -> memref<1x1x80xi32, #tpu.memory_space<vmem>>
      %dma_start3A_230 = tpu.memref_squeeze %dma_start3A_229 : memref<1x1x80xi32, #tpu.memory_space<vmem>> -> memref<80xi32, #tpu.memory_space<vmem>>
      %dma_start3A_231 = arith.constant 0 : i32
      %dma_start3A_232 = arith.constant 0 : i32
      %dma_start3A_233 = tpu.memref_slice %arg5[%dma_start3A_231, %dma_start3A_232] : memref<10000x64xf32, #tpu.memory_space<hbm>> -> memref<10000x64xf32, #tpu.memory_space<hbm>>
      tpu.enqueue_indirect_dma source(%dma_start3A_233 : memref<10000x64xf32, #tpu.memory_space<hbm>>) target(%dma_start3A_227 : memref<80x64xf32, #tpu.memory_space<vmem>>) offsets(%dma_start3A_230 : memref<80xi32, #tpu.memory_space<vmem>>) semaphore(%arg20 : memref<!tpu.dma_semaphore, #tpu.memory_space<semaphore_mem>>)
    } else {
    }
    %eq3A_53 = arith.constant 0 : i32
    %eq3A_54 = arith.cmpi eq, %arg0, %eq3A_53 : i32
    %convert_element_type3A_55 = arith.extui %eq3A_54 : i1 to i32
    %cond3A_56 = arith.constant 0 : i32
    %cond3A_57 = arith.cmpi ne, %convert_element_type3A_55, %cond3A_56 : i32
    scf.if %cond3A_57 {
      %dma_start3A = arith.constant 1 : i32
      %dma_start3A_222 = arith.constant 0 : i32
      %dma_start3A_223 = arith.constant 1 : i32
      %dma_start3A_224 = arith.constant 0 : i32
      %dma_start3A_225 = arith.constant 0 : i32
      %dma_start3A_226 = tpu.memref_slice %arg14[%dma_start3A_223, %dma_start3A_224, %dma_start3A_225] : memref<5x80x64xf32, #tpu.memory_space<vmem>> -> memref<1x80x64xf32, #tpu.memory_space<vmem>>
      %dma_start3A_227 = tpu.memref_squeeze %dma_start3A_226 : memref<1x80x64xf32, #tpu.memory_space<vmem>> -> memref<80x64xf32, #tpu.memory_space<vmem>>
      %dma_start3A_228 = arith.constant 0 : i32
      %dma_start3A_229 = tpu.memref_slice %arg12[%dma_start3A, %dma_start3A_222, %dma_start3A_228] : memref<250x1x80xi32, #tpu.memory_space<vmem>> -> memref<1x1x80xi32, #tpu.memory_space<vmem>>
      %dma_start3A_230 = tpu.memref_squeeze %dma_start3A_229 : memref<1x1x80xi32, #tpu.memory_space<vmem>> -> memref<80xi32, #tpu.memory_space<vmem>>
      %dma_start3A_231 = arith.constant 0 : i32
      %dma_start3A_232 = arith.constant 0 : i32
      %dma_start3A_233 = tpu.memref_slice %arg4[%dma_start3A_231, %dma_start3A_232] : memref<10000x64xf32, #tpu.memory_space<hbm>> -> memref<10000x64xf32, #tpu.memory_space<hbm>>
      tpu.enqueue_indirect_dma source(%dma_start3A_233 : memref<10000x64xf32, #tpu.memory_space<hbm>>) target(%dma_start3A_227 : memref<80x64xf32, #tpu.memory_space<vmem>>) offsets(%dma_start3A_230 : memref<80xi32, #tpu.memory_space<vmem>>) semaphore(%arg21 : memref<!tpu.dma_semaphore, #tpu.memory_space<semaphore_mem>>)
    } else {
    }
    %eq3A_58 = arith.constant 1 : i32
    %eq3A_59 = arith.cmpi eq, %arg0, %eq3A_58 : i32
    %convert_element_type3A_60 = arith.extui %eq3A_59 : i1 to i32
    %cond3A_61 = arith.constant 0 : i32
    %cond3A_62 = arith.cmpi ne, %convert_element_type3A_60, %cond3A_61 : i32
    scf.if %cond3A_62 {
      %dma_start3A = arith.constant 1 : i32
      %dma_start3A_222 = arith.constant 0 : i32
      %dma_start3A_223 = arith.constant 1 : i32
      %dma_start3A_224 = arith.constant 0 : i32
      %dma_start3A_225 = arith.constant 0 : i32
      %dma_start3A_226 = tpu.memref_slice %arg14[%dma_start3A_223, %dma_start3A_224, %dma_start3A_225] : memref<5x80x64xf32, #tpu.memory_space<vmem>> -> memref<1x80x64xf32, #tpu.memory_space<vmem>>
      %dma_start3A_227 = tpu.memref_squeeze %dma_start3A_226 : memref<1x80x64xf32, #tpu.memory_space<vmem>> -> memref<80x64xf32, #tpu.memory_space<vmem>>
      %dma_start3A_228 = arith.constant 0 : i32
      %dma_start3A_229 = tpu.memref_slice %arg12[%dma_start3A, %dma_start3A_222, %dma_start3A_228] : memref<250x1x80xi32, #tpu.memory_space<vmem>> -> memref<1x1x80xi32, #tpu.memory_space<vmem>>
      %dma_start3A_230 = tpu.memref_squeeze %dma_start3A_229 : memref<1x1x80xi32, #tpu.memory_space<vmem>> -> memref<80xi32, #tpu.memory_space<vmem>>
      %dma_start3A_231 = arith.constant 0 : i32
      %dma_start3A_232 = arith.constant 0 : i32
      %dma_start3A_233 = tpu.memref_slice %arg5[%dma_start3A_231, %dma_start3A_232] : memref<10000x64xf32, #tpu.memory_space<hbm>> -> memref<10000x64xf32, #tpu.memory_space<hbm>>
      tpu.enqueue_indirect_dma source(%dma_start3A_233 : memref<10000x64xf32, #tpu.memory_space<hbm>>) target(%dma_start3A_227 : memref<80x64xf32, #tpu.memory_space<vmem>>) offsets(%dma_start3A_230 : memref<80xi32, #tpu.memory_space<vmem>>) semaphore(%arg21 : memref<!tpu.dma_semaphore, #tpu.memory_space<semaphore_mem>>)
    } else {
    }
    %eq3A_63 = arith.constant 0 : i32
    %eq3A_64 = arith.cmpi eq, %arg0, %eq3A_63 : i32
    %convert_element_type3A_65 = arith.extui %eq3A_64 : i1 to i32
    %cond3A_66 = arith.constant 0 : i32
    %cond3A_67 = arith.cmpi ne, %convert_element_type3A_65, %cond3A_66 : i32
    scf.if %cond3A_67 {
      %dma_start3A = arith.constant 2 : i32
      %dma_start3A_222 = arith.constant 0 : i32
      %dma_start3A_223 = arith.constant 2 : i32
      %dma_start3A_224 = arith.constant 0 : i32
      %dma_start3A_225 = arith.constant 0 : i32
      %dma_start3A_226 = tpu.memref_slice %arg14[%dma_start3A_223, %dma_start3A_224, %dma_start3A_225] : memref<5x80x64xf32, #tpu.memory_space<vmem>> -> memref<1x80x64xf32, #tpu.memory_space<vmem>>
      %dma_start3A_227 = tpu.memref_squeeze %dma_start3A_226 : memref<1x80x64xf32, #tpu.memory_space<vmem>> -> memref<80x64xf32, #tpu.memory_space<vmem>>
      %dma_start3A_228 = arith.constant 0 : i32
      %dma_start3A_229 = tpu.memref_slice %arg12[%dma_start3A, %dma_start3A_222, %dma_start3A_228] : memref<250x1x80xi32, #tpu.memory_space<vmem>> -> memref<1x1x80xi32, #tpu.memory_space<vmem>>
      %dma_start3A_230 = tpu.memref_squeeze %dma_start3A_229 : memref<1x1x80xi32, #tpu.memory_space<vmem>> -> memref<80xi32, #tpu.memory_space<vmem>>
      %dma_start3A_231 = arith.constant 0 : i32
      %dma_start3A_232 = arith.constant 0 : i32
      %dma_start3A_233 = tpu.memref_slice %arg4[%dma_start3A_231, %dma_start3A_232] : memref<10000x64xf32, #tpu.memory_space<hbm>> -> memref<10000x64xf32, #tpu.memory_space<hbm>>
      tpu.enqueue_indirect_dma source(%dma_start3A_233 : memref<10000x64xf32, #tpu.memory_space<hbm>>) target(%dma_start3A_227 : memref<80x64xf32, #tpu.memory_space<vmem>>) offsets(%dma_start3A_230 : memref<80xi32, #tpu.memory_space<vmem>>) semaphore(%arg22 : memref<!tpu.dma_semaphore, #tpu.memory_space<semaphore_mem>>)
    } else {
    }
    %eq3A_68 = arith.constant 1 : i32
    %eq3A_69 = arith.cmpi eq, %arg0, %eq3A_68 : i32
    %convert_element_type3A_70 = arith.extui %eq3A_69 : i1 to i32
    %cond3A_71 = arith.constant 0 : i32
    %cond3A_72 = arith.cmpi ne, %convert_element_type3A_70, %cond3A_71 : i32
    scf.if %cond3A_72 {
      %dma_start3A = arith.constant 2 : i32
      %dma_start3A_222 = arith.constant 0 : i32
      %dma_start3A_223 = arith.constant 2 : i32
      %dma_start3A_224 = arith.constant 0 : i32
      %dma_start3A_225 = arith.constant 0 : i32
      %dma_start3A_226 = tpu.memref_slice %arg14[%dma_start3A_223, %dma_start3A_224, %dma_start3A_225] : memref<5x80x64xf32, #tpu.memory_space<vmem>> -> memref<1x80x64xf32, #tpu.memory_space<vmem>>
      %dma_start3A_227 = tpu.memref_squeeze %dma_start3A_226 : memref<1x80x64xf32, #tpu.memory_space<vmem>> -> memref<80x64xf32, #tpu.memory_space<vmem>>
      %dma_start3A_228 = arith.constant 0 : i32
      %dma_start3A_229 = tpu.memref_slice %arg12[%dma_start3A, %dma_start3A_222, %dma_start3A_228] : memref<250x1x80xi32, #tpu.memory_space<vmem>> -> memref<1x1x80xi32, #tpu.memory_space<vmem>>
      %dma_start3A_230 = tpu.memref_squeeze %dma_start3A_229 : memref<1x1x80xi32, #tpu.memory_space<vmem>> -> memref<80xi32, #tpu.memory_space<vmem>>
      %dma_start3A_231 = arith.constant 0 : i32
      %dma_start3A_232 = arith.constant 0 : i32
      %dma_start3A_233 = tpu.memref_slice %arg5[%dma_start3A_231, %dma_start3A_232] : memref<10000x64xf32, #tpu.memory_space<hbm>> -> memref<10000x64xf32, #tpu.memory_space<hbm>>
      tpu.enqueue_indirect_dma source(%dma_start3A_233 : memref<10000x64xf32, #tpu.memory_space<hbm>>) target(%dma_start3A_227 : memref<80x64xf32, #tpu.memory_space<vmem>>) offsets(%dma_start3A_230 : memref<80xi32, #tpu.memory_space<vmem>>) semaphore(%arg22 : memref<!tpu.dma_semaphore, #tpu.memory_space<semaphore_mem>>)
    } else {
    }
    %eq3A_73 = arith.constant 0 : i32
    %eq3A_74 = arith.cmpi eq, %arg0, %eq3A_73 : i32
    %convert_element_type3A_75 = arith.extui %eq3A_74 : i1 to i32
    %cond3A_76 = arith.constant 0 : i32
    %cond3A_77 = arith.cmpi ne, %convert_element_type3A_75, %cond3A_76 : i32
    scf.if %cond3A_77 {
      %dma_start3A = arith.constant 3 : i32
      %dma_start3A_222 = arith.constant 0 : i32
      %dma_start3A_223 = arith.constant 3 : i32
      %dma_start3A_224 = arith.constant 0 : i32
      %dma_start3A_225 = arith.constant 0 : i32
      %dma_start3A_226 = tpu.memref_slice %arg14[%dma_start3A_223, %dma_start3A_224, %dma_start3A_225] : memref<5x80x64xf32, #tpu.memory_space<vmem>> -> memref<1x80x64xf32, #tpu.memory_space<vmem>>
      %dma_start3A_227 = tpu.memref_squeeze %dma_start3A_226 : memref<1x80x64xf32, #tpu.memory_space<vmem>> -> memref<80x64xf32, #tpu.memory_space<vmem>>
      %dma_start3A_228 = arith.constant 0 : i32
      %dma_start3A_229 = tpu.memref_slice %arg12[%dma_start3A, %dma_start3A_222, %dma_start3A_228] : memref<250x1x80xi32, #tpu.memory_space<vmem>> -> memref<1x1x80xi32, #tpu.memory_space<vmem>>
      %dma_start3A_230 = tpu.memref_squeeze %dma_start3A_229 : memref<1x1x80xi32, #tpu.memory_space<vmem>> -> memref<80xi32, #tpu.memory_space<vmem>>
      %dma_start3A_231 = arith.constant 0 : i32
      %dma_start3A_232 = arith.constant 0 : i32
      %dma_start3A_233 = tpu.memref_slice %arg4[%dma_start3A_231, %dma_start3A_232] : memref<10000x64xf32, #tpu.memory_space<hbm>> -> memref<10000x64xf32, #tpu.memory_space<hbm>>
      tpu.enqueue_indirect_dma source(%dma_start3A_233 : memref<10000x64xf32, #tpu.memory_space<hbm>>) target(%dma_start3A_227 : memref<80x64xf32, #tpu.memory_space<vmem>>) offsets(%dma_start3A_230 : memref<80xi32, #tpu.memory_space<vmem>>) semaphore(%arg23 : memref<!tpu.dma_semaphore, #tpu.memory_space<semaphore_mem>>)
    } else {
    }
    %eq3A_78 = arith.constant 1 : i32
    %eq3A_79 = arith.cmpi eq, %arg0, %eq3A_78 : i32
    %convert_element_type3A_80 = arith.extui %eq3A_79 : i1 to i32
    %cond3A_81 = arith.constant 0 : i32
    %cond3A_82 = arith.cmpi ne, %convert_element_type3A_80, %cond3A_81 : i32
    scf.if %cond3A_82 {
      %dma_start3A = arith.constant 3 : i32
      %dma_start3A_222 = arith.constant 0 : i32
      %dma_start3A_223 = arith.constant 3 : i32
      %dma_start3A_224 = arith.constant 0 : i32
      %dma_start3A_225 = arith.constant 0 : i32
      %dma_start3A_226 = tpu.memref_slice %arg14[%dma_start3A_223, %dma_start3A_224, %dma_start3A_225] : memref<5x80x64xf32, #tpu.memory_space<vmem>> -> memref<1x80x64xf32, #tpu.memory_space<vmem>>
      %dma_start3A_227 = tpu.memref_squeeze %dma_start3A_226 : memref<1x80x64xf32, #tpu.memory_space<vmem>> -> memref<80x64xf32, #tpu.memory_space<vmem>>
      %dma_start3A_228 = arith.constant 0 : i32
      %dma_start3A_229 = tpu.memref_slice %arg12[%dma_start3A, %dma_start3A_222, %dma_start3A_228] : memref<250x1x80xi32, #tpu.memory_space<vmem>> -> memref<1x1x80xi32, #tpu.memory_space<vmem>>
      %dma_start3A_230 = tpu.memref_squeeze %dma_start3A_229 : memref<1x1x80xi32, #tpu.memory_space<vmem>> -> memref<80xi32, #tpu.memory_space<vmem>>
      %dma_start3A_231 = arith.constant 0 : i32
      %dma_start3A_232 = arith.constant 0 : i32
      %dma_start3A_233 = tpu.memref_slice %arg5[%dma_start3A_231, %dma_start3A_232] : memref<10000x64xf32, #tpu.memory_space<hbm>> -> memref<10000x64xf32, #tpu.memory_space<hbm>>
      tpu.enqueue_indirect_dma source(%dma_start3A_233 : memref<10000x64xf32, #tpu.memory_space<hbm>>) target(%dma_start3A_227 : memref<80x64xf32, #tpu.memory_space<vmem>>) offsets(%dma_start3A_230 : memref<80xi32, #tpu.memory_space<vmem>>) semaphore(%arg23 : memref<!tpu.dma_semaphore, #tpu.memory_space<semaphore_mem>>)
    } else {
    }
    %eq3A_83 = arith.constant 0 : i32
    %eq3A_84 = arith.cmpi eq, %arg0, %eq3A_83 : i32
    %convert_element_type3A_85 = arith.extui %eq3A_84 : i1 to i32
    %cond3A_86 = arith.constant 0 : i32
    %cond3A_87 = arith.cmpi ne, %convert_element_type3A_85, %cond3A_86 : i32
    scf.if %cond3A_87 {
      %dma_start3A = arith.constant 4 : i32
      %dma_start3A_222 = arith.constant 0 : i32
      %dma_start3A_223 = arith.constant 4 : i32
      %dma_start3A_224 = arith.constant 0 : i32
      %dma_start3A_225 = arith.constant 0 : i32
      %dma_start3A_226 = tpu.memref_slice %arg14[%dma_start3A_223, %dma_start3A_224, %dma_start3A_225] : memref<5x80x64xf32, #tpu.memory_space<vmem>> -> memref<1x80x64xf32, #tpu.memory_space<vmem>>
      %dma_start3A_227 = tpu.memref_squeeze %dma_start3A_226 : memref<1x80x64xf32, #tpu.memory_space<vmem>> -> memref<80x64xf32, #tpu.memory_space<vmem>>
      %dma_start3A_228 = arith.constant 0 : i32
      %dma_start3A_229 = tpu.memref_slice %arg12[%dma_start3A, %dma_start3A_222, %dma_start3A_228] : memref<250x1x80xi32, #tpu.memory_space<vmem>> -> memref<1x1x80xi32, #tpu.memory_space<vmem>>
      %dma_start3A_230 = tpu.memref_squeeze %dma_start3A_229 : memref<1x1x80xi32, #tpu.memory_space<vmem>> -> memref<80xi32, #tpu.memory_space<vmem>>
      %dma_start3A_231 = arith.constant 0 : i32
      %dma_start3A_232 = arith.constant 0 : i32
      %dma_start3A_233 = tpu.memref_slice %arg4[%dma_start3A_231, %dma_start3A_232] : memref<10000x64xf32, #tpu.memory_space<hbm>> -> memref<10000x64xf32, #tpu.memory_space<hbm>>
      tpu.enqueue_indirect_dma source(%dma_start3A_233 : memref<10000x64xf32, #tpu.memory_space<hbm>>) target(%dma_start3A_227 : memref<80x64xf32, #tpu.memory_space<vmem>>) offsets(%dma_start3A_230 : memref<80xi32, #tpu.memory_space<vmem>>) semaphore(%arg24 : memref<!tpu.dma_semaphore, #tpu.memory_space<semaphore_mem>>)
    } else {
    }
    %eq3A_88 = arith.constant 1 : i32
    %eq3A_89 = arith.cmpi eq, %arg0, %eq3A_88 : i32
    %convert_element_type3A_90 = arith.extui %eq3A_89 : i1 to i32
    %cond3A_91 = arith.constant 0 : i32
    %cond3A_92 = arith.cmpi ne, %convert_element_type3A_90, %cond3A_91 : i32
    scf.if %cond3A_92 {
      %dma_start3A = arith.constant 4 : i32
      %dma_start3A_222 = arith.constant 0 : i32
      %dma_start3A_223 = arith.constant 4 : i32
      %dma_start3A_224 = arith.constant 0 : i32
      %dma_start3A_225 = arith.constant 0 : i32
      %dma_start3A_226 = tpu.memref_slice %arg14[%dma_start3A_223, %dma_start3A_224, %dma_start3A_225] : memref<5x80x64xf32, #tpu.memory_space<vmem>> -> memref<1x80x64xf32, #tpu.memory_space<vmem>>
      %dma_start3A_227 = tpu.memref_squeeze %dma_start3A_226 : memref<1x80x64xf32, #tpu.memory_space<vmem>> -> memref<80x64xf32, #tpu.memory_space<vmem>>
      %dma_start3A_228 = arith.constant 0 : i32
      %dma_start3A_229 = tpu.memref_slice %arg12[%dma_start3A, %dma_start3A_222, %dma_start3A_228] : memref<250x1x80xi32, #tpu.memory_space<vmem>> -> memref<1x1x80xi32, #tpu.memory_space<vmem>>
      %dma_start3A_230 = tpu.memref_squeeze %dma_start3A_229 : memref<1x1x80xi32, #tpu.memory_space<vmem>> -> memref<80xi32, #tpu.memory_space<vmem>>
      %dma_start3A_231 = arith.constant 0 : i32
      %dma_start3A_232 = arith.constant 0 : i32
      %dma_start3A_233 = tpu.memref_slice %arg5[%dma_start3A_231, %dma_start3A_232] : memref<10000x64xf32, #tpu.memory_space<hbm>> -> memref<10000x64xf32, #tpu.memory_space<hbm>>
      tpu.enqueue_indirect_dma source(%dma_start3A_233 : memref<10000x64xf32, #tpu.memory_space<hbm>>) target(%dma_start3A_227 : memref<80x64xf32, #tpu.memory_space<vmem>>) offsets(%dma_start3A_230 : memref<80xi32, #tpu.memory_space<vmem>>) semaphore(%arg24 : memref<!tpu.dma_semaphore, #tpu.memory_space<semaphore_mem>>)
    } else {
    }
    %scan3A_93 = arith.constant 0 : i32
    %scan3A_94 = arith.constant 0 : i32
    %scan3A_95 = arith.constant 50 : i32
    %scan3A_96 = arith.addi %scan3A_94, %scan3A_95 : i32
    %scan3A_97 = arith.constant 1 : i32
    scf.for %scan3A_222 = %scan3A_94 to %scan3A_96 step %scan3A_97  : i32 {
      %mul3A_223 = arith.constant 5 : i32
      %mul3A_224 = arith.muli %scan3A_222, %mul3A_223 : i32
      %add3A_225 = arith.constant 0 : i32
      %add3A_226 = arith.addi %mul3A_224, %add3A_225 : i32
      %dma_wait3A = arith.constant 0 : i32
      %dma_wait3A_227 = arith.constant 0 : i32
      %dma_wait3A_228 = arith.constant 0 : i32
      %dma_wait3A_229 = arith.constant 0 : i32
      %dma_wait3A_230 = arith.constant 0 : i32
      %dma_wait3A_231 = tpu.memref_slice %arg14[%dma_wait3A_228, %dma_wait3A_229, %dma_wait3A_230] : memref<5x80x64xf32, #tpu.memory_space<vmem>> -> memref<1x80x64xf32, #tpu.memory_space<vmem>>
      %dma_wait3A_232 = tpu.memref_squeeze %dma_wait3A_231 : memref<1x80x64xf32, #tpu.memory_space<vmem>> -> memref<80x64xf32, #tpu.memory_space<vmem>>
      %dma_wait3A_233 = arith.constant 0 : i32
      %dma_wait3A_234 = tpu.memref_slice %arg12[%dma_wait3A, %dma_wait3A_227, %dma_wait3A_233] : memref<250x1x80xi32, #tpu.memory_space<vmem>> -> memref<1x1x80xi32, #tpu.memory_space<vmem>>
      %dma_wait3A_235 = tpu.memref_squeeze %dma_wait3A_234 : memref<1x1x80xi32, #tpu.memory_space<vmem>> -> memref<80xi32, #tpu.memory_space<vmem>>
      %dma_wait3A_236 = arith.constant 0 : i32
      %dma_wait3A_237 = arith.constant 0 : i32
      %dma_wait3A_238 = tpu.memref_slice %arg4[%dma_wait3A_236, %dma_wait3A_237] : memref<10000x64xf32, #tpu.memory_space<hbm>> -> memref<10000x64xf32, #tpu.memory_space<hbm>>
      tpu.wait_indirect_dma semaphore(%arg20 : memref<!tpu.dma_semaphore, #tpu.memory_space<semaphore_mem>>) src(%dma_wait3A_238 : memref<10000x64xf32, #tpu.memory_space<hbm>>) dst(%dma_wait3A_232 : memref<80x64xf32, #tpu.memory_space<vmem>>)
      %run_scoped3A_239 = arith.constant 0 : i32
      %run_scoped3A_240 = arith.constant 0 : i32
      "tpu.region"() ({
        %run_scoped3A_349 = tpu.sem_alloc : memref<!tpu.dma_semaphore, #tpu.memory_space<semaphore_mem>>
        %dma_start3A = arith.constant 0 : i32
        %dma_start3A_350 = arith.constant 0 : i32
        %dma_start3A_351 = tpu.memref_slice %arg14[%run_scoped3A_239, %dma_start3A, %dma_start3A_350] : memref<5x80x64xf32, #tpu.memory_space<vmem>> -> memref<1x80x64xf32, #tpu.memory_space<vmem>>
        %dma_start3A_352 = tpu.memref_squeeze %dma_start3A_351 : memref<1x80x64xf32, #tpu.memory_space<vmem>> -> memref<80x64xf32, #tpu.memory_space<vmem>>
        %dma_start3A_353 = arith.constant 0 : i32
        %dma_start3A_354 = tpu.memref_slice %arg13[%add3A_226, %run_scoped3A_240, %dma_start3A_353] : memref<250x1x80xi32, #tpu.memory_space<vmem>> -> memref<1x1x80xi32, #tpu.memory_space<vmem>>
        %dma_start3A_355 = tpu.memref_squeeze %dma_start3A_354 : memref<1x1x80xi32, #tpu.memory_space<vmem>> -> memref<80xi32, #tpu.memory_space<vmem>>
        %dma_start3A_356 = arith.constant 0 : i32
        %dma_start3A_357 = arith.constant 0 : i32
        %dma_start3A_358 = tpu.memref_slice %arg18[%dma_start3A_356, %dma_start3A_357] : memref<10000x64xf32, #tpu.memory_space<vmem_shared>> -> memref<10000x64xf32, #tpu.memory_space<vmem_shared>>
        tpu.enqueue_indirect_dma source(%dma_start3A_352 : memref<80x64xf32, #tpu.memory_space<vmem>>) target(%dma_start3A_358 : memref<10000x64xf32, #tpu.memory_space<vmem_shared>>) offsets(%dma_start3A_355 : memref<80xi32, #tpu.memory_space<vmem>>) semaphore(%run_scoped3A_349 : memref<!tpu.dma_semaphore, #tpu.memory_space<semaphore_mem>>) {add = true}
        %dma_wait3A_359 = arith.constant 0 : i32
        %dma_wait3A_360 = arith.constant 0 : i32
        %dma_wait3A_361 = tpu.memref_slice %arg14[%run_scoped3A_239, %dma_wait3A_359, %dma_wait3A_360] : memref<5x80x64xf32, #tpu.memory_space<vmem>> -> memref<1x80x64xf32, #tpu.memory_space<vmem>>
        %dma_wait3A_362 = tpu.memref_squeeze %dma_wait3A_361 : memref<1x80x64xf32, #tpu.memory_space<vmem>> -> memref<80x64xf32, #tpu.memory_space<vmem>>
        %dma_wait3A_363 = arith.constant 0 : i32
        %dma_wait3A_364 = tpu.memref_slice %arg13[%add3A_226, %run_scoped3A_240, %dma_wait3A_363] : memref<250x1x80xi32, #tpu.memory_space<vmem>> -> memref<1x1x80xi32, #tpu.memory_space<vmem>>
        %dma_wait3A_365 = tpu.memref_squeeze %dma_wait3A_364 : memref<1x1x80xi32, #tpu.memory_space<vmem>> -> memref<80xi32, #tpu.memory_space<vmem>>
        %dma_wait3A_366 = arith.constant 0 : i32
        %dma_wait3A_367 = arith.constant 0 : i32
        %dma_wait3A_368 = tpu.memref_slice %arg18[%dma_wait3A_366, %dma_wait3A_367] : memref<10000x64xf32, #tpu.memory_space<vmem_shared>> -> memref<10000x64xf32, #tpu.memory_space<vmem_shared>>
        tpu.wait_indirect_dma semaphore(%run_scoped3A_349 : memref<!tpu.dma_semaphore, #tpu.memory_space<semaphore_mem>>) src(%dma_wait3A_362 : memref<80x64xf32, #tpu.memory_space<vmem>>) dst(%dma_wait3A_368 : memref<10000x64xf32, #tpu.memory_space<vmem_shared>>)
        tpu.yield
      }) : () -> ()
      %run_scoped3A_241 = arith.constant 0 : i32
      "tpu.region"() ({
        %run_scoped3A_349 = tpu.sem_alloc : memref<!tpu.dma_semaphore, #tpu.memory_space<semaphore_mem>>
        %dma_start3A = arith.constant 0 : i32
        %dma_start3A_350 = tpu.memref_slice %arg13[%add3A_226, %run_scoped3A_241, %dma_start3A] : memref<250x1x80xi32, #tpu.memory_space<vmem>> -> memref<1x1x80xi32, #tpu.memory_space<vmem>>
        %dma_start3A_351 = tpu.memref_squeeze %dma_start3A_350 : memref<1x1x80xi32, #tpu.memory_space<vmem>> -> memref<80xi32, #tpu.memory_space<vmem>>
        %dma_start3A_352 = arith.constant 0 : i32
        %dma_start3A_353 = arith.constant 0 : i32
        %dma_start3A_354 = tpu.memref_slice %arg19[%dma_start3A_352, %dma_start3A_353] : memref<10000x16xf32, #tpu.memory_space<vmem_shared>> -> memref<10000x16xf32, #tpu.memory_space<vmem_shared>>
        tpu.enqueue_indirect_dma source(%arg17 : memref<80x16xf32, #tpu.memory_space<vmem>>) target(%dma_start3A_354 : memref<10000x16xf32, #tpu.memory_space<vmem_shared>>) offsets(%dma_start3A_351 : memref<80xi32, #tpu.memory_space<vmem>>) semaphore(%run_scoped3A_349 : memref<!tpu.dma_semaphore, #tpu.memory_space<semaphore_mem>>) {add = true}
        %dma_wait3A_355 = arith.constant 0 : i32
        %dma_wait3A_356 = tpu.memref_slice %arg13[%add3A_226, %run_scoped3A_241, %dma_wait3A_355] : memref<250x1x80xi32, #tpu.memory_space<vmem>> -> memref<1x1x80xi32, #tpu.memory_space<vmem>>
        %dma_wait3A_357 = tpu.memref_squeeze %dma_wait3A_356 : memref<1x1x80xi32, #tpu.memory_space<vmem>> -> memref<80xi32, #tpu.memory_space<vmem>>
        %dma_wait3A_358 = arith.constant 0 : i32
        %dma_wait3A_359 = arith.constant 0 : i32
        %dma_wait3A_360 = tpu.memref_slice %arg19[%dma_wait3A_358, %dma_wait3A_359] : memref<10000x16xf32, #tpu.memory_space<vmem_shared>> -> memref<10000x16xf32, #tpu.memory_space<vmem_shared>>
        tpu.wait_indirect_dma semaphore(%run_scoped3A_349 : memref<!tpu.dma_semaphore, #tpu.memory_space<semaphore_mem>>) src(%arg17 : memref<80x16xf32, #tpu.memory_space<vmem>>) dst(%dma_wait3A_360 : memref<10000x16xf32, #tpu.memory_space<vmem_shared>>)
        tpu.yield
      }) : () -> ()
      %add3A_242 = arith.constant 5 : i32
      %add3A_243 = arith.addi %add3A_226, %add3A_242 : i32
      %lt3A_244 = arith.constant 250 : i32
      %lt3A_245 = arith.cmpi slt, %add3A_243, %lt3A_244 : i32
      %convert_element_type3A_246 = arith.extui %lt3A_245 : i1 to i32
      %cond3A_247 = arith.constant 0 : i32
      %cond3A_248 = arith.cmpi ne, %convert_element_type3A_246, %cond3A_247 : i32
      scf.if %cond3A_248 {
        %add3A_349 = arith.constant 5 : i32
        %add3A_350 = arith.addi %add3A_226, %add3A_349 : i32
        %eq3A_351 = arith.constant 0 : i32
        %eq3A_352 = arith.cmpi eq, %arg0, %eq3A_351 : i32
        %convert_element_type3A_353 = arith.extui %eq3A_352 : i1 to i32
        %cond3A_354 = arith.constant 0 : i32
        %cond3A_355 = arith.cmpi ne, %convert_element_type3A_353, %cond3A_354 : i32
        scf.if %cond3A_355 {
          %dma_start3A = arith.constant 0 : i32
          %dma_start3A_361 = arith.constant 0 : i32
          %dma_start3A_362 = arith.constant 0 : i32
          %dma_start3A_363 = arith.constant 0 : i32
          %dma_start3A_364 = tpu.memref_slice %arg14[%dma_start3A_361, %dma_start3A_362, %dma_start3A_363] : memref<5x80x64xf32, #tpu.memory_space<vmem>> -> memref<1x80x64xf32, #tpu.memory_space<vmem>>
          %dma_start3A_365 = tpu.memref_squeeze %dma_start3A_364 : memref<1x80x64xf32, #tpu.memory_space<vmem>> -> memref<80x64xf32, #tpu.memory_space<vmem>>
          %dma_start3A_366 = arith.constant 0 : i32
          %dma_start3A_367 = tpu.memref_slice %arg12[%add3A_350, %dma_start3A, %dma_start3A_366] : memref<250x1x80xi32, #tpu.memory_space<vmem>> -> memref<1x1x80xi32, #tpu.memory_space<vmem>>
          %dma_start3A_368 = tpu.memref_squeeze %dma_start3A_367 : memref<1x1x80xi32, #tpu.memory_space<vmem>> -> memref<80xi32, #tpu.memory_space<vmem>>
          %dma_start3A_369 = arith.constant 0 : i32
          %dma_start3A_370 = arith.constant 0 : i32
          %dma_start3A_371 = tpu.memref_slice %arg4[%dma_start3A_369, %dma_start3A_370] : memref<10000x64xf32, #tpu.memory_space<hbm>> -> memref<10000x64xf32, #tpu.memory_space<hbm>>
          tpu.enqueue_indirect_dma source(%dma_start3A_371 : memref<10000x64xf32, #tpu.memory_space<hbm>>) target(%dma_start3A_365 : memref<80x64xf32, #tpu.memory_space<vmem>>) offsets(%dma_start3A_368 : memref<80xi32, #tpu.memory_space<vmem>>) semaphore(%arg20 : memref<!tpu.dma_semaphore, #tpu.memory_space<semaphore_mem>>)
        } else {
        }
        %eq3A_356 = arith.constant 1 : i32
        %eq3A_357 = arith.cmpi eq, %arg0, %eq3A_356 : i32
        %convert_element_type3A_358 = arith.extui %eq3A_357 : i1 to i32
        %cond3A_359 = arith.constant 0 : i32
        %cond3A_360 = arith.cmpi ne, %convert_element_type3A_358, %cond3A_359 : i32
        scf.if %cond3A_360 {
          %dma_start3A = arith.constant 0 : i32
          %dma_start3A_361 = arith.constant 0 : i32
          %dma_start3A_362 = arith.constant 0 : i32
          %dma_start3A_363 = arith.constant 0 : i32
          %dma_start3A_364 = tpu.memref_slice %arg14[%dma_start3A_361, %dma_start3A_362, %dma_start3A_363] : memref<5x80x64xf32, #tpu.memory_space<vmem>> -> memref<1x80x64xf32, #tpu.memory_space<vmem>>
          %dma_start3A_365 = tpu.memref_squeeze %dma_start3A_364 : memref<1x80x64xf32, #tpu.memory_space<vmem>> -> memref<80x64xf32, #tpu.memory_space<vmem>>
          %dma_start3A_366 = arith.constant 0 : i32
          %dma_start3A_367 = tpu.memref_slice %arg12[%add3A_350, %dma_start3A, %dma_start3A_366] : memref<250x1x80xi32, #tpu.memory_space<vmem>> -> memref<1x1x80xi32, #tpu.memory_space<vmem>>
          %dma_start3A_368 = tpu.memref_squeeze %dma_start3A_367 : memref<1x1x80xi32, #tpu.memory_space<vmem>> -> memref<80xi32, #tpu.memory_space<vmem>>
          %dma_start3A_369 = arith.constant 0 : i32
          %dma_start3A_370 = arith.constant 0 : i32
          %dma_start3A_371 = tpu.memref_slice %arg5[%dma_start3A_369, %dma_start3A_370] : memref<10000x64xf32, #tpu.memory_space<hbm>> -> memref<10000x64xf32, #tpu.memory_space<hbm>>
          tpu.enqueue_indirect_dma source(%dma_start3A_371 : memref<10000x64xf32, #tpu.memory_space<hbm>>) target(%dma_start3A_365 : memref<80x64xf32, #tpu.memory_space<vmem>>) offsets(%dma_start3A_368 : memref<80xi32, #tpu.memory_space<vmem>>) semaphore(%arg20 : memref<!tpu.dma_semaphore, #tpu.memory_space<semaphore_mem>>)
        } else {
        }
      } else {
      }
      %add3A_249 = arith.constant 1 : i32
      %add3A_250 = arith.addi %mul3A_224, %add3A_249 : i32
      %dma_wait3A_251 = arith.constant 0 : i32
      %dma_wait3A_252 = arith.constant 0 : i32
      %dma_wait3A_253 = arith.constant 1 : i32
      %dma_wait3A_254 = arith.constant 0 : i32
      %dma_wait3A_255 = arith.constant 0 : i32
      %dma_wait3A_256 = tpu.memref_slice %arg14[%dma_wait3A_253, %dma_wait3A_254, %dma_wait3A_255] : memref<5x80x64xf32, #tpu.memory_space<vmem>> -> memref<1x80x64xf32, #tpu.memory_space<vmem>>
      %dma_wait3A_257 = tpu.memref_squeeze %dma_wait3A_256 : memref<1x80x64xf32, #tpu.memory_space<vmem>> -> memref<80x64xf32, #tpu.memory_space<vmem>>
      %dma_wait3A_258 = arith.constant 0 : i32
      %dma_wait3A_259 = tpu.memref_slice %arg12[%dma_wait3A_251, %dma_wait3A_252, %dma_wait3A_258] : memref<250x1x80xi32, #tpu.memory_space<vmem>> -> memref<1x1x80xi32, #tpu.memory_space<vmem>>
      %dma_wait3A_260 = tpu.memref_squeeze %dma_wait3A_259 : memref<1x1x80xi32, #tpu.memory_space<vmem>> -> memref<80xi32, #tpu.memory_space<vmem>>
      %dma_wait3A_261 = arith.constant 0 : i32
      %dma_wait3A_262 = arith.constant 0 : i32
      %dma_wait3A_263 = tpu.memref_slice %arg4[%dma_wait3A_261, %dma_wait3A_262] : memref<10000x64xf32, #tpu.memory_space<hbm>> -> memref<10000x64xf32, #tpu.memory_space<hbm>>
      tpu.wait_indirect_dma semaphore(%arg21 : memref<!tpu.dma_semaphore, #tpu.memory_space<semaphore_mem>>) src(%dma_wait3A_263 : memref<10000x64xf32, #tpu.memory_space<hbm>>) dst(%dma_wait3A_257 : memref<80x64xf32, #tpu.memory_space<vmem>>)
      %run_scoped3A_264 = arith.constant 1 : i32
      %run_scoped3A_265 = arith.constant 0 : i32
      "tpu.region"() ({
        %run_scoped3A_349 = tpu.sem_alloc : memref<!tpu.dma_semaphore, #tpu.memory_space<semaphore_mem>>
        %dma_start3A = arith.constant 0 : i32
        %dma_start3A_350 = arith.constant 0 : i32
        %dma_start3A_351 = tpu.memref_slice %arg14[%run_scoped3A_264, %dma_start3A, %dma_start3A_350] : memref<5x80x64xf32, #tpu.memory_space<vmem>> -> memref<1x80x64xf32, #tpu.memory_space<vmem>>
        %dma_start3A_352 = tpu.memref_squeeze %dma_start3A_351 : memref<1x80x64xf32, #tpu.memory_space<vmem>> -> memref<80x64xf32, #tpu.memory_space<vmem>>
        %dma_start3A_353 = arith.constant 0 : i32
        %dma_start3A_354 = tpu.memref_slice %arg13[%add3A_250, %run_scoped3A_265, %dma_start3A_353] : memref<250x1x80xi32, #tpu.memory_space<vmem>> -> memref<1x1x80xi32, #tpu.memory_space<vmem>>
        %dma_start3A_355 = tpu.memref_squeeze %dma_start3A_354 : memref<1x1x80xi32, #tpu.memory_space<vmem>> -> memref<80xi32, #tpu.memory_space<vmem>>
        %dma_start3A_356 = arith.constant 0 : i32
        %dma_start3A_357 = arith.constant 0 : i32
        %dma_start3A_358 = tpu.memref_slice %arg18[%dma_start3A_356, %dma_start3A_357] : memref<10000x64xf32, #tpu.memory_space<vmem_shared>> -> memref<10000x64xf32, #tpu.memory_space<vmem_shared>>
        tpu.enqueue_indirect_dma source(%dma_start3A_352 : memref<80x64xf32, #tpu.memory_space<vmem>>) target(%dma_start3A_358 : memref<10000x64xf32, #tpu.memory_space<vmem_shared>>) offsets(%dma_start3A_355 : memref<80xi32, #tpu.memory_space<vmem>>) semaphore(%run_scoped3A_349 : memref<!tpu.dma_semaphore, #tpu.memory_space<semaphore_mem>>) {add = true}
        %dma_wait3A_359 = arith.constant 0 : i32
        %dma_wait3A_360 = arith.constant 0 : i32
        %dma_wait3A_361 = tpu.memref_slice %arg14[%run_scoped3A_264, %dma_wait3A_359, %dma_wait3A_360] : memref<5x80x64xf32, #tpu.memory_space<vmem>> -> memref<1x80x64xf32, #tpu.memory_space<vmem>>
        %dma_wait3A_362 = tpu.memref_squeeze %dma_wait3A_361 : memref<1x80x64xf32, #tpu.memory_space<vmem>> -> memref<80x64xf32, #tpu.memory_space<vmem>>
        %dma_wait3A_363 = arith.constant 0 : i32
        %dma_wait3A_364 = tpu.memref_slice %arg13[%add3A_250, %run_scoped3A_265, %dma_wait3A_363] : memref<250x1x80xi32, #tpu.memory_space<vmem>> -> memref<1x1x80xi32, #tpu.memory_space<vmem>>
        %dma_wait3A_365 = tpu.memref_squeeze %dma_wait3A_364 : memref<1x1x80xi32, #tpu.memory_space<vmem>> -> memref<80xi32, #tpu.memory_space<vmem>>
        %dma_wait3A_366 = arith.constant 0 : i32
        %dma_wait3A_367 = arith.constant 0 : i32
        %dma_wait3A_368 = tpu.memref_slice %arg18[%dma_wait3A_366, %dma_wait3A_367] : memref<10000x64xf32, #tpu.memory_space<vmem_shared>> -> memref<10000x64xf32, #tpu.memory_space<vmem_shared>>
        tpu.wait_indirect_dma semaphore(%run_scoped3A_349 : memref<!tpu.dma_semaphore, #tpu.memory_space<semaphore_mem>>) src(%dma_wait3A_362 : memref<80x64xf32, #tpu.memory_space<vmem>>) dst(%dma_wait3A_368 : memref<10000x64xf32, #tpu.memory_space<vmem_shared>>)
        tpu.yield
      }) : () -> ()
      %run_scoped3A_266 = arith.constant 0 : i32
      "tpu.region"() ({
        %run_scoped3A_349 = tpu.sem_alloc : memref<!tpu.dma_semaphore, #tpu.memory_space<semaphore_mem>>
        %dma_start3A = arith.constant 0 : i32
        %dma_start3A_350 = tpu.memref_slice %arg13[%add3A_250, %run_scoped3A_266, %dma_start3A] : memref<250x1x80xi32, #tpu.memory_space<vmem>> -> memref<1x1x80xi32, #tpu.memory_space<vmem>>
        %dma_start3A_351 = tpu.memref_squeeze %dma_start3A_350 : memref<1x1x80xi32, #tpu.memory_space<vmem>> -> memref<80xi32, #tpu.memory_space<vmem>>
        %dma_start3A_352 = arith.constant 0 : i32
        %dma_start3A_353 = arith.constant 0 : i32
        %dma_start3A_354 = tpu.memref_slice %arg19[%dma_start3A_352, %dma_start3A_353] : memref<10000x16xf32, #tpu.memory_space<vmem_shared>> -> memref<10000x16xf32, #tpu.memory_space<vmem_shared>>
        tpu.enqueue_indirect_dma source(%arg17 : memref<80x16xf32, #tpu.memory_space<vmem>>) target(%dma_start3A_354 : memref<10000x16xf32, #tpu.memory_space<vmem_shared>>) offsets(%dma_start3A_351 : memref<80xi32, #tpu.memory_space<vmem>>) semaphore(%run_scoped3A_349 : memref<!tpu.dma_semaphore, #tpu.memory_space<semaphore_mem>>) {add = true}
        %dma_wait3A_355 = arith.constant 0 : i32
        %dma_wait3A_356 = tpu.memref_slice %arg13[%add3A_250, %run_scoped3A_266, %dma_wait3A_355] : memref<250x1x80xi32, #tpu.memory_space<vmem>> -> memref<1x1x80xi32, #tpu.memory_space<vmem>>
        %dma_wait3A_357 = tpu.memref_squeeze %dma_wait3A_356 : memref<1x1x80xi32, #tpu.memory_space<vmem>> -> memref<80xi32, #tpu.memory_space<vmem>>
        %dma_wait3A_358 = arith.constant 0 : i32
        %dma_wait3A_359 = arith.constant 0 : i32
        %dma_wait3A_360 = tpu.memref_slice %arg19[%dma_wait3A_358, %dma_wait3A_359] : memref<10000x16xf32, #tpu.memory_space<vmem_shared>> -> memref<10000x16xf32, #tpu.memory_space<vmem_shared>>
        tpu.wait_indirect_dma semaphore(%run_scoped3A_349 : memref<!tpu.dma_semaphore, #tpu.memory_space<semaphore_mem>>) src(%arg17 : memref<80x16xf32, #tpu.memory_space<vmem>>) dst(%dma_wait3A_360 : memref<10000x16xf32, #tpu.memory_space<vmem_shared>>)
        tpu.yield
      }) : () -> ()
      %add3A_267 = arith.constant 5 : i32
      %add3A_268 = arith.addi %add3A_250, %add3A_267 : i32
      %lt3A_269 = arith.constant 250 : i32
      %lt3A_270 = arith.cmpi slt, %add3A_268, %lt3A_269 : i32
      %convert_element_type3A_271 = arith.extui %lt3A_270 : i1 to i32
      %cond3A_272 = arith.constant 0 : i32
      %cond3A_273 = arith.cmpi ne, %convert_element_type3A_271, %cond3A_272 : i32
      scf.if %cond3A_273 {
        %add3A_349 = arith.constant 5 : i32
        %add3A_350 = arith.addi %add3A_250, %add3A_349 : i32
        %eq3A_351 = arith.constant 0 : i32
        %eq3A_352 = arith.cmpi eq, %arg0, %eq3A_351 : i32
        %convert_element_type3A_353 = arith.extui %eq3A_352 : i1 to i32
        %cond3A_354 = arith.constant 0 : i32
        %cond3A_355 = arith.cmpi ne, %convert_element_type3A_353, %cond3A_354 : i32
        scf.if %cond3A_355 {
          %dma_start3A = arith.constant 0 : i32
          %dma_start3A_361 = arith.constant 1 : i32
          %dma_start3A_362 = arith.constant 0 : i32
          %dma_start3A_363 = arith.constant 0 : i32
          %dma_start3A_364 = tpu.memref_slice %arg14[%dma_start3A_361, %dma_start3A_362, %dma_start3A_363] : memref<5x80x64xf32, #tpu.memory_space<vmem>> -> memref<1x80x64xf32, #tpu.memory_space<vmem>>
          %dma_start3A_365 = tpu.memref_squeeze %dma_start3A_364 : memref<1x80x64xf32, #tpu.memory_space<vmem>> -> memref<80x64xf32, #tpu.memory_space<vmem>>
          %dma_start3A_366 = arith.constant 0 : i32
          %dma_start3A_367 = tpu.memref_slice %arg12[%add3A_350, %dma_start3A, %dma_start3A_366] : memref<250x1x80xi32, #tpu.memory_space<vmem>> -> memref<1x1x80xi32, #tpu.memory_space<vmem>>
          %dma_start3A_368 = tpu.memref_squeeze %dma_start3A_367 : memref<1x1x80xi32, #tpu.memory_space<vmem>> -> memref<80xi32, #tpu.memory_space<vmem>>
          %dma_start3A_369 = arith.constant 0 : i32
          %dma_start3A_370 = arith.constant 0 : i32
          %dma_start3A_371 = tpu.memref_slice %arg4[%dma_start3A_369, %dma_start3A_370] : memref<10000x64xf32, #tpu.memory_space<hbm>> -> memref<10000x64xf32, #tpu.memory_space<hbm>>
          tpu.enqueue_indirect_dma source(%dma_start3A_371 : memref<10000x64xf32, #tpu.memory_space<hbm>>) target(%dma_start3A_365 : memref<80x64xf32, #tpu.memory_space<vmem>>) offsets(%dma_start3A_368 : memref<80xi32, #tpu.memory_space<vmem>>) semaphore(%arg21 : memref<!tpu.dma_semaphore, #tpu.memory_space<semaphore_mem>>)
        } else {
        }
        %eq3A_356 = arith.constant 1 : i32
        %eq3A_357 = arith.cmpi eq, %arg0, %eq3A_356 : i32
        %convert_element_type3A_358 = arith.extui %eq3A_357 : i1 to i32
        %cond3A_359 = arith.constant 0 : i32
        %cond3A_360 = arith.cmpi ne, %convert_element_type3A_358, %cond3A_359 : i32
        scf.if %cond3A_360 {
          %dma_start3A = arith.constant 0 : i32
          %dma_start3A_361 = arith.constant 1 : i32
          %dma_start3A_362 = arith.constant 0 : i32
          %dma_start3A_363 = arith.constant 0 : i32
          %dma_start3A_364 = tpu.memref_slice %arg14[%dma_start3A_361, %dma_start3A_362, %dma_start3A_363] : memref<5x80x64xf32, #tpu.memory_space<vmem>> -> memref<1x80x64xf32, #tpu.memory_space<vmem>>
          %dma_start3A_365 = tpu.memref_squeeze %dma_start3A_364 : memref<1x80x64xf32, #tpu.memory_space<vmem>> -> memref<80x64xf32, #tpu.memory_space<vmem>>
          %dma_start3A_366 = arith.constant 0 : i32
          %dma_start3A_367 = tpu.memref_slice %arg12[%add3A_350, %dma_start3A, %dma_start3A_366] : memref<250x1x80xi32, #tpu.memory_space<vmem>> -> memref<1x1x80xi32, #tpu.memory_space<vmem>>
          %dma_start3A_368 = tpu.memref_squeeze %dma_start3A_367 : memref<1x1x80xi32, #tpu.memory_space<vmem>> -> memref<80xi32, #tpu.memory_space<vmem>>
          %dma_start3A_369 = arith.constant 0 : i32
          %dma_start3A_370 = arith.constant 0 : i32
          %dma_start3A_371 = tpu.memref_slice %arg5[%dma_start3A_369, %dma_start3A_370] : memref<10000x64xf32, #tpu.memory_space<hbm>> -> memref<10000x64xf32, #tpu.memory_space<hbm>>
          tpu.enqueue_indirect_dma source(%dma_start3A_371 : memref<10000x64xf32, #tpu.memory_space<hbm>>) target(%dma_start3A_365 : memref<80x64xf32, #tpu.memory_space<vmem>>) offsets(%dma_start3A_368 : memref<80xi32, #tpu.memory_space<vmem>>) semaphore(%arg21 : memref<!tpu.dma_semaphore, #tpu.memory_space<semaphore_mem>>)
        } else {
        }
      } else {
      }
      %add3A_274 = arith.constant 2 : i32
      %add3A_275 = arith.addi %mul3A_224, %add3A_274 : i32
      %dma_wait3A_276 = arith.constant 0 : i32
      %dma_wait3A_277 = arith.constant 0 : i32
      %dma_wait3A_278 = arith.constant 2 : i32
      %dma_wait3A_279 = arith.constant 0 : i32
      %dma_wait3A_280 = arith.constant 0 : i32
      %dma_wait3A_281 = tpu.memref_slice %arg14[%dma_wait3A_278, %dma_wait3A_279, %dma_wait3A_280] : memref<5x80x64xf32, #tpu.memory_space<vmem>> -> memref<1x80x64xf32, #tpu.memory_space<vmem>>
      %dma_wait3A_282 = tpu.memref_squeeze %dma_wait3A_281 : memref<1x80x64xf32, #tpu.memory_space<vmem>> -> memref<80x64xf32, #tpu.memory_space<vmem>>
      %dma_wait3A_283 = arith.constant 0 : i32
      %dma_wait3A_284 = tpu.memref_slice %arg12[%dma_wait3A_276, %dma_wait3A_277, %dma_wait3A_283] : memref<250x1x80xi32, #tpu.memory_space<vmem>> -> memref<1x1x80xi32, #tpu.memory_space<vmem>>
      %dma_wait3A_285 = tpu.memref_squeeze %dma_wait3A_284 : memref<1x1x80xi32, #tpu.memory_space<vmem>> -> memref<80xi32, #tpu.memory_space<vmem>>
      %dma_wait3A_286 = arith.constant 0 : i32
      %dma_wait3A_287 = arith.constant 0 : i32
      %dma_wait3A_288 = tpu.memref_slice %arg4[%dma_wait3A_286, %dma_wait3A_287] : memref<10000x64xf32, #tpu.memory_space<hbm>> -> memref<10000x64xf32, #tpu.memory_space<hbm>>
      tpu.wait_indirect_dma semaphore(%arg22 : memref<!tpu.dma_semaphore, #tpu.memory_space<semaphore_mem>>) src(%dma_wait3A_288 : memref<10000x64xf32, #tpu.memory_space<hbm>>) dst(%dma_wait3A_282 : memref<80x64xf32, #tpu.memory_space<vmem>>)
      %run_scoped3A_289 = arith.constant 2 : i32
      %run_scoped3A_290 = arith.constant 0 : i32
      "tpu.region"() ({
        %run_scoped3A_349 = tpu.sem_alloc : memref<!tpu.dma_semaphore, #tpu.memory_space<semaphore_mem>>
        %dma_start3A = arith.constant 0 : i32
        %dma_start3A_350 = arith.constant 0 : i32
        %dma_start3A_351 = tpu.memref_slice %arg14[%run_scoped3A_289, %dma_start3A, %dma_start3A_350] : memref<5x80x64xf32, #tpu.memory_space<vmem>> -> memref<1x80x64xf32, #tpu.memory_space<vmem>>
        %dma_start3A_352 = tpu.memref_squeeze %dma_start3A_351 : memref<1x80x64xf32, #tpu.memory_space<vmem>> -> memref<80x64xf32, #tpu.memory_space<vmem>>
        %dma_start3A_353 = arith.constant 0 : i32
        %dma_start3A_354 = tpu.memref_slice %arg13[%add3A_275, %run_scoped3A_290, %dma_start3A_353] : memref<250x1x80xi32, #tpu.memory_space<vmem>> -> memref<1x1x80xi32, #tpu.memory_space<vmem>>
        %dma_start3A_355 = tpu.memref_squeeze %dma_start3A_354 : memref<1x1x80xi32, #tpu.memory_space<vmem>> -> memref<80xi32, #tpu.memory_space<vmem>>
        %dma_start3A_356 = arith.constant 0 : i32
        %dma_start3A_357 = arith.constant 0 : i32
        %dma_start3A_358 = tpu.memref_slice %arg18[%dma_start3A_356, %dma_start3A_357] : memref<10000x64xf32, #tpu.memory_space<vmem_shared>> -> memref<10000x64xf32, #tpu.memory_space<vmem_shared>>
        tpu.enqueue_indirect_dma source(%dma_start3A_352 : memref<80x64xf32, #tpu.memory_space<vmem>>) target(%dma_start3A_358 : memref<10000x64xf32, #tpu.memory_space<vmem_shared>>) offsets(%dma_start3A_355 : memref<80xi32, #tpu.memory_space<vmem>>) semaphore(%run_scoped3A_349 : memref<!tpu.dma_semaphore, #tpu.memory_space<semaphore_mem>>) {add = true}
        %dma_wait3A_359 = arith.constant 0 : i32
        %dma_wait3A_360 = arith.constant 0 : i32
        %dma_wait3A_361 = tpu.memref_slice %arg14[%run_scoped3A_289, %dma_wait3A_359, %dma_wait3A_360] : memref<5x80x64xf32, #tpu.memory_space<vmem>> -> memref<1x80x64xf32, #tpu.memory_space<vmem>>
        %dma_wait3A_362 = tpu.memref_squeeze %dma_wait3A_361 : memref<1x80x64xf32, #tpu.memory_space<vmem>> -> memref<80x64xf32, #tpu.memory_space<vmem>>
        %dma_wait3A_363 = arith.constant 0 : i32
        %dma_wait3A_364 = tpu.memref_slice %arg13[%add3A_275, %run_scoped3A_290, %dma_wait3A_363] : memref<250x1x80xi32, #tpu.memory_space<vmem>> -> memref<1x1x80xi32, #tpu.memory_space<vmem>>
        %dma_wait3A_365 = tpu.memref_squeeze %dma_wait3A_364 : memref<1x1x80xi32, #tpu.memory_space<vmem>> -> memref<80xi32, #tpu.memory_space<vmem>>
        %dma_wait3A_366 = arith.constant 0 : i32
        %dma_wait3A_367 = arith.constant 0 : i32
        %dma_wait3A_368 = tpu.memref_slice %arg18[%dma_wait3A_366, %dma_wait3A_367] : memref<10000x64xf32, #tpu.memory_space<vmem_shared>> -> memref<10000x64xf32, #tpu.memory_space<vmem_shared>>
        tpu.wait_indirect_dma semaphore(%run_scoped3A_349 : memref<!tpu.dma_semaphore, #tpu.memory_space<semaphore_mem>>) src(%dma_wait3A_362 : memref<80x64xf32, #tpu.memory_space<vmem>>) dst(%dma_wait3A_368 : memref<10000x64xf32, #tpu.memory_space<vmem_shared>>)
        tpu.yield
      }) : () -> ()
      %run_scoped3A_291 = arith.constant 0 : i32
      "tpu.region"() ({
        %run_scoped3A_349 = tpu.sem_alloc : memref<!tpu.dma_semaphore, #tpu.memory_space<semaphore_mem>>
        %dma_start3A = arith.constant 0 : i32
        %dma_start3A_350 = tpu.memref_slice %arg13[%add3A_275, %run_scoped3A_291, %dma_start3A] : memref<250x1x80xi32, #tpu.memory_space<vmem>> -> memref<1x1x80xi32, #tpu.memory_space<vmem>>
        %dma_start3A_351 = tpu.memref_squeeze %dma_start3A_350 : memref<1x1x80xi32, #tpu.memory_space<vmem>> -> memref<80xi32, #tpu.memory_space<vmem>>
        %dma_start3A_352 = arith.constant 0 : i32
        %dma_start3A_353 = arith.constant 0 : i32
        %dma_start3A_354 = tpu.memref_slice %arg19[%dma_start3A_352, %dma_start3A_353] : memref<10000x16xf32, #tpu.memory_space<vmem_shared>> -> memref<10000x16xf32, #tpu.memory_space<vmem_shared>>
        tpu.enqueue_indirect_dma source(%arg17 : memref<80x16xf32, #tpu.memory_space<vmem>>) target(%dma_start3A_354 : memref<10000x16xf32, #tpu.memory_space<vmem_shared>>) offsets(%dma_start3A_351 : memref<80xi32, #tpu.memory_space<vmem>>) semaphore(%run_scoped3A_349 : memref<!tpu.dma_semaphore, #tpu.memory_space<semaphore_mem>>) {add = true}
        %dma_wait3A_355 = arith.constant 0 : i32
        %dma_wait3A_356 = tpu.memref_slice %arg13[%add3A_275, %run_scoped3A_291, %dma_wait3A_355] : memref<250x1x80xi32, #tpu.memory_space<vmem>> -> memref<1x1x80xi32, #tpu.memory_space<vmem>>
        %dma_wait3A_357 = tpu.memref_squeeze %dma_wait3A_356 : memref<1x1x80xi32, #tpu.memory_space<vmem>> -> memref<80xi32, #tpu.memory_space<vmem>>
        %dma_wait3A_358 = arith.constant 0 : i32
        %dma_wait3A_359 = arith.constant 0 : i32
        %dma_wait3A_360 = tpu.memref_slice %arg19[%dma_wait3A_358, %dma_wait3A_359] : memref<10000x16xf32, #tpu.memory_space<vmem_shared>> -> memref<10000x16xf32, #tpu.memory_space<vmem_shared>>
        tpu.wait_indirect_dma semaphore(%run_scoped3A_349 : memref<!tpu.dma_semaphore, #tpu.memory_space<semaphore_mem>>) src(%arg17 : memref<80x16xf32, #tpu.memory_space<vmem>>) dst(%dma_wait3A_360 : memref<10000x16xf32, #tpu.memory_space<vmem_shared>>)
        tpu.yield
      }) : () -> ()
      %add3A_292 = arith.constant 5 : i32
      %add3A_293 = arith.addi %add3A_275, %add3A_292 : i32
      %lt3A_294 = arith.constant 250 : i32
      %lt3A_295 = arith.cmpi slt, %add3A_293, %lt3A_294 : i32
      %convert_element_type3A_296 = arith.extui %lt3A_295 : i1 to i32
      %cond3A_297 = arith.constant 0 : i32
      %cond3A_298 = arith.cmpi ne, %convert_element_type3A_296, %cond3A_297 : i32
      scf.if %cond3A_298 {
        %add3A_349 = arith.constant 5 : i32
        %add3A_350 = arith.addi %add3A_275, %add3A_349 : i32
        %eq3A_351 = arith.constant 0 : i32
        %eq3A_352 = arith.cmpi eq, %arg0, %eq3A_351 : i32
        %convert_element_type3A_353 = arith.extui %eq3A_352 : i1 to i32
        %cond3A_354 = arith.constant 0 : i32
        %cond3A_355 = arith.cmpi ne, %convert_element_type3A_353, %cond3A_354 : i32
        scf.if %cond3A_355 {
          %dma_start3A = arith.constant 0 : i32
          %dma_start3A_361 = arith.constant 2 : i32
          %dma_start3A_362 = arith.constant 0 : i32
          %dma_start3A_363 = arith.constant 0 : i32
          %dma_start3A_364 = tpu.memref_slice %arg14[%dma_start3A_361, %dma_start3A_362, %dma_start3A_363] : memref<5x80x64xf32, #tpu.memory_space<vmem>> -> memref<1x80x64xf32, #tpu.memory_space<vmem>>
          %dma_start3A_365 = tpu.memref_squeeze %dma_start3A_364 : memref<1x80x64xf32, #tpu.memory_space<vmem>> -> memref<80x64xf32, #tpu.memory_space<vmem>>
          %dma_start3A_366 = arith.constant 0 : i32
          %dma_start3A_367 = tpu.memref_slice %arg12[%add3A_350, %dma_start3A, %dma_start3A_366] : memref<250x1x80xi32, #tpu.memory_space<vmem>> -> memref<1x1x80xi32, #tpu.memory_space<vmem>>
          %dma_start3A_368 = tpu.memref_squeeze %dma_start3A_367 : memref<1x1x80xi32, #tpu.memory_space<vmem>> -> memref<80xi32, #tpu.memory_space<vmem>>
          %dma_start3A_369 = arith.constant 0 : i32
          %dma_start3A_370 = arith.constant 0 : i32
          %dma_start3A_371 = tpu.memref_slice %arg4[%dma_start3A_369, %dma_start3A_370] : memref<10000x64xf32, #tpu.memory_space<hbm>> -> memref<10000x64xf32, #tpu.memory_space<hbm>>
          tpu.enqueue_indirect_dma source(%dma_start3A_371 : memref<10000x64xf32, #tpu.memory_space<hbm>>) target(%dma_start3A_365 : memref<80x64xf32, #tpu.memory_space<vmem>>) offsets(%dma_start3A_368 : memref<80xi32, #tpu.memory_space<vmem>>) semaphore(%arg22 : memref<!tpu.dma_semaphore, #tpu.memory_space<semaphore_mem>>)
        } else {
        }
        %eq3A_356 = arith.constant 1 : i32
        %eq3A_357 = arith.cmpi eq, %arg0, %eq3A_356 : i32
        %convert_element_type3A_358 = arith.extui %eq3A_357 : i1 to i32
        %cond3A_359 = arith.constant 0 : i32
        %cond3A_360 = arith.cmpi ne, %convert_element_type3A_358, %cond3A_359 : i32
        scf.if %cond3A_360 {
          %dma_start3A = arith.constant 0 : i32
          %dma_start3A_361 = arith.constant 2 : i32
          %dma_start3A_362 = arith.constant 0 : i32
          %dma_start3A_363 = arith.constant 0 : i32
          %dma_start3A_364 = tpu.memref_slice %arg14[%dma_start3A_361, %dma_start3A_362, %dma_start3A_363] : memref<5x80x64xf32, #tpu.memory_space<vmem>> -> memref<1x80x64xf32, #tpu.memory_space<vmem>>
          %dma_start3A_365 = tpu.memref_squeeze %dma_start3A_364 : memref<1x80x64xf32, #tpu.memory_space<vmem>> -> memref<80x64xf32, #tpu.memory_space<vmem>>
          %dma_start3A_366 = arith.constant 0 : i32
          %dma_start3A_367 = tpu.memref_slice %arg12[%add3A_350, %dma_start3A, %dma_start3A_366] : memref<250x1x80xi32, #tpu.memory_space<vmem>> -> memref<1x1x80xi32, #tpu.memory_space<vmem>>
          %dma_start3A_368 = tpu.memref_squeeze %dma_start3A_367 : memref<1x1x80xi32, #tpu.memory_space<vmem>> -> memref<80xi32, #tpu.memory_space<vmem>>
          %dma_start3A_369 = arith.constant 0 : i32
          %dma_start3A_370 = arith.constant 0 : i32
          %dma_start3A_371 = tpu.memref_slice %arg5[%dma_start3A_369, %dma_start3A_370] : memref<10000x64xf32, #tpu.memory_space<hbm>> -> memref<10000x64xf32, #tpu.memory_space<hbm>>
          tpu.enqueue_indirect_dma source(%dma_start3A_371 : memref<10000x64xf32, #tpu.memory_space<hbm>>) target(%dma_start3A_365 : memref<80x64xf32, #tpu.memory_space<vmem>>) offsets(%dma_start3A_368 : memref<80xi32, #tpu.memory_space<vmem>>) semaphore(%arg22 : memref<!tpu.dma_semaphore, #tpu.memory_space<semaphore_mem>>)
        } else {
        }
      } else {
      }
      %add3A_299 = arith.constant 3 : i32
      %add3A_300 = arith.addi %mul3A_224, %add3A_299 : i32
      %dma_wait3A_301 = arith.constant 0 : i32
      %dma_wait3A_302 = arith.constant 0 : i32
      %dma_wait3A_303 = arith.constant 3 : i32
      %dma_wait3A_304 = arith.constant 0 : i32
      %dma_wait3A_305 = arith.constant 0 : i32
      %dma_wait3A_306 = tpu.memref_slice %arg14[%dma_wait3A_303, %dma_wait3A_304, %dma_wait3A_305] : memref<5x80x64xf32, #tpu.memory_space<vmem>> -> memref<1x80x64xf32, #tpu.memory_space<vmem>>
      %dma_wait3A_307 = tpu.memref_squeeze %dma_wait3A_306 : memref<1x80x64xf32, #tpu.memory_space<vmem>> -> memref<80x64xf32, #tpu.memory_space<vmem>>
      %dma_wait3A_308 = arith.constant 0 : i32
      %dma_wait3A_309 = tpu.memref_slice %arg12[%dma_wait3A_301, %dma_wait3A_302, %dma_wait3A_308] : memref<250x1x80xi32, #tpu.memory_space<vmem>> -> memref<1x1x80xi32, #tpu.memory_space<vmem>>
      %dma_wait3A_310 = tpu.memref_squeeze %dma_wait3A_309 : memref<1x1x80xi32, #tpu.memory_space<vmem>> -> memref<80xi32, #tpu.memory_space<vmem>>
      %dma_wait3A_311 = arith.constant 0 : i32
      %dma_wait3A_312 = arith.constant 0 : i32
      %dma_wait3A_313 = tpu.memref_slice %arg4[%dma_wait3A_311, %dma_wait3A_312] : memref<10000x64xf32, #tpu.memory_space<hbm>> -> memref<10000x64xf32, #tpu.memory_space<hbm>>
      tpu.wait_indirect_dma semaphore(%arg23 : memref<!tpu.dma_semaphore, #tpu.memory_space<semaphore_mem>>) src(%dma_wait3A_313 : memref<10000x64xf32, #tpu.memory_space<hbm>>) dst(%dma_wait3A_307 : memref<80x64xf32, #tpu.memory_space<vmem>>)
      %run_scoped3A_314 = arith.constant 3 : i32
      %run_scoped3A_315 = arith.constant 0 : i32
      "tpu.region"() ({
        %run_scoped3A_349 = tpu.sem_alloc : memref<!tpu.dma_semaphore, #tpu.memory_space<semaphore_mem>>
        %dma_start3A = arith.constant 0 : i32
        %dma_start3A_350 = arith.constant 0 : i32
        %dma_start3A_351 = tpu.memref_slice %arg14[%run_scoped3A_314, %dma_start3A, %dma_start3A_350] : memref<5x80x64xf32, #tpu.memory_space<vmem>> -> memref<1x80x64xf32, #tpu.memory_space<vmem>>
        %dma_start3A_352 = tpu.memref_squeeze %dma_start3A_351 : memref<1x80x64xf32, #tpu.memory_space<vmem>> -> memref<80x64xf32, #tpu.memory_space<vmem>>
        %dma_start3A_353 = arith.constant 0 : i32
        %dma_start3A_354 = tpu.memref_slice %arg13[%add3A_300, %run_scoped3A_315, %dma_start3A_353] : memref<250x1x80xi32, #tpu.memory_space<vmem>> -> memref<1x1x80xi32, #tpu.memory_space<vmem>>
        %dma_start3A_355 = tpu.memref_squeeze %dma_start3A_354 : memref<1x1x80xi32, #tpu.memory_space<vmem>> -> memref<80xi32, #tpu.memory_space<vmem>>
        %dma_start3A_356 = arith.constant 0 : i32
        %dma_start3A_357 = arith.constant 0 : i32
        %dma_start3A_358 = tpu.memref_slice %arg18[%dma_start3A_356, %dma_start3A_357] : memref<10000x64xf32, #tpu.memory_space<vmem_shared>> -> memref<10000x64xf32, #tpu.memory_space<vmem_shared>>
        tpu.enqueue_indirect_dma source(%dma_start3A_352 : memref<80x64xf32, #tpu.memory_space<vmem>>) target(%dma_start3A_358 : memref<10000x64xf32, #tpu.memory_space<vmem_shared>>) offsets(%dma_start3A_355 : memref<80xi32, #tpu.memory_space<vmem>>) semaphore(%run_scoped3A_349 : memref<!tpu.dma_semaphore, #tpu.memory_space<semaphore_mem>>) {add = true}
        %dma_wait3A_359 = arith.constant 0 : i32
        %dma_wait3A_360 = arith.constant 0 : i32
        %dma_wait3A_361 = tpu.memref_slice %arg14[%run_scoped3A_314, %dma_wait3A_359, %dma_wait3A_360] : memref<5x80x64xf32, #tpu.memory_space<vmem>> -> memref<1x80x64xf32, #tpu.memory_space<vmem>>
        %dma_wait3A_362 = tpu.memref_squeeze %dma_wait3A_361 : memref<1x80x64xf32, #tpu.memory_space<vmem>> -> memref<80x64xf32, #tpu.memory_space<vmem>>
        %dma_wait3A_363 = arith.constant 0 : i32
        %dma_wait3A_364 = tpu.memref_slice %arg13[%add3A_300, %run_scoped3A_315, %dma_wait3A_363] : memref<250x1x80xi32, #tpu.memory_space<vmem>> -> memref<1x1x80xi32, #tpu.memory_space<vmem>>
        %dma_wait3A_365 = tpu.memref_squeeze %dma_wait3A_364 : memref<1x1x80xi32, #tpu.memory_space<vmem>> -> memref<80xi32, #tpu.memory_space<vmem>>
        %dma_wait3A_366 = arith.constant 0 : i32
        %dma_wait3A_367 = arith.constant 0 : i32
        %dma_wait3A_368 = tpu.memref_slice %arg18[%dma_wait3A_366, %dma_wait3A_367] : memref<10000x64xf32, #tpu.memory_space<vmem_shared>> -> memref<10000x64xf32, #tpu.memory_space<vmem_shared>>
        tpu.wait_indirect_dma semaphore(%run_scoped3A_349 : memref<!tpu.dma_semaphore, #tpu.memory_space<semaphore_mem>>) src(%dma_wait3A_362 : memref<80x64xf32, #tpu.memory_space<vmem>>) dst(%dma_wait3A_368 : memref<10000x64xf32, #tpu.memory_space<vmem_shared>>)
        tpu.yield
      }) : () -> ()
      %run_scoped3A_316 = arith.constant 0 : i32
      "tpu.region"() ({
        %run_scoped3A_349 = tpu.sem_alloc : memref<!tpu.dma_semaphore, #tpu.memory_space<semaphore_mem>>
        %dma_start3A = arith.constant 0 : i32
        %dma_start3A_350 = tpu.memref_slice %arg13[%add3A_300, %run_scoped3A_316, %dma_start3A] : memref<250x1x80xi32, #tpu.memory_space<vmem>> -> memref<1x1x80xi32, #tpu.memory_space<vmem>>
        %dma_start3A_351 = tpu.memref_squeeze %dma_start3A_350 : memref<1x1x80xi32, #tpu.memory_space<vmem>> -> memref<80xi32, #tpu.memory_space<vmem>>
        %dma_start3A_352 = arith.constant 0 : i32
        %dma_start3A_353 = arith.constant 0 : i32
        %dma_start3A_354 = tpu.memref_slice %arg19[%dma_start3A_352, %dma_start3A_353] : memref<10000x16xf32, #tpu.memory_space<vmem_shared>> -> memref<10000x16xf32, #tpu.memory_space<vmem_shared>>
        tpu.enqueue_indirect_dma source(%arg17 : memref<80x16xf32, #tpu.memory_space<vmem>>) target(%dma_start3A_354 : memref<10000x16xf32, #tpu.memory_space<vmem_shared>>) offsets(%dma_start3A_351 : memref<80xi32, #tpu.memory_space<vmem>>) semaphore(%run_scoped3A_349 : memref<!tpu.dma_semaphore, #tpu.memory_space<semaphore_mem>>) {add = true}
        %dma_wait3A_355 = arith.constant 0 : i32
        %dma_wait3A_356 = tpu.memref_slice %arg13[%add3A_300, %run_scoped3A_316, %dma_wait3A_355] : memref<250x1x80xi32, #tpu.memory_space<vmem>> -> memref<1x1x80xi32, #tpu.memory_space<vmem>>
        %dma_wait3A_357 = tpu.memref_squeeze %dma_wait3A_356 : memref<1x1x80xi32, #tpu.memory_space<vmem>> -> memref<80xi32, #tpu.memory_space<vmem>>
        %dma_wait3A_358 = arith.constant 0 : i32
        %dma_wait3A_359 = arith.constant 0 : i32
        %dma_wait3A_360 = tpu.memref_slice %arg19[%dma_wait3A_358, %dma_wait3A_359] : memref<10000x16xf32, #tpu.memory_space<vmem_shared>> -> memref<10000x16xf32, #tpu.memory_space<vmem_shared>>
        tpu.wait_indirect_dma semaphore(%run_scoped3A_349 : memref<!tpu.dma_semaphore, #tpu.memory_space<semaphore_mem>>) src(%arg17 : memref<80x16xf32, #tpu.memory_space<vmem>>) dst(%dma_wait3A_360 : memref<10000x16xf32, #tpu.memory_space<vmem_shared>>)
        tpu.yield
      }) : () -> ()
      %add3A_317 = arith.constant 5 : i32
      %add3A_318 = arith.addi %add3A_300, %add3A_317 : i32
      %lt3A_319 = arith.constant 250 : i32
      %lt3A_320 = arith.cmpi slt, %add3A_318, %lt3A_319 : i32
      %convert_element_type3A_321 = arith.extui %lt3A_320 : i1 to i32
      %cond3A_322 = arith.constant 0 : i32
      %cond3A_323 = arith.cmpi ne, %convert_element_type3A_321, %cond3A_322 : i32
      scf.if %cond3A_323 {
        %add3A_349 = arith.constant 5 : i32
        %add3A_350 = arith.addi %add3A_300, %add3A_349 : i32
        %eq3A_351 = arith.constant 0 : i32
        %eq3A_352 = arith.cmpi eq, %arg0, %eq3A_351 : i32
        %convert_element_type3A_353 = arith.extui %eq3A_352 : i1 to i32
        %cond3A_354 = arith.constant 0 : i32
        %cond3A_355 = arith.cmpi ne, %convert_element_type3A_353, %cond3A_354 : i32
        scf.if %cond3A_355 {
          %dma_start3A = arith.constant 0 : i32
          %dma_start3A_361 = arith.constant 3 : i32
          %dma_start3A_362 = arith.constant 0 : i32
          %dma_start3A_363 = arith.constant 0 : i32
          %dma_start3A_364 = tpu.memref_slice %arg14[%dma_start3A_361, %dma_start3A_362, %dma_start3A_363] : memref<5x80x64xf32, #tpu.memory_space<vmem>> -> memref<1x80x64xf32, #tpu.memory_space<vmem>>
          %dma_start3A_365 = tpu.memref_squeeze %dma_start3A_364 : memref<1x80x64xf32, #tpu.memory_space<vmem>> -> memref<80x64xf32, #tpu.memory_space<vmem>>
          %dma_start3A_366 = arith.constant 0 : i32
          %dma_start3A_367 = tpu.memref_slice %arg12[%add3A_350, %dma_start3A, %dma_start3A_366] : memref<250x1x80xi32, #tpu.memory_space<vmem>> -> memref<1x1x80xi32, #tpu.memory_space<vmem>>
          %dma_start3A_368 = tpu.memref_squeeze %dma_start3A_367 : memref<1x1x80xi32, #tpu.memory_space<vmem>> -> memref<80xi32, #tpu.memory_space<vmem>>
          %dma_start3A_369 = arith.constant 0 : i32
          %dma_start3A_370 = arith.constant 0 : i32
          %dma_start3A_371 = tpu.memref_slice %arg4[%dma_start3A_369, %dma_start3A_370] : memref<10000x64xf32, #tpu.memory_space<hbm>> -> memref<10000x64xf32, #tpu.memory_space<hbm>>
          tpu.enqueue_indirect_dma source(%dma_start3A_371 : memref<10000x64xf32, #tpu.memory_space<hbm>>) target(%dma_start3A_365 : memref<80x64xf32, #tpu.memory_space<vmem>>) offsets(%dma_start3A_368 : memref<80xi32, #tpu.memory_space<vmem>>) semaphore(%arg23 : memref<!tpu.dma_semaphore, #tpu.memory_space<semaphore_mem>>)
        } else {
        }
        %eq3A_356 = arith.constant 1 : i32
        %eq3A_357 = arith.cmpi eq, %arg0, %eq3A_356 : i32
        %convert_element_type3A_358 = arith.extui %eq3A_357 : i1 to i32
        %cond3A_359 = arith.constant 0 : i32
        %cond3A_360 = arith.cmpi ne, %convert_element_type3A_358, %cond3A_359 : i32
        scf.if %cond3A_360 {
          %dma_start3A = arith.constant 0 : i32
          %dma_start3A_361 = arith.constant 3 : i32
          %dma_start3A_362 = arith.constant 0 : i32
          %dma_start3A_363 = arith.constant 0 : i32
          %dma_start3A_364 = tpu.memref_slice %arg14[%dma_start3A_361, %dma_start3A_362, %dma_start3A_363] : memref<5x80x64xf32, #tpu.memory_space<vmem>> -> memref<1x80x64xf32, #tpu.memory_space<vmem>>
          %dma_start3A_365 = tpu.memref_squeeze %dma_start3A_364 : memref<1x80x64xf32, #tpu.memory_space<vmem>> -> memref<80x64xf32, #tpu.memory_space<vmem>>
          %dma_start3A_366 = arith.constant 0 : i32
          %dma_start3A_367 = tpu.memref_slice %arg12[%add3A_350, %dma_start3A, %dma_start3A_366] : memref<250x1x80xi32, #tpu.memory_space<vmem>> -> memref<1x1x80xi32, #tpu.memory_space<vmem>>
          %dma_start3A_368 = tpu.memref_squeeze %dma_start3A_367 : memref<1x1x80xi32, #tpu.memory_space<vmem>> -> memref<80xi32, #tpu.memory_space<vmem>>
          %dma_start3A_369 = arith.constant 0 : i32
          %dma_start3A_370 = arith.constant 0 : i32
          %dma_start3A_371 = tpu.memref_slice %arg5[%dma_start3A_369, %dma_start3A_370] : memref<10000x64xf32, #tpu.memory_space<hbm>> -> memref<10000x64xf32, #tpu.memory_space<hbm>>
          tpu.enqueue_indirect_dma source(%dma_start3A_371 : memref<10000x64xf32, #tpu.memory_space<hbm>>) target(%dma_start3A_365 : memref<80x64xf32, #tpu.memory_space<vmem>>) offsets(%dma_start3A_368 : memref<80xi32, #tpu.memory_space<vmem>>) semaphore(%arg23 : memref<!tpu.dma_semaphore, #tpu.memory_space<semaphore_mem>>)
        } else {
        }
      } else {
      }
      %add3A_324 = arith.constant 4 : i32
      %add3A_325 = arith.addi %mul3A_224, %add3A_324 : i32
      %dma_wait3A_326 = arith.constant 0 : i32
      %dma_wait3A_327 = arith.constant 0 : i32
      %dma_wait3A_328 = arith.constant 4 : i32
      %dma_wait3A_329 = arith.constant 0 : i32
      %dma_wait3A_330 = arith.constant 0 : i32
      %dma_wait3A_331 = tpu.memref_slice %arg14[%dma_wait3A_328, %dma_wait3A_329, %dma_wait3A_330] : memref<5x80x64xf32, #tpu.memory_space<vmem>> -> memref<1x80x64xf32, #tpu.memory_space<vmem>>
      %dma_wait3A_332 = tpu.memref_squeeze %dma_wait3A_331 : memref<1x80x64xf32, #tpu.memory_space<vmem>> -> memref<80x64xf32, #tpu.memory_space<vmem>>
      %dma_wait3A_333 = arith.constant 0 : i32
      %dma_wait3A_334 = tpu.memref_slice %arg12[%dma_wait3A_326, %dma_wait3A_327, %dma_wait3A_333] : memref<250x1x80xi32, #tpu.memory_space<vmem>> -> memref<1x1x80xi32, #tpu.memory_space<vmem>>
      %dma_wait3A_335 = tpu.memref_squeeze %dma_wait3A_334 : memref<1x1x80xi32, #tpu.memory_space<vmem>> -> memref<80xi32, #tpu.memory_space<vmem>>
      %dma_wait3A_336 = arith.constant 0 : i32
      %dma_wait3A_337 = arith.constant 0 : i32
      %dma_wait3A_338 = tpu.memref_slice %arg4[%dma_wait3A_336, %dma_wait3A_337] : memref<10000x64xf32, #tpu.memory_space<hbm>> -> memref<10000x64xf32, #tpu.memory_space<hbm>>
      tpu.wait_indirect_dma semaphore(%arg24 : memref<!tpu.dma_semaphore, #tpu.memory_space<semaphore_mem>>) src(%dma_wait3A_338 : memref<10000x64xf32, #tpu.memory_space<hbm>>) dst(%dma_wait3A_332 : memref<80x64xf32, #tpu.memory_space<vmem>>)
      %run_scoped3A_339 = arith.constant 4 : i32
      %run_scoped3A_340 = arith.constant 0 : i32
      "tpu.region"() ({
        %run_scoped3A_349 = tpu.sem_alloc : memref<!tpu.dma_semaphore, #tpu.memory_space<semaphore_mem>>
        %dma_start3A = arith.constant 0 : i32
        %dma_start3A_350 = arith.constant 0 : i32
        %dma_start3A_351 = tpu.memref_slice %arg14[%run_scoped3A_339, %dma_start3A, %dma_start3A_350] : memref<5x80x64xf32, #tpu.memory_space<vmem>> -> memref<1x80x64xf32, #tpu.memory_space<vmem>>
        %dma_start3A_352 = tpu.memref_squeeze %dma_start3A_351 : memref<1x80x64xf32, #tpu.memory_space<vmem>> -> memref<80x64xf32, #tpu.memory_space<vmem>>
        %dma_start3A_353 = arith.constant 0 : i32
        %dma_start3A_354 = tpu.memref_slice %arg13[%add3A_325, %run_scoped3A_340, %dma_start3A_353] : memref<250x1x80xi32, #tpu.memory_space<vmem>> -> memref<1x1x80xi32, #tpu.memory_space<vmem>>
        %dma_start3A_355 = tpu.memref_squeeze %dma_start3A_354 : memref<1x1x80xi32, #tpu.memory_space<vmem>> -> memref<80xi32, #tpu.memory_space<vmem>>
        %dma_start3A_356 = arith.constant 0 : i32
        %dma_start3A_357 = arith.constant 0 : i32
        %dma_start3A_358 = tpu.memref_slice %arg18[%dma_start3A_356, %dma_start3A_357] : memref<10000x64xf32, #tpu.memory_space<vmem_shared>> -> memref<10000x64xf32, #tpu.memory_space<vmem_shared>>
        tpu.enqueue_indirect_dma source(%dma_start3A_352 : memref<80x64xf32, #tpu.memory_space<vmem>>) target(%dma_start3A_358 : memref<10000x64xf32, #tpu.memory_space<vmem_shared>>) offsets(%dma_start3A_355 : memref<80xi32, #tpu.memory_space<vmem>>) semaphore(%run_scoped3A_349 : memref<!tpu.dma_semaphore, #tpu.memory_space<semaphore_mem>>) {add = true}
        %dma_wait3A_359 = arith.constant 0 : i32
        %dma_wait3A_360 = arith.constant 0 : i32
        %dma_wait3A_361 = tpu.memref_slice %arg14[%run_scoped3A_339, %dma_wait3A_359, %dma_wait3A_360] : memref<5x80x64xf32, #tpu.memory_space<vmem>> -> memref<1x80x64xf32, #tpu.memory_space<vmem>>
        %dma_wait3A_362 = tpu.memref_squeeze %dma_wait3A_361 : memref<1x80x64xf32, #tpu.memory_space<vmem>> -> memref<80x64xf32, #tpu.memory_space<vmem>>
        %dma_wait3A_363 = arith.constant 0 : i32
        %dma_wait3A_364 = tpu.memref_slice %arg13[%add3A_325, %run_scoped3A_340, %dma_wait3A_363] : memref<250x1x80xi32, #tpu.memory_space<vmem>> -> memref<1x1x80xi32, #tpu.memory_space<vmem>>
        %dma_wait3A_365 = tpu.memref_squeeze %dma_wait3A_364 : memref<1x1x80xi32, #tpu.memory_space<vmem>> -> memref<80xi32, #tpu.memory_space<vmem>>
        %dma_wait3A_366 = arith.constant 0 : i32
        %dma_wait3A_367 = arith.constant 0 : i32
        %dma_wait3A_368 = tpu.memref_slice %arg18[%dma_wait3A_366, %dma_wait3A_367] : memref<10000x64xf32, #tpu.memory_space<vmem_shared>> -> memref<10000x64xf32, #tpu.memory_space<vmem_shared>>
        tpu.wait_indirect_dma semaphore(%run_scoped3A_349 : memref<!tpu.dma_semaphore, #tpu.memory_space<semaphore_mem>>) src(%dma_wait3A_362 : memref<80x64xf32, #tpu.memory_space<vmem>>) dst(%dma_wait3A_368 : memref<10000x64xf32, #tpu.memory_space<vmem_shared>>)
        tpu.yield
      }) : () -> ()
      %run_scoped3A_341 = arith.constant 0 : i32
      "tpu.region"() ({
        %run_scoped3A_349 = tpu.sem_alloc : memref<!tpu.dma_semaphore, #tpu.memory_space<semaphore_mem>>
        %dma_start3A = arith.constant 0 : i32
        %dma_start3A_350 = tpu.memref_slice %arg13[%add3A_325, %run_scoped3A_341, %dma_start3A] : memref<250x1x80xi32, #tpu.memory_space<vmem>> -> memref<1x1x80xi32, #tpu.memory_space<vmem>>
        %dma_start3A_351 = tpu.memref_squeeze %dma_start3A_350 : memref<1x1x80xi32, #tpu.memory_space<vmem>> -> memref<80xi32, #tpu.memory_space<vmem>>
        %dma_start3A_352 = arith.constant 0 : i32
        %dma_start3A_353 = arith.constant 0 : i32
        %dma_start3A_354 = tpu.memref_slice %arg19[%dma_start3A_352, %dma_start3A_353] : memref<10000x16xf32, #tpu.memory_space<vmem_shared>> -> memref<10000x16xf32, #tpu.memory_space<vmem_shared>>
        tpu.enqueue_indirect_dma source(%arg17 : memref<80x16xf32, #tpu.memory_space<vmem>>) target(%dma_start3A_354 : memref<10000x16xf32, #tpu.memory_space<vmem_shared>>) offsets(%dma_start3A_351 : memref<80xi32, #tpu.memory_space<vmem>>) semaphore(%run_scoped3A_349 : memref<!tpu.dma_semaphore, #tpu.memory_space<semaphore_mem>>) {add = true}
        %dma_wait3A_355 = arith.constant 0 : i32
        %dma_wait3A_356 = tpu.memref_slice %arg13[%add3A_325, %run_scoped3A_341, %dma_wait3A_355] : memref<250x1x80xi32, #tpu.memory_space<vmem>> -> memref<1x1x80xi32, #tpu.memory_space<vmem>>
        %dma_wait3A_357 = tpu.memref_squeeze %dma_wait3A_356 : memref<1x1x80xi32, #tpu.memory_space<vmem>> -> memref<80xi32, #tpu.memory_space<vmem>>
        %dma_wait3A_358 = arith.constant 0 : i32
        %dma_wait3A_359 = arith.constant 0 : i32
        %dma_wait3A_360 = tpu.memref_slice %arg19[%dma_wait3A_358, %dma_wait3A_359] : memref<10000x16xf32, #tpu.memory_space<vmem_shared>> -> memref<10000x16xf32, #tpu.memory_space<vmem_shared>>
        tpu.wait_indirect_dma semaphore(%run_scoped3A_349 : memref<!tpu.dma_semaphore, #tpu.memory_space<semaphore_mem>>) src(%arg17 : memref<80x16xf32, #tpu.memory_space<vmem>>) dst(%dma_wait3A_360 : memref<10000x16xf32, #tpu.memory_space<vmem_shared>>)
        tpu.yield
      }) : () -> ()
      %add3A_342 = arith.constant 5 : i32
      %add3A_343 = arith.addi %add3A_325, %add3A_342 : i32
      %lt3A_344 = arith.constant 250 : i32
      %lt3A_345 = arith.cmpi slt, %add3A_343, %lt3A_344 : i32
      %convert_element_type3A_346 = arith.extui %lt3A_345 : i1 to i32
      %cond3A_347 = arith.constant 0 : i32
      %cond3A_348 = arith.cmpi ne, %convert_element_type3A_346, %cond3A_347 : i32
      scf.if %cond3A_348 {
        %add3A_349 = arith.constant 5 : i32
        %add3A_350 = arith.addi %add3A_325, %add3A_349 : i32
        %eq3A_351 = arith.constant 0 : i32
        %eq3A_352 = arith.cmpi eq, %arg0, %eq3A_351 : i32
        %convert_element_type3A_353 = arith.extui %eq3A_352 : i1 to i32
        %cond3A_354 = arith.constant 0 : i32
        %cond3A_355 = arith.cmpi ne, %convert_element_type3A_353, %cond3A_354 : i32
        scf.if %cond3A_355 {
          %dma_start3A = arith.constant 0 : i32
          %dma_start3A_361 = arith.constant 4 : i32
          %dma_start3A_362 = arith.constant 0 : i32
          %dma_start3A_363 = arith.constant 0 : i32
          %dma_start3A_364 = tpu.memref_slice %arg14[%dma_start3A_361, %dma_start3A_362, %dma_start3A_363] : memref<5x80x64xf32, #tpu.memory_space<vmem>> -> memref<1x80x64xf32, #tpu.memory_space<vmem>>
          %dma_start3A_365 = tpu.memref_squeeze %dma_start3A_364 : memref<1x80x64xf32, #tpu.memory_space<vmem>> -> memref<80x64xf32, #tpu.memory_space<vmem>>
          %dma_start3A_366 = arith.constant 0 : i32
          %dma_start3A_367 = tpu.memref_slice %arg12[%add3A_350, %dma_start3A, %dma_start3A_366] : memref<250x1x80xi32, #tpu.memory_space<vmem>> -> memref<1x1x80xi32, #tpu.memory_space<vmem>>
          %dma_start3A_368 = tpu.memref_squeeze %dma_start3A_367 : memref<1x1x80xi32, #tpu.memory_space<vmem>> -> memref<80xi32, #tpu.memory_space<vmem>>
          %dma_start3A_369 = arith.constant 0 : i32
          %dma_start3A_370 = arith.constant 0 : i32
          %dma_start3A_371 = tpu.memref_slice %arg4[%dma_start3A_369, %dma_start3A_370] : memref<10000x64xf32, #tpu.memory_space<hbm>> -> memref<10000x64xf32, #tpu.memory_space<hbm>>
          tpu.enqueue_indirect_dma source(%dma_start3A_371 : memref<10000x64xf32, #tpu.memory_space<hbm>>) target(%dma_start3A_365 : memref<80x64xf32, #tpu.memory_space<vmem>>) offsets(%dma_start3A_368 : memref<80xi32, #tpu.memory_space<vmem>>) semaphore(%arg24 : memref<!tpu.dma_semaphore, #tpu.memory_space<semaphore_mem>>)
        } else {
        }
        %eq3A_356 = arith.constant 1 : i32
        %eq3A_357 = arith.cmpi eq, %arg0, %eq3A_356 : i32
        %convert_element_type3A_358 = arith.extui %eq3A_357 : i1 to i32
        %cond3A_359 = arith.constant 0 : i32
        %cond3A_360 = arith.cmpi ne, %convert_element_type3A_358, %cond3A_359 : i32
        scf.if %cond3A_360 {
          %dma_start3A = arith.constant 0 : i32
          %dma_start3A_361 = arith.constant 4 : i32
          %dma_start3A_362 = arith.constant 0 : i32
          %dma_start3A_363 = arith.constant 0 : i32
          %dma_start3A_364 = tpu.memref_slice %arg14[%dma_start3A_361, %dma_start3A_362, %dma_start3A_363] : memref<5x80x64xf32, #tpu.memory_space<vmem>> -> memref<1x80x64xf32, #tpu.memory_space<vmem>>
          %dma_start3A_365 = tpu.memref_squeeze %dma_start3A_364 : memref<1x80x64xf32, #tpu.memory_space<vmem>> -> memref<80x64xf32, #tpu.memory_space<vmem>>
          %dma_start3A_366 = arith.constant 0 : i32
          %dma_start3A_367 = tpu.memref_slice %arg12[%add3A_350, %dma_start3A, %dma_start3A_366] : memref<250x1x80xi32, #tpu.memory_space<vmem>> -> memref<1x1x80xi32, #tpu.memory_space<vmem>>
          %dma_start3A_368 = tpu.memref_squeeze %dma_start3A_367 : memref<1x1x80xi32, #tpu.memory_space<vmem>> -> memref<80xi32, #tpu.memory_space<vmem>>
          %dma_start3A_369 = arith.constant 0 : i32
          %dma_start3A_370 = arith.constant 0 : i32
          %dma_start3A_371 = tpu.memref_slice %arg5[%dma_start3A_369, %dma_start3A_370] : memref<10000x64xf32, #tpu.memory_space<hbm>> -> memref<10000x64xf32, #tpu.memory_space<hbm>>
          tpu.enqueue_indirect_dma source(%dma_start3A_371 : memref<10000x64xf32, #tpu.memory_space<hbm>>) target(%dma_start3A_365 : memref<80x64xf32, #tpu.memory_space<vmem>>) offsets(%dma_start3A_368 : memref<80xi32, #tpu.memory_space<vmem>>) semaphore(%arg24 : memref<!tpu.dma_semaphore, #tpu.memory_space<semaphore_mem>>)
        } else {
        }
      } else {
      }
    }
    %scan3A_98 = arith.constant 50 : i32
    %barrier3A_99 = arith.constant 0 : index
    tpu.barrier barrier_id(%barrier3A_99)
    %lt3A_100 = arith.constant 15 : i32
    %lt3A_101 = arith.cmpi slt, %arg1, %lt3A_100 : i32
    %convert_element_type3A_102 = arith.extui %lt3A_101 : i1 to i32
    %cond3A_103 = arith.constant 0 : i32
    %cond3A_104 = arith.cmpi ne, %convert_element_type3A_102, %cond3A_103 : i32
    scf.if %cond3A_104 {
      %add3A_222 = arith.constant 0 : i32
      %add3A_223 = arith.addi %multiple_of3A, %add3A_222 : i32
      %add3A_224 = arith.constant 0 : i32
      %add3A_225 = arith.addi %multiple_of3A, %add3A_224 : i32
      "tpu.region"() ({
        %run_scoped3A_242 = tpu.sem_alloc : memref<!tpu.dma_semaphore, #tpu.memory_space<semaphore_mem>>
        %dma_start3A = arith.constant 0 : i32
        %dma_start3A_243 = tpu.memref_slice %arg8[%arg0, %add3A_225, %dma_start3A] : memref<2x10000x64xf32, #tpu.memory_space<hbm>> -> memref<1x128x64xf32, #tpu.memory_space<hbm>>
        %dma_start3A_244 = tpu.memref_squeeze %dma_start3A_243 : memref<1x128x64xf32, #tpu.memory_space<hbm>> -> memref<128x64xf32, #tpu.memory_space<hbm>>
        %dma_start3A_245 = arith.constant 0 : i32
        %dma_start3A_246 = tpu.memref_slice %arg18[%add3A_223, %dma_start3A_245] : memref<10000x64xf32, #tpu.memory_space<vmem_shared>> -> memref<128x64xf32, #tpu.memory_space<vmem_shared>>
        tpu.enqueue_dma source(%dma_start3A_246 : memref<128x64xf32, #tpu.memory_space<vmem_shared>>) target(%dma_start3A_244 : memref<128x64xf32, #tpu.memory_space<hbm>>) target_semaphore(%run_scoped3A_242 : memref<!tpu.dma_semaphore, #tpu.memory_space<semaphore_mem>>)
        %dma_wait3A = arith.constant 0 : i32
        %dma_wait3A_247 = tpu.memref_slice %arg8[%arg0, %add3A_225, %dma_wait3A] : memref<2x10000x64xf32, #tpu.memory_space<hbm>> -> memref<1x128x64xf32, #tpu.memory_space<hbm>>
        %dma_wait3A_248 = tpu.memref_squeeze %dma_wait3A_247 : memref<1x128x64xf32, #tpu.memory_space<hbm>> -> memref<128x64xf32, #tpu.memory_space<hbm>>
        %dma_wait3A_249 = arith.constant 0 : i32
        %dma_wait3A_250 = tpu.memref_slice %arg18[%add3A_223, %dma_wait3A_249] : memref<10000x64xf32, #tpu.memory_space<vmem_shared>> -> memref<128x64xf32, #tpu.memory_space<vmem_shared>>
        tpu.wait_dma2 semaphore(%run_scoped3A_242 : memref<!tpu.dma_semaphore, #tpu.memory_space<semaphore_mem>>) src(%dma_wait3A_250 : memref<128x64xf32, #tpu.memory_space<vmem_shared>>) dst(%dma_wait3A_248 : memref<128x64xf32, #tpu.memory_space<hbm>>)
        tpu.yield
      }) : () -> ()
      %add3A_226 = arith.constant 128 : i32
      %add3A_227 = arith.addi %multiple_of3A, %add3A_226 : i32
      %add3A_228 = arith.constant 128 : i32
      %add3A_229 = arith.addi %multiple_of3A, %add3A_228 : i32
      "tpu.region"() ({
        %run_scoped3A_242 = tpu.sem_alloc : memref<!tpu.dma_semaphore, #tpu.memory_space<semaphore_mem>>
        %dma_start3A = arith.constant 0 : i32
        %dma_start3A_243 = tpu.memref_slice %arg8[%arg0, %add3A_229, %dma_start3A] : memref<2x10000x64xf32, #tpu.memory_space<hbm>> -> memref<1x128x64xf32, #tpu.memory_space<hbm>>
        %dma_start3A_244 = tpu.memref_squeeze %dma_start3A_243 : memref<1x128x64xf32, #tpu.memory_space<hbm>> -> memref<128x64xf32, #tpu.memory_space<hbm>>
        %dma_start3A_245 = arith.constant 0 : i32
        %dma_start3A_246 = tpu.memref_slice %arg18[%add3A_227, %dma_start3A_245] : memref<10000x64xf32, #tpu.memory_space<vmem_shared>> -> memref<128x64xf32, #tpu.memory_space<vmem_shared>>
        tpu.enqueue_dma source(%dma_start3A_246 : memref<128x64xf32, #tpu.memory_space<vmem_shared>>) target(%dma_start3A_244 : memref<128x64xf32, #tpu.memory_space<hbm>>) target_semaphore(%run_scoped3A_242 : memref<!tpu.dma_semaphore, #tpu.memory_space<semaphore_mem>>)
        %dma_wait3A = arith.constant 0 : i32
        %dma_wait3A_247 = tpu.memref_slice %arg8[%arg0, %add3A_229, %dma_wait3A] : memref<2x10000x64xf32, #tpu.memory_space<hbm>> -> memref<1x128x64xf32, #tpu.memory_space<hbm>>
        %dma_wait3A_248 = tpu.memref_squeeze %dma_wait3A_247 : memref<1x128x64xf32, #tpu.memory_space<hbm>> -> memref<128x64xf32, #tpu.memory_space<hbm>>
        %dma_wait3A_249 = arith.constant 0 : i32
        %dma_wait3A_250 = tpu.memref_slice %arg18[%add3A_227, %dma_wait3A_249] : memref<10000x64xf32, #tpu.memory_space<vmem_shared>> -> memref<128x64xf32, #tpu.memory_space<vmem_shared>>
        tpu.wait_dma2 semaphore(%run_scoped3A_242 : memref<!tpu.dma_semaphore, #tpu.memory_space<semaphore_mem>>) src(%dma_wait3A_250 : memref<128x64xf32, #tpu.memory_space<vmem_shared>>) dst(%dma_wait3A_248 : memref<128x64xf32, #tpu.memory_space<hbm>>)
        tpu.yield
      }) : () -> ()
      %add3A_230 = arith.constant 256 : i32
      %add3A_231 = arith.addi %multiple_of3A, %add3A_230 : i32
      %add3A_232 = arith.constant 256 : i32
      %add3A_233 = arith.addi %multiple_of3A, %add3A_232 : i32
      "tpu.region"() ({
        %run_scoped3A_242 = tpu.sem_alloc : memref<!tpu.dma_semaphore, #tpu.memory_space<semaphore_mem>>
        %dma_start3A = arith.constant 0 : i32
        %dma_start3A_243 = tpu.memref_slice %arg8[%arg0, %add3A_233, %dma_start3A] : memref<2x10000x64xf32, #tpu.memory_space<hbm>> -> memref<1x128x64xf32, #tpu.memory_space<hbm>>
        %dma_start3A_244 = tpu.memref_squeeze %dma_start3A_243 : memref<1x128x64xf32, #tpu.memory_space<hbm>> -> memref<128x64xf32, #tpu.memory_space<hbm>>
        %dma_start3A_245 = arith.constant 0 : i32
        %dma_start3A_246 = tpu.memref_slice %arg18[%add3A_231, %dma_start3A_245] : memref<10000x64xf32, #tpu.memory_space<vmem_shared>> -> memref<128x64xf32, #tpu.memory_space<vmem_shared>>
        tpu.enqueue_dma source(%dma_start3A_246 : memref<128x64xf32, #tpu.memory_space<vmem_shared>>) target(%dma_start3A_244 : memref<128x64xf32, #tpu.memory_space<hbm>>) target_semaphore(%run_scoped3A_242 : memref<!tpu.dma_semaphore, #tpu.memory_space<semaphore_mem>>)
        %dma_wait3A = arith.constant 0 : i32
        %dma_wait3A_247 = tpu.memref_slice %arg8[%arg0, %add3A_233, %dma_wait3A] : memref<2x10000x64xf32, #tpu.memory_space<hbm>> -> memref<1x128x64xf32, #tpu.memory_space<hbm>>
        %dma_wait3A_248 = tpu.memref_squeeze %dma_wait3A_247 : memref<1x128x64xf32, #tpu.memory_space<hbm>> -> memref<128x64xf32, #tpu.memory_space<hbm>>
        %dma_wait3A_249 = arith.constant 0 : i32
        %dma_wait3A_250 = tpu.memref_slice %arg18[%add3A_231, %dma_wait3A_249] : memref<10000x64xf32, #tpu.memory_space<vmem_shared>> -> memref<128x64xf32, #tpu.memory_space<vmem_shared>>
        tpu.wait_dma2 semaphore(%run_scoped3A_242 : memref<!tpu.dma_semaphore, #tpu.memory_space<semaphore_mem>>) src(%dma_wait3A_250 : memref<128x64xf32, #tpu.memory_space<vmem_shared>>) dst(%dma_wait3A_248 : memref<128x64xf32, #tpu.memory_space<hbm>>)
        tpu.yield
      }) : () -> ()
      %add3A_234 = arith.constant 384 : i32
      %add3A_235 = arith.addi %multiple_of3A, %add3A_234 : i32
      %add3A_236 = arith.constant 384 : i32
      %add3A_237 = arith.addi %multiple_of3A, %add3A_236 : i32
      "tpu.region"() ({
        %run_scoped3A_242 = tpu.sem_alloc : memref<!tpu.dma_semaphore, #tpu.memory_space<semaphore_mem>>
        %dma_start3A = arith.constant 0 : i32
        %dma_start3A_243 = tpu.memref_slice %arg8[%arg0, %add3A_237, %dma_start3A] : memref<2x10000x64xf32, #tpu.memory_space<hbm>> -> memref<1x128x64xf32, #tpu.memory_space<hbm>>
        %dma_start3A_244 = tpu.memref_squeeze %dma_start3A_243 : memref<1x128x64xf32, #tpu.memory_space<hbm>> -> memref<128x64xf32, #tpu.memory_space<hbm>>
        %dma_start3A_245 = arith.constant 0 : i32
        %dma_start3A_246 = tpu.memref_slice %arg18[%add3A_235, %dma_start3A_245] : memref<10000x64xf32, #tpu.memory_space<vmem_shared>> -> memref<128x64xf32, #tpu.memory_space<vmem_shared>>
        tpu.enqueue_dma source(%dma_start3A_246 : memref<128x64xf32, #tpu.memory_space<vmem_shared>>) target(%dma_start3A_244 : memref<128x64xf32, #tpu.memory_space<hbm>>) target_semaphore(%run_scoped3A_242 : memref<!tpu.dma_semaphore, #tpu.memory_space<semaphore_mem>>)
        %dma_wait3A = arith.constant 0 : i32
        %dma_wait3A_247 = tpu.memref_slice %arg8[%arg0, %add3A_237, %dma_wait3A] : memref<2x10000x64xf32, #tpu.memory_space<hbm>> -> memref<1x128x64xf32, #tpu.memory_space<hbm>>
        %dma_wait3A_248 = tpu.memref_squeeze %dma_wait3A_247 : memref<1x128x64xf32, #tpu.memory_space<hbm>> -> memref<128x64xf32, #tpu.memory_space<hbm>>
        %dma_wait3A_249 = arith.constant 0 : i32
        %dma_wait3A_250 = tpu.memref_slice %arg18[%add3A_235, %dma_wait3A_249] : memref<10000x64xf32, #tpu.memory_space<vmem_shared>> -> memref<128x64xf32, #tpu.memory_space<vmem_shared>>
        tpu.wait_dma2 semaphore(%run_scoped3A_242 : memref<!tpu.dma_semaphore, #tpu.memory_space<semaphore_mem>>) src(%dma_wait3A_250 : memref<128x64xf32, #tpu.memory_space<vmem_shared>>) dst(%dma_wait3A_248 : memref<128x64xf32, #tpu.memory_space<hbm>>)
        tpu.yield
      }) : () -> ()
      %add3A_238 = arith.constant 512 : i32
      %add3A_239 = arith.addi %multiple_of3A, %add3A_238 : i32
      %add3A_240 = arith.constant 512 : i32
      %add3A_241 = arith.addi %multiple_of3A, %add3A_240 : i32
      "tpu.region"() ({
        %run_scoped3A_242 = tpu.sem_alloc : memref<!tpu.dma_semaphore, #tpu.memory_space<semaphore_mem>>
        %dma_start3A = arith.constant 0 : i32
        %dma_start3A_243 = tpu.memref_slice %arg8[%arg0, %add3A_241, %dma_start3A] : memref<2x10000x64xf32, #tpu.memory_space<hbm>> -> memref<1x128x64xf32, #tpu.memory_space<hbm>>
        %dma_start3A_244 = tpu.memref_squeeze %dma_start3A_243 : memref<1x128x64xf32, #tpu.memory_space<hbm>> -> memref<128x64xf32, #tpu.memory_space<hbm>>
        %dma_start3A_245 = arith.constant 0 : i32
        %dma_start3A_246 = tpu.memref_slice %arg18[%add3A_239, %dma_start3A_245] : memref<10000x64xf32, #tpu.memory_space<vmem_shared>> -> memref<128x64xf32, #tpu.memory_space<vmem_shared>>
        tpu.enqueue_dma source(%dma_start3A_246 : memref<128x64xf32, #tpu.memory_space<vmem_shared>>) target(%dma_start3A_244 : memref<128x64xf32, #tpu.memory_space<hbm>>) target_semaphore(%run_scoped3A_242 : memref<!tpu.dma_semaphore, #tpu.memory_space<semaphore_mem>>)
        %dma_wait3A = arith.constant 0 : i32
        %dma_wait3A_247 = tpu.memref_slice %arg8[%arg0, %add3A_241, %dma_wait3A] : memref<2x10000x64xf32, #tpu.memory_space<hbm>> -> memref<1x128x64xf32, #tpu.memory_space<hbm>>
        %dma_wait3A_248 = tpu.memref_squeeze %dma_wait3A_247 : memref<1x128x64xf32, #tpu.memory_space<hbm>> -> memref<128x64xf32, #tpu.memory_space<hbm>>
        %dma_wait3A_249 = arith.constant 0 : i32
        %dma_wait3A_250 = tpu.memref_slice %arg18[%add3A_239, %dma_wait3A_249] : memref<10000x64xf32, #tpu.memory_space<vmem_shared>> -> memref<128x64xf32, #tpu.memory_space<vmem_shared>>
        tpu.wait_dma2 semaphore(%run_scoped3A_242 : memref<!tpu.dma_semaphore, #tpu.memory_space<semaphore_mem>>) src(%dma_wait3A_250 : memref<128x64xf32, #tpu.memory_space<vmem_shared>>) dst(%dma_wait3A_248 : memref<128x64xf32, #tpu.memory_space<hbm>>)
        tpu.yield
      }) : () -> ()
    } else {
    }
    %eq3A_105 = arith.constant 15 : i32
    %eq3A_106 = arith.cmpi eq, %arg1, %eq3A_105 : i32
    %convert_element_type3A_107 = arith.extui %eq3A_106 : i1 to i32
    %cond3A_108 = arith.constant 0 : i32
    %cond3A_109 = arith.cmpi ne, %convert_element_type3A_107, %cond3A_108 : i32
    scf.if %cond3A_109 {
      %add3A_222 = arith.constant 0 : i32
      %add3A_223 = arith.addi %multiple_of3A, %add3A_222 : i32
      %add3A_224 = arith.constant 0 : i32
      %add3A_225 = arith.addi %multiple_of3A, %add3A_224 : i32
      "tpu.region"() ({
        %run_scoped3A_238 = tpu.sem_alloc : memref<!tpu.dma_semaphore, #tpu.memory_space<semaphore_mem>>
        %dma_start3A = arith.constant 0 : i32
        %dma_start3A_239 = tpu.memref_slice %arg8[%arg0, %add3A_225, %dma_start3A] : memref<2x10000x64xf32, #tpu.memory_space<hbm>> -> memref<1x128x64xf32, #tpu.memory_space<hbm>>
        %dma_start3A_240 = tpu.memref_squeeze %dma_start3A_239 : memref<1x128x64xf32, #tpu.memory_space<hbm>> -> memref<128x64xf32, #tpu.memory_space<hbm>>
        %dma_start3A_241 = arith.constant 0 : i32
        %dma_start3A_242 = tpu.memref_slice %arg18[%add3A_223, %dma_start3A_241] : memref<10000x64xf32, #tpu.memory_space<vmem_shared>> -> memref<128x64xf32, #tpu.memory_space<vmem_shared>>
        tpu.enqueue_dma source(%dma_start3A_242 : memref<128x64xf32, #tpu.memory_space<vmem_shared>>) target(%dma_start3A_240 : memref<128x64xf32, #tpu.memory_space<hbm>>) target_semaphore(%run_scoped3A_238 : memref<!tpu.dma_semaphore, #tpu.memory_space<semaphore_mem>>)
        %dma_wait3A = arith.constant 0 : i32
        %dma_wait3A_243 = tpu.memref_slice %arg8[%arg0, %add3A_225, %dma_wait3A] : memref<2x10000x64xf32, #tpu.memory_space<hbm>> -> memref<1x128x64xf32, #tpu.memory_space<hbm>>
        %dma_wait3A_244 = tpu.memref_squeeze %dma_wait3A_243 : memref<1x128x64xf32, #tpu.memory_space<hbm>> -> memref<128x64xf32, #tpu.memory_space<hbm>>
        %dma_wait3A_245 = arith.constant 0 : i32
        %dma_wait3A_246 = tpu.memref_slice %arg18[%add3A_223, %dma_wait3A_245] : memref<10000x64xf32, #tpu.memory_space<vmem_shared>> -> memref<128x64xf32, #tpu.memory_space<vmem_shared>>
        tpu.wait_dma2 semaphore(%run_scoped3A_238 : memref<!tpu.dma_semaphore, #tpu.memory_space<semaphore_mem>>) src(%dma_wait3A_246 : memref<128x64xf32, #tpu.memory_space<vmem_shared>>) dst(%dma_wait3A_244 : memref<128x64xf32, #tpu.memory_space<hbm>>)
        tpu.yield
      }) : () -> ()
      %add3A_226 = arith.constant 128 : i32
      %add3A_227 = arith.addi %multiple_of3A, %add3A_226 : i32
      %add3A_228 = arith.constant 128 : i32
      %add3A_229 = arith.addi %multiple_of3A, %add3A_228 : i32
      "tpu.region"() ({
        %run_scoped3A_238 = tpu.sem_alloc : memref<!tpu.dma_semaphore, #tpu.memory_space<semaphore_mem>>
        %dma_start3A = arith.constant 0 : i32
        %dma_start3A_239 = tpu.memref_slice %arg8[%arg0, %add3A_229, %dma_start3A] : memref<2x10000x64xf32, #tpu.memory_space<hbm>> -> memref<1x128x64xf32, #tpu.memory_space<hbm>>
        %dma_start3A_240 = tpu.memref_squeeze %dma_start3A_239 : memref<1x128x64xf32, #tpu.memory_space<hbm>> -> memref<128x64xf32, #tpu.memory_space<hbm>>
        %dma_start3A_241 = arith.constant 0 : i32
        %dma_start3A_242 = tpu.memref_slice %arg18[%add3A_227, %dma_start3A_241] : memref<10000x64xf32, #tpu.memory_space<vmem_shared>> -> memref<128x64xf32, #tpu.memory_space<vmem_shared>>
        tpu.enqueue_dma source(%dma_start3A_242 : memref<128x64xf32, #tpu.memory_space<vmem_shared>>) target(%dma_start3A_240 : memref<128x64xf32, #tpu.memory_space<hbm>>) target_semaphore(%run_scoped3A_238 : memref<!tpu.dma_semaphore, #tpu.memory_space<semaphore_mem>>)
        %dma_wait3A = arith.constant 0 : i32
        %dma_wait3A_243 = tpu.memref_slice %arg8[%arg0, %add3A_229, %dma_wait3A] : memref<2x10000x64xf32, #tpu.memory_space<hbm>> -> memref<1x128x64xf32, #tpu.memory_space<hbm>>
        %dma_wait3A_244 = tpu.memref_squeeze %dma_wait3A_243 : memref<1x128x64xf32, #tpu.memory_space<hbm>> -> memref<128x64xf32, #tpu.memory_space<hbm>>
        %dma_wait3A_245 = arith.constant 0 : i32
        %dma_wait3A_246 = tpu.memref_slice %arg18[%add3A_227, %dma_wait3A_245] : memref<10000x64xf32, #tpu.memory_space<vmem_shared>> -> memref<128x64xf32, #tpu.memory_space<vmem_shared>>
        tpu.wait_dma2 semaphore(%run_scoped3A_238 : memref<!tpu.dma_semaphore, #tpu.memory_space<semaphore_mem>>) src(%dma_wait3A_246 : memref<128x64xf32, #tpu.memory_space<vmem_shared>>) dst(%dma_wait3A_244 : memref<128x64xf32, #tpu.memory_space<hbm>>)
        tpu.yield
      }) : () -> ()
      %add3A_230 = arith.constant 256 : i32
      %add3A_231 = arith.addi %multiple_of3A, %add3A_230 : i32
      %add3A_232 = arith.constant 256 : i32
      %add3A_233 = arith.addi %multiple_of3A, %add3A_232 : i32
      "tpu.region"() ({
        %run_scoped3A_238 = tpu.sem_alloc : memref<!tpu.dma_semaphore, #tpu.memory_space<semaphore_mem>>
        %dma_start3A = arith.constant 0 : i32
        %dma_start3A_239 = tpu.memref_slice %arg8[%arg0, %add3A_233, %dma_start3A] : memref<2x10000x64xf32, #tpu.memory_space<hbm>> -> memref<1x128x64xf32, #tpu.memory_space<hbm>>
        %dma_start3A_240 = tpu.memref_squeeze %dma_start3A_239 : memref<1x128x64xf32, #tpu.memory_space<hbm>> -> memref<128x64xf32, #tpu.memory_space<hbm>>
        %dma_start3A_241 = arith.constant 0 : i32
        %dma_start3A_242 = tpu.memref_slice %arg18[%add3A_231, %dma_start3A_241] : memref<10000x64xf32, #tpu.memory_space<vmem_shared>> -> memref<128x64xf32, #tpu.memory_space<vmem_shared>>
        tpu.enqueue_dma source(%dma_start3A_242 : memref<128x64xf32, #tpu.memory_space<vmem_shared>>) target(%dma_start3A_240 : memref<128x64xf32, #tpu.memory_space<hbm>>) target_semaphore(%run_scoped3A_238 : memref<!tpu.dma_semaphore, #tpu.memory_space<semaphore_mem>>)
        %dma_wait3A = arith.constant 0 : i32
        %dma_wait3A_243 = tpu.memref_slice %arg8[%arg0, %add3A_233, %dma_wait3A] : memref<2x10000x64xf32, #tpu.memory_space<hbm>> -> memref<1x128x64xf32, #tpu.memory_space<hbm>>
        %dma_wait3A_244 = tpu.memref_squeeze %dma_wait3A_243 : memref<1x128x64xf32, #tpu.memory_space<hbm>> -> memref<128x64xf32, #tpu.memory_space<hbm>>
        %dma_wait3A_245 = arith.constant 0 : i32
        %dma_wait3A_246 = tpu.memref_slice %arg18[%add3A_231, %dma_wait3A_245] : memref<10000x64xf32, #tpu.memory_space<vmem_shared>> -> memref<128x64xf32, #tpu.memory_space<vmem_shared>>
        tpu.wait_dma2 semaphore(%run_scoped3A_238 : memref<!tpu.dma_semaphore, #tpu.memory_space<semaphore_mem>>) src(%dma_wait3A_246 : memref<128x64xf32, #tpu.memory_space<vmem_shared>>) dst(%dma_wait3A_244 : memref<128x64xf32, #tpu.memory_space<hbm>>)
        tpu.yield
      }) : () -> ()
      %add3A_234 = arith.constant 384 : i32
      %add3A_235 = arith.addi %multiple_of3A, %add3A_234 : i32
      %add3A_236 = arith.constant 384 : i32
      %add3A_237 = arith.addi %multiple_of3A, %add3A_236 : i32
      "tpu.region"() ({
        %run_scoped3A_238 = tpu.sem_alloc : memref<!tpu.dma_semaphore, #tpu.memory_space<semaphore_mem>>
        %dma_start3A = arith.constant 0 : i32
        %dma_start3A_239 = tpu.memref_slice %arg8[%arg0, %add3A_237, %dma_start3A] : memref<2x10000x64xf32, #tpu.memory_space<hbm>> -> memref<1x16x64xf32, #tpu.memory_space<hbm>>
        %dma_start3A_240 = tpu.memref_squeeze %dma_start3A_239 : memref<1x16x64xf32, #tpu.memory_space<hbm>> -> memref<16x64xf32, #tpu.memory_space<hbm>>
        %dma_start3A_241 = arith.constant 0 : i32
        %dma_start3A_242 = tpu.memref_slice %arg18[%add3A_235, %dma_start3A_241] : memref<10000x64xf32, #tpu.memory_space<vmem_shared>> -> memref<16x64xf32, #tpu.memory_space<vmem_shared>>
        tpu.enqueue_dma source(%dma_start3A_242 : memref<16x64xf32, #tpu.memory_space<vmem_shared>>) target(%dma_start3A_240 : memref<16x64xf32, #tpu.memory_space<hbm>>) target_semaphore(%run_scoped3A_238 : memref<!tpu.dma_semaphore, #tpu.memory_space<semaphore_mem>>)
        %dma_wait3A = arith.constant 0 : i32
        %dma_wait3A_243 = tpu.memref_slice %arg8[%arg0, %add3A_237, %dma_wait3A] : memref<2x10000x64xf32, #tpu.memory_space<hbm>> -> memref<1x16x64xf32, #tpu.memory_space<hbm>>
        %dma_wait3A_244 = tpu.memref_squeeze %dma_wait3A_243 : memref<1x16x64xf32, #tpu.memory_space<hbm>> -> memref<16x64xf32, #tpu.memory_space<hbm>>
        %dma_wait3A_245 = arith.constant 0 : i32
        %dma_wait3A_246 = tpu.memref_slice %arg18[%add3A_235, %dma_wait3A_245] : memref<10000x64xf32, #tpu.memory_space<vmem_shared>> -> memref<16x64xf32, #tpu.memory_space<vmem_shared>>
        tpu.wait_dma2 semaphore(%run_scoped3A_238 : memref<!tpu.dma_semaphore, #tpu.memory_space<semaphore_mem>>) src(%dma_wait3A_246 : memref<16x64xf32, #tpu.memory_space<vmem_shared>>) dst(%dma_wait3A_244 : memref<16x64xf32, #tpu.memory_space<hbm>>)
        tpu.yield
      }) : () -> ()
    } else {
    }
    %lt3A_110 = arith.constant 15 : i32
    %lt3A_111 = arith.cmpi slt, %arg1, %lt3A_110 : i32
    %convert_element_type3A_112 = arith.extui %lt3A_111 : i1 to i32
    %cond3A_113 = arith.constant 0 : i32
    %cond3A_114 = arith.cmpi ne, %convert_element_type3A_112, %cond3A_113 : i32
    scf.if %cond3A_114 {
      %add3A_222 = arith.constant 0 : i32
      %add3A_223 = arith.addi %multiple_of3A_5, %add3A_222 : i32
      %add3A_224 = arith.constant 0 : i32
      %add3A_225 = arith.addi %multiple_of3A_5, %add3A_224 : i32
      "tpu.region"() ({
        %run_scoped3A_234 = tpu.sem_alloc : memref<!tpu.dma_semaphore, #tpu.memory_space<semaphore_mem>>
        %dma_start3A = arith.constant 0 : i32
        %dma_start3A_235 = tpu.memref_slice %arg9[%add3A_225, %dma_start3A] : memref<10000x16xf32, #tpu.memory_space<hbm>> -> memref<128x16xf32, #tpu.memory_space<hbm>>
        %dma_start3A_236 = arith.constant 0 : i32
        %dma_start3A_237 = tpu.memref_slice %arg19[%add3A_223, %dma_start3A_236] : memref<10000x16xf32, #tpu.memory_space<vmem_shared>> -> memref<128x16xf32, #tpu.memory_space<vmem_shared>>
        tpu.enqueue_dma source(%dma_start3A_237 : memref<128x16xf32, #tpu.memory_space<vmem_shared>>) target(%dma_start3A_235 : memref<128x16xf32, #tpu.memory_space<hbm>>) target_semaphore(%run_scoped3A_234 : memref<!tpu.dma_semaphore, #tpu.memory_space<semaphore_mem>>)
        %dma_wait3A = arith.constant 0 : i32
        %dma_wait3A_238 = tpu.memref_slice %arg9[%add3A_225, %dma_wait3A] : memref<10000x16xf32, #tpu.memory_space<hbm>> -> memref<128x16xf32, #tpu.memory_space<hbm>>
        %dma_wait3A_239 = arith.constant 0 : i32
        %dma_wait3A_240 = tpu.memref_slice %arg19[%add3A_223, %dma_wait3A_239] : memref<10000x16xf32, #tpu.memory_space<vmem_shared>> -> memref<128x16xf32, #tpu.memory_space<vmem_shared>>
        tpu.wait_dma2 semaphore(%run_scoped3A_234 : memref<!tpu.dma_semaphore, #tpu.memory_space<semaphore_mem>>) src(%dma_wait3A_240 : memref<128x16xf32, #tpu.memory_space<vmem_shared>>) dst(%dma_wait3A_238 : memref<128x16xf32, #tpu.memory_space<hbm>>)
        tpu.yield
      }) : () -> ()
      %add3A_226 = arith.constant 128 : i32
      %add3A_227 = arith.addi %multiple_of3A_5, %add3A_226 : i32
      %add3A_228 = arith.constant 128 : i32
      %add3A_229 = arith.addi %multiple_of3A_5, %add3A_228 : i32
      "tpu.region"() ({
        %run_scoped3A_234 = tpu.sem_alloc : memref<!tpu.dma_semaphore, #tpu.memory_space<semaphore_mem>>
        %dma_start3A = arith.constant 0 : i32
        %dma_start3A_235 = tpu.memref_slice %arg9[%add3A_229, %dma_start3A] : memref<10000x16xf32, #tpu.memory_space<hbm>> -> memref<128x16xf32, #tpu.memory_space<hbm>>
        %dma_start3A_236 = arith.constant 0 : i32
        %dma_start3A_237 = tpu.memref_slice %arg19[%add3A_227, %dma_start3A_236] : memref<10000x16xf32, #tpu.memory_space<vmem_shared>> -> memref<128x16xf32, #tpu.memory_space<vmem_shared>>
        tpu.enqueue_dma source(%dma_start3A_237 : memref<128x16xf32, #tpu.memory_space<vmem_shared>>) target(%dma_start3A_235 : memref<128x16xf32, #tpu.memory_space<hbm>>) target_semaphore(%run_scoped3A_234 : memref<!tpu.dma_semaphore, #tpu.memory_space<semaphore_mem>>)
        %dma_wait3A = arith.constant 0 : i32
        %dma_wait3A_238 = tpu.memref_slice %arg9[%add3A_229, %dma_wait3A] : memref<10000x16xf32, #tpu.memory_space<hbm>> -> memref<128x16xf32, #tpu.memory_space<hbm>>
        %dma_wait3A_239 = arith.constant 0 : i32
        %dma_wait3A_240 = tpu.memref_slice %arg19[%add3A_227, %dma_wait3A_239] : memref<10000x16xf32, #tpu.memory_space<vmem_shared>> -> memref<128x16xf32, #tpu.memory_space<vmem_shared>>
        tpu.wait_dma2 semaphore(%run_scoped3A_234 : memref<!tpu.dma_semaphore, #tpu.memory_space<semaphore_mem>>) src(%dma_wait3A_240 : memref<128x16xf32, #tpu.memory_space<vmem_shared>>) dst(%dma_wait3A_238 : memref<128x16xf32, #tpu.memory_space<hbm>>)
        tpu.yield
      }) : () -> ()
      %add3A_230 = arith.constant 256 : i32
      %add3A_231 = arith.addi %multiple_of3A_5, %add3A_230 : i32
      %add3A_232 = arith.constant 256 : i32
      %add3A_233 = arith.addi %multiple_of3A_5, %add3A_232 : i32
      "tpu.region"() ({
        %run_scoped3A_234 = tpu.sem_alloc : memref<!tpu.dma_semaphore, #tpu.memory_space<semaphore_mem>>
        %dma_start3A = arith.constant 0 : i32
        %dma_start3A_235 = tpu.memref_slice %arg9[%add3A_233, %dma_start3A] : memref<10000x16xf32, #tpu.memory_space<hbm>> -> memref<64x16xf32, #tpu.memory_space<hbm>>
        %dma_start3A_236 = arith.constant 0 : i32
        %dma_start3A_237 = tpu.memref_slice %arg19[%add3A_231, %dma_start3A_236] : memref<10000x16xf32, #tpu.memory_space<vmem_shared>> -> memref<64x16xf32, #tpu.memory_space<vmem_shared>>
        tpu.enqueue_dma source(%dma_start3A_237 : memref<64x16xf32, #tpu.memory_space<vmem_shared>>) target(%dma_start3A_235 : memref<64x16xf32, #tpu.memory_space<hbm>>) target_semaphore(%run_scoped3A_234 : memref<!tpu.dma_semaphore, #tpu.memory_space<semaphore_mem>>)
        %dma_wait3A = arith.constant 0 : i32
        %dma_wait3A_238 = tpu.memref_slice %arg9[%add3A_233, %dma_wait3A] : memref<10000x16xf32, #tpu.memory_space<hbm>> -> memref<64x16xf32, #tpu.memory_space<hbm>>
        %dma_wait3A_239 = arith.constant 0 : i32
        %dma_wait3A_240 = tpu.memref_slice %arg19[%add3A_231, %dma_wait3A_239] : memref<10000x16xf32, #tpu.memory_space<vmem_shared>> -> memref<64x16xf32, #tpu.memory_space<vmem_shared>>
        tpu.wait_dma2 semaphore(%run_scoped3A_234 : memref<!tpu.dma_semaphore, #tpu.memory_space<semaphore_mem>>) src(%dma_wait3A_240 : memref<64x16xf32, #tpu.memory_space<vmem_shared>>) dst(%dma_wait3A_238 : memref<64x16xf32, #tpu.memory_space<hbm>>)
        tpu.yield
      }) : () -> ()
    } else {
    }
    %eq3A_115 = arith.constant 15 : i32
    %eq3A_116 = arith.cmpi eq, %arg1, %eq3A_115 : i32
    %convert_element_type3A_117 = arith.extui %eq3A_116 : i1 to i32
    %cond3A_118 = arith.constant 0 : i32
    %cond3A_119 = arith.cmpi ne, %convert_element_type3A_117, %cond3A_118 : i32
    scf.if %cond3A_119 {
      %add3A_222 = arith.constant 0 : i32
      %add3A_223 = arith.addi %multiple_of3A_5, %add3A_222 : i32
      %add3A_224 = arith.constant 0 : i32
      %add3A_225 = arith.addi %multiple_of3A_5, %add3A_224 : i32
      "tpu.region"() ({
        %run_scoped3A_230 = tpu.sem_alloc : memref<!tpu.dma_semaphore, #tpu.memory_space<semaphore_mem>>
        %dma_start3A = arith.constant 0 : i32
        %dma_start3A_231 = tpu.memref_slice %arg9[%add3A_225, %dma_start3A] : memref<10000x16xf32, #tpu.memory_space<hbm>> -> memref<128x16xf32, #tpu.memory_space<hbm>>
        %dma_start3A_232 = arith.constant 0 : i32
        %dma_start3A_233 = tpu.memref_slice %arg19[%add3A_223, %dma_start3A_232] : memref<10000x16xf32, #tpu.memory_space<vmem_shared>> -> memref<128x16xf32, #tpu.memory_space<vmem_shared>>
        tpu.enqueue_dma source(%dma_start3A_233 : memref<128x16xf32, #tpu.memory_space<vmem_shared>>) target(%dma_start3A_231 : memref<128x16xf32, #tpu.memory_space<hbm>>) target_semaphore(%run_scoped3A_230 : memref<!tpu.dma_semaphore, #tpu.memory_space<semaphore_mem>>)
        %dma_wait3A = arith.constant 0 : i32
        %dma_wait3A_234 = tpu.memref_slice %arg9[%add3A_225, %dma_wait3A] : memref<10000x16xf32, #tpu.memory_space<hbm>> -> memref<128x16xf32, #tpu.memory_space<hbm>>
        %dma_wait3A_235 = arith.constant 0 : i32
        %dma_wait3A_236 = tpu.memref_slice %arg19[%add3A_223, %dma_wait3A_235] : memref<10000x16xf32, #tpu.memory_space<vmem_shared>> -> memref<128x16xf32, #tpu.memory_space<vmem_shared>>
        tpu.wait_dma2 semaphore(%run_scoped3A_230 : memref<!tpu.dma_semaphore, #tpu.memory_space<semaphore_mem>>) src(%dma_wait3A_236 : memref<128x16xf32, #tpu.memory_space<vmem_shared>>) dst(%dma_wait3A_234 : memref<128x16xf32, #tpu.memory_space<hbm>>)
        tpu.yield
      }) : () -> ()
      %add3A_226 = arith.constant 128 : i32
      %add3A_227 = arith.addi %multiple_of3A_5, %add3A_226 : i32
      %add3A_228 = arith.constant 128 : i32
      %add3A_229 = arith.addi %multiple_of3A_5, %add3A_228 : i32
      "tpu.region"() ({
        %run_scoped3A_230 = tpu.sem_alloc : memref<!tpu.dma_semaphore, #tpu.memory_space<semaphore_mem>>
        %dma_start3A = arith.constant 0 : i32
        %dma_start3A_231 = tpu.memref_slice %arg9[%add3A_229, %dma_start3A] : memref<10000x16xf32, #tpu.memory_space<hbm>> -> memref<72x16xf32, #tpu.memory_space<hbm>>
        %dma_start3A_232 = arith.constant 0 : i32
        %dma_start3A_233 = tpu.memref_slice %arg19[%add3A_227, %dma_start3A_232] : memref<10000x16xf32, #tpu.memory_space<vmem_shared>> -> memref<72x16xf32, #tpu.memory_space<vmem_shared>>
        tpu.enqueue_dma source(%dma_start3A_233 : memref<72x16xf32, #tpu.memory_space<vmem_shared>>) target(%dma_start3A_231 : memref<72x16xf32, #tpu.memory_space<hbm>>) target_semaphore(%run_scoped3A_230 : memref<!tpu.dma_semaphore, #tpu.memory_space<semaphore_mem>>)
        %dma_wait3A = arith.constant 0 : i32
        %dma_wait3A_234 = tpu.memref_slice %arg9[%add3A_229, %dma_wait3A] : memref<10000x16xf32, #tpu.memory_space<hbm>> -> memref<72x16xf32, #tpu.memory_space<hbm>>
        %dma_wait3A_235 = arith.constant 0 : i32
        %dma_wait3A_236 = tpu.memref_slice %arg19[%add3A_227, %dma_wait3A_235] : memref<10000x16xf32, #tpu.memory_space<vmem_shared>> -> memref<72x16xf32, #tpu.memory_space<vmem_shared>>
        tpu.wait_dma2 semaphore(%run_scoped3A_230 : memref<!tpu.dma_semaphore, #tpu.memory_space<semaphore_mem>>) src(%dma_wait3A_236 : memref<72x16xf32, #tpu.memory_space<vmem_shared>>) dst(%dma_wait3A_234 : memref<72x16xf32, #tpu.memory_space<hbm>>)
        tpu.yield
      }) : () -> ()
    } else {
    }
    %barrier3A_120 = arith.constant 0 : index
    tpu.barrier barrier_id(%barrier3A_120)
    %lt3A_121 = arith.constant 15 : i32
    %lt3A_122 = arith.cmpi slt, %arg1, %lt3A_121 : i32
    %convert_element_type3A_123 = arith.extui %lt3A_122 : i1 to i32
    %cond3A_124 = arith.constant 0 : i32
    %cond3A_125 = arith.cmpi ne, %convert_element_type3A_123, %cond3A_124 : i32
    scf.if %cond3A_125 {
      %add3A_222 = arith.constant 0 : i32
      %add3A_223 = arith.addi %multiple_of3A, %add3A_222 : i32
      "tpu.region"() ({
        %run_scoped3A_232 = tpu.sem_alloc : memref<!tpu.dma_semaphore, #tpu.memory_space<semaphore_mem>>
        %dma_start3A = arith.constant 0 : i32
        %dma_start3A_233 = arith.constant 0 : i32
        %dma_start3A_234 = tpu.memref_slice %arg15[%dma_start3A, %dma_start3A_233] : memref<128x64xf32, #tpu.memory_space<vmem>> -> memref<128x64xf32, #tpu.memory_space<vmem>>
        %dma_start3A_235 = arith.constant 0 : i32
        %dma_start3A_236 = tpu.memref_slice %arg18[%add3A_223, %dma_start3A_235] : memref<10000x64xf32, #tpu.memory_space<vmem_shared>> -> memref<128x64xf32, #tpu.memory_space<vmem_shared>>
        %dma_start3A_237 = arith.constant 0 : i32
        %dma_start3A_238 = tpu.memref_slice %arg18[%add3A_223, %dma_start3A_237] : memref<10000x64xf32, #tpu.memory_space<vmem_shared>> -> memref<128x64xf32, #tpu.memory_space<vmem_shared>>
        %dma_start3A_239 = arith.constant 0 : i32
        %dma_start3A_240 = arith.constant 0 : i32
        %dma_start3A_241 = tpu.memref_slice %arg15[%dma_start3A_239, %dma_start3A_240] : memref<128x64xf32, #tpu.memory_space<vmem>> -> memref<128x64xf32, #tpu.memory_space<vmem>>
        tpu.enqueue_dma source(%dma_start3A_241 : memref<128x64xf32, #tpu.memory_space<vmem>>) target(%dma_start3A_238 : memref<128x64xf32, #tpu.memory_space<vmem_shared>>) target_semaphore(%run_scoped3A_232 : memref<!tpu.dma_semaphore, #tpu.memory_space<semaphore_mem>>)
        %dma_wait3A = arith.constant 0 : i32
        %dma_wait3A_242 = arith.constant 0 : i32
        %dma_wait3A_243 = tpu.memref_slice %arg15[%dma_wait3A, %dma_wait3A_242] : memref<128x64xf32, #tpu.memory_space<vmem>> -> memref<128x64xf32, #tpu.memory_space<vmem>>
        %dma_wait3A_244 = arith.constant 0 : i32
        %dma_wait3A_245 = tpu.memref_slice %arg18[%add3A_223, %dma_wait3A_244] : memref<10000x64xf32, #tpu.memory_space<vmem_shared>> -> memref<128x64xf32, #tpu.memory_space<vmem_shared>>
        %dma_wait3A_246 = arith.constant 0 : i32
        %dma_wait3A_247 = tpu.memref_slice %arg18[%add3A_223, %dma_wait3A_246] : memref<10000x64xf32, #tpu.memory_space<vmem_shared>> -> memref<128x64xf32, #tpu.memory_space<vmem_shared>>
        %dma_wait3A_248 = arith.constant 0 : i32
        %dma_wait3A_249 = arith.constant 0 : i32
        %dma_wait3A_250 = tpu.memref_slice %arg15[%dma_wait3A_248, %dma_wait3A_249] : memref<128x64xf32, #tpu.memory_space<vmem>> -> memref<128x64xf32, #tpu.memory_space<vmem>>
        tpu.wait_dma2 semaphore(%run_scoped3A_232 : memref<!tpu.dma_semaphore, #tpu.memory_space<semaphore_mem>>) src(%dma_wait3A_250 : memref<128x64xf32, #tpu.memory_space<vmem>>) dst(%dma_wait3A_247 : memref<128x64xf32, #tpu.memory_space<vmem_shared>>)
        tpu.yield
      }) : () -> ()
      %add3A_224 = arith.constant 128 : i32
      %add3A_225 = arith.addi %multiple_of3A, %add3A_224 : i32
      "tpu.region"() ({
        %run_scoped3A_232 = tpu.sem_alloc : memref<!tpu.dma_semaphore, #tpu.memory_space<semaphore_mem>>
        %dma_start3A = arith.constant 0 : i32
        %dma_start3A_233 = arith.constant 0 : i32
        %dma_start3A_234 = tpu.memref_slice %arg15[%dma_start3A, %dma_start3A_233] : memref<128x64xf32, #tpu.memory_space<vmem>> -> memref<128x64xf32, #tpu.memory_space<vmem>>
        %dma_start3A_235 = arith.constant 0 : i32
        %dma_start3A_236 = tpu.memref_slice %arg18[%add3A_225, %dma_start3A_235] : memref<10000x64xf32, #tpu.memory_space<vmem_shared>> -> memref<128x64xf32, #tpu.memory_space<vmem_shared>>
        %dma_start3A_237 = arith.constant 0 : i32
        %dma_start3A_238 = tpu.memref_slice %arg18[%add3A_225, %dma_start3A_237] : memref<10000x64xf32, #tpu.memory_space<vmem_shared>> -> memref<128x64xf32, #tpu.memory_space<vmem_shared>>
        %dma_start3A_239 = arith.constant 0 : i32
        %dma_start3A_240 = arith.constant 0 : i32
        %dma_start3A_241 = tpu.memref_slice %arg15[%dma_start3A_239, %dma_start3A_240] : memref<128x64xf32, #tpu.memory_space<vmem>> -> memref<128x64xf32, #tpu.memory_space<vmem>>
        tpu.enqueue_dma source(%dma_start3A_241 : memref<128x64xf32, #tpu.memory_space<vmem>>) target(%dma_start3A_238 : memref<128x64xf32, #tpu.memory_space<vmem_shared>>) target_semaphore(%run_scoped3A_232 : memref<!tpu.dma_semaphore, #tpu.memory_space<semaphore_mem>>)
        %dma_wait3A = arith.constant 0 : i32
        %dma_wait3A_242 = arith.constant 0 : i32
        %dma_wait3A_243 = tpu.memref_slice %arg15[%dma_wait3A, %dma_wait3A_242] : memref<128x64xf32, #tpu.memory_space<vmem>> -> memref<128x64xf32, #tpu.memory_space<vmem>>
        %dma_wait3A_244 = arith.constant 0 : i32
        %dma_wait3A_245 = tpu.memref_slice %arg18[%add3A_225, %dma_wait3A_244] : memref<10000x64xf32, #tpu.memory_space<vmem_shared>> -> memref<128x64xf32, #tpu.memory_space<vmem_shared>>
        %dma_wait3A_246 = arith.constant 0 : i32
        %dma_wait3A_247 = tpu.memref_slice %arg18[%add3A_225, %dma_wait3A_246] : memref<10000x64xf32, #tpu.memory_space<vmem_shared>> -> memref<128x64xf32, #tpu.memory_space<vmem_shared>>
        %dma_wait3A_248 = arith.constant 0 : i32
        %dma_wait3A_249 = arith.constant 0 : i32
        %dma_wait3A_250 = tpu.memref_slice %arg15[%dma_wait3A_248, %dma_wait3A_249] : memref<128x64xf32, #tpu.memory_space<vmem>> -> memref<128x64xf32, #tpu.memory_space<vmem>>
        tpu.wait_dma2 semaphore(%run_scoped3A_232 : memref<!tpu.dma_semaphore, #tpu.memory_space<semaphore_mem>>) src(%dma_wait3A_250 : memref<128x64xf32, #tpu.memory_space<vmem>>) dst(%dma_wait3A_247 : memref<128x64xf32, #tpu.memory_space<vmem_shared>>)
        tpu.yield
      }) : () -> ()
      %add3A_226 = arith.constant 256 : i32
      %add3A_227 = arith.addi %multiple_of3A, %add3A_226 : i32
      "tpu.region"() ({
        %run_scoped3A_232 = tpu.sem_alloc : memref<!tpu.dma_semaphore, #tpu.memory_space<semaphore_mem>>
        %dma_start3A = arith.constant 0 : i32
        %dma_start3A_233 = arith.constant 0 : i32
        %dma_start3A_234 = tpu.memref_slice %arg15[%dma_start3A, %dma_start3A_233] : memref<128x64xf32, #tpu.memory_space<vmem>> -> memref<128x64xf32, #tpu.memory_space<vmem>>
        %dma_start3A_235 = arith.constant 0 : i32
        %dma_start3A_236 = tpu.memref_slice %arg18[%add3A_227, %dma_start3A_235] : memref<10000x64xf32, #tpu.memory_space<vmem_shared>> -> memref<128x64xf32, #tpu.memory_space<vmem_shared>>
        %dma_start3A_237 = arith.constant 0 : i32
        %dma_start3A_238 = tpu.memref_slice %arg18[%add3A_227, %dma_start3A_237] : memref<10000x64xf32, #tpu.memory_space<vmem_shared>> -> memref<128x64xf32, #tpu.memory_space<vmem_shared>>
        %dma_start3A_239 = arith.constant 0 : i32
        %dma_start3A_240 = arith.constant 0 : i32
        %dma_start3A_241 = tpu.memref_slice %arg15[%dma_start3A_239, %dma_start3A_240] : memref<128x64xf32, #tpu.memory_space<vmem>> -> memref<128x64xf32, #tpu.memory_space<vmem>>
        tpu.enqueue_dma source(%dma_start3A_241 : memref<128x64xf32, #tpu.memory_space<vmem>>) target(%dma_start3A_238 : memref<128x64xf32, #tpu.memory_space<vmem_shared>>) target_semaphore(%run_scoped3A_232 : memref<!tpu.dma_semaphore, #tpu.memory_space<semaphore_mem>>)
        %dma_wait3A = arith.constant 0 : i32
        %dma_wait3A_242 = arith.constant 0 : i32
        %dma_wait3A_243 = tpu.memref_slice %arg15[%dma_wait3A, %dma_wait3A_242] : memref<128x64xf32, #tpu.memory_space<vmem>> -> memref<128x64xf32, #tpu.memory_space<vmem>>
        %dma_wait3A_244 = arith.constant 0 : i32
        %dma_wait3A_245 = tpu.memref_slice %arg18[%add3A_227, %dma_wait3A_244] : memref<10000x64xf32, #tpu.memory_space<vmem_shared>> -> memref<128x64xf32, #tpu.memory_space<vmem_shared>>
        %dma_wait3A_246 = arith.constant 0 : i32
        %dma_wait3A_247 = tpu.memref_slice %arg18[%add3A_227, %dma_wait3A_246] : memref<10000x64xf32, #tpu.memory_space<vmem_shared>> -> memref<128x64xf32, #tpu.memory_space<vmem_shared>>
        %dma_wait3A_248 = arith.constant 0 : i32
        %dma_wait3A_249 = arith.constant 0 : i32
        %dma_wait3A_250 = tpu.memref_slice %arg15[%dma_wait3A_248, %dma_wait3A_249] : memref<128x64xf32, #tpu.memory_space<vmem>> -> memref<128x64xf32, #tpu.memory_space<vmem>>
        tpu.wait_dma2 semaphore(%run_scoped3A_232 : memref<!tpu.dma_semaphore, #tpu.memory_space<semaphore_mem>>) src(%dma_wait3A_250 : memref<128x64xf32, #tpu.memory_space<vmem>>) dst(%dma_wait3A_247 : memref<128x64xf32, #tpu.memory_space<vmem_shared>>)
        tpu.yield
      }) : () -> ()
      %add3A_228 = arith.constant 384 : i32
      %add3A_229 = arith.addi %multiple_of3A, %add3A_228 : i32
      "tpu.region"() ({
        %run_scoped3A_232 = tpu.sem_alloc : memref<!tpu.dma_semaphore, #tpu.memory_space<semaphore_mem>>
        %dma_start3A = arith.constant 0 : i32
        %dma_start3A_233 = arith.constant 0 : i32
        %dma_start3A_234 = tpu.memref_slice %arg15[%dma_start3A, %dma_start3A_233] : memref<128x64xf32, #tpu.memory_space<vmem>> -> memref<128x64xf32, #tpu.memory_space<vmem>>
        %dma_start3A_235 = arith.constant 0 : i32
        %dma_start3A_236 = tpu.memref_slice %arg18[%add3A_229, %dma_start3A_235] : memref<10000x64xf32, #tpu.memory_space<vmem_shared>> -> memref<128x64xf32, #tpu.memory_space<vmem_shared>>
        %dma_start3A_237 = arith.constant 0 : i32
        %dma_start3A_238 = tpu.memref_slice %arg18[%add3A_229, %dma_start3A_237] : memref<10000x64xf32, #tpu.memory_space<vmem_shared>> -> memref<128x64xf32, #tpu.memory_space<vmem_shared>>
        %dma_start3A_239 = arith.constant 0 : i32
        %dma_start3A_240 = arith.constant 0 : i32
        %dma_start3A_241 = tpu.memref_slice %arg15[%dma_start3A_239, %dma_start3A_240] : memref<128x64xf32, #tpu.memory_space<vmem>> -> memref<128x64xf32, #tpu.memory_space<vmem>>
        tpu.enqueue_dma source(%dma_start3A_241 : memref<128x64xf32, #tpu.memory_space<vmem>>) target(%dma_start3A_238 : memref<128x64xf32, #tpu.memory_space<vmem_shared>>) target_semaphore(%run_scoped3A_232 : memref<!tpu.dma_semaphore, #tpu.memory_space<semaphore_mem>>)
        %dma_wait3A = arith.constant 0 : i32
        %dma_wait3A_242 = arith.constant 0 : i32
        %dma_wait3A_243 = tpu.memref_slice %arg15[%dma_wait3A, %dma_wait3A_242] : memref<128x64xf32, #tpu.memory_space<vmem>> -> memref<128x64xf32, #tpu.memory_space<vmem>>
        %dma_wait3A_244 = arith.constant 0 : i32
        %dma_wait3A_245 = tpu.memref_slice %arg18[%add3A_229, %dma_wait3A_244] : memref<10000x64xf32, #tpu.memory_space<vmem_shared>> -> memref<128x64xf32, #tpu.memory_space<vmem_shared>>
        %dma_wait3A_246 = arith.constant 0 : i32
        %dma_wait3A_247 = tpu.memref_slice %arg18[%add3A_229, %dma_wait3A_246] : memref<10000x64xf32, #tpu.memory_space<vmem_shared>> -> memref<128x64xf32, #tpu.memory_space<vmem_shared>>
        %dma_wait3A_248 = arith.constant 0 : i32
        %dma_wait3A_249 = arith.constant 0 : i32
        %dma_wait3A_250 = tpu.memref_slice %arg15[%dma_wait3A_248, %dma_wait3A_249] : memref<128x64xf32, #tpu.memory_space<vmem>> -> memref<128x64xf32, #tpu.memory_space<vmem>>
        tpu.wait_dma2 semaphore(%run_scoped3A_232 : memref<!tpu.dma_semaphore, #tpu.memory_space<semaphore_mem>>) src(%dma_wait3A_250 : memref<128x64xf32, #tpu.memory_space<vmem>>) dst(%dma_wait3A_247 : memref<128x64xf32, #tpu.memory_space<vmem_shared>>)
        tpu.yield
      }) : () -> ()
      %add3A_230 = arith.constant 512 : i32
      %add3A_231 = arith.addi %multiple_of3A, %add3A_230 : i32
      "tpu.region"() ({
        %run_scoped3A_232 = tpu.sem_alloc : memref<!tpu.dma_semaphore, #tpu.memory_space<semaphore_mem>>
        %dma_start3A = arith.constant 0 : i32
        %dma_start3A_233 = arith.constant 0 : i32
        %dma_start3A_234 = tpu.memref_slice %arg15[%dma_start3A, %dma_start3A_233] : memref<128x64xf32, #tpu.memory_space<vmem>> -> memref<128x64xf32, #tpu.memory_space<vmem>>
        %dma_start3A_235 = arith.constant 0 : i32
        %dma_start3A_236 = tpu.memref_slice %arg18[%add3A_231, %dma_start3A_235] : memref<10000x64xf32, #tpu.memory_space<vmem_shared>> -> memref<128x64xf32, #tpu.memory_space<vmem_shared>>
        %dma_start3A_237 = arith.constant 0 : i32
        %dma_start3A_238 = tpu.memref_slice %arg18[%add3A_231, %dma_start3A_237] : memref<10000x64xf32, #tpu.memory_space<vmem_shared>> -> memref<128x64xf32, #tpu.memory_space<vmem_shared>>
        %dma_start3A_239 = arith.constant 0 : i32
        %dma_start3A_240 = arith.constant 0 : i32
        %dma_start3A_241 = tpu.memref_slice %arg15[%dma_start3A_239, %dma_start3A_240] : memref<128x64xf32, #tpu.memory_space<vmem>> -> memref<128x64xf32, #tpu.memory_space<vmem>>
        tpu.enqueue_dma source(%dma_start3A_241 : memref<128x64xf32, #tpu.memory_space<vmem>>) target(%dma_start3A_238 : memref<128x64xf32, #tpu.memory_space<vmem_shared>>) target_semaphore(%run_scoped3A_232 : memref<!tpu.dma_semaphore, #tpu.memory_space<semaphore_mem>>)
        %dma_wait3A = arith.constant 0 : i32
        %dma_wait3A_242 = arith.constant 0 : i32
        %dma_wait3A_243 = tpu.memref_slice %arg15[%dma_wait3A, %dma_wait3A_242] : memref<128x64xf32, #tpu.memory_space<vmem>> -> memref<128x64xf32, #tpu.memory_space<vmem>>
        %dma_wait3A_244 = arith.constant 0 : i32
        %dma_wait3A_245 = tpu.memref_slice %arg18[%add3A_231, %dma_wait3A_244] : memref<10000x64xf32, #tpu.memory_space<vmem_shared>> -> memref<128x64xf32, #tpu.memory_space<vmem_shared>>
        %dma_wait3A_246 = arith.constant 0 : i32
        %dma_wait3A_247 = tpu.memref_slice %arg18[%add3A_231, %dma_wait3A_246] : memref<10000x64xf32, #tpu.memory_space<vmem_shared>> -> memref<128x64xf32, #tpu.memory_space<vmem_shared>>
        %dma_wait3A_248 = arith.constant 0 : i32
        %dma_wait3A_249 = arith.constant 0 : i32
        %dma_wait3A_250 = tpu.memref_slice %arg15[%dma_wait3A_248, %dma_wait3A_249] : memref<128x64xf32, #tpu.memory_space<vmem>> -> memref<128x64xf32, #tpu.memory_space<vmem>>
        tpu.wait_dma2 semaphore(%run_scoped3A_232 : memref<!tpu.dma_semaphore, #tpu.memory_space<semaphore_mem>>) src(%dma_wait3A_250 : memref<128x64xf32, #tpu.memory_space<vmem>>) dst(%dma_wait3A_247 : memref<128x64xf32, #tpu.memory_space<vmem_shared>>)
        tpu.yield
      }) : () -> ()
    } else {
    }
    %eq3A_126 = arith.constant 15 : i32
    %eq3A_127 = arith.cmpi eq, %arg1, %eq3A_126 : i32
    %convert_element_type3A_128 = arith.extui %eq3A_127 : i1 to i32
    %cond3A_129 = arith.constant 0 : i32
    %cond3A_130 = arith.cmpi ne, %convert_element_type3A_128, %cond3A_129 : i32
    scf.if %cond3A_130 {
      %add3A_222 = arith.constant 0 : i32
      %add3A_223 = arith.addi %multiple_of3A, %add3A_222 : i32
      "tpu.region"() ({
        %run_scoped3A_230 = tpu.sem_alloc : memref<!tpu.dma_semaphore, #tpu.memory_space<semaphore_mem>>
        %dma_start3A = arith.constant 0 : i32
        %dma_start3A_231 = arith.constant 0 : i32
        %dma_start3A_232 = tpu.memref_slice %arg15[%dma_start3A, %dma_start3A_231] : memref<128x64xf32, #tpu.memory_space<vmem>> -> memref<128x64xf32, #tpu.memory_space<vmem>>
        %dma_start3A_233 = arith.constant 0 : i32
        %dma_start3A_234 = tpu.memref_slice %arg18[%add3A_223, %dma_start3A_233] : memref<10000x64xf32, #tpu.memory_space<vmem_shared>> -> memref<128x64xf32, #tpu.memory_space<vmem_shared>>
        %dma_start3A_235 = arith.constant 0 : i32
        %dma_start3A_236 = tpu.memref_slice %arg18[%add3A_223, %dma_start3A_235] : memref<10000x64xf32, #tpu.memory_space<vmem_shared>> -> memref<128x64xf32, #tpu.memory_space<vmem_shared>>
        %dma_start3A_237 = arith.constant 0 : i32
        %dma_start3A_238 = arith.constant 0 : i32
        %dma_start3A_239 = tpu.memref_slice %arg15[%dma_start3A_237, %dma_start3A_238] : memref<128x64xf32, #tpu.memory_space<vmem>> -> memref<128x64xf32, #tpu.memory_space<vmem>>
        tpu.enqueue_dma source(%dma_start3A_239 : memref<128x64xf32, #tpu.memory_space<vmem>>) target(%dma_start3A_236 : memref<128x64xf32, #tpu.memory_space<vmem_shared>>) target_semaphore(%run_scoped3A_230 : memref<!tpu.dma_semaphore, #tpu.memory_space<semaphore_mem>>)
        %dma_wait3A = arith.constant 0 : i32
        %dma_wait3A_240 = arith.constant 0 : i32
        %dma_wait3A_241 = tpu.memref_slice %arg15[%dma_wait3A, %dma_wait3A_240] : memref<128x64xf32, #tpu.memory_space<vmem>> -> memref<128x64xf32, #tpu.memory_space<vmem>>
        %dma_wait3A_242 = arith.constant 0 : i32
        %dma_wait3A_243 = tpu.memref_slice %arg18[%add3A_223, %dma_wait3A_242] : memref<10000x64xf32, #tpu.memory_space<vmem_shared>> -> memref<128x64xf32, #tpu.memory_space<vmem_shared>>
        %dma_wait3A_244 = arith.constant 0 : i32
        %dma_wait3A_245 = tpu.memref_slice %arg18[%add3A_223, %dma_wait3A_244] : memref<10000x64xf32, #tpu.memory_space<vmem_shared>> -> memref<128x64xf32, #tpu.memory_space<vmem_shared>>
        %dma_wait3A_246 = arith.constant 0 : i32
        %dma_wait3A_247 = arith.constant 0 : i32
        %dma_wait3A_248 = tpu.memref_slice %arg15[%dma_wait3A_246, %dma_wait3A_247] : memref<128x64xf32, #tpu.memory_space<vmem>> -> memref<128x64xf32, #tpu.memory_space<vmem>>
        tpu.wait_dma2 semaphore(%run_scoped3A_230 : memref<!tpu.dma_semaphore, #tpu.memory_space<semaphore_mem>>) src(%dma_wait3A_248 : memref<128x64xf32, #tpu.memory_space<vmem>>) dst(%dma_wait3A_245 : memref<128x64xf32, #tpu.memory_space<vmem_shared>>)
        tpu.yield
      }) : () -> ()
      %add3A_224 = arith.constant 128 : i32
      %add3A_225 = arith.addi %multiple_of3A, %add3A_224 : i32
      "tpu.region"() ({
        %run_scoped3A_230 = tpu.sem_alloc : memref<!tpu.dma_semaphore, #tpu.memory_space<semaphore_mem>>
        %dma_start3A = arith.constant 0 : i32
        %dma_start3A_231 = arith.constant 0 : i32
        %dma_start3A_232 = tpu.memref_slice %arg15[%dma_start3A, %dma_start3A_231] : memref<128x64xf32, #tpu.memory_space<vmem>> -> memref<128x64xf32, #tpu.memory_space<vmem>>
        %dma_start3A_233 = arith.constant 0 : i32
        %dma_start3A_234 = tpu.memref_slice %arg18[%add3A_225, %dma_start3A_233] : memref<10000x64xf32, #tpu.memory_space<vmem_shared>> -> memref<128x64xf32, #tpu.memory_space<vmem_shared>>
        %dma_start3A_235 = arith.constant 0 : i32
        %dma_start3A_236 = tpu.memref_slice %arg18[%add3A_225, %dma_start3A_235] : memref<10000x64xf32, #tpu.memory_space<vmem_shared>> -> memref<128x64xf32, #tpu.memory_space<vmem_shared>>
        %dma_start3A_237 = arith.constant 0 : i32
        %dma_start3A_238 = arith.constant 0 : i32
        %dma_start3A_239 = tpu.memref_slice %arg15[%dma_start3A_237, %dma_start3A_238] : memref<128x64xf32, #tpu.memory_space<vmem>> -> memref<128x64xf32, #tpu.memory_space<vmem>>
        tpu.enqueue_dma source(%dma_start3A_239 : memref<128x64xf32, #tpu.memory_space<vmem>>) target(%dma_start3A_236 : memref<128x64xf32, #tpu.memory_space<vmem_shared>>) target_semaphore(%run_scoped3A_230 : memref<!tpu.dma_semaphore, #tpu.memory_space<semaphore_mem>>)
        %dma_wait3A = arith.constant 0 : i32
        %dma_wait3A_240 = arith.constant 0 : i32
        %dma_wait3A_241 = tpu.memref_slice %arg15[%dma_wait3A, %dma_wait3A_240] : memref<128x64xf32, #tpu.memory_space<vmem>> -> memref<128x64xf32, #tpu.memory_space<vmem>>
        %dma_wait3A_242 = arith.constant 0 : i32
        %dma_wait3A_243 = tpu.memref_slice %arg18[%add3A_225, %dma_wait3A_242] : memref<10000x64xf32, #tpu.memory_space<vmem_shared>> -> memref<128x64xf32, #tpu.memory_space<vmem_shared>>
        %dma_wait3A_244 = arith.constant 0 : i32
        %dma_wait3A_245 = tpu.memref_slice %arg18[%add3A_225, %dma_wait3A_244] : memref<10000x64xf32, #tpu.memory_space<vmem_shared>> -> memref<128x64xf32, #tpu.memory_space<vmem_shared>>
        %dma_wait3A_246 = arith.constant 0 : i32
        %dma_wait3A_247 = arith.constant 0 : i32
        %dma_wait3A_248 = tpu.memref_slice %arg15[%dma_wait3A_246, %dma_wait3A_247] : memref<128x64xf32, #tpu.memory_space<vmem>> -> memref<128x64xf32, #tpu.memory_space<vmem>>
        tpu.wait_dma2 semaphore(%run_scoped3A_230 : memref<!tpu.dma_semaphore, #tpu.memory_space<semaphore_mem>>) src(%dma_wait3A_248 : memref<128x64xf32, #tpu.memory_space<vmem>>) dst(%dma_wait3A_245 : memref<128x64xf32, #tpu.memory_space<vmem_shared>>)
        tpu.yield
      }) : () -> ()
      %add3A_226 = arith.constant 256 : i32
      %add3A_227 = arith.addi %multiple_of3A, %add3A_226 : i32
      "tpu.region"() ({
        %run_scoped3A_230 = tpu.sem_alloc : memref<!tpu.dma_semaphore, #tpu.memory_space<semaphore_mem>>
        %dma_start3A = arith.constant 0 : i32
        %dma_start3A_231 = arith.constant 0 : i32
        %dma_start3A_232 = tpu.memref_slice %arg15[%dma_start3A, %dma_start3A_231] : memref<128x64xf32, #tpu.memory_space<vmem>> -> memref<128x64xf32, #tpu.memory_space<vmem>>
        %dma_start3A_233 = arith.constant 0 : i32
        %dma_start3A_234 = tpu.memref_slice %arg18[%add3A_227, %dma_start3A_233] : memref<10000x64xf32, #tpu.memory_space<vmem_shared>> -> memref<128x64xf32, #tpu.memory_space<vmem_shared>>
        %dma_start3A_235 = arith.constant 0 : i32
        %dma_start3A_236 = tpu.memref_slice %arg18[%add3A_227, %dma_start3A_235] : memref<10000x64xf32, #tpu.memory_space<vmem_shared>> -> memref<128x64xf32, #tpu.memory_space<vmem_shared>>
        %dma_start3A_237 = arith.constant 0 : i32
        %dma_start3A_238 = arith.constant 0 : i32
        %dma_start3A_239 = tpu.memref_slice %arg15[%dma_start3A_237, %dma_start3A_238] : memref<128x64xf32, #tpu.memory_space<vmem>> -> memref<128x64xf32, #tpu.memory_space<vmem>>
        tpu.enqueue_dma source(%dma_start3A_239 : memref<128x64xf32, #tpu.memory_space<vmem>>) target(%dma_start3A_236 : memref<128x64xf32, #tpu.memory_space<vmem_shared>>) target_semaphore(%run_scoped3A_230 : memref<!tpu.dma_semaphore, #tpu.memory_space<semaphore_mem>>)
        %dma_wait3A = arith.constant 0 : i32
        %dma_wait3A_240 = arith.constant 0 : i32
        %dma_wait3A_241 = tpu.memref_slice %arg15[%dma_wait3A, %dma_wait3A_240] : memref<128x64xf32, #tpu.memory_space<vmem>> -> memref<128x64xf32, #tpu.memory_space<vmem>>
        %dma_wait3A_242 = arith.constant 0 : i32
        %dma_wait3A_243 = tpu.memref_slice %arg18[%add3A_227, %dma_wait3A_242] : memref<10000x64xf32, #tpu.memory_space<vmem_shared>> -> memref<128x64xf32, #tpu.memory_space<vmem_shared>>
        %dma_wait3A_244 = arith.constant 0 : i32
        %dma_wait3A_245 = tpu.memref_slice %arg18[%add3A_227, %dma_wait3A_244] : memref<10000x64xf32, #tpu.memory_space<vmem_shared>> -> memref<128x64xf32, #tpu.memory_space<vmem_shared>>
        %dma_wait3A_246 = arith.constant 0 : i32
        %dma_wait3A_247 = arith.constant 0 : i32
        %dma_wait3A_248 = tpu.memref_slice %arg15[%dma_wait3A_246, %dma_wait3A_247] : memref<128x64xf32, #tpu.memory_space<vmem>> -> memref<128x64xf32, #tpu.memory_space<vmem>>
        tpu.wait_dma2 semaphore(%run_scoped3A_230 : memref<!tpu.dma_semaphore, #tpu.memory_space<semaphore_mem>>) src(%dma_wait3A_248 : memref<128x64xf32, #tpu.memory_space<vmem>>) dst(%dma_wait3A_245 : memref<128x64xf32, #tpu.memory_space<vmem_shared>>)
        tpu.yield
      }) : () -> ()
      %add3A_228 = arith.constant 384 : i32
      %add3A_229 = arith.addi %multiple_of3A, %add3A_228 : i32
      "tpu.region"() ({
        %run_scoped3A_230 = tpu.sem_alloc : memref<!tpu.dma_semaphore, #tpu.memory_space<semaphore_mem>>
        %dma_start3A = arith.constant 0 : i32
        %dma_start3A_231 = arith.constant 0 : i32
        %dma_start3A_232 = tpu.memref_slice %arg15[%dma_start3A, %dma_start3A_231] : memref<128x64xf32, #tpu.memory_space<vmem>> -> memref<16x64xf32, #tpu.memory_space<vmem>>
        %dma_start3A_233 = arith.constant 0 : i32
        %dma_start3A_234 = tpu.memref_slice %arg18[%add3A_229, %dma_start3A_233] : memref<10000x64xf32, #tpu.memory_space<vmem_shared>> -> memref<16x64xf32, #tpu.memory_space<vmem_shared>>
        %dma_start3A_235 = arith.constant 0 : i32
        %dma_start3A_236 = tpu.memref_slice %arg18[%add3A_229, %dma_start3A_235] : memref<10000x64xf32, #tpu.memory_space<vmem_shared>> -> memref<16x64xf32, #tpu.memory_space<vmem_shared>>
        %dma_start3A_237 = arith.constant 0 : i32
        %dma_start3A_238 = arith.constant 0 : i32
        %dma_start3A_239 = tpu.memref_slice %arg15[%dma_start3A_237, %dma_start3A_238] : memref<128x64xf32, #tpu.memory_space<vmem>> -> memref<16x64xf32, #tpu.memory_space<vmem>>
        tpu.enqueue_dma source(%dma_start3A_239 : memref<16x64xf32, #tpu.memory_space<vmem>>) target(%dma_start3A_236 : memref<16x64xf32, #tpu.memory_space<vmem_shared>>) target_semaphore(%run_scoped3A_230 : memref<!tpu.dma_semaphore, #tpu.memory_space<semaphore_mem>>)
        %dma_wait3A = arith.constant 0 : i32
        %dma_wait3A_240 = arith.constant 0 : i32
        %dma_wait3A_241 = tpu.memref_slice %arg15[%dma_wait3A, %dma_wait3A_240] : memref<128x64xf32, #tpu.memory_space<vmem>> -> memref<16x64xf32, #tpu.memory_space<vmem>>
        %dma_wait3A_242 = arith.constant 0 : i32
        %dma_wait3A_243 = tpu.memref_slice %arg18[%add3A_229, %dma_wait3A_242] : memref<10000x64xf32, #tpu.memory_space<vmem_shared>> -> memref<16x64xf32, #tpu.memory_space<vmem_shared>>
        %dma_wait3A_244 = arith.constant 0 : i32
        %dma_wait3A_245 = tpu.memref_slice %arg18[%add3A_229, %dma_wait3A_244] : memref<10000x64xf32, #tpu.memory_space<vmem_shared>> -> memref<16x64xf32, #tpu.memory_space<vmem_shared>>
        %dma_wait3A_246 = arith.constant 0 : i32
        %dma_wait3A_247 = arith.constant 0 : i32
        %dma_wait3A_248 = tpu.memref_slice %arg15[%dma_wait3A_246, %dma_wait3A_247] : memref<128x64xf32, #tpu.memory_space<vmem>> -> memref<16x64xf32, #tpu.memory_space<vmem>>
        tpu.wait_dma2 semaphore(%run_scoped3A_230 : memref<!tpu.dma_semaphore, #tpu.memory_space<semaphore_mem>>) src(%dma_wait3A_248 : memref<16x64xf32, #tpu.memory_space<vmem>>) dst(%dma_wait3A_245 : memref<16x64xf32, #tpu.memory_space<vmem_shared>>)
        tpu.yield
      }) : () -> ()
    } else {
    }
    %lt3A_131 = arith.constant 15 : i32
    %lt3A_132 = arith.cmpi slt, %arg1, %lt3A_131 : i32
    %convert_element_type3A_133 = arith.extui %lt3A_132 : i1 to i32
    %cond3A_134 = arith.constant 0 : i32
    %cond3A_135 = arith.cmpi ne, %convert_element_type3A_133, %cond3A_134 : i32
    scf.if %cond3A_135 {
      %add3A_222 = arith.constant 0 : i32
      %add3A_223 = arith.addi %multiple_of3A, %add3A_222 : i32
      "tpu.region"() ({
        %run_scoped3A_232 = tpu.sem_alloc : memref<!tpu.dma_semaphore, #tpu.memory_space<semaphore_mem>>
        %dma_start3A = arith.constant 0 : i32
        %dma_start3A_233 = arith.constant 0 : i32
        %dma_start3A_234 = tpu.memref_slice %arg16[%dma_start3A, %dma_start3A_233] : memref<128x16xf32, #tpu.memory_space<vmem>> -> memref<128x16xf32, #tpu.memory_space<vmem>>
        %dma_start3A_235 = arith.constant 0 : i32
        %dma_start3A_236 = tpu.memref_slice %arg19[%add3A_223, %dma_start3A_235] : memref<10000x16xf32, #tpu.memory_space<vmem_shared>> -> memref<128x16xf32, #tpu.memory_space<vmem_shared>>
        %dma_start3A_237 = arith.constant 0 : i32
        %dma_start3A_238 = tpu.memref_slice %arg19[%add3A_223, %dma_start3A_237] : memref<10000x16xf32, #tpu.memory_space<vmem_shared>> -> memref<128x16xf32, #tpu.memory_space<vmem_shared>>
        %dma_start3A_239 = arith.constant 0 : i32
        %dma_start3A_240 = arith.constant 0 : i32
        %dma_start3A_241 = tpu.memref_slice %arg16[%dma_start3A_239, %dma_start3A_240] : memref<128x16xf32, #tpu.memory_space<vmem>> -> memref<128x16xf32, #tpu.memory_space<vmem>>
        tpu.enqueue_dma source(%dma_start3A_241 : memref<128x16xf32, #tpu.memory_space<vmem>>) target(%dma_start3A_238 : memref<128x16xf32, #tpu.memory_space<vmem_shared>>) target_semaphore(%run_scoped3A_232 : memref<!tpu.dma_semaphore, #tpu.memory_space<semaphore_mem>>)
        %dma_wait3A = arith.constant 0 : i32
        %dma_wait3A_242 = arith.constant 0 : i32
        %dma_wait3A_243 = tpu.memref_slice %arg16[%dma_wait3A, %dma_wait3A_242] : memref<128x16xf32, #tpu.memory_space<vmem>> -> memref<128x16xf32, #tpu.memory_space<vmem>>
        %dma_wait3A_244 = arith.constant 0 : i32
        %dma_wait3A_245 = tpu.memref_slice %arg19[%add3A_223, %dma_wait3A_244] : memref<10000x16xf32, #tpu.memory_space<vmem_shared>> -> memref<128x16xf32, #tpu.memory_space<vmem_shared>>
        %dma_wait3A_246 = arith.constant 0 : i32
        %dma_wait3A_247 = tpu.memref_slice %arg19[%add3A_223, %dma_wait3A_246] : memref<10000x16xf32, #tpu.memory_space<vmem_shared>> -> memref<128x16xf32, #tpu.memory_space<vmem_shared>>
        %dma_wait3A_248 = arith.constant 0 : i32
        %dma_wait3A_249 = arith.constant 0 : i32
        %dma_wait3A_250 = tpu.memref_slice %arg16[%dma_wait3A_248, %dma_wait3A_249] : memref<128x16xf32, #tpu.memory_space<vmem>> -> memref<128x16xf32, #tpu.memory_space<vmem>>
        tpu.wait_dma2 semaphore(%run_scoped3A_232 : memref<!tpu.dma_semaphore, #tpu.memory_space<semaphore_mem>>) src(%dma_wait3A_250 : memref<128x16xf32, #tpu.memory_space<vmem>>) dst(%dma_wait3A_247 : memref<128x16xf32, #tpu.memory_space<vmem_shared>>)
        tpu.yield
      }) : () -> ()
      %add3A_224 = arith.constant 128 : i32
      %add3A_225 = arith.addi %multiple_of3A, %add3A_224 : i32
      "tpu.region"() ({
        %run_scoped3A_232 = tpu.sem_alloc : memref<!tpu.dma_semaphore, #tpu.memory_space<semaphore_mem>>
        %dma_start3A = arith.constant 0 : i32
        %dma_start3A_233 = arith.constant 0 : i32
        %dma_start3A_234 = tpu.memref_slice %arg16[%dma_start3A, %dma_start3A_233] : memref<128x16xf32, #tpu.memory_space<vmem>> -> memref<128x16xf32, #tpu.memory_space<vmem>>
        %dma_start3A_235 = arith.constant 0 : i32
        %dma_start3A_236 = tpu.memref_slice %arg19[%add3A_225, %dma_start3A_235] : memref<10000x16xf32, #tpu.memory_space<vmem_shared>> -> memref<128x16xf32, #tpu.memory_space<vmem_shared>>
        %dma_start3A_237 = arith.constant 0 : i32
        %dma_start3A_238 = tpu.memref_slice %arg19[%add3A_225, %dma_start3A_237] : memref<10000x16xf32, #tpu.memory_space<vmem_shared>> -> memref<128x16xf32, #tpu.memory_space<vmem_shared>>
        %dma_start3A_239 = arith.constant 0 : i32
        %dma_start3A_240 = arith.constant 0 : i32
        %dma_start3A_241 = tpu.memref_slice %arg16[%dma_start3A_239, %dma_start3A_240] : memref<128x16xf32, #tpu.memory_space<vmem>> -> memref<128x16xf32, #tpu.memory_space<vmem>>
        tpu.enqueue_dma source(%dma_start3A_241 : memref<128x16xf32, #tpu.memory_space<vmem>>) target(%dma_start3A_238 : memref<128x16xf32, #tpu.memory_space<vmem_shared>>) target_semaphore(%run_scoped3A_232 : memref<!tpu.dma_semaphore, #tpu.memory_space<semaphore_mem>>)
        %dma_wait3A = arith.constant 0 : i32
        %dma_wait3A_242 = arith.constant 0 : i32
        %dma_wait3A_243 = tpu.memref_slice %arg16[%dma_wait3A, %dma_wait3A_242] : memref<128x16xf32, #tpu.memory_space<vmem>> -> memref<128x16xf32, #tpu.memory_space<vmem>>
        %dma_wait3A_244 = arith.constant 0 : i32
        %dma_wait3A_245 = tpu.memref_slice %arg19[%add3A_225, %dma_wait3A_244] : memref<10000x16xf32, #tpu.memory_space<vmem_shared>> -> memref<128x16xf32, #tpu.memory_space<vmem_shared>>
        %dma_wait3A_246 = arith.constant 0 : i32
        %dma_wait3A_247 = tpu.memref_slice %arg19[%add3A_225, %dma_wait3A_246] : memref<10000x16xf32, #tpu.memory_space<vmem_shared>> -> memref<128x16xf32, #tpu.memory_space<vmem_shared>>
        %dma_wait3A_248 = arith.constant 0 : i32
        %dma_wait3A_249 = arith.constant 0 : i32
        %dma_wait3A_250 = tpu.memref_slice %arg16[%dma_wait3A_248, %dma_wait3A_249] : memref<128x16xf32, #tpu.memory_space<vmem>> -> memref<128x16xf32, #tpu.memory_space<vmem>>
        tpu.wait_dma2 semaphore(%run_scoped3A_232 : memref<!tpu.dma_semaphore, #tpu.memory_space<semaphore_mem>>) src(%dma_wait3A_250 : memref<128x16xf32, #tpu.memory_space<vmem>>) dst(%dma_wait3A_247 : memref<128x16xf32, #tpu.memory_space<vmem_shared>>)
        tpu.yield
      }) : () -> ()
      %add3A_226 = arith.constant 256 : i32
      %add3A_227 = arith.addi %multiple_of3A, %add3A_226 : i32
      "tpu.region"() ({
        %run_scoped3A_232 = tpu.sem_alloc : memref<!tpu.dma_semaphore, #tpu.memory_space<semaphore_mem>>
        %dma_start3A = arith.constant 0 : i32
        %dma_start3A_233 = arith.constant 0 : i32
        %dma_start3A_234 = tpu.memref_slice %arg16[%dma_start3A, %dma_start3A_233] : memref<128x16xf32, #tpu.memory_space<vmem>> -> memref<128x16xf32, #tpu.memory_space<vmem>>
        %dma_start3A_235 = arith.constant 0 : i32
        %dma_start3A_236 = tpu.memref_slice %arg19[%add3A_227, %dma_start3A_235] : memref<10000x16xf32, #tpu.memory_space<vmem_shared>> -> memref<128x16xf32, #tpu.memory_space<vmem_shared>>
        %dma_start3A_237 = arith.constant 0 : i32
        %dma_start3A_238 = tpu.memref_slice %arg19[%add3A_227, %dma_start3A_237] : memref<10000x16xf32, #tpu.memory_space<vmem_shared>> -> memref<128x16xf32, #tpu.memory_space<vmem_shared>>
        %dma_start3A_239 = arith.constant 0 : i32
        %dma_start3A_240 = arith.constant 0 : i32
        %dma_start3A_241 = tpu.memref_slice %arg16[%dma_start3A_239, %dma_start3A_240] : memref<128x16xf32, #tpu.memory_space<vmem>> -> memref<128x16xf32, #tpu.memory_space<vmem>>
        tpu.enqueue_dma source(%dma_start3A_241 : memref<128x16xf32, #tpu.memory_space<vmem>>) target(%dma_start3A_238 : memref<128x16xf32, #tpu.memory_space<vmem_shared>>) target_semaphore(%run_scoped3A_232 : memref<!tpu.dma_semaphore, #tpu.memory_space<semaphore_mem>>)
        %dma_wait3A = arith.constant 0 : i32
        %dma_wait3A_242 = arith.constant 0 : i32
        %dma_wait3A_243 = tpu.memref_slice %arg16[%dma_wait3A, %dma_wait3A_242] : memref<128x16xf32, #tpu.memory_space<vmem>> -> memref<128x16xf32, #tpu.memory_space<vmem>>
        %dma_wait3A_244 = arith.constant 0 : i32
        %dma_wait3A_245 = tpu.memref_slice %arg19[%add3A_227, %dma_wait3A_244] : memref<10000x16xf32, #tpu.memory_space<vmem_shared>> -> memref<128x16xf32, #tpu.memory_space<vmem_shared>>
        %dma_wait3A_246 = arith.constant 0 : i32
        %dma_wait3A_247 = tpu.memref_slice %arg19[%add3A_227, %dma_wait3A_246] : memref<10000x16xf32, #tpu.memory_space<vmem_shared>> -> memref<128x16xf32, #tpu.memory_space<vmem_shared>>
        %dma_wait3A_248 = arith.constant 0 : i32
        %dma_wait3A_249 = arith.constant 0 : i32
        %dma_wait3A_250 = tpu.memref_slice %arg16[%dma_wait3A_248, %dma_wait3A_249] : memref<128x16xf32, #tpu.memory_space<vmem>> -> memref<128x16xf32, #tpu.memory_space<vmem>>
        tpu.wait_dma2 semaphore(%run_scoped3A_232 : memref<!tpu.dma_semaphore, #tpu.memory_space<semaphore_mem>>) src(%dma_wait3A_250 : memref<128x16xf32, #tpu.memory_space<vmem>>) dst(%dma_wait3A_247 : memref<128x16xf32, #tpu.memory_space<vmem_shared>>)
        tpu.yield
      }) : () -> ()
      %add3A_228 = arith.constant 384 : i32
      %add3A_229 = arith.addi %multiple_of3A, %add3A_228 : i32
      "tpu.region"() ({
        %run_scoped3A_232 = tpu.sem_alloc : memref<!tpu.dma_semaphore, #tpu.memory_space<semaphore_mem>>
        %dma_start3A = arith.constant 0 : i32
        %dma_start3A_233 = arith.constant 0 : i32
        %dma_start3A_234 = tpu.memref_slice %arg16[%dma_start3A, %dma_start3A_233] : memref<128x16xf32, #tpu.memory_space<vmem>> -> memref<128x16xf32, #tpu.memory_space<vmem>>
        %dma_start3A_235 = arith.constant 0 : i32
        %dma_start3A_236 = tpu.memref_slice %arg19[%add3A_229, %dma_start3A_235] : memref<10000x16xf32, #tpu.memory_space<vmem_shared>> -> memref<128x16xf32, #tpu.memory_space<vmem_shared>>
        %dma_start3A_237 = arith.constant 0 : i32
        %dma_start3A_238 = tpu.memref_slice %arg19[%add3A_229, %dma_start3A_237] : memref<10000x16xf32, #tpu.memory_space<vmem_shared>> -> memref<128x16xf32, #tpu.memory_space<vmem_shared>>
        %dma_start3A_239 = arith.constant 0 : i32
        %dma_start3A_240 = arith.constant 0 : i32
        %dma_start3A_241 = tpu.memref_slice %arg16[%dma_start3A_239, %dma_start3A_240] : memref<128x16xf32, #tpu.memory_space<vmem>> -> memref<128x16xf32, #tpu.memory_space<vmem>>
        tpu.enqueue_dma source(%dma_start3A_241 : memref<128x16xf32, #tpu.memory_space<vmem>>) target(%dma_start3A_238 : memref<128x16xf32, #tpu.memory_space<vmem_shared>>) target_semaphore(%run_scoped3A_232 : memref<!tpu.dma_semaphore, #tpu.memory_space<semaphore_mem>>)
        %dma_wait3A = arith.constant 0 : i32
        %dma_wait3A_242 = arith.constant 0 : i32
        %dma_wait3A_243 = tpu.memref_slice %arg16[%dma_wait3A, %dma_wait3A_242] : memref<128x16xf32, #tpu.memory_space<vmem>> -> memref<128x16xf32, #tpu.memory_space<vmem>>
        %dma_wait3A_244 = arith.constant 0 : i32
        %dma_wait3A_245 = tpu.memref_slice %arg19[%add3A_229, %dma_wait3A_244] : memref<10000x16xf32, #tpu.memory_space<vmem_shared>> -> memref<128x16xf32, #tpu.memory_space<vmem_shared>>
        %dma_wait3A_246 = arith.constant 0 : i32
        %dma_wait3A_247 = tpu.memref_slice %arg19[%add3A_229, %dma_wait3A_246] : memref<10000x16xf32, #tpu.memory_space<vmem_shared>> -> memref<128x16xf32, #tpu.memory_space<vmem_shared>>
        %dma_wait3A_248 = arith.constant 0 : i32
        %dma_wait3A_249 = arith.constant 0 : i32
        %dma_wait3A_250 = tpu.memref_slice %arg16[%dma_wait3A_248, %dma_wait3A_249] : memref<128x16xf32, #tpu.memory_space<vmem>> -> memref<128x16xf32, #tpu.memory_space<vmem>>
        tpu.wait_dma2 semaphore(%run_scoped3A_232 : memref<!tpu.dma_semaphore, #tpu.memory_space<semaphore_mem>>) src(%dma_wait3A_250 : memref<128x16xf32, #tpu.memory_space<vmem>>) dst(%dma_wait3A_247 : memref<128x16xf32, #tpu.memory_space<vmem_shared>>)
        tpu.yield
      }) : () -> ()
      %add3A_230 = arith.constant 512 : i32
      %add3A_231 = arith.addi %multiple_of3A, %add3A_230 : i32
      "tpu.region"() ({
        %run_scoped3A_232 = tpu.sem_alloc : memref<!tpu.dma_semaphore, #tpu.memory_space<semaphore_mem>>
        %dma_start3A = arith.constant 0 : i32
        %dma_start3A_233 = arith.constant 0 : i32
        %dma_start3A_234 = tpu.memref_slice %arg16[%dma_start3A, %dma_start3A_233] : memref<128x16xf32, #tpu.memory_space<vmem>> -> memref<128x16xf32, #tpu.memory_space<vmem>>
        %dma_start3A_235 = arith.constant 0 : i32
        %dma_start3A_236 = tpu.memref_slice %arg19[%add3A_231, %dma_start3A_235] : memref<10000x16xf32, #tpu.memory_space<vmem_shared>> -> memref<128x16xf32, #tpu.memory_space<vmem_shared>>
        %dma_start3A_237 = arith.constant 0 : i32
        %dma_start3A_238 = tpu.memref_slice %arg19[%add3A_231, %dma_start3A_237] : memref<10000x16xf32, #tpu.memory_space<vmem_shared>> -> memref<128x16xf32, #tpu.memory_space<vmem_shared>>
        %dma_start3A_239 = arith.constant 0 : i32
        %dma_start3A_240 = arith.constant 0 : i32
        %dma_start3A_241 = tpu.memref_slice %arg16[%dma_start3A_239, %dma_start3A_240] : memref<128x16xf32, #tpu.memory_space<vmem>> -> memref<128x16xf32, #tpu.memory_space<vmem>>
        tpu.enqueue_dma source(%dma_start3A_241 : memref<128x16xf32, #tpu.memory_space<vmem>>) target(%dma_start3A_238 : memref<128x16xf32, #tpu.memory_space<vmem_shared>>) target_semaphore(%run_scoped3A_232 : memref<!tpu.dma_semaphore, #tpu.memory_space<semaphore_mem>>)
        %dma_wait3A = arith.constant 0 : i32
        %dma_wait3A_242 = arith.constant 0 : i32
        %dma_wait3A_243 = tpu.memref_slice %arg16[%dma_wait3A, %dma_wait3A_242] : memref<128x16xf32, #tpu.memory_space<vmem>> -> memref<128x16xf32, #tpu.memory_space<vmem>>
        %dma_wait3A_244 = arith.constant 0 : i32
        %dma_wait3A_245 = tpu.memref_slice %arg19[%add3A_231, %dma_wait3A_244] : memref<10000x16xf32, #tpu.memory_space<vmem_shared>> -> memref<128x16xf32, #tpu.memory_space<vmem_shared>>
        %dma_wait3A_246 = arith.constant 0 : i32
        %dma_wait3A_247 = tpu.memref_slice %arg19[%add3A_231, %dma_wait3A_246] : memref<10000x16xf32, #tpu.memory_space<vmem_shared>> -> memref<128x16xf32, #tpu.memory_space<vmem_shared>>
        %dma_wait3A_248 = arith.constant 0 : i32
        %dma_wait3A_249 = arith.constant 0 : i32
        %dma_wait3A_250 = tpu.memref_slice %arg16[%dma_wait3A_248, %dma_wait3A_249] : memref<128x16xf32, #tpu.memory_space<vmem>> -> memref<128x16xf32, #tpu.memory_space<vmem>>
        tpu.wait_dma2 semaphore(%run_scoped3A_232 : memref<!tpu.dma_semaphore, #tpu.memory_space<semaphore_mem>>) src(%dma_wait3A_250 : memref<128x16xf32, #tpu.memory_space<vmem>>) dst(%dma_wait3A_247 : memref<128x16xf32, #tpu.memory_space<vmem_shared>>)
        tpu.yield
      }) : () -> ()
    } else {
    }
    %eq3A_136 = arith.constant 15 : i32
    %eq3A_137 = arith.cmpi eq, %arg1, %eq3A_136 : i32
    %convert_element_type3A_138 = arith.extui %eq3A_137 : i1 to i32
    %cond3A_139 = arith.constant 0 : i32
    %cond3A_140 = arith.cmpi ne, %convert_element_type3A_138, %cond3A_139 : i32
    scf.if %cond3A_140 {
      %add3A_222 = arith.constant 0 : i32
      %add3A_223 = arith.addi %multiple_of3A, %add3A_222 : i32
      "tpu.region"() ({
        %run_scoped3A_230 = tpu.sem_alloc : memref<!tpu.dma_semaphore, #tpu.memory_space<semaphore_mem>>
        %dma_start3A = arith.constant 0 : i32
        %dma_start3A_231 = arith.constant 0 : i32
        %dma_start3A_232 = tpu.memref_slice %arg16[%dma_start3A, %dma_start3A_231] : memref<128x16xf32, #tpu.memory_space<vmem>> -> memref<128x16xf32, #tpu.memory_space<vmem>>
        %dma_start3A_233 = arith.constant 0 : i32
        %dma_start3A_234 = tpu.memref_slice %arg19[%add3A_223, %dma_start3A_233] : memref<10000x16xf32, #tpu.memory_space<vmem_shared>> -> memref<128x16xf32, #tpu.memory_space<vmem_shared>>
        %dma_start3A_235 = arith.constant 0 : i32
        %dma_start3A_236 = tpu.memref_slice %arg19[%add3A_223, %dma_start3A_235] : memref<10000x16xf32, #tpu.memory_space<vmem_shared>> -> memref<128x16xf32, #tpu.memory_space<vmem_shared>>
        %dma_start3A_237 = arith.constant 0 : i32
        %dma_start3A_238 = arith.constant 0 : i32
        %dma_start3A_239 = tpu.memref_slice %arg16[%dma_start3A_237, %dma_start3A_238] : memref<128x16xf32, #tpu.memory_space<vmem>> -> memref<128x16xf32, #tpu.memory_space<vmem>>
        tpu.enqueue_dma source(%dma_start3A_239 : memref<128x16xf32, #tpu.memory_space<vmem>>) target(%dma_start3A_236 : memref<128x16xf32, #tpu.memory_space<vmem_shared>>) target_semaphore(%run_scoped3A_230 : memref<!tpu.dma_semaphore, #tpu.memory_space<semaphore_mem>>)
        %dma_wait3A = arith.constant 0 : i32
        %dma_wait3A_240 = arith.constant 0 : i32
        %dma_wait3A_241 = tpu.memref_slice %arg16[%dma_wait3A, %dma_wait3A_240] : memref<128x16xf32, #tpu.memory_space<vmem>> -> memref<128x16xf32, #tpu.memory_space<vmem>>
        %dma_wait3A_242 = arith.constant 0 : i32
        %dma_wait3A_243 = tpu.memref_slice %arg19[%add3A_223, %dma_wait3A_242] : memref<10000x16xf32, #tpu.memory_space<vmem_shared>> -> memref<128x16xf32, #tpu.memory_space<vmem_shared>>
        %dma_wait3A_244 = arith.constant 0 : i32
        %dma_wait3A_245 = tpu.memref_slice %arg19[%add3A_223, %dma_wait3A_244] : memref<10000x16xf32, #tpu.memory_space<vmem_shared>> -> memref<128x16xf32, #tpu.memory_space<vmem_shared>>
        %dma_wait3A_246 = arith.constant 0 : i32
        %dma_wait3A_247 = arith.constant 0 : i32
        %dma_wait3A_248 = tpu.memref_slice %arg16[%dma_wait3A_246, %dma_wait3A_247] : memref<128x16xf32, #tpu.memory_space<vmem>> -> memref<128x16xf32, #tpu.memory_space<vmem>>
        tpu.wait_dma2 semaphore(%run_scoped3A_230 : memref<!tpu.dma_semaphore, #tpu.memory_space<semaphore_mem>>) src(%dma_wait3A_248 : memref<128x16xf32, #tpu.memory_space<vmem>>) dst(%dma_wait3A_245 : memref<128x16xf32, #tpu.memory_space<vmem_shared>>)
        tpu.yield
      }) : () -> ()
      %add3A_224 = arith.constant 128 : i32
      %add3A_225 = arith.addi %multiple_of3A, %add3A_224 : i32
      "tpu.region"() ({
        %run_scoped3A_230 = tpu.sem_alloc : memref<!tpu.dma_semaphore, #tpu.memory_space<semaphore_mem>>
        %dma_start3A = arith.constant 0 : i32
        %dma_start3A_231 = arith.constant 0 : i32
        %dma_start3A_232 = tpu.memref_slice %arg16[%dma_start3A, %dma_start3A_231] : memref<128x16xf32, #tpu.memory_space<vmem>> -> memref<128x16xf32, #tpu.memory_space<vmem>>
        %dma_start3A_233 = arith.constant 0 : i32
        %dma_start3A_234 = tpu.memref_slice %arg19[%add3A_225, %dma_start3A_233] : memref<10000x16xf32, #tpu.memory_space<vmem_shared>> -> memref<128x16xf32, #tpu.memory_space<vmem_shared>>
        %dma_start3A_235 = arith.constant 0 : i32
        %dma_start3A_236 = tpu.memref_slice %arg19[%add3A_225, %dma_start3A_235] : memref<10000x16xf32, #tpu.memory_space<vmem_shared>> -> memref<128x16xf32, #tpu.memory_space<vmem_shared>>
        %dma_start3A_237 = arith.constant 0 : i32
        %dma_start3A_238 = arith.constant 0 : i32
        %dma_start3A_239 = tpu.memref_slice %arg16[%dma_start3A_237, %dma_start3A_238] : memref<128x16xf32, #tpu.memory_space<vmem>> -> memref<128x16xf32, #tpu.memory_space<vmem>>
        tpu.enqueue_dma source(%dma_start3A_239 : memref<128x16xf32, #tpu.memory_space<vmem>>) target(%dma_start3A_236 : memref<128x16xf32, #tpu.memory_space<vmem_shared>>) target_semaphore(%run_scoped3A_230 : memref<!tpu.dma_semaphore, #tpu.memory_space<semaphore_mem>>)
        %dma_wait3A = arith.constant 0 : i32
        %dma_wait3A_240 = arith.constant 0 : i32
        %dma_wait3A_241 = tpu.memref_slice %arg16[%dma_wait3A, %dma_wait3A_240] : memref<128x16xf32, #tpu.memory_space<vmem>> -> memref<128x16xf32, #tpu.memory_space<vmem>>
        %dma_wait3A_242 = arith.constant 0 : i32
        %dma_wait3A_243 = tpu.memref_slice %arg19[%add3A_225, %dma_wait3A_242] : memref<10000x16xf32, #tpu.memory_space<vmem_shared>> -> memref<128x16xf32, #tpu.memory_space<vmem_shared>>
        %dma_wait3A_244 = arith.constant 0 : i32
        %dma_wait3A_245 = tpu.memref_slice %arg19[%add3A_225, %dma_wait3A_244] : memref<10000x16xf32, #tpu.memory_space<vmem_shared>> -> memref<128x16xf32, #tpu.memory_space<vmem_shared>>
        %dma_wait3A_246 = arith.constant 0 : i32
        %dma_wait3A_247 = arith.constant 0 : i32
        %dma_wait3A_248 = tpu.memref_slice %arg16[%dma_wait3A_246, %dma_wait3A_247] : memref<128x16xf32, #tpu.memory_space<vmem>> -> memref<128x16xf32, #tpu.memory_space<vmem>>
        tpu.wait_dma2 semaphore(%run_scoped3A_230 : memref<!tpu.dma_semaphore, #tpu.memory_space<semaphore_mem>>) src(%dma_wait3A_248 : memref<128x16xf32, #tpu.memory_space<vmem>>) dst(%dma_wait3A_245 : memref<128x16xf32, #tpu.memory_space<vmem_shared>>)
        tpu.yield
      }) : () -> ()
      %add3A_226 = arith.constant 256 : i32
      %add3A_227 = arith.addi %multiple_of3A, %add3A_226 : i32
      "tpu.region"() ({
        %run_scoped3A_230 = tpu.sem_alloc : memref<!tpu.dma_semaphore, #tpu.memory_space<semaphore_mem>>
        %dma_start3A = arith.constant 0 : i32
        %dma_start3A_231 = arith.constant 0 : i32
        %dma_start3A_232 = tpu.memref_slice %arg16[%dma_start3A, %dma_start3A_231] : memref<128x16xf32, #tpu.memory_space<vmem>> -> memref<128x16xf32, #tpu.memory_space<vmem>>
        %dma_start3A_233 = arith.constant 0 : i32
        %dma_start3A_234 = tpu.memref_slice %arg19[%add3A_227, %dma_start3A_233] : memref<10000x16xf32, #tpu.memory_space<vmem_shared>> -> memref<128x16xf32, #tpu.memory_space<vmem_shared>>
        %dma_start3A_235 = arith.constant 0 : i32
        %dma_start3A_236 = tpu.memref_slice %arg19[%add3A_227, %dma_start3A_235] : memref<10000x16xf32, #tpu.memory_space<vmem_shared>> -> memref<128x16xf32, #tpu.memory_space<vmem_shared>>
        %dma_start3A_237 = arith.constant 0 : i32
        %dma_start3A_238 = arith.constant 0 : i32
        %dma_start3A_239 = tpu.memref_slice %arg16[%dma_start3A_237, %dma_start3A_238] : memref<128x16xf32, #tpu.memory_space<vmem>> -> memref<128x16xf32, #tpu.memory_space<vmem>>
        tpu.enqueue_dma source(%dma_start3A_239 : memref<128x16xf32, #tpu.memory_space<vmem>>) target(%dma_start3A_236 : memref<128x16xf32, #tpu.memory_space<vmem_shared>>) target_semaphore(%run_scoped3A_230 : memref<!tpu.dma_semaphore, #tpu.memory_space<semaphore_mem>>)
        %dma_wait3A = arith.constant 0 : i32
        %dma_wait3A_240 = arith.constant 0 : i32
        %dma_wait3A_241 = tpu.memref_slice %arg16[%dma_wait3A, %dma_wait3A_240] : memref<128x16xf32, #tpu.memory_space<vmem>> -> memref<128x16xf32, #tpu.memory_space<vmem>>
        %dma_wait3A_242 = arith.constant 0 : i32
        %dma_wait3A_243 = tpu.memref_slice %arg19[%add3A_227, %dma_wait3A_242] : memref<10000x16xf32, #tpu.memory_space<vmem_shared>> -> memref<128x16xf32, #tpu.memory_space<vmem_shared>>
        %dma_wait3A_244 = arith.constant 0 : i32
        %dma_wait3A_245 = tpu.memref_slice %arg19[%add3A_227, %dma_wait3A_244] : memref<10000x16xf32, #tpu.memory_space<vmem_shared>> -> memref<128x16xf32, #tpu.memory_space<vmem_shared>>
        %dma_wait3A_246 = arith.constant 0 : i32
        %dma_wait3A_247 = arith.constant 0 : i32
        %dma_wait3A_248 = tpu.memref_slice %arg16[%dma_wait3A_246, %dma_wait3A_247] : memref<128x16xf32, #tpu.memory_space<vmem>> -> memref<128x16xf32, #tpu.memory_space<vmem>>
        tpu.wait_dma2 semaphore(%run_scoped3A_230 : memref<!tpu.dma_semaphore, #tpu.memory_space<semaphore_mem>>) src(%dma_wait3A_248 : memref<128x16xf32, #tpu.memory_space<vmem>>) dst(%dma_wait3A_245 : memref<128x16xf32, #tpu.memory_space<vmem_shared>>)
        tpu.yield
      }) : () -> ()
      %add3A_228 = arith.constant 384 : i32
      %add3A_229 = arith.addi %multiple_of3A, %add3A_228 : i32
      "tpu.region"() ({
        %run_scoped3A_230 = tpu.sem_alloc : memref<!tpu.dma_semaphore, #tpu.memory_space<semaphore_mem>>
        %dma_start3A = arith.constant 0 : i32
        %dma_start3A_231 = arith.constant 0 : i32
        %dma_start3A_232 = tpu.memref_slice %arg16[%dma_start3A, %dma_start3A_231] : memref<128x16xf32, #tpu.memory_space<vmem>> -> memref<16x16xf32, #tpu.memory_space<vmem>>
        %dma_start3A_233 = arith.constant 0 : i32
        %dma_start3A_234 = tpu.memref_slice %arg19[%add3A_229, %dma_start3A_233] : memref<10000x16xf32, #tpu.memory_space<vmem_shared>> -> memref<16x16xf32, #tpu.memory_space<vmem_shared>>
        %dma_start3A_235 = arith.constant 0 : i32
        %dma_start3A_236 = tpu.memref_slice %arg19[%add3A_229, %dma_start3A_235] : memref<10000x16xf32, #tpu.memory_space<vmem_shared>> -> memref<16x16xf32, #tpu.memory_space<vmem_shared>>
        %dma_start3A_237 = arith.constant 0 : i32
        %dma_start3A_238 = arith.constant 0 : i32
        %dma_start3A_239 = tpu.memref_slice %arg16[%dma_start3A_237, %dma_start3A_238] : memref<128x16xf32, #tpu.memory_space<vmem>> -> memref<16x16xf32, #tpu.memory_space<vmem>>
        tpu.enqueue_dma source(%dma_start3A_239 : memref<16x16xf32, #tpu.memory_space<vmem>>) target(%dma_start3A_236 : memref<16x16xf32, #tpu.memory_space<vmem_shared>>) target_semaphore(%run_scoped3A_230 : memref<!tpu.dma_semaphore, #tpu.memory_space<semaphore_mem>>)
        %dma_wait3A = arith.constant 0 : i32
        %dma_wait3A_240 = arith.constant 0 : i32
        %dma_wait3A_241 = tpu.memref_slice %arg16[%dma_wait3A, %dma_wait3A_240] : memref<128x16xf32, #tpu.memory_space<vmem>> -> memref<16x16xf32, #tpu.memory_space<vmem>>
        %dma_wait3A_242 = arith.constant 0 : i32
        %dma_wait3A_243 = tpu.memref_slice %arg19[%add3A_229, %dma_wait3A_242] : memref<10000x16xf32, #tpu.memory_space<vmem_shared>> -> memref<16x16xf32, #tpu.memory_space<vmem_shared>>
        %dma_wait3A_244 = arith.constant 0 : i32
        %dma_wait3A_245 = tpu.memref_slice %arg19[%add3A_229, %dma_wait3A_244] : memref<10000x16xf32, #tpu.memory_space<vmem_shared>> -> memref<16x16xf32, #tpu.memory_space<vmem_shared>>
        %dma_wait3A_246 = arith.constant 0 : i32
        %dma_wait3A_247 = arith.constant 0 : i32
        %dma_wait3A_248 = tpu.memref_slice %arg16[%dma_wait3A_246, %dma_wait3A_247] : memref<128x16xf32, #tpu.memory_space<vmem>> -> memref<16x16xf32, #tpu.memory_space<vmem>>
        tpu.wait_dma2 semaphore(%run_scoped3A_230 : memref<!tpu.dma_semaphore, #tpu.memory_space<semaphore_mem>>) src(%dma_wait3A_248 : memref<16x16xf32, #tpu.memory_space<vmem>>) dst(%dma_wait3A_245 : memref<16x16xf32, #tpu.memory_space<vmem_shared>>)
        tpu.yield
      }) : () -> ()
    } else {
    }
    %barrier3A_141 = arith.constant 0 : index
    tpu.barrier barrier_id(%barrier3A_141)
    %run_scoped3A_142 = arith.constant 0 : i32
    "tpu.region"() ({
      %run_scoped3A_222 = tpu.sem_alloc : memref<!tpu.dma_semaphore, #tpu.memory_space<semaphore_mem>>
      %dma_start3A = arith.constant 0 : i32
      %dma_start3A_223 = arith.constant 0 : i32
      %dma_start3A_224 = arith.constant 0 : i32
      %dma_start3A_225 = tpu.memref_slice %arg3[%run_scoped3A_142, %arg1, %dma_start3A, %dma_start3A_223, %dma_start3A_224] : memref<2x16x250x1x80xi32, #tpu.memory_space<hbm>> -> memref<1x1x250x1x80xi32, #tpu.memory_space<hbm>>
      %dma_start3A_226 = tpu.memref_squeeze %dma_start3A_225 : memref<1x1x250x1x80xi32, #tpu.memory_space<hbm>> -> memref<250x1x80xi32, #tpu.memory_space<hbm>>
      %dma_start3A_227 = arith.constant 0 : i32
      %dma_start3A_228 = arith.constant 0 : i32
      %dma_start3A_229 = arith.constant 0 : i32
      %dma_start3A_230 = tpu.memref_slice %arg3[%run_scoped3A_142, %arg1, %dma_start3A_227, %dma_start3A_228, %dma_start3A_229] : memref<2x16x250x1x80xi32, #tpu.memory_space<hbm>> -> memref<1x1x250x1x80xi32, #tpu.memory_space<hbm>>
      %dma_start3A_231 = tpu.memref_squeeze %dma_start3A_230 : memref<1x1x250x1x80xi32, #tpu.memory_space<hbm>> -> memref<250x1x80xi32, #tpu.memory_space<hbm>>
      tpu.enqueue_dma source(%dma_start3A_231 : memref<250x1x80xi32, #tpu.memory_space<hbm>>) target(%arg12 : memref<250x1x80xi32, #tpu.memory_space<vmem>>) target_semaphore(%run_scoped3A_222 : memref<!tpu.dma_semaphore, #tpu.memory_space<semaphore_mem>>)
      %dma_wait3A = arith.constant 0 : i32
      %dma_wait3A_232 = arith.constant 0 : i32
      %dma_wait3A_233 = arith.constant 0 : i32
      %dma_wait3A_234 = tpu.memref_slice %arg3[%run_scoped3A_142, %arg1, %dma_wait3A, %dma_wait3A_232, %dma_wait3A_233] : memref<2x16x250x1x80xi32, #tpu.memory_space<hbm>> -> memref<1x1x250x1x80xi32, #tpu.memory_space<hbm>>
      %dma_wait3A_235 = tpu.memref_squeeze %dma_wait3A_234 : memref<1x1x250x1x80xi32, #tpu.memory_space<hbm>> -> memref<250x1x80xi32, #tpu.memory_space<hbm>>
      %dma_wait3A_236 = arith.constant 0 : i32
      %dma_wait3A_237 = arith.constant 0 : i32
      %dma_wait3A_238 = arith.constant 0 : i32
      %dma_wait3A_239 = tpu.memref_slice %arg3[%run_scoped3A_142, %arg1, %dma_wait3A_236, %dma_wait3A_237, %dma_wait3A_238] : memref<2x16x250x1x80xi32, #tpu.memory_space<hbm>> -> memref<1x1x250x1x80xi32, #tpu.memory_space<hbm>>
      %dma_wait3A_240 = tpu.memref_squeeze %dma_wait3A_239 : memref<1x1x250x1x80xi32, #tpu.memory_space<hbm>> -> memref<250x1x80xi32, #tpu.memory_space<hbm>>
      tpu.wait_dma2 semaphore(%run_scoped3A_222 : memref<!tpu.dma_semaphore, #tpu.memory_space<semaphore_mem>>) src(%dma_wait3A_240 : memref<250x1x80xi32, #tpu.memory_space<hbm>>) dst(%arg12 : memref<250x1x80xi32, #tpu.memory_space<vmem>>)
      tpu.yield
    }) : () -> ()
    %run_scoped3A_143 = arith.constant 1 : i32
    "tpu.region"() ({
      %run_scoped3A_222 = tpu.sem_alloc : memref<!tpu.dma_semaphore, #tpu.memory_space<semaphore_mem>>
      %dma_start3A = arith.constant 0 : i32
      %dma_start3A_223 = arith.constant 0 : i32
      %dma_start3A_224 = arith.constant 0 : i32
      %dma_start3A_225 = tpu.memref_slice %arg3[%run_scoped3A_143, %arg1, %dma_start3A, %dma_start3A_223, %dma_start3A_224] : memref<2x16x250x1x80xi32, #tpu.memory_space<hbm>> -> memref<1x1x250x1x80xi32, #tpu.memory_space<hbm>>
      %dma_start3A_226 = tpu.memref_squeeze %dma_start3A_225 : memref<1x1x250x1x80xi32, #tpu.memory_space<hbm>> -> memref<250x1x80xi32, #tpu.memory_space<hbm>>
      %dma_start3A_227 = arith.constant 0 : i32
      %dma_start3A_228 = arith.constant 0 : i32
      %dma_start3A_229 = arith.constant 0 : i32
      %dma_start3A_230 = tpu.memref_slice %arg3[%run_scoped3A_143, %arg1, %dma_start3A_227, %dma_start3A_228, %dma_start3A_229] : memref<2x16x250x1x80xi32, #tpu.memory_space<hbm>> -> memref<1x1x250x1x80xi32, #tpu.memory_space<hbm>>
      %dma_start3A_231 = tpu.memref_squeeze %dma_start3A_230 : memref<1x1x250x1x80xi32, #tpu.memory_space<hbm>> -> memref<250x1x80xi32, #tpu.memory_space<hbm>>
      tpu.enqueue_dma source(%dma_start3A_231 : memref<250x1x80xi32, #tpu.memory_space<hbm>>) target(%arg13 : memref<250x1x80xi32, #tpu.memory_space<vmem>>) target_semaphore(%run_scoped3A_222 : memref<!tpu.dma_semaphore, #tpu.memory_space<semaphore_mem>>)
      %dma_wait3A = arith.constant 0 : i32
      %dma_wait3A_232 = arith.constant 0 : i32
      %dma_wait3A_233 = arith.constant 0 : i32
      %dma_wait3A_234 = tpu.memref_slice %arg3[%run_scoped3A_143, %arg1, %dma_wait3A, %dma_wait3A_232, %dma_wait3A_233] : memref<2x16x250x1x80xi32, #tpu.memory_space<hbm>> -> memref<1x1x250x1x80xi32, #tpu.memory_space<hbm>>
      %dma_wait3A_235 = tpu.memref_squeeze %dma_wait3A_234 : memref<1x1x250x1x80xi32, #tpu.memory_space<hbm>> -> memref<250x1x80xi32, #tpu.memory_space<hbm>>
      %dma_wait3A_236 = arith.constant 0 : i32
      %dma_wait3A_237 = arith.constant 0 : i32
      %dma_wait3A_238 = arith.constant 0 : i32
      %dma_wait3A_239 = tpu.memref_slice %arg3[%run_scoped3A_143, %arg1, %dma_wait3A_236, %dma_wait3A_237, %dma_wait3A_238] : memref<2x16x250x1x80xi32, #tpu.memory_space<hbm>> -> memref<1x1x250x1x80xi32, #tpu.memory_space<hbm>>
      %dma_wait3A_240 = tpu.memref_squeeze %dma_wait3A_239 : memref<1x1x250x1x80xi32, #tpu.memory_space<hbm>> -> memref<250x1x80xi32, #tpu.memory_space<hbm>>
      tpu.wait_dma2 semaphore(%run_scoped3A_222 : memref<!tpu.dma_semaphore, #tpu.memory_space<semaphore_mem>>) src(%dma_wait3A_240 : memref<250x1x80xi32, #tpu.memory_space<hbm>>) dst(%arg13 : memref<250x1x80xi32, #tpu.memory_space<vmem>>)
      tpu.yield
    }) : () -> ()
    %eq3A_144 = arith.constant 0 : i32
    %eq3A_145 = arith.cmpi eq, %arg0, %eq3A_144 : i32
    %convert_element_type3A_146 = arith.extui %eq3A_145 : i1 to i32
    %cond3A_147 = arith.constant 0 : i32
    %cond3A_148 = arith.cmpi ne, %convert_element_type3A_146, %cond3A_147 : i32
    scf.if %cond3A_148 {
      %dma_start3A = arith.constant 0 : i32
      %dma_start3A_222 = arith.constant 0 : i32
      %dma_start3A_223 = arith.constant 0 : i32
      %dma_start3A_224 = arith.constant 0 : i32
      %dma_start3A_225 = arith.constant 0 : i32
      %dma_start3A_226 = tpu.memref_slice %arg14[%dma_start3A_223, %dma_start3A_224, %dma_start3A_225] : memref<5x80x64xf32, #tpu.memory_space<vmem>> -> memref<1x80x64xf32, #tpu.memory_space<vmem>>
      %dma_start3A_227 = tpu.memref_squeeze %dma_start3A_226 : memref<1x80x64xf32, #tpu.memory_space<vmem>> -> memref<80x64xf32, #tpu.memory_space<vmem>>
      %dma_start3A_228 = arith.constant 0 : i32
      %dma_start3A_229 = tpu.memref_slice %arg12[%dma_start3A, %dma_start3A_222, %dma_start3A_228] : memref<250x1x80xi32, #tpu.memory_space<vmem>> -> memref<1x1x80xi32, #tpu.memory_space<vmem>>
      %dma_start3A_230 = tpu.memref_squeeze %dma_start3A_229 : memref<1x1x80xi32, #tpu.memory_space<vmem>> -> memref<80xi32, #tpu.memory_space<vmem>>
      %dma_start3A_231 = arith.constant 0 : i32
      %dma_start3A_232 = arith.constant 0 : i32
      %dma_start3A_233 = tpu.memref_slice %arg6[%dma_start3A_231, %dma_start3A_232] : memref<10000x64xf32, #tpu.memory_space<hbm>> -> memref<10000x64xf32, #tpu.memory_space<hbm>>
      tpu.enqueue_indirect_dma source(%dma_start3A_233 : memref<10000x64xf32, #tpu.memory_space<hbm>>) target(%dma_start3A_227 : memref<80x64xf32, #tpu.memory_space<vmem>>) offsets(%dma_start3A_230 : memref<80xi32, #tpu.memory_space<vmem>>) semaphore(%arg20 : memref<!tpu.dma_semaphore, #tpu.memory_space<semaphore_mem>>)
    } else {
    }
    %eq3A_149 = arith.constant 1 : i32
    %eq3A_150 = arith.cmpi eq, %arg0, %eq3A_149 : i32
    %convert_element_type3A_151 = arith.extui %eq3A_150 : i1 to i32
    %cond3A_152 = arith.constant 0 : i32
    %cond3A_153 = arith.cmpi ne, %convert_element_type3A_151, %cond3A_152 : i32
    scf.if %cond3A_153 {
      %dma_start3A = arith.constant 0 : i32
      %dma_start3A_222 = arith.constant 0 : i32
      %dma_start3A_223 = arith.constant 0 : i32
      %dma_start3A_224 = arith.constant 0 : i32
      %dma_start3A_225 = arith.constant 0 : i32
      %dma_start3A_226 = tpu.memref_slice %arg14[%dma_start3A_223, %dma_start3A_224, %dma_start3A_225] : memref<5x80x64xf32, #tpu.memory_space<vmem>> -> memref<1x80x64xf32, #tpu.memory_space<vmem>>
      %dma_start3A_227 = tpu.memref_squeeze %dma_start3A_226 : memref<1x80x64xf32, #tpu.memory_space<vmem>> -> memref<80x64xf32, #tpu.memory_space<vmem>>
      %dma_start3A_228 = arith.constant 0 : i32
      %dma_start3A_229 = tpu.memref_slice %arg12[%dma_start3A, %dma_start3A_222, %dma_start3A_228] : memref<250x1x80xi32, #tpu.memory_space<vmem>> -> memref<1x1x80xi32, #tpu.memory_space<vmem>>
      %dma_start3A_230 = tpu.memref_squeeze %dma_start3A_229 : memref<1x1x80xi32, #tpu.memory_space<vmem>> -> memref<80xi32, #tpu.memory_space<vmem>>
      %dma_start3A_231 = arith.constant 0 : i32
      %dma_start3A_232 = arith.constant 0 : i32
      %dma_start3A_233 = tpu.memref_slice %arg7[%dma_start3A_231, %dma_start3A_232] : memref<10000x64xf32, #tpu.memory_space<hbm>> -> memref<10000x64xf32, #tpu.memory_space<hbm>>
      tpu.enqueue_indirect_dma source(%dma_start3A_233 : memref<10000x64xf32, #tpu.memory_space<hbm>>) target(%dma_start3A_227 : memref<80x64xf32, #tpu.memory_space<vmem>>) offsets(%dma_start3A_230 : memref<80xi32, #tpu.memory_space<vmem>>) semaphore(%arg20 : memref<!tpu.dma_semaphore, #tpu.memory_space<semaphore_mem>>)
    } else {
    }
    %eq3A_154 = arith.constant 0 : i32
    %eq3A_155 = arith.cmpi eq, %arg0, %eq3A_154 : i32
    %convert_element_type3A_156 = arith.extui %eq3A_155 : i1 to i32
    %cond3A_157 = arith.constant 0 : i32
    %cond3A_158 = arith.cmpi ne, %convert_element_type3A_156, %cond3A_157 : i32
    scf.if %cond3A_158 {
      %dma_start3A = arith.constant 1 : i32
      %dma_start3A_222 = arith.constant 0 : i32
      %dma_start3A_223 = arith.constant 1 : i32
      %dma_start3A_224 = arith.constant 0 : i32
      %dma_start3A_225 = arith.constant 0 : i32
      %dma_start3A_226 = tpu.memref_slice %arg14[%dma_start3A_223, %dma_start3A_224, %dma_start3A_225] : memref<5x80x64xf32, #tpu.memory_space<vmem>> -> memref<1x80x64xf32, #tpu.memory_space<vmem>>
      %dma_start3A_227 = tpu.memref_squeeze %dma_start3A_226 : memref<1x80x64xf32, #tpu.memory_space<vmem>> -> memref<80x64xf32, #tpu.memory_space<vmem>>
      %dma_start3A_228 = arith.constant 0 : i32
      %dma_start3A_229 = tpu.memref_slice %arg12[%dma_start3A, %dma_start3A_222, %dma_start3A_228] : memref<250x1x80xi32, #tpu.memory_space<vmem>> -> memref<1x1x80xi32, #tpu.memory_space<vmem>>
      %dma_start3A_230 = tpu.memref_squeeze %dma_start3A_229 : memref<1x1x80xi32, #tpu.memory_space<vmem>> -> memref<80xi32, #tpu.memory_space<vmem>>
      %dma_start3A_231 = arith.constant 0 : i32
      %dma_start3A_232 = arith.constant 0 : i32
      %dma_start3A_233 = tpu.memref_slice %arg6[%dma_start3A_231, %dma_start3A_232] : memref<10000x64xf32, #tpu.memory_space<hbm>> -> memref<10000x64xf32, #tpu.memory_space<hbm>>
      tpu.enqueue_indirect_dma source(%dma_start3A_233 : memref<10000x64xf32, #tpu.memory_space<hbm>>) target(%dma_start3A_227 : memref<80x64xf32, #tpu.memory_space<vmem>>) offsets(%dma_start3A_230 : memref<80xi32, #tpu.memory_space<vmem>>) semaphore(%arg21 : memref<!tpu.dma_semaphore, #tpu.memory_space<semaphore_mem>>)
    } else {
    }
    %eq3A_159 = arith.constant 1 : i32
    %eq3A_160 = arith.cmpi eq, %arg0, %eq3A_159 : i32
    %convert_element_type3A_161 = arith.extui %eq3A_160 : i1 to i32
    %cond3A_162 = arith.constant 0 : i32
    %cond3A_163 = arith.cmpi ne, %convert_element_type3A_161, %cond3A_162 : i32
    scf.if %cond3A_163 {
      %dma_start3A = arith.constant 1 : i32
      %dma_start3A_222 = arith.constant 0 : i32
      %dma_start3A_223 = arith.constant 1 : i32
      %dma_start3A_224 = arith.constant 0 : i32
      %dma_start3A_225 = arith.constant 0 : i32
      %dma_start3A_226 = tpu.memref_slice %arg14[%dma_start3A_223, %dma_start3A_224, %dma_start3A_225] : memref<5x80x64xf32, #tpu.memory_space<vmem>> -> memref<1x80x64xf32, #tpu.memory_space<vmem>>
      %dma_start3A_227 = tpu.memref_squeeze %dma_start3A_226 : memref<1x80x64xf32, #tpu.memory_space<vmem>> -> memref<80x64xf32, #tpu.memory_space<vmem>>
      %dma_start3A_228 = arith.constant 0 : i32
      %dma_start3A_229 = tpu.memref_slice %arg12[%dma_start3A, %dma_start3A_222, %dma_start3A_228] : memref<250x1x80xi32, #tpu.memory_space<vmem>> -> memref<1x1x80xi32, #tpu.memory_space<vmem>>
      %dma_start3A_230 = tpu.memref_squeeze %dma_start3A_229 : memref<1x1x80xi32, #tpu.memory_space<vmem>> -> memref<80xi32, #tpu.memory_space<vmem>>
      %dma_start3A_231 = arith.constant 0 : i32
      %dma_start3A_232 = arith.constant 0 : i32
      %dma_start3A_233 = tpu.memref_slice %arg7[%dma_start3A_231, %dma_start3A_232] : memref<10000x64xf32, #tpu.memory_space<hbm>> -> memref<10000x64xf32, #tpu.memory_space<hbm>>
      tpu.enqueue_indirect_dma source(%dma_start3A_233 : memref<10000x64xf32, #tpu.memory_space<hbm>>) target(%dma_start3A_227 : memref<80x64xf32, #tpu.memory_space<vmem>>) offsets(%dma_start3A_230 : memref<80xi32, #tpu.memory_space<vmem>>) semaphore(%arg21 : memref<!tpu.dma_semaphore, #tpu.memory_space<semaphore_mem>>)
    } else {
    }
    %eq3A_164 = arith.constant 0 : i32
    %eq3A_165 = arith.cmpi eq, %arg0, %eq3A_164 : i32
    %convert_element_type3A_166 = arith.extui %eq3A_165 : i1 to i32
    %cond3A_167 = arith.constant 0 : i32
    %cond3A_168 = arith.cmpi ne, %convert_element_type3A_166, %cond3A_167 : i32
    scf.if %cond3A_168 {
      %dma_start3A = arith.constant 2 : i32
      %dma_start3A_222 = arith.constant 0 : i32
      %dma_start3A_223 = arith.constant 2 : i32
      %dma_start3A_224 = arith.constant 0 : i32
      %dma_start3A_225 = arith.constant 0 : i32
      %dma_start3A_226 = tpu.memref_slice %arg14[%dma_start3A_223, %dma_start3A_224, %dma_start3A_225] : memref<5x80x64xf32, #tpu.memory_space<vmem>> -> memref<1x80x64xf32, #tpu.memory_space<vmem>>
      %dma_start3A_227 = tpu.memref_squeeze %dma_start3A_226 : memref<1x80x64xf32, #tpu.memory_space<vmem>> -> memref<80x64xf32, #tpu.memory_space<vmem>>
      %dma_start3A_228 = arith.constant 0 : i32
      %dma_start3A_229 = tpu.memref_slice %arg12[%dma_start3A, %dma_start3A_222, %dma_start3A_228] : memref<250x1x80xi32, #tpu.memory_space<vmem>> -> memref<1x1x80xi32, #tpu.memory_space<vmem>>
      %dma_start3A_230 = tpu.memref_squeeze %dma_start3A_229 : memref<1x1x80xi32, #tpu.memory_space<vmem>> -> memref<80xi32, #tpu.memory_space<vmem>>
      %dma_start3A_231 = arith.constant 0 : i32
      %dma_start3A_232 = arith.constant 0 : i32
      %dma_start3A_233 = tpu.memref_slice %arg6[%dma_start3A_231, %dma_start3A_232] : memref<10000x64xf32, #tpu.memory_space<hbm>> -> memref<10000x64xf32, #tpu.memory_space<hbm>>
      tpu.enqueue_indirect_dma source(%dma_start3A_233 : memref<10000x64xf32, #tpu.memory_space<hbm>>) target(%dma_start3A_227 : memref<80x64xf32, #tpu.memory_space<vmem>>) offsets(%dma_start3A_230 : memref<80xi32, #tpu.memory_space<vmem>>) semaphore(%arg22 : memref<!tpu.dma_semaphore, #tpu.memory_space<semaphore_mem>>)
    } else {
    }
    %eq3A_169 = arith.constant 1 : i32
    %eq3A_170 = arith.cmpi eq, %arg0, %eq3A_169 : i32
    %convert_element_type3A_171 = arith.extui %eq3A_170 : i1 to i32
    %cond3A_172 = arith.constant 0 : i32
    %cond3A_173 = arith.cmpi ne, %convert_element_type3A_171, %cond3A_172 : i32
    scf.if %cond3A_173 {
      %dma_start3A = arith.constant 2 : i32
      %dma_start3A_222 = arith.constant 0 : i32
      %dma_start3A_223 = arith.constant 2 : i32
      %dma_start3A_224 = arith.constant 0 : i32
      %dma_start3A_225 = arith.constant 0 : i32
      %dma_start3A_226 = tpu.memref_slice %arg14[%dma_start3A_223, %dma_start3A_224, %dma_start3A_225] : memref<5x80x64xf32, #tpu.memory_space<vmem>> -> memref<1x80x64xf32, #tpu.memory_space<vmem>>
      %dma_start3A_227 = tpu.memref_squeeze %dma_start3A_226 : memref<1x80x64xf32, #tpu.memory_space<vmem>> -> memref<80x64xf32, #tpu.memory_space<vmem>>
      %dma_start3A_228 = arith.constant 0 : i32
      %dma_start3A_229 = tpu.memref_slice %arg12[%dma_start3A, %dma_start3A_222, %dma_start3A_228] : memref<250x1x80xi32, #tpu.memory_space<vmem>> -> memref<1x1x80xi32, #tpu.memory_space<vmem>>
      %dma_start3A_230 = tpu.memref_squeeze %dma_start3A_229 : memref<1x1x80xi32, #tpu.memory_space<vmem>> -> memref<80xi32, #tpu.memory_space<vmem>>
      %dma_start3A_231 = arith.constant 0 : i32
      %dma_start3A_232 = arith.constant 0 : i32
      %dma_start3A_233 = tpu.memref_slice %arg7[%dma_start3A_231, %dma_start3A_232] : memref<10000x64xf32, #tpu.memory_space<hbm>> -> memref<10000x64xf32, #tpu.memory_space<hbm>>
      tpu.enqueue_indirect_dma source(%dma_start3A_233 : memref<10000x64xf32, #tpu.memory_space<hbm>>) target(%dma_start3A_227 : memref<80x64xf32, #tpu.memory_space<vmem>>) offsets(%dma_start3A_230 : memref<80xi32, #tpu.memory_space<vmem>>) semaphore(%arg22 : memref<!tpu.dma_semaphore, #tpu.memory_space<semaphore_mem>>)
    } else {
    }
    %eq3A_174 = arith.constant 0 : i32
    %eq3A_175 = arith.cmpi eq, %arg0, %eq3A_174 : i32
    %convert_element_type3A_176 = arith.extui %eq3A_175 : i1 to i32
    %cond3A_177 = arith.constant 0 : i32
    %cond3A_178 = arith.cmpi ne, %convert_element_type3A_176, %cond3A_177 : i32
    scf.if %cond3A_178 {
      %dma_start3A = arith.constant 3 : i32
      %dma_start3A_222 = arith.constant 0 : i32
      %dma_start3A_223 = arith.constant 3 : i32
      %dma_start3A_224 = arith.constant 0 : i32
      %dma_start3A_225 = arith.constant 0 : i32
      %dma_start3A_226 = tpu.memref_slice %arg14[%dma_start3A_223, %dma_start3A_224, %dma_start3A_225] : memref<5x80x64xf32, #tpu.memory_space<vmem>> -> memref<1x80x64xf32, #tpu.memory_space<vmem>>
      %dma_start3A_227 = tpu.memref_squeeze %dma_start3A_226 : memref<1x80x64xf32, #tpu.memory_space<vmem>> -> memref<80x64xf32, #tpu.memory_space<vmem>>
      %dma_start3A_228 = arith.constant 0 : i32
      %dma_start3A_229 = tpu.memref_slice %arg12[%dma_start3A, %dma_start3A_222, %dma_start3A_228] : memref<250x1x80xi32, #tpu.memory_space<vmem>> -> memref<1x1x80xi32, #tpu.memory_space<vmem>>
      %dma_start3A_230 = tpu.memref_squeeze %dma_start3A_229 : memref<1x1x80xi32, #tpu.memory_space<vmem>> -> memref<80xi32, #tpu.memory_space<vmem>>
      %dma_start3A_231 = arith.constant 0 : i32
      %dma_start3A_232 = arith.constant 0 : i32
      %dma_start3A_233 = tpu.memref_slice %arg6[%dma_start3A_231, %dma_start3A_232] : memref<10000x64xf32, #tpu.memory_space<hbm>> -> memref<10000x64xf32, #tpu.memory_space<hbm>>
      tpu.enqueue_indirect_dma source(%dma_start3A_233 : memref<10000x64xf32, #tpu.memory_space<hbm>>) target(%dma_start3A_227 : memref<80x64xf32, #tpu.memory_space<vmem>>) offsets(%dma_start3A_230 : memref<80xi32, #tpu.memory_space<vmem>>) semaphore(%arg23 : memref<!tpu.dma_semaphore, #tpu.memory_space<semaphore_mem>>)
    } else {
    }
    %eq3A_179 = arith.constant 1 : i32
    %eq3A_180 = arith.cmpi eq, %arg0, %eq3A_179 : i32
    %convert_element_type3A_181 = arith.extui %eq3A_180 : i1 to i32
    %cond3A_182 = arith.constant 0 : i32
    %cond3A_183 = arith.cmpi ne, %convert_element_type3A_181, %cond3A_182 : i32
    scf.if %cond3A_183 {
      %dma_start3A = arith.constant 3 : i32
      %dma_start3A_222 = arith.constant 0 : i32
      %dma_start3A_223 = arith.constant 3 : i32
      %dma_start3A_224 = arith.constant 0 : i32
      %dma_start3A_225 = arith.constant 0 : i32
      %dma_start3A_226 = tpu.memref_slice %arg14[%dma_start3A_223, %dma_start3A_224, %dma_start3A_225] : memref<5x80x64xf32, #tpu.memory_space<vmem>> -> memref<1x80x64xf32, #tpu.memory_space<vmem>>
      %dma_start3A_227 = tpu.memref_squeeze %dma_start3A_226 : memref<1x80x64xf32, #tpu.memory_space<vmem>> -> memref<80x64xf32, #tpu.memory_space<vmem>>
      %dma_start3A_228 = arith.constant 0 : i32
      %dma_start3A_229 = tpu.memref_slice %arg12[%dma_start3A, %dma_start3A_222, %dma_start3A_228] : memref<250x1x80xi32, #tpu.memory_space<vmem>> -> memref<1x1x80xi32, #tpu.memory_space<vmem>>
      %dma_start3A_230 = tpu.memref_squeeze %dma_start3A_229 : memref<1x1x80xi32, #tpu.memory_space<vmem>> -> memref<80xi32, #tpu.memory_space<vmem>>
      %dma_start3A_231 = arith.constant 0 : i32
      %dma_start3A_232 = arith.constant 0 : i32
      %dma_start3A_233 = tpu.memref_slice %arg7[%dma_start3A_231, %dma_start3A_232] : memref<10000x64xf32, #tpu.memory_space<hbm>> -> memref<10000x64xf32, #tpu.memory_space<hbm>>
      tpu.enqueue_indirect_dma source(%dma_start3A_233 : memref<10000x64xf32, #tpu.memory_space<hbm>>) target(%dma_start3A_227 : memref<80x64xf32, #tpu.memory_space<vmem>>) offsets(%dma_start3A_230 : memref<80xi32, #tpu.memory_space<vmem>>) semaphore(%arg23 : memref<!tpu.dma_semaphore, #tpu.memory_space<semaphore_mem>>)
    } else {
    }
    %eq3A_184 = arith.constant 0 : i32
    %eq3A_185 = arith.cmpi eq, %arg0, %eq3A_184 : i32
    %convert_element_type3A_186 = arith.extui %eq3A_185 : i1 to i32
    %cond3A_187 = arith.constant 0 : i32
    %cond3A_188 = arith.cmpi ne, %convert_element_type3A_186, %cond3A_187 : i32
    scf.if %cond3A_188 {
      %dma_start3A = arith.constant 4 : i32
      %dma_start3A_222 = arith.constant 0 : i32
      %dma_start3A_223 = arith.constant 4 : i32
      %dma_start3A_224 = arith.constant 0 : i32
      %dma_start3A_225 = arith.constant 0 : i32
      %dma_start3A_226 = tpu.memref_slice %arg14[%dma_start3A_223, %dma_start3A_224, %dma_start3A_225] : memref<5x80x64xf32, #tpu.memory_space<vmem>> -> memref<1x80x64xf32, #tpu.memory_space<vmem>>
      %dma_start3A_227 = tpu.memref_squeeze %dma_start3A_226 : memref<1x80x64xf32, #tpu.memory_space<vmem>> -> memref<80x64xf32, #tpu.memory_space<vmem>>
      %dma_start3A_228 = arith.constant 0 : i32
      %dma_start3A_229 = tpu.memref_slice %arg12[%dma_start3A, %dma_start3A_222, %dma_start3A_228] : memref<250x1x80xi32, #tpu.memory_space<vmem>> -> memref<1x1x80xi32, #tpu.memory_space<vmem>>
      %dma_start3A_230 = tpu.memref_squeeze %dma_start3A_229 : memref<1x1x80xi32, #tpu.memory_space<vmem>> -> memref<80xi32, #tpu.memory_space<vmem>>
      %dma_start3A_231 = arith.constant 0 : i32
      %dma_start3A_232 = arith.constant 0 : i32
      %dma_start3A_233 = tpu.memref_slice %arg6[%dma_start3A_231, %dma_start3A_232] : memref<10000x64xf32, #tpu.memory_space<hbm>> -> memref<10000x64xf32, #tpu.memory_space<hbm>>
      tpu.enqueue_indirect_dma source(%dma_start3A_233 : memref<10000x64xf32, #tpu.memory_space<hbm>>) target(%dma_start3A_227 : memref<80x64xf32, #tpu.memory_space<vmem>>) offsets(%dma_start3A_230 : memref<80xi32, #tpu.memory_space<vmem>>) semaphore(%arg24 : memref<!tpu.dma_semaphore, #tpu.memory_space<semaphore_mem>>)
    } else {
    }
    %eq3A_189 = arith.constant 1 : i32
    %eq3A_190 = arith.cmpi eq, %arg0, %eq3A_189 : i32
    %convert_element_type3A_191 = arith.extui %eq3A_190 : i1 to i32
    %cond3A_192 = arith.constant 0 : i32
    %cond3A_193 = arith.cmpi ne, %convert_element_type3A_191, %cond3A_192 : i32
    scf.if %cond3A_193 {
      %dma_start3A = arith.constant 4 : i32
      %dma_start3A_222 = arith.constant 0 : i32
      %dma_start3A_223 = arith.constant 4 : i32
      %dma_start3A_224 = arith.constant 0 : i32
      %dma_start3A_225 = arith.constant 0 : i32
      %dma_start3A_226 = tpu.memref_slice %arg14[%dma_start3A_223, %dma_start3A_224, %dma_start3A_225] : memref<5x80x64xf32, #tpu.memory_space<vmem>> -> memref<1x80x64xf32, #tpu.memory_space<vmem>>
      %dma_start3A_227 = tpu.memref_squeeze %dma_start3A_226 : memref<1x80x64xf32, #tpu.memory_space<vmem>> -> memref<80x64xf32, #tpu.memory_space<vmem>>
      %dma_start3A_228 = arith.constant 0 : i32
      %dma_start3A_229 = tpu.memref_slice %arg12[%dma_start3A, %dma_start3A_222, %dma_start3A_228] : memref<250x1x80xi32, #tpu.memory_space<vmem>> -> memref<1x1x80xi32, #tpu.memory_space<vmem>>
      %dma_start3A_230 = tpu.memref_squeeze %dma_start3A_229 : memref<1x1x80xi32, #tpu.memory_space<vmem>> -> memref<80xi32, #tpu.memory_space<vmem>>
      %dma_start3A_231 = arith.constant 0 : i32
      %dma_start3A_232 = arith.constant 0 : i32
      %dma_start3A_233 = tpu.memref_slice %arg7[%dma_start3A_231, %dma_start3A_232] : memref<10000x64xf32, #tpu.memory_space<hbm>> -> memref<10000x64xf32, #tpu.memory_space<hbm>>
      tpu.enqueue_indirect_dma source(%dma_start3A_233 : memref<10000x64xf32, #tpu.memory_space<hbm>>) target(%dma_start3A_227 : memref<80x64xf32, #tpu.memory_space<vmem>>) offsets(%dma_start3A_230 : memref<80xi32, #tpu.memory_space<vmem>>) semaphore(%arg24 : memref<!tpu.dma_semaphore, #tpu.memory_space<semaphore_mem>>)
    } else {
    }
    %scan3A_194 = arith.constant 0 : i32
    %scan3A_195 = arith.constant 0 : i32
    %scan3A_196 = arith.constant 50 : i32
    %scan3A_197 = arith.addi %scan3A_195, %scan3A_196 : i32
    %scan3A_198 = arith.constant 1 : i32
    scf.for %scan3A_222 = %scan3A_195 to %scan3A_197 step %scan3A_198  : i32 {
      %mul3A_223 = arith.constant 5 : i32
      %mul3A_224 = arith.muli %scan3A_222, %mul3A_223 : i32
      %add3A_225 = arith.constant 0 : i32
      %add3A_226 = arith.addi %mul3A_224, %add3A_225 : i32
      %dma_wait3A = arith.constant 0 : i32
      %dma_wait3A_227 = arith.constant 0 : i32
      %dma_wait3A_228 = arith.constant 0 : i32
      %dma_wait3A_229 = arith.constant 0 : i32
      %dma_wait3A_230 = arith.constant 0 : i32
      %dma_wait3A_231 = tpu.memref_slice %arg14[%dma_wait3A_228, %dma_wait3A_229, %dma_wait3A_230] : memref<5x80x64xf32, #tpu.memory_space<vmem>> -> memref<1x80x64xf32, #tpu.memory_space<vmem>>
      %dma_wait3A_232 = tpu.memref_squeeze %dma_wait3A_231 : memref<1x80x64xf32, #tpu.memory_space<vmem>> -> memref<80x64xf32, #tpu.memory_space<vmem>>
      %dma_wait3A_233 = arith.constant 0 : i32
      %dma_wait3A_234 = tpu.memref_slice %arg12[%dma_wait3A, %dma_wait3A_227, %dma_wait3A_233] : memref<250x1x80xi32, #tpu.memory_space<vmem>> -> memref<1x1x80xi32, #tpu.memory_space<vmem>>
      %dma_wait3A_235 = tpu.memref_squeeze %dma_wait3A_234 : memref<1x1x80xi32, #tpu.memory_space<vmem>> -> memref<80xi32, #tpu.memory_space<vmem>>
      %dma_wait3A_236 = arith.constant 0 : i32
      %dma_wait3A_237 = arith.constant 0 : i32
      %dma_wait3A_238 = tpu.memref_slice %arg6[%dma_wait3A_236, %dma_wait3A_237] : memref<10000x64xf32, #tpu.memory_space<hbm>> -> memref<10000x64xf32, #tpu.memory_space<hbm>>
      tpu.wait_indirect_dma semaphore(%arg20 : memref<!tpu.dma_semaphore, #tpu.memory_space<semaphore_mem>>) src(%dma_wait3A_238 : memref<10000x64xf32, #tpu.memory_space<hbm>>) dst(%dma_wait3A_232 : memref<80x64xf32, #tpu.memory_space<vmem>>)
      %run_scoped3A_239 = arith.constant 0 : i32
      %run_scoped3A_240 = arith.constant 0 : i32
      "tpu.region"() ({
        %run_scoped3A_349 = tpu.sem_alloc : memref<!tpu.dma_semaphore, #tpu.memory_space<semaphore_mem>>
        %dma_start3A = arith.constant 0 : i32
        %dma_start3A_350 = arith.constant 0 : i32
        %dma_start3A_351 = tpu.memref_slice %arg14[%run_scoped3A_239, %dma_start3A, %dma_start3A_350] : memref<5x80x64xf32, #tpu.memory_space<vmem>> -> memref<1x80x64xf32, #tpu.memory_space<vmem>>
        %dma_start3A_352 = tpu.memref_squeeze %dma_start3A_351 : memref<1x80x64xf32, #tpu.memory_space<vmem>> -> memref<80x64xf32, #tpu.memory_space<vmem>>
        %dma_start3A_353 = arith.constant 0 : i32
        %dma_start3A_354 = tpu.memref_slice %arg13[%add3A_226, %run_scoped3A_240, %dma_start3A_353] : memref<250x1x80xi32, #tpu.memory_space<vmem>> -> memref<1x1x80xi32, #tpu.memory_space<vmem>>
        %dma_start3A_355 = tpu.memref_squeeze %dma_start3A_354 : memref<1x1x80xi32, #tpu.memory_space<vmem>> -> memref<80xi32, #tpu.memory_space<vmem>>
        %dma_start3A_356 = arith.constant 0 : i32
        %dma_start3A_357 = arith.constant 0 : i32
        %dma_start3A_358 = tpu.memref_slice %arg18[%dma_start3A_356, %dma_start3A_357] : memref<10000x64xf32, #tpu.memory_space<vmem_shared>> -> memref<10000x64xf32, #tpu.memory_space<vmem_shared>>
        tpu.enqueue_indirect_dma source(%dma_start3A_352 : memref<80x64xf32, #tpu.memory_space<vmem>>) target(%dma_start3A_358 : memref<10000x64xf32, #tpu.memory_space<vmem_shared>>) offsets(%dma_start3A_355 : memref<80xi32, #tpu.memory_space<vmem>>) semaphore(%run_scoped3A_349 : memref<!tpu.dma_semaphore, #tpu.memory_space<semaphore_mem>>) {add = true}
        %dma_wait3A_359 = arith.constant 0 : i32
        %dma_wait3A_360 = arith.constant 0 : i32
        %dma_wait3A_361 = tpu.memref_slice %arg14[%run_scoped3A_239, %dma_wait3A_359, %dma_wait3A_360] : memref<5x80x64xf32, #tpu.memory_space<vmem>> -> memref<1x80x64xf32, #tpu.memory_space<vmem>>
        %dma_wait3A_362 = tpu.memref_squeeze %dma_wait3A_361 : memref<1x80x64xf32, #tpu.memory_space<vmem>> -> memref<80x64xf32, #tpu.memory_space<vmem>>
        %dma_wait3A_363 = arith.constant 0 : i32
        %dma_wait3A_364 = tpu.memref_slice %arg13[%add3A_226, %run_scoped3A_240, %dma_wait3A_363] : memref<250x1x80xi32, #tpu.memory_space<vmem>> -> memref<1x1x80xi32, #tpu.memory_space<vmem>>
        %dma_wait3A_365 = tpu.memref_squeeze %dma_wait3A_364 : memref<1x1x80xi32, #tpu.memory_space<vmem>> -> memref<80xi32, #tpu.memory_space<vmem>>
        %dma_wait3A_366 = arith.constant 0 : i32
        %dma_wait3A_367 = arith.constant 0 : i32
        %dma_wait3A_368 = tpu.memref_slice %arg18[%dma_wait3A_366, %dma_wait3A_367] : memref<10000x64xf32, #tpu.memory_space<vmem_shared>> -> memref<10000x64xf32, #tpu.memory_space<vmem_shared>>
        tpu.wait_indirect_dma semaphore(%run_scoped3A_349 : memref<!tpu.dma_semaphore, #tpu.memory_space<semaphore_mem>>) src(%dma_wait3A_362 : memref<80x64xf32, #tpu.memory_space<vmem>>) dst(%dma_wait3A_368 : memref<10000x64xf32, #tpu.memory_space<vmem_shared>>)
        tpu.yield
      }) : () -> ()
      %run_scoped3A_241 = arith.constant 0 : i32
      "tpu.region"() ({
        %run_scoped3A_349 = tpu.sem_alloc : memref<!tpu.dma_semaphore, #tpu.memory_space<semaphore_mem>>
        %dma_start3A = arith.constant 0 : i32
        %dma_start3A_350 = tpu.memref_slice %arg13[%add3A_226, %run_scoped3A_241, %dma_start3A] : memref<250x1x80xi32, #tpu.memory_space<vmem>> -> memref<1x1x80xi32, #tpu.memory_space<vmem>>
        %dma_start3A_351 = tpu.memref_squeeze %dma_start3A_350 : memref<1x1x80xi32, #tpu.memory_space<vmem>> -> memref<80xi32, #tpu.memory_space<vmem>>
        %dma_start3A_352 = arith.constant 0 : i32
        %dma_start3A_353 = arith.constant 0 : i32
        %dma_start3A_354 = tpu.memref_slice %arg19[%dma_start3A_352, %dma_start3A_353] : memref<10000x16xf32, #tpu.memory_space<vmem_shared>> -> memref<10000x16xf32, #tpu.memory_space<vmem_shared>>
        tpu.enqueue_indirect_dma source(%arg17 : memref<80x16xf32, #tpu.memory_space<vmem>>) target(%dma_start3A_354 : memref<10000x16xf32, #tpu.memory_space<vmem_shared>>) offsets(%dma_start3A_351 : memref<80xi32, #tpu.memory_space<vmem>>) semaphore(%run_scoped3A_349 : memref<!tpu.dma_semaphore, #tpu.memory_space<semaphore_mem>>) {add = true}
        %dma_wait3A_355 = arith.constant 0 : i32
        %dma_wait3A_356 = tpu.memref_slice %arg13[%add3A_226, %run_scoped3A_241, %dma_wait3A_355] : memref<250x1x80xi32, #tpu.memory_space<vmem>> -> memref<1x1x80xi32, #tpu.memory_space<vmem>>
        %dma_wait3A_357 = tpu.memref_squeeze %dma_wait3A_356 : memref<1x1x80xi32, #tpu.memory_space<vmem>> -> memref<80xi32, #tpu.memory_space<vmem>>
        %dma_wait3A_358 = arith.constant 0 : i32
        %dma_wait3A_359 = arith.constant 0 : i32
        %dma_wait3A_360 = tpu.memref_slice %arg19[%dma_wait3A_358, %dma_wait3A_359] : memref<10000x16xf32, #tpu.memory_space<vmem_shared>> -> memref<10000x16xf32, #tpu.memory_space<vmem_shared>>
        tpu.wait_indirect_dma semaphore(%run_scoped3A_349 : memref<!tpu.dma_semaphore, #tpu.memory_space<semaphore_mem>>) src(%arg17 : memref<80x16xf32, #tpu.memory_space<vmem>>) dst(%dma_wait3A_360 : memref<10000x16xf32, #tpu.memory_space<vmem_shared>>)
        tpu.yield
      }) : () -> ()
      %add3A_242 = arith.constant 5 : i32
      %add3A_243 = arith.addi %add3A_226, %add3A_242 : i32
      %lt3A_244 = arith.constant 250 : i32
      %lt3A_245 = arith.cmpi slt, %add3A_243, %lt3A_244 : i32
      %convert_element_type3A_246 = arith.extui %lt3A_245 : i1 to i32
      %cond3A_247 = arith.constant 0 : i32
      %cond3A_248 = arith.cmpi ne, %convert_element_type3A_246, %cond3A_247 : i32
      scf.if %cond3A_248 {
        %add3A_349 = arith.constant 5 : i32
        %add3A_350 = arith.addi %add3A_226, %add3A_349 : i32
        %eq3A_351 = arith.constant 0 : i32
        %eq3A_352 = arith.cmpi eq, %arg0, %eq3A_351 : i32
        %convert_element_type3A_353 = arith.extui %eq3A_352 : i1 to i32
        %cond3A_354 = arith.constant 0 : i32
        %cond3A_355 = arith.cmpi ne, %convert_element_type3A_353, %cond3A_354 : i32
        scf.if %cond3A_355 {
          %dma_start3A = arith.constant 0 : i32
          %dma_start3A_361 = arith.constant 0 : i32
          %dma_start3A_362 = arith.constant 0 : i32
          %dma_start3A_363 = arith.constant 0 : i32
          %dma_start3A_364 = tpu.memref_slice %arg14[%dma_start3A_361, %dma_start3A_362, %dma_start3A_363] : memref<5x80x64xf32, #tpu.memory_space<vmem>> -> memref<1x80x64xf32, #tpu.memory_space<vmem>>
          %dma_start3A_365 = tpu.memref_squeeze %dma_start3A_364 : memref<1x80x64xf32, #tpu.memory_space<vmem>> -> memref<80x64xf32, #tpu.memory_space<vmem>>
          %dma_start3A_366 = arith.constant 0 : i32
          %dma_start3A_367 = tpu.memref_slice %arg12[%add3A_350, %dma_start3A, %dma_start3A_366] : memref<250x1x80xi32, #tpu.memory_space<vmem>> -> memref<1x1x80xi32, #tpu.memory_space<vmem>>
          %dma_start3A_368 = tpu.memref_squeeze %dma_start3A_367 : memref<1x1x80xi32, #tpu.memory_space<vmem>> -> memref<80xi32, #tpu.memory_space<vmem>>
          %dma_start3A_369 = arith.constant 0 : i32
          %dma_start3A_370 = arith.constant 0 : i32
          %dma_start3A_371 = tpu.memref_slice %arg6[%dma_start3A_369, %dma_start3A_370] : memref<10000x64xf32, #tpu.memory_space<hbm>> -> memref<10000x64xf32, #tpu.memory_space<hbm>>
          tpu.enqueue_indirect_dma source(%dma_start3A_371 : memref<10000x64xf32, #tpu.memory_space<hbm>>) target(%dma_start3A_365 : memref<80x64xf32, #tpu.memory_space<vmem>>) offsets(%dma_start3A_368 : memref<80xi32, #tpu.memory_space<vmem>>) semaphore(%arg20 : memref<!tpu.dma_semaphore, #tpu.memory_space<semaphore_mem>>)
        } else {
        }
        %eq3A_356 = arith.constant 1 : i32
        %eq3A_357 = arith.cmpi eq, %arg0, %eq3A_356 : i32
        %convert_element_type3A_358 = arith.extui %eq3A_357 : i1 to i32
        %cond3A_359 = arith.constant 0 : i32
        %cond3A_360 = arith.cmpi ne, %convert_element_type3A_358, %cond3A_359 : i32
        scf.if %cond3A_360 {
          %dma_start3A = arith.constant 0 : i32
          %dma_start3A_361 = arith.constant 0 : i32
          %dma_start3A_362 = arith.constant 0 : i32
          %dma_start3A_363 = arith.constant 0 : i32
          %dma_start3A_364 = tpu.memref_slice %arg14[%dma_start3A_361, %dma_start3A_362, %dma_start3A_363] : memref<5x80x64xf32, #tpu.memory_space<vmem>> -> memref<1x80x64xf32, #tpu.memory_space<vmem>>
          %dma_start3A_365 = tpu.memref_squeeze %dma_start3A_364 : memref<1x80x64xf32, #tpu.memory_space<vmem>> -> memref<80x64xf32, #tpu.memory_space<vmem>>
          %dma_start3A_366 = arith.constant 0 : i32
          %dma_start3A_367 = tpu.memref_slice %arg12[%add3A_350, %dma_start3A, %dma_start3A_366] : memref<250x1x80xi32, #tpu.memory_space<vmem>> -> memref<1x1x80xi32, #tpu.memory_space<vmem>>
          %dma_start3A_368 = tpu.memref_squeeze %dma_start3A_367 : memref<1x1x80xi32, #tpu.memory_space<vmem>> -> memref<80xi32, #tpu.memory_space<vmem>>
          %dma_start3A_369 = arith.constant 0 : i32
          %dma_start3A_370 = arith.constant 0 : i32
          %dma_start3A_371 = tpu.memref_slice %arg7[%dma_start3A_369, %dma_start3A_370] : memref<10000x64xf32, #tpu.memory_space<hbm>> -> memref<10000x64xf32, #tpu.memory_space<hbm>>
          tpu.enqueue_indirect_dma source(%dma_start3A_371 : memref<10000x64xf32, #tpu.memory_space<hbm>>) target(%dma_start3A_365 : memref<80x64xf32, #tpu.memory_space<vmem>>) offsets(%dma_start3A_368 : memref<80xi32, #tpu.memory_space<vmem>>) semaphore(%arg20 : memref<!tpu.dma_semaphore, #tpu.memory_space<semaphore_mem>>)
        } else {
        }
      } else {
      }
      %add3A_249 = arith.constant 1 : i32
      %add3A_250 = arith.addi %mul3A_224, %add3A_249 : i32
      %dma_wait3A_251 = arith.constant 0 : i32
      %dma_wait3A_252 = arith.constant 0 : i32
      %dma_wait3A_253 = arith.constant 1 : i32
      %dma_wait3A_254 = arith.constant 0 : i32
      %dma_wait3A_255 = arith.constant 0 : i32
      %dma_wait3A_256 = tpu.memref_slice %arg14[%dma_wait3A_253, %dma_wait3A_254, %dma_wait3A_255] : memref<5x80x64xf32, #tpu.memory_space<vmem>> -> memref<1x80x64xf32, #tpu.memory_space<vmem>>
      %dma_wait3A_257 = tpu.memref_squeeze %dma_wait3A_256 : memref<1x80x64xf32, #tpu.memory_space<vmem>> -> memref<80x64xf32, #tpu.memory_space<vmem>>
      %dma_wait3A_258 = arith.constant 0 : i32
      %dma_wait3A_259 = tpu.memref_slice %arg12[%dma_wait3A_251, %dma_wait3A_252, %dma_wait3A_258] : memref<250x1x80xi32, #tpu.memory_space<vmem>> -> memref<1x1x80xi32, #tpu.memory_space<vmem>>
      %dma_wait3A_260 = tpu.memref_squeeze %dma_wait3A_259 : memref<1x1x80xi32, #tpu.memory_space<vmem>> -> memref<80xi32, #tpu.memory_space<vmem>>
      %dma_wait3A_261 = arith.constant 0 : i32
      %dma_wait3A_262 = arith.constant 0 : i32
      %dma_wait3A_263 = tpu.memref_slice %arg6[%dma_wait3A_261, %dma_wait3A_262] : memref<10000x64xf32, #tpu.memory_space<hbm>> -> memref<10000x64xf32, #tpu.memory_space<hbm>>
      tpu.wait_indirect_dma semaphore(%arg21 : memref<!tpu.dma_semaphore, #tpu.memory_space<semaphore_mem>>) src(%dma_wait3A_263 : memref<10000x64xf32, #tpu.memory_space<hbm>>) dst(%dma_wait3A_257 : memref<80x64xf32, #tpu.memory_space<vmem>>)
      %run_scoped3A_264 = arith.constant 1 : i32
      %run_scoped3A_265 = arith.constant 0 : i32
      "tpu.region"() ({
        %run_scoped3A_349 = tpu.sem_alloc : memref<!tpu.dma_semaphore, #tpu.memory_space<semaphore_mem>>
        %dma_start3A = arith.constant 0 : i32
        %dma_start3A_350 = arith.constant 0 : i32
        %dma_start3A_351 = tpu.memref_slice %arg14[%run_scoped3A_264, %dma_start3A, %dma_start3A_350] : memref<5x80x64xf32, #tpu.memory_space<vmem>> -> memref<1x80x64xf32, #tpu.memory_space<vmem>>
        %dma_start3A_352 = tpu.memref_squeeze %dma_start3A_351 : memref<1x80x64xf32, #tpu.memory_space<vmem>> -> memref<80x64xf32, #tpu.memory_space<vmem>>
        %dma_start3A_353 = arith.constant 0 : i32
        %dma_start3A_354 = tpu.memref_slice %arg13[%add3A_250, %run_scoped3A_265, %dma_start3A_353] : memref<250x1x80xi32, #tpu.memory_space<vmem>> -> memref<1x1x80xi32, #tpu.memory_space<vmem>>
        %dma_start3A_355 = tpu.memref_squeeze %dma_start3A_354 : memref<1x1x80xi32, #tpu.memory_space<vmem>> -> memref<80xi32, #tpu.memory_space<vmem>>
        %dma_start3A_356 = arith.constant 0 : i32
        %dma_start3A_357 = arith.constant 0 : i32
        %dma_start3A_358 = tpu.memref_slice %arg18[%dma_start3A_356, %dma_start3A_357] : memref<10000x64xf32, #tpu.memory_space<vmem_shared>> -> memref<10000x64xf32, #tpu.memory_space<vmem_shared>>
        tpu.enqueue_indirect_dma source(%dma_start3A_352 : memref<80x64xf32, #tpu.memory_space<vmem>>) target(%dma_start3A_358 : memref<10000x64xf32, #tpu.memory_space<vmem_shared>>) offsets(%dma_start3A_355 : memref<80xi32, #tpu.memory_space<vmem>>) semaphore(%run_scoped3A_349 : memref<!tpu.dma_semaphore, #tpu.memory_space<semaphore_mem>>) {add = true}
        %dma_wait3A_359 = arith.constant 0 : i32
        %dma_wait3A_360 = arith.constant 0 : i32
        %dma_wait3A_361 = tpu.memref_slice %arg14[%run_scoped3A_264, %dma_wait3A_359, %dma_wait3A_360] : memref<5x80x64xf32, #tpu.memory_space<vmem>> -> memref<1x80x64xf32, #tpu.memory_space<vmem>>
        %dma_wait3A_362 = tpu.memref_squeeze %dma_wait3A_361 : memref<1x80x64xf32, #tpu.memory_space<vmem>> -> memref<80x64xf32, #tpu.memory_space<vmem>>
        %dma_wait3A_363 = arith.constant 0 : i32
        %dma_wait3A_364 = tpu.memref_slice %arg13[%add3A_250, %run_scoped3A_265, %dma_wait3A_363] : memref<250x1x80xi32, #tpu.memory_space<vmem>> -> memref<1x1x80xi32, #tpu.memory_space<vmem>>
        %dma_wait3A_365 = tpu.memref_squeeze %dma_wait3A_364 : memref<1x1x80xi32, #tpu.memory_space<vmem>> -> memref<80xi32, #tpu.memory_space<vmem>>
        %dma_wait3A_366 = arith.constant 0 : i32
        %dma_wait3A_367 = arith.constant 0 : i32
        %dma_wait3A_368 = tpu.memref_slice %arg18[%dma_wait3A_366, %dma_wait3A_367] : memref<10000x64xf32, #tpu.memory_space<vmem_shared>> -> memref<10000x64xf32, #tpu.memory_space<vmem_shared>>
        tpu.wait_indirect_dma semaphore(%run_scoped3A_349 : memref<!tpu.dma_semaphore, #tpu.memory_space<semaphore_mem>>) src(%dma_wait3A_362 : memref<80x64xf32, #tpu.memory_space<vmem>>) dst(%dma_wait3A_368 : memref<10000x64xf32, #tpu.memory_space<vmem_shared>>)
        tpu.yield
      }) : () -> ()
      %run_scoped3A_266 = arith.constant 0 : i32
      "tpu.region"() ({
        %run_scoped3A_349 = tpu.sem_alloc : memref<!tpu.dma_semaphore, #tpu.memory_space<semaphore_mem>>
        %dma_start3A = arith.constant 0 : i32
        %dma_start3A_350 = tpu.memref_slice %arg13[%add3A_250, %run_scoped3A_266, %dma_start3A] : memref<250x1x80xi32, #tpu.memory_space<vmem>> -> memref<1x1x80xi32, #tpu.memory_space<vmem>>
        %dma_start3A_351 = tpu.memref_squeeze %dma_start3A_350 : memref<1x1x80xi32, #tpu.memory_space<vmem>> -> memref<80xi32, #tpu.memory_space<vmem>>
        %dma_start3A_352 = arith.constant 0 : i32
        %dma_start3A_353 = arith.constant 0 : i32
        %dma_start3A_354 = tpu.memref_slice %arg19[%dma_start3A_352, %dma_start3A_353] : memref<10000x16xf32, #tpu.memory_space<vmem_shared>> -> memref<10000x16xf32, #tpu.memory_space<vmem_shared>>
        tpu.enqueue_indirect_dma source(%arg17 : memref<80x16xf32, #tpu.memory_space<vmem>>) target(%dma_start3A_354 : memref<10000x16xf32, #tpu.memory_space<vmem_shared>>) offsets(%dma_start3A_351 : memref<80xi32, #tpu.memory_space<vmem>>) semaphore(%run_scoped3A_349 : memref<!tpu.dma_semaphore, #tpu.memory_space<semaphore_mem>>) {add = true}
        %dma_wait3A_355 = arith.constant 0 : i32
        %dma_wait3A_356 = tpu.memref_slice %arg13[%add3A_250, %run_scoped3A_266, %dma_wait3A_355] : memref<250x1x80xi32, #tpu.memory_space<vmem>> -> memref<1x1x80xi32, #tpu.memory_space<vmem>>
        %dma_wait3A_357 = tpu.memref_squeeze %dma_wait3A_356 : memref<1x1x80xi32, #tpu.memory_space<vmem>> -> memref<80xi32, #tpu.memory_space<vmem>>
        %dma_wait3A_358 = arith.constant 0 : i32
        %dma_wait3A_359 = arith.constant 0 : i32
        %dma_wait3A_360 = tpu.memref_slice %arg19[%dma_wait3A_358, %dma_wait3A_359] : memref<10000x16xf32, #tpu.memory_space<vmem_shared>> -> memref<10000x16xf32, #tpu.memory_space<vmem_shared>>
        tpu.wait_indirect_dma semaphore(%run_scoped3A_349 : memref<!tpu.dma_semaphore, #tpu.memory_space<semaphore_mem>>) src(%arg17 : memref<80x16xf32, #tpu.memory_space<vmem>>) dst(%dma_wait3A_360 : memref<10000x16xf32, #tpu.memory_space<vmem_shared>>)
        tpu.yield
      }) : () -> ()
      %add3A_267 = arith.constant 5 : i32
      %add3A_268 = arith.addi %add3A_250, %add3A_267 : i32
      %lt3A_269 = arith.constant 250 : i32
      %lt3A_270 = arith.cmpi slt, %add3A_268, %lt3A_269 : i32
      %convert_element_type3A_271 = arith.extui %lt3A_270 : i1 to i32
      %cond3A_272 = arith.constant 0 : i32
      %cond3A_273 = arith.cmpi ne, %convert_element_type3A_271, %cond3A_272 : i32
      scf.if %cond3A_273 {
        %add3A_349 = arith.constant 5 : i32
        %add3A_350 = arith.addi %add3A_250, %add3A_349 : i32
        %eq3A_351 = arith.constant 0 : i32
        %eq3A_352 = arith.cmpi eq, %arg0, %eq3A_351 : i32
        %convert_element_type3A_353 = arith.extui %eq3A_352 : i1 to i32
        %cond3A_354 = arith.constant 0 : i32
        %cond3A_355 = arith.cmpi ne, %convert_element_type3A_353, %cond3A_354 : i32
        scf.if %cond3A_355 {
          %dma_start3A = arith.constant 0 : i32
          %dma_start3A_361 = arith.constant 1 : i32
          %dma_start3A_362 = arith.constant 0 : i32
          %dma_start3A_363 = arith.constant 0 : i32
          %dma_start3A_364 = tpu.memref_slice %arg14[%dma_start3A_361, %dma_start3A_362, %dma_start3A_363] : memref<5x80x64xf32, #tpu.memory_space<vmem>> -> memref<1x80x64xf32, #tpu.memory_space<vmem>>
          %dma_start3A_365 = tpu.memref_squeeze %dma_start3A_364 : memref<1x80x64xf32, #tpu.memory_space<vmem>> -> memref<80x64xf32, #tpu.memory_space<vmem>>
          %dma_start3A_366 = arith.constant 0 : i32
          %dma_start3A_367 = tpu.memref_slice %arg12[%add3A_350, %dma_start3A, %dma_start3A_366] : memref<250x1x80xi32, #tpu.memory_space<vmem>> -> memref<1x1x80xi32, #tpu.memory_space<vmem>>
          %dma_start3A_368 = tpu.memref_squeeze %dma_start3A_367 : memref<1x1x80xi32, #tpu.memory_space<vmem>> -> memref<80xi32, #tpu.memory_space<vmem>>
          %dma_start3A_369 = arith.constant 0 : i32
          %dma_start3A_370 = arith.constant 0 : i32
          %dma_start3A_371 = tpu.memref_slice %arg6[%dma_start3A_369, %dma_start3A_370] : memref<10000x64xf32, #tpu.memory_space<hbm>> -> memref<10000x64xf32, #tpu.memory_space<hbm>>
          tpu.enqueue_indirect_dma source(%dma_start3A_371 : memref<10000x64xf32, #tpu.memory_space<hbm>>) target(%dma_start3A_365 : memref<80x64xf32, #tpu.memory_space<vmem>>) offsets(%dma_start3A_368 : memref<80xi32, #tpu.memory_space<vmem>>) semaphore(%arg21 : memref<!tpu.dma_semaphore, #tpu.memory_space<semaphore_mem>>)
        } else {
        }
        %eq3A_356 = arith.constant 1 : i32
        %eq3A_357 = arith.cmpi eq, %arg0, %eq3A_356 : i32
        %convert_element_type3A_358 = arith.extui %eq3A_357 : i1 to i32
        %cond3A_359 = arith.constant 0 : i32
        %cond3A_360 = arith.cmpi ne, %convert_element_type3A_358, %cond3A_359 : i32
        scf.if %cond3A_360 {
          %dma_start3A = arith.constant 0 : i32
          %dma_start3A_361 = arith.constant 1 : i32
          %dma_start3A_362 = arith.constant 0 : i32
          %dma_start3A_363 = arith.constant 0 : i32
          %dma_start3A_364 = tpu.memref_slice %arg14[%dma_start3A_361, %dma_start3A_362, %dma_start3A_363] : memref<5x80x64xf32, #tpu.memory_space<vmem>> -> memref<1x80x64xf32, #tpu.memory_space<vmem>>
          %dma_start3A_365 = tpu.memref_squeeze %dma_start3A_364 : memref<1x80x64xf32, #tpu.memory_space<vmem>> -> memref<80x64xf32, #tpu.memory_space<vmem>>
          %dma_start3A_366 = arith.constant 0 : i32
          %dma_start3A_367 = tpu.memref_slice %arg12[%add3A_350, %dma_start3A, %dma_start3A_366] : memref<250x1x80xi32, #tpu.memory_space<vmem>> -> memref<1x1x80xi32, #tpu.memory_space<vmem>>
          %dma_start3A_368 = tpu.memref_squeeze %dma_start3A_367 : memref<1x1x80xi32, #tpu.memory_space<vmem>> -> memref<80xi32, #tpu.memory_space<vmem>>
          %dma_start3A_369 = arith.constant 0 : i32
          %dma_start3A_370 = arith.constant 0 : i32
          %dma_start3A_371 = tpu.memref_slice %arg7[%dma_start3A_369, %dma_start3A_370] : memref<10000x64xf32, #tpu.memory_space<hbm>> -> memref<10000x64xf32, #tpu.memory_space<hbm>>
          tpu.enqueue_indirect_dma source(%dma_start3A_371 : memref<10000x64xf32, #tpu.memory_space<hbm>>) target(%dma_start3A_365 : memref<80x64xf32, #tpu.memory_space<vmem>>) offsets(%dma_start3A_368 : memref<80xi32, #tpu.memory_space<vmem>>) semaphore(%arg21 : memref<!tpu.dma_semaphore, #tpu.memory_space<semaphore_mem>>)
        } else {
        }
      } else {
      }
      %add3A_274 = arith.constant 2 : i32
      %add3A_275 = arith.addi %mul3A_224, %add3A_274 : i32
      %dma_wait3A_276 = arith.constant 0 : i32
      %dma_wait3A_277 = arith.constant 0 : i32
      %dma_wait3A_278 = arith.constant 2 : i32
      %dma_wait3A_279 = arith.constant 0 : i32
      %dma_wait3A_280 = arith.constant 0 : i32
      %dma_wait3A_281 = tpu.memref_slice %arg14[%dma_wait3A_278, %dma_wait3A_279, %dma_wait3A_280] : memref<5x80x64xf32, #tpu.memory_space<vmem>> -> memref<1x80x64xf32, #tpu.memory_space<vmem>>
      %dma_wait3A_282 = tpu.memref_squeeze %dma_wait3A_281 : memref<1x80x64xf32, #tpu.memory_space<vmem>> -> memref<80x64xf32, #tpu.memory_space<vmem>>
      %dma_wait3A_283 = arith.constant 0 : i32
      %dma_wait3A_284 = tpu.memref_slice %arg12[%dma_wait3A_276, %dma_wait3A_277, %dma_wait3A_283] : memref<250x1x80xi32, #tpu.memory_space<vmem>> -> memref<1x1x80xi32, #tpu.memory_space<vmem>>
      %dma_wait3A_285 = tpu.memref_squeeze %dma_wait3A_284 : memref<1x1x80xi32, #tpu.memory_space<vmem>> -> memref<80xi32, #tpu.memory_space<vmem>>
      %dma_wait3A_286 = arith.constant 0 : i32
      %dma_wait3A_287 = arith.constant 0 : i32
      %dma_wait3A_288 = tpu.memref_slice %arg6[%dma_wait3A_286, %dma_wait3A_287] : memref<10000x64xf32, #tpu.memory_space<hbm>> -> memref<10000x64xf32, #tpu.memory_space<hbm>>
      tpu.wait_indirect_dma semaphore(%arg22 : memref<!tpu.dma_semaphore, #tpu.memory_space<semaphore_mem>>) src(%dma_wait3A_288 : memref<10000x64xf32, #tpu.memory_space<hbm>>) dst(%dma_wait3A_282 : memref<80x64xf32, #tpu.memory_space<vmem>>)
      %run_scoped3A_289 = arith.constant 2 : i32
      %run_scoped3A_290 = arith.constant 0 : i32
      "tpu.region"() ({
        %run_scoped3A_349 = tpu.sem_alloc : memref<!tpu.dma_semaphore, #tpu.memory_space<semaphore_mem>>
        %dma_start3A = arith.constant 0 : i32
        %dma_start3A_350 = arith.constant 0 : i32
        %dma_start3A_351 = tpu.memref_slice %arg14[%run_scoped3A_289, %dma_start3A, %dma_start3A_350] : memref<5x80x64xf32, #tpu.memory_space<vmem>> -> memref<1x80x64xf32, #tpu.memory_space<vmem>>
        %dma_start3A_352 = tpu.memref_squeeze %dma_start3A_351 : memref<1x80x64xf32, #tpu.memory_space<vmem>> -> memref<80x64xf32, #tpu.memory_space<vmem>>
        %dma_start3A_353 = arith.constant 0 : i32
        %dma_start3A_354 = tpu.memref_slice %arg13[%add3A_275, %run_scoped3A_290, %dma_start3A_353] : memref<250x1x80xi32, #tpu.memory_space<vmem>> -> memref<1x1x80xi32, #tpu.memory_space<vmem>>
        %dma_start3A_355 = tpu.memref_squeeze %dma_start3A_354 : memref<1x1x80xi32, #tpu.memory_space<vmem>> -> memref<80xi32, #tpu.memory_space<vmem>>
        %dma_start3A_356 = arith.constant 0 : i32
        %dma_start3A_357 = arith.constant 0 : i32
        %dma_start3A_358 = tpu.memref_slice %arg18[%dma_start3A_356, %dma_start3A_357] : memref<10000x64xf32, #tpu.memory_space<vmem_shared>> -> memref<10000x64xf32, #tpu.memory_space<vmem_shared>>
        tpu.enqueue_indirect_dma source(%dma_start3A_352 : memref<80x64xf32, #tpu.memory_space<vmem>>) target(%dma_start3A_358 : memref<10000x64xf32, #tpu.memory_space<vmem_shared>>) offsets(%dma_start3A_355 : memref<80xi32, #tpu.memory_space<vmem>>) semaphore(%run_scoped3A_349 : memref<!tpu.dma_semaphore, #tpu.memory_space<semaphore_mem>>) {add = true}
        %dma_wait3A_359 = arith.constant 0 : i32
        %dma_wait3A_360 = arith.constant 0 : i32
        %dma_wait3A_361 = tpu.memref_slice %arg14[%run_scoped3A_289, %dma_wait3A_359, %dma_wait3A_360] : memref<5x80x64xf32, #tpu.memory_space<vmem>> -> memref<1x80x64xf32, #tpu.memory_space<vmem>>
        %dma_wait3A_362 = tpu.memref_squeeze %dma_wait3A_361 : memref<1x80x64xf32, #tpu.memory_space<vmem>> -> memref<80x64xf32, #tpu.memory_space<vmem>>
        %dma_wait3A_363 = arith.constant 0 : i32
        %dma_wait3A_364 = tpu.memref_slice %arg13[%add3A_275, %run_scoped3A_290, %dma_wait3A_363] : memref<250x1x80xi32, #tpu.memory_space<vmem>> -> memref<1x1x80xi32, #tpu.memory_space<vmem>>
        %dma_wait3A_365 = tpu.memref_squeeze %dma_wait3A_364 : memref<1x1x80xi32, #tpu.memory_space<vmem>> -> memref<80xi32, #tpu.memory_space<vmem>>
        %dma_wait3A_366 = arith.constant 0 : i32
        %dma_wait3A_367 = arith.constant 0 : i32
        %dma_wait3A_368 = tpu.memref_slice %arg18[%dma_wait3A_366, %dma_wait3A_367] : memref<10000x64xf32, #tpu.memory_space<vmem_shared>> -> memref<10000x64xf32, #tpu.memory_space<vmem_shared>>
        tpu.wait_indirect_dma semaphore(%run_scoped3A_349 : memref<!tpu.dma_semaphore, #tpu.memory_space<semaphore_mem>>) src(%dma_wait3A_362 : memref<80x64xf32, #tpu.memory_space<vmem>>) dst(%dma_wait3A_368 : memref<10000x64xf32, #tpu.memory_space<vmem_shared>>)
        tpu.yield
      }) : () -> ()
      %run_scoped3A_291 = arith.constant 0 : i32
      "tpu.region"() ({
        %run_scoped3A_349 = tpu.sem_alloc : memref<!tpu.dma_semaphore, #tpu.memory_space<semaphore_mem>>
        %dma_start3A = arith.constant 0 : i32
        %dma_start3A_350 = tpu.memref_slice %arg13[%add3A_275, %run_scoped3A_291, %dma_start3A] : memref<250x1x80xi32, #tpu.memory_space<vmem>> -> memref<1x1x80xi32, #tpu.memory_space<vmem>>
        %dma_start3A_351 = tpu.memref_squeeze %dma_start3A_350 : memref<1x1x80xi32, #tpu.memory_space<vmem>> -> memref<80xi32, #tpu.memory_space<vmem>>
        %dma_start3A_352 = arith.constant 0 : i32
        %dma_start3A_353 = arith.constant 0 : i32
        %dma_start3A_354 = tpu.memref_slice %arg19[%dma_start3A_352, %dma_start3A_353] : memref<10000x16xf32, #tpu.memory_space<vmem_shared>> -> memref<10000x16xf32, #tpu.memory_space<vmem_shared>>
        tpu.enqueue_indirect_dma source(%arg17 : memref<80x16xf32, #tpu.memory_space<vmem>>) target(%dma_start3A_354 : memref<10000x16xf32, #tpu.memory_space<vmem_shared>>) offsets(%dma_start3A_351 : memref<80xi32, #tpu.memory_space<vmem>>) semaphore(%run_scoped3A_349 : memref<!tpu.dma_semaphore, #tpu.memory_space<semaphore_mem>>) {add = true}
        %dma_wait3A_355 = arith.constant 0 : i32
        %dma_wait3A_356 = tpu.memref_slice %arg13[%add3A_275, %run_scoped3A_291, %dma_wait3A_355] : memref<250x1x80xi32, #tpu.memory_space<vmem>> -> memref<1x1x80xi32, #tpu.memory_space<vmem>>
        %dma_wait3A_357 = tpu.memref_squeeze %dma_wait3A_356 : memref<1x1x80xi32, #tpu.memory_space<vmem>> -> memref<80xi32, #tpu.memory_space<vmem>>
        %dma_wait3A_358 = arith.constant 0 : i32
        %dma_wait3A_359 = arith.constant 0 : i32
        %dma_wait3A_360 = tpu.memref_slice %arg19[%dma_wait3A_358, %dma_wait3A_359] : memref<10000x16xf32, #tpu.memory_space<vmem_shared>> -> memref<10000x16xf32, #tpu.memory_space<vmem_shared>>
        tpu.wait_indirect_dma semaphore(%run_scoped3A_349 : memref<!tpu.dma_semaphore, #tpu.memory_space<semaphore_mem>>) src(%arg17 : memref<80x16xf32, #tpu.memory_space<vmem>>) dst(%dma_wait3A_360 : memref<10000x16xf32, #tpu.memory_space<vmem_shared>>)
        tpu.yield
      }) : () -> ()
      %add3A_292 = arith.constant 5 : i32
      %add3A_293 = arith.addi %add3A_275, %add3A_292 : i32
      %lt3A_294 = arith.constant 250 : i32
      %lt3A_295 = arith.cmpi slt, %add3A_293, %lt3A_294 : i32
      %convert_element_type3A_296 = arith.extui %lt3A_295 : i1 to i32
      %cond3A_297 = arith.constant 0 : i32
      %cond3A_298 = arith.cmpi ne, %convert_element_type3A_296, %cond3A_297 : i32
      scf.if %cond3A_298 {
        %add3A_349 = arith.constant 5 : i32
        %add3A_350 = arith.addi %add3A_275, %add3A_349 : i32
        %eq3A_351 = arith.constant 0 : i32
        %eq3A_352 = arith.cmpi eq, %arg0, %eq3A_351 : i32
        %convert_element_type3A_353 = arith.extui %eq3A_352 : i1 to i32
        %cond3A_354 = arith.constant 0 : i32
        %cond3A_355 = arith.cmpi ne, %convert_element_type3A_353, %cond3A_354 : i32
        scf.if %cond3A_355 {
          %dma_start3A = arith.constant 0 : i32
          %dma_start3A_361 = arith.constant 2 : i32
          %dma_start3A_362 = arith.constant 0 : i32
          %dma_start3A_363 = arith.constant 0 : i32
          %dma_start3A_364 = tpu.memref_slice %arg14[%dma_start3A_361, %dma_start3A_362, %dma_start3A_363] : memref<5x80x64xf32, #tpu.memory_space<vmem>> -> memref<1x80x64xf32, #tpu.memory_space<vmem>>
          %dma_start3A_365 = tpu.memref_squeeze %dma_start3A_364 : memref<1x80x64xf32, #tpu.memory_space<vmem>> -> memref<80x64xf32, #tpu.memory_space<vmem>>
          %dma_start3A_366 = arith.constant 0 : i32
          %dma_start3A_367 = tpu.memref_slice %arg12[%add3A_350, %dma_start3A, %dma_start3A_366] : memref<250x1x80xi32, #tpu.memory_space<vmem>> -> memref<1x1x80xi32, #tpu.memory_space<vmem>>
          %dma_start3A_368 = tpu.memref_squeeze %dma_start3A_367 : memref<1x1x80xi32, #tpu.memory_space<vmem>> -> memref<80xi32, #tpu.memory_space<vmem>>
          %dma_start3A_369 = arith.constant 0 : i32
          %dma_start3A_370 = arith.constant 0 : i32
          %dma_start3A_371 = tpu.memref_slice %arg6[%dma_start3A_369, %dma_start3A_370] : memref<10000x64xf32, #tpu.memory_space<hbm>> -> memref<10000x64xf32, #tpu.memory_space<hbm>>
          tpu.enqueue_indirect_dma source(%dma_start3A_371 : memref<10000x64xf32, #tpu.memory_space<hbm>>) target(%dma_start3A_365 : memref<80x64xf32, #tpu.memory_space<vmem>>) offsets(%dma_start3A_368 : memref<80xi32, #tpu.memory_space<vmem>>) semaphore(%arg22 : memref<!tpu.dma_semaphore, #tpu.memory_space<semaphore_mem>>)
        } else {
        }
        %eq3A_356 = arith.constant 1 : i32
        %eq3A_357 = arith.cmpi eq, %arg0, %eq3A_356 : i32
        %convert_element_type3A_358 = arith.extui %eq3A_357 : i1 to i32
        %cond3A_359 = arith.constant 0 : i32
        %cond3A_360 = arith.cmpi ne, %convert_element_type3A_358, %cond3A_359 : i32
        scf.if %cond3A_360 {
          %dma_start3A = arith.constant 0 : i32
          %dma_start3A_361 = arith.constant 2 : i32
          %dma_start3A_362 = arith.constant 0 : i32
          %dma_start3A_363 = arith.constant 0 : i32
          %dma_start3A_364 = tpu.memref_slice %arg14[%dma_start3A_361, %dma_start3A_362, %dma_start3A_363] : memref<5x80x64xf32, #tpu.memory_space<vmem>> -> memref<1x80x64xf32, #tpu.memory_space<vmem>>
          %dma_start3A_365 = tpu.memref_squeeze %dma_start3A_364 : memref<1x80x64xf32, #tpu.memory_space<vmem>> -> memref<80x64xf32, #tpu.memory_space<vmem>>
          %dma_start3A_366 = arith.constant 0 : i32
          %dma_start3A_367 = tpu.memref_slice %arg12[%add3A_350, %dma_start3A, %dma_start3A_366] : memref<250x1x80xi32, #tpu.memory_space<vmem>> -> memref<1x1x80xi32, #tpu.memory_space<vmem>>
          %dma_start3A_368 = tpu.memref_squeeze %dma_start3A_367 : memref<1x1x80xi32, #tpu.memory_space<vmem>> -> memref<80xi32, #tpu.memory_space<vmem>>
          %dma_start3A_369 = arith.constant 0 : i32
          %dma_start3A_370 = arith.constant 0 : i32
          %dma_start3A_371 = tpu.memref_slice %arg7[%dma_start3A_369, %dma_start3A_370] : memref<10000x64xf32, #tpu.memory_space<hbm>> -> memref<10000x64xf32, #tpu.memory_space<hbm>>
          tpu.enqueue_indirect_dma source(%dma_start3A_371 : memref<10000x64xf32, #tpu.memory_space<hbm>>) target(%dma_start3A_365 : memref<80x64xf32, #tpu.memory_space<vmem>>) offsets(%dma_start3A_368 : memref<80xi32, #tpu.memory_space<vmem>>) semaphore(%arg22 : memref<!tpu.dma_semaphore, #tpu.memory_space<semaphore_mem>>)
        } else {
        }
      } else {
      }
      %add3A_299 = arith.constant 3 : i32
      %add3A_300 = arith.addi %mul3A_224, %add3A_299 : i32
      %dma_wait3A_301 = arith.constant 0 : i32
      %dma_wait3A_302 = arith.constant 0 : i32
      %dma_wait3A_303 = arith.constant 3 : i32
      %dma_wait3A_304 = arith.constant 0 : i32
      %dma_wait3A_305 = arith.constant 0 : i32
      %dma_wait3A_306 = tpu.memref_slice %arg14[%dma_wait3A_303, %dma_wait3A_304, %dma_wait3A_305] : memref<5x80x64xf32, #tpu.memory_space<vmem>> -> memref<1x80x64xf32, #tpu.memory_space<vmem>>
      %dma_wait3A_307 = tpu.memref_squeeze %dma_wait3A_306 : memref<1x80x64xf32, #tpu.memory_space<vmem>> -> memref<80x64xf32, #tpu.memory_space<vmem>>
      %dma_wait3A_308 = arith.constant 0 : i32
      %dma_wait3A_309 = tpu.memref_slice %arg12[%dma_wait3A_301, %dma_wait3A_302, %dma_wait3A_308] : memref<250x1x80xi32, #tpu.memory_space<vmem>> -> memref<1x1x80xi32, #tpu.memory_space<vmem>>
      %dma_wait3A_310 = tpu.memref_squeeze %dma_wait3A_309 : memref<1x1x80xi32, #tpu.memory_space<vmem>> -> memref<80xi32, #tpu.memory_space<vmem>>
      %dma_wait3A_311 = arith.constant 0 : i32
      %dma_wait3A_312 = arith.constant 0 : i32
      %dma_wait3A_313 = tpu.memref_slice %arg6[%dma_wait3A_311, %dma_wait3A_312] : memref<10000x64xf32, #tpu.memory_space<hbm>> -> memref<10000x64xf32, #tpu.memory_space<hbm>>
      tpu.wait_indirect_dma semaphore(%arg23 : memref<!tpu.dma_semaphore, #tpu.memory_space<semaphore_mem>>) src(%dma_wait3A_313 : memref<10000x64xf32, #tpu.memory_space<hbm>>) dst(%dma_wait3A_307 : memref<80x64xf32, #tpu.memory_space<vmem>>)
      %run_scoped3A_314 = arith.constant 3 : i32
      %run_scoped3A_315 = arith.constant 0 : i32
      "tpu.region"() ({
        %run_scoped3A_349 = tpu.sem_alloc : memref<!tpu.dma_semaphore, #tpu.memory_space<semaphore_mem>>
        %dma_start3A = arith.constant 0 : i32
        %dma_start3A_350 = arith.constant 0 : i32
        %dma_start3A_351 = tpu.memref_slice %arg14[%run_scoped3A_314, %dma_start3A, %dma_start3A_350] : memref<5x80x64xf32, #tpu.memory_space<vmem>> -> memref<1x80x64xf32, #tpu.memory_space<vmem>>
        %dma_start3A_352 = tpu.memref_squeeze %dma_start3A_351 : memref<1x80x64xf32, #tpu.memory_space<vmem>> -> memref<80x64xf32, #tpu.memory_space<vmem>>
        %dma_start3A_353 = arith.constant 0 : i32
        %dma_start3A_354 = tpu.memref_slice %arg13[%add3A_300, %run_scoped3A_315, %dma_start3A_353] : memref<250x1x80xi32, #tpu.memory_space<vmem>> -> memref<1x1x80xi32, #tpu.memory_space<vmem>>
        %dma_start3A_355 = tpu.memref_squeeze %dma_start3A_354 : memref<1x1x80xi32, #tpu.memory_space<vmem>> -> memref<80xi32, #tpu.memory_space<vmem>>
        %dma_start3A_356 = arith.constant 0 : i32
        %dma_start3A_357 = arith.constant 0 : i32
        %dma_start3A_358 = tpu.memref_slice %arg18[%dma_start3A_356, %dma_start3A_357] : memref<10000x64xf32, #tpu.memory_space<vmem_shared>> -> memref<10000x64xf32, #tpu.memory_space<vmem_shared>>
        tpu.enqueue_indirect_dma source(%dma_start3A_352 : memref<80x64xf32, #tpu.memory_space<vmem>>) target(%dma_start3A_358 : memref<10000x64xf32, #tpu.memory_space<vmem_shared>>) offsets(%dma_start3A_355 : memref<80xi32, #tpu.memory_space<vmem>>) semaphore(%run_scoped3A_349 : memref<!tpu.dma_semaphore, #tpu.memory_space<semaphore_mem>>) {add = true}
        %dma_wait3A_359 = arith.constant 0 : i32
        %dma_wait3A_360 = arith.constant 0 : i32
        %dma_wait3A_361 = tpu.memref_slice %arg14[%run_scoped3A_314, %dma_wait3A_359, %dma_wait3A_360] : memref<5x80x64xf32, #tpu.memory_space<vmem>> -> memref<1x80x64xf32, #tpu.memory_space<vmem>>
        %dma_wait3A_362 = tpu.memref_squeeze %dma_wait3A_361 : memref<1x80x64xf32, #tpu.memory_space<vmem>> -> memref<80x64xf32, #tpu.memory_space<vmem>>
        %dma_wait3A_363 = arith.constant 0 : i32
        %dma_wait3A_364 = tpu.memref_slice %arg13[%add3A_300, %run_scoped3A_315, %dma_wait3A_363] : memref<250x1x80xi32, #tpu.memory_space<vmem>> -> memref<1x1x80xi32, #tpu.memory_space<vmem>>
        %dma_wait3A_365 = tpu.memref_squeeze %dma_wait3A_364 : memref<1x1x80xi32, #tpu.memory_space<vmem>> -> memref<80xi32, #tpu.memory_space<vmem>>
        %dma_wait3A_366 = arith.constant 0 : i32
        %dma_wait3A_367 = arith.constant 0 : i32
        %dma_wait3A_368 = tpu.memref_slice %arg18[%dma_wait3A_366, %dma_wait3A_367] : memref<10000x64xf32, #tpu.memory_space<vmem_shared>> -> memref<10000x64xf32, #tpu.memory_space<vmem_shared>>
        tpu.wait_indirect_dma semaphore(%run_scoped3A_349 : memref<!tpu.dma_semaphore, #tpu.memory_space<semaphore_mem>>) src(%dma_wait3A_362 : memref<80x64xf32, #tpu.memory_space<vmem>>) dst(%dma_wait3A_368 : memref<10000x64xf32, #tpu.memory_space<vmem_shared>>)
        tpu.yield
      }) : () -> ()
      %run_scoped3A_316 = arith.constant 0 : i32
      "tpu.region"() ({
        %run_scoped3A_349 = tpu.sem_alloc : memref<!tpu.dma_semaphore, #tpu.memory_space<semaphore_mem>>
        %dma_start3A = arith.constant 0 : i32
        %dma_start3A_350 = tpu.memref_slice %arg13[%add3A_300, %run_scoped3A_316, %dma_start3A] : memref<250x1x80xi32, #tpu.memory_space<vmem>> -> memref<1x1x80xi32, #tpu.memory_space<vmem>>
        %dma_start3A_351 = tpu.memref_squeeze %dma_start3A_350 : memref<1x1x80xi32, #tpu.memory_space<vmem>> -> memref<80xi32, #tpu.memory_space<vmem>>
        %dma_start3A_352 = arith.constant 0 : i32
        %dma_start3A_353 = arith.constant 0 : i32
        %dma_start3A_354 = tpu.memref_slice %arg19[%dma_start3A_352, %dma_start3A_353] : memref<10000x16xf32, #tpu.memory_space<vmem_shared>> -> memref<10000x16xf32, #tpu.memory_space<vmem_shared>>
        tpu.enqueue_indirect_dma source(%arg17 : memref<80x16xf32, #tpu.memory_space<vmem>>) target(%dma_start3A_354 : memref<10000x16xf32, #tpu.memory_space<vmem_shared>>) offsets(%dma_start3A_351 : memref<80xi32, #tpu.memory_space<vmem>>) semaphore(%run_scoped3A_349 : memref<!tpu.dma_semaphore, #tpu.memory_space<semaphore_mem>>) {add = true}
        %dma_wait3A_355 = arith.constant 0 : i32
        %dma_wait3A_356 = tpu.memref_slice %arg13[%add3A_300, %run_scoped3A_316, %dma_wait3A_355] : memref<250x1x80xi32, #tpu.memory_space<vmem>> -> memref<1x1x80xi32, #tpu.memory_space<vmem>>
        %dma_wait3A_357 = tpu.memref_squeeze %dma_wait3A_356 : memref<1x1x80xi32, #tpu.memory_space<vmem>> -> memref<80xi32, #tpu.memory_space<vmem>>
        %dma_wait3A_358 = arith.constant 0 : i32
        %dma_wait3A_359 = arith.constant 0 : i32
        %dma_wait3A_360 = tpu.memref_slice %arg19[%dma_wait3A_358, %dma_wait3A_359] : memref<10000x16xf32, #tpu.memory_space<vmem_shared>> -> memref<10000x16xf32, #tpu.memory_space<vmem_shared>>
        tpu.wait_indirect_dma semaphore(%run_scoped3A_349 : memref<!tpu.dma_semaphore, #tpu.memory_space<semaphore_mem>>) src(%arg17 : memref<80x16xf32, #tpu.memory_space<vmem>>) dst(%dma_wait3A_360 : memref<10000x16xf32, #tpu.memory_space<vmem_shared>>)
        tpu.yield
      }) : () -> ()
      %add3A_317 = arith.constant 5 : i32
      %add3A_318 = arith.addi %add3A_300, %add3A_317 : i32
      %lt3A_319 = arith.constant 250 : i32
      %lt3A_320 = arith.cmpi slt, %add3A_318, %lt3A_319 : i32
      %convert_element_type3A_321 = arith.extui %lt3A_320 : i1 to i32
      %cond3A_322 = arith.constant 0 : i32
      %cond3A_323 = arith.cmpi ne, %convert_element_type3A_321, %cond3A_322 : i32
      scf.if %cond3A_323 {
        %add3A_349 = arith.constant 5 : i32
        %add3A_350 = arith.addi %add3A_300, %add3A_349 : i32
        %eq3A_351 = arith.constant 0 : i32
        %eq3A_352 = arith.cmpi eq, %arg0, %eq3A_351 : i32
        %convert_element_type3A_353 = arith.extui %eq3A_352 : i1 to i32
        %cond3A_354 = arith.constant 0 : i32
        %cond3A_355 = arith.cmpi ne, %convert_element_type3A_353, %cond3A_354 : i32
        scf.if %cond3A_355 {
          %dma_start3A = arith.constant 0 : i32
          %dma_start3A_361 = arith.constant 3 : i32
          %dma_start3A_362 = arith.constant 0 : i32
          %dma_start3A_363 = arith.constant 0 : i32
          %dma_start3A_364 = tpu.memref_slice %arg14[%dma_start3A_361, %dma_start3A_362, %dma_start3A_363] : memref<5x80x64xf32, #tpu.memory_space<vmem>> -> memref<1x80x64xf32, #tpu.memory_space<vmem>>
          %dma_start3A_365 = tpu.memref_squeeze %dma_start3A_364 : memref<1x80x64xf32, #tpu.memory_space<vmem>> -> memref<80x64xf32, #tpu.memory_space<vmem>>
          %dma_start3A_366 = arith.constant 0 : i32
          %dma_start3A_367 = tpu.memref_slice %arg12[%add3A_350, %dma_start3A, %dma_start3A_366] : memref<250x1x80xi32, #tpu.memory_space<vmem>> -> memref<1x1x80xi32, #tpu.memory_space<vmem>>
          %dma_start3A_368 = tpu.memref_squeeze %dma_start3A_367 : memref<1x1x80xi32, #tpu.memory_space<vmem>> -> memref<80xi32, #tpu.memory_space<vmem>>
          %dma_start3A_369 = arith.constant 0 : i32
          %dma_start3A_370 = arith.constant 0 : i32
          %dma_start3A_371 = tpu.memref_slice %arg6[%dma_start3A_369, %dma_start3A_370] : memref<10000x64xf32, #tpu.memory_space<hbm>> -> memref<10000x64xf32, #tpu.memory_space<hbm>>
          tpu.enqueue_indirect_dma source(%dma_start3A_371 : memref<10000x64xf32, #tpu.memory_space<hbm>>) target(%dma_start3A_365 : memref<80x64xf32, #tpu.memory_space<vmem>>) offsets(%dma_start3A_368 : memref<80xi32, #tpu.memory_space<vmem>>) semaphore(%arg23 : memref<!tpu.dma_semaphore, #tpu.memory_space<semaphore_mem>>)
        } else {
        }
        %eq3A_356 = arith.constant 1 : i32
        %eq3A_357 = arith.cmpi eq, %arg0, %eq3A_356 : i32
        %convert_element_type3A_358 = arith.extui %eq3A_357 : i1 to i32
        %cond3A_359 = arith.constant 0 : i32
        %cond3A_360 = arith.cmpi ne, %convert_element_type3A_358, %cond3A_359 : i32
        scf.if %cond3A_360 {
          %dma_start3A = arith.constant 0 : i32
          %dma_start3A_361 = arith.constant 3 : i32
          %dma_start3A_362 = arith.constant 0 : i32
          %dma_start3A_363 = arith.constant 0 : i32
          %dma_start3A_364 = tpu.memref_slice %arg14[%dma_start3A_361, %dma_start3A_362, %dma_start3A_363] : memref<5x80x64xf32, #tpu.memory_space<vmem>> -> memref<1x80x64xf32, #tpu.memory_space<vmem>>
          %dma_start3A_365 = tpu.memref_squeeze %dma_start3A_364 : memref<1x80x64xf32, #tpu.memory_space<vmem>> -> memref<80x64xf32, #tpu.memory_space<vmem>>
          %dma_start3A_366 = arith.constant 0 : i32
          %dma_start3A_367 = tpu.memref_slice %arg12[%add3A_350, %dma_start3A, %dma_start3A_366] : memref<250x1x80xi32, #tpu.memory_space<vmem>> -> memref<1x1x80xi32, #tpu.memory_space<vmem>>
          %dma_start3A_368 = tpu.memref_squeeze %dma_start3A_367 : memref<1x1x80xi32, #tpu.memory_space<vmem>> -> memref<80xi32, #tpu.memory_space<vmem>>
          %dma_start3A_369 = arith.constant 0 : i32
          %dma_start3A_370 = arith.constant 0 : i32
          %dma_start3A_371 = tpu.memref_slice %arg7[%dma_start3A_369, %dma_start3A_370] : memref<10000x64xf32, #tpu.memory_space<hbm>> -> memref<10000x64xf32, #tpu.memory_space<hbm>>
          tpu.enqueue_indirect_dma source(%dma_start3A_371 : memref<10000x64xf32, #tpu.memory_space<hbm>>) target(%dma_start3A_365 : memref<80x64xf32, #tpu.memory_space<vmem>>) offsets(%dma_start3A_368 : memref<80xi32, #tpu.memory_space<vmem>>) semaphore(%arg23 : memref<!tpu.dma_semaphore, #tpu.memory_space<semaphore_mem>>)
        } else {
        }
      } else {
      }
      %add3A_324 = arith.constant 4 : i32
      %add3A_325 = arith.addi %mul3A_224, %add3A_324 : i32
      %dma_wait3A_326 = arith.constant 0 : i32
      %dma_wait3A_327 = arith.constant 0 : i32
      %dma_wait3A_328 = arith.constant 4 : i32
      %dma_wait3A_329 = arith.constant 0 : i32
      %dma_wait3A_330 = arith.constant 0 : i32
      %dma_wait3A_331 = tpu.memref_slice %arg14[%dma_wait3A_328, %dma_wait3A_329, %dma_wait3A_330] : memref<5x80x64xf32, #tpu.memory_space<vmem>> -> memref<1x80x64xf32, #tpu.memory_space<vmem>>
      %dma_wait3A_332 = tpu.memref_squeeze %dma_wait3A_331 : memref<1x80x64xf32, #tpu.memory_space<vmem>> -> memref<80x64xf32, #tpu.memory_space<vmem>>
      %dma_wait3A_333 = arith.constant 0 : i32
      %dma_wait3A_334 = tpu.memref_slice %arg12[%dma_wait3A_326, %dma_wait3A_327, %dma_wait3A_333] : memref<250x1x80xi32, #tpu.memory_space<vmem>> -> memref<1x1x80xi32, #tpu.memory_space<vmem>>
      %dma_wait3A_335 = tpu.memref_squeeze %dma_wait3A_334 : memref<1x1x80xi32, #tpu.memory_space<vmem>> -> memref<80xi32, #tpu.memory_space<vmem>>
      %dma_wait3A_336 = arith.constant 0 : i32
      %dma_wait3A_337 = arith.constant 0 : i32
      %dma_wait3A_338 = tpu.memref_slice %arg6[%dma_wait3A_336, %dma_wait3A_337] : memref<10000x64xf32, #tpu.memory_space<hbm>> -> memref<10000x64xf32, #tpu.memory_space<hbm>>
      tpu.wait_indirect_dma semaphore(%arg24 : memref<!tpu.dma_semaphore, #tpu.memory_space<semaphore_mem>>) src(%dma_wait3A_338 : memref<10000x64xf32, #tpu.memory_space<hbm>>) dst(%dma_wait3A_332 : memref<80x64xf32, #tpu.memory_space<vmem>>)
      %run_scoped3A_339 = arith.constant 4 : i32
      %run_scoped3A_340 = arith.constant 0 : i32
      "tpu.region"() ({
        %run_scoped3A_349 = tpu.sem_alloc : memref<!tpu.dma_semaphore, #tpu.memory_space<semaphore_mem>>
        %dma_start3A = arith.constant 0 : i32
        %dma_start3A_350 = arith.constant 0 : i32
        %dma_start3A_351 = tpu.memref_slice %arg14[%run_scoped3A_339, %dma_start3A, %dma_start3A_350] : memref<5x80x64xf32, #tpu.memory_space<vmem>> -> memref<1x80x64xf32, #tpu.memory_space<vmem>>
        %dma_start3A_352 = tpu.memref_squeeze %dma_start3A_351 : memref<1x80x64xf32, #tpu.memory_space<vmem>> -> memref<80x64xf32, #tpu.memory_space<vmem>>
        %dma_start3A_353 = arith.constant 0 : i32
        %dma_start3A_354 = tpu.memref_slice %arg13[%add3A_325, %run_scoped3A_340, %dma_start3A_353] : memref<250x1x80xi32, #tpu.memory_space<vmem>> -> memref<1x1x80xi32, #tpu.memory_space<vmem>>
        %dma_start3A_355 = tpu.memref_squeeze %dma_start3A_354 : memref<1x1x80xi32, #tpu.memory_space<vmem>> -> memref<80xi32, #tpu.memory_space<vmem>>
        %dma_start3A_356 = arith.constant 0 : i32
        %dma_start3A_357 = arith.constant 0 : i32
        %dma_start3A_358 = tpu.memref_slice %arg18[%dma_start3A_356, %dma_start3A_357] : memref<10000x64xf32, #tpu.memory_space<vmem_shared>> -> memref<10000x64xf32, #tpu.memory_space<vmem_shared>>
        tpu.enqueue_indirect_dma source(%dma_start3A_352 : memref<80x64xf32, #tpu.memory_space<vmem>>) target(%dma_start3A_358 : memref<10000x64xf32, #tpu.memory_space<vmem_shared>>) offsets(%dma_start3A_355 : memref<80xi32, #tpu.memory_space<vmem>>) semaphore(%run_scoped3A_349 : memref<!tpu.dma_semaphore, #tpu.memory_space<semaphore_mem>>) {add = true}
        %dma_wait3A_359 = arith.constant 0 : i32
        %dma_wait3A_360 = arith.constant 0 : i32
        %dma_wait3A_361 = tpu.memref_slice %arg14[%run_scoped3A_339, %dma_wait3A_359, %dma_wait3A_360] : memref<5x80x64xf32, #tpu.memory_space<vmem>> -> memref<1x80x64xf32, #tpu.memory_space<vmem>>
        %dma_wait3A_362 = tpu.memref_squeeze %dma_wait3A_361 : memref<1x80x64xf32, #tpu.memory_space<vmem>> -> memref<80x64xf32, #tpu.memory_space<vmem>>
        %dma_wait3A_363 = arith.constant 0 : i32
        %dma_wait3A_364 = tpu.memref_slice %arg13[%add3A_325, %run_scoped3A_340, %dma_wait3A_363] : memref<250x1x80xi32, #tpu.memory_space<vmem>> -> memref<1x1x80xi32, #tpu.memory_space<vmem>>
        %dma_wait3A_365 = tpu.memref_squeeze %dma_wait3A_364 : memref<1x1x80xi32, #tpu.memory_space<vmem>> -> memref<80xi32, #tpu.memory_space<vmem>>
        %dma_wait3A_366 = arith.constant 0 : i32
        %dma_wait3A_367 = arith.constant 0 : i32
        %dma_wait3A_368 = tpu.memref_slice %arg18[%dma_wait3A_366, %dma_wait3A_367] : memref<10000x64xf32, #tpu.memory_space<vmem_shared>> -> memref<10000x64xf32, #tpu.memory_space<vmem_shared>>
        tpu.wait_indirect_dma semaphore(%run_scoped3A_349 : memref<!tpu.dma_semaphore, #tpu.memory_space<semaphore_mem>>) src(%dma_wait3A_362 : memref<80x64xf32, #tpu.memory_space<vmem>>) dst(%dma_wait3A_368 : memref<10000x64xf32, #tpu.memory_space<vmem_shared>>)
        tpu.yield
      }) : () -> ()
      %run_scoped3A_341 = arith.constant 0 : i32
      "tpu.region"() ({
        %run_scoped3A_349 = tpu.sem_alloc : memref<!tpu.dma_semaphore, #tpu.memory_space<semaphore_mem>>
        %dma_start3A = arith.constant 0 : i32
        %dma_start3A_350 = tpu.memref_slice %arg13[%add3A_325, %run_scoped3A_341, %dma_start3A] : memref<250x1x80xi32, #tpu.memory_space<vmem>> -> memref<1x1x80xi32, #tpu.memory_space<vmem>>
        %dma_start3A_351 = tpu.memref_squeeze %dma_start3A_350 : memref<1x1x80xi32, #tpu.memory_space<vmem>> -> memref<80xi32, #tpu.memory_space<vmem>>
        %dma_start3A_352 = arith.constant 0 : i32
        %dma_start3A_353 = arith.constant 0 : i32
        %dma_start3A_354 = tpu.memref_slice %arg19[%dma_start3A_352, %dma_start3A_353] : memref<10000x16xf32, #tpu.memory_space<vmem_shared>> -> memref<10000x16xf32, #tpu.memory_space<vmem_shared>>
        tpu.enqueue_indirect_dma source(%arg17 : memref<80x16xf32, #tpu.memory_space<vmem>>) target(%dma_start3A_354 : memref<10000x16xf32, #tpu.memory_space<vmem_shared>>) offsets(%dma_start3A_351 : memref<80xi32, #tpu.memory_space<vmem>>) semaphore(%run_scoped3A_349 : memref<!tpu.dma_semaphore, #tpu.memory_space<semaphore_mem>>) {add = true}
        %dma_wait3A_355 = arith.constant 0 : i32
        %dma_wait3A_356 = tpu.memref_slice %arg13[%add3A_325, %run_scoped3A_341, %dma_wait3A_355] : memref<250x1x80xi32, #tpu.memory_space<vmem>> -> memref<1x1x80xi32, #tpu.memory_space<vmem>>
        %dma_wait3A_357 = tpu.memref_squeeze %dma_wait3A_356 : memref<1x1x80xi32, #tpu.memory_space<vmem>> -> memref<80xi32, #tpu.memory_space<vmem>>
        %dma_wait3A_358 = arith.constant 0 : i32
        %dma_wait3A_359 = arith.constant 0 : i32
        %dma_wait3A_360 = tpu.memref_slice %arg19[%dma_wait3A_358, %dma_wait3A_359] : memref<10000x16xf32, #tpu.memory_space<vmem_shared>> -> memref<10000x16xf32, #tpu.memory_space<vmem_shared>>
        tpu.wait_indirect_dma semaphore(%run_scoped3A_349 : memref<!tpu.dma_semaphore, #tpu.memory_space<semaphore_mem>>) src(%arg17 : memref<80x16xf32, #tpu.memory_space<vmem>>) dst(%dma_wait3A_360 : memref<10000x16xf32, #tpu.memory_space<vmem_shared>>)
        tpu.yield
      }) : () -> ()
      %add3A_342 = arith.constant 5 : i32
      %add3A_343 = arith.addi %add3A_325, %add3A_342 : i32
      %lt3A_344 = arith.constant 250 : i32
      %lt3A_345 = arith.cmpi slt, %add3A_343, %lt3A_344 : i32
      %convert_element_type3A_346 = arith.extui %lt3A_345 : i1 to i32
      %cond3A_347 = arith.constant 0 : i32
      %cond3A_348 = arith.cmpi ne, %convert_element_type3A_346, %cond3A_347 : i32
      scf.if %cond3A_348 {
        %add3A_349 = arith.constant 5 : i32
        %add3A_350 = arith.addi %add3A_325, %add3A_349 : i32
        %eq3A_351 = arith.constant 0 : i32
        %eq3A_352 = arith.cmpi eq, %arg0, %eq3A_351 : i32
        %convert_element_type3A_353 = arith.extui %eq3A_352 : i1 to i32
        %cond3A_354 = arith.constant 0 : i32
        %cond3A_355 = arith.cmpi ne, %convert_element_type3A_353, %cond3A_354 : i32
        scf.if %cond3A_355 {
          %dma_start3A = arith.constant 0 : i32
          %dma_start3A_361 = arith.constant 4 : i32
          %dma_start3A_362 = arith.constant 0 : i32
          %dma_start3A_363 = arith.constant 0 : i32
          %dma_start3A_364 = tpu.memref_slice %arg14[%dma_start3A_361, %dma_start3A_362, %dma_start3A_363] : memref<5x80x64xf32, #tpu.memory_space<vmem>> -> memref<1x80x64xf32, #tpu.memory_space<vmem>>
          %dma_start3A_365 = tpu.memref_squeeze %dma_start3A_364 : memref<1x80x64xf32, #tpu.memory_space<vmem>> -> memref<80x64xf32, #tpu.memory_space<vmem>>
          %dma_start3A_366 = arith.constant 0 : i32
          %dma_start3A_367 = tpu.memref_slice %arg12[%add3A_350, %dma_start3A, %dma_start3A_366] : memref<250x1x80xi32, #tpu.memory_space<vmem>> -> memref<1x1x80xi32, #tpu.memory_space<vmem>>
          %dma_start3A_368 = tpu.memref_squeeze %dma_start3A_367 : memref<1x1x80xi32, #tpu.memory_space<vmem>> -> memref<80xi32, #tpu.memory_space<vmem>>
          %dma_start3A_369 = arith.constant 0 : i32
          %dma_start3A_370 = arith.constant 0 : i32
          %dma_start3A_371 = tpu.memref_slice %arg6[%dma_start3A_369, %dma_start3A_370] : memref<10000x64xf32, #tpu.memory_space<hbm>> -> memref<10000x64xf32, #tpu.memory_space<hbm>>
          tpu.enqueue_indirect_dma source(%dma_start3A_371 : memref<10000x64xf32, #tpu.memory_space<hbm>>) target(%dma_start3A_365 : memref<80x64xf32, #tpu.memory_space<vmem>>) offsets(%dma_start3A_368 : memref<80xi32, #tpu.memory_space<vmem>>) semaphore(%arg24 : memref<!tpu.dma_semaphore, #tpu.memory_space<semaphore_mem>>)
        } else {
        }
        %eq3A_356 = arith.constant 1 : i32
        %eq3A_357 = arith.cmpi eq, %arg0, %eq3A_356 : i32
        %convert_element_type3A_358 = arith.extui %eq3A_357 : i1 to i32
        %cond3A_359 = arith.constant 0 : i32
        %cond3A_360 = arith.cmpi ne, %convert_element_type3A_358, %cond3A_359 : i32
        scf.if %cond3A_360 {
          %dma_start3A = arith.constant 0 : i32
          %dma_start3A_361 = arith.constant 4 : i32
          %dma_start3A_362 = arith.constant 0 : i32
          %dma_start3A_363 = arith.constant 0 : i32
          %dma_start3A_364 = tpu.memref_slice %arg14[%dma_start3A_361, %dma_start3A_362, %dma_start3A_363] : memref<5x80x64xf32, #tpu.memory_space<vmem>> -> memref<1x80x64xf32, #tpu.memory_space<vmem>>
          %dma_start3A_365 = tpu.memref_squeeze %dma_start3A_364 : memref<1x80x64xf32, #tpu.memory_space<vmem>> -> memref<80x64xf32, #tpu.memory_space<vmem>>
          %dma_start3A_366 = arith.constant 0 : i32
          %dma_start3A_367 = tpu.memref_slice %arg12[%add3A_350, %dma_start3A, %dma_start3A_366] : memref<250x1x80xi32, #tpu.memory_space<vmem>> -> memref<1x1x80xi32, #tpu.memory_space<vmem>>
          %dma_start3A_368 = tpu.memref_squeeze %dma_start3A_367 : memref<1x1x80xi32, #tpu.memory_space<vmem>> -> memref<80xi32, #tpu.memory_space<vmem>>
          %dma_start3A_369 = arith.constant 0 : i32
          %dma_start3A_370 = arith.constant 0 : i32
          %dma_start3A_371 = tpu.memref_slice %arg7[%dma_start3A_369, %dma_start3A_370] : memref<10000x64xf32, #tpu.memory_space<hbm>> -> memref<10000x64xf32, #tpu.memory_space<hbm>>
          tpu.enqueue_indirect_dma source(%dma_start3A_371 : memref<10000x64xf32, #tpu.memory_space<hbm>>) target(%dma_start3A_365 : memref<80x64xf32, #tpu.memory_space<vmem>>) offsets(%dma_start3A_368 : memref<80xi32, #tpu.memory_space<vmem>>) semaphore(%arg24 : memref<!tpu.dma_semaphore, #tpu.memory_space<semaphore_mem>>)
        } else {
        }
      } else {
      }
    }
    %scan3A_199 = arith.constant 50 : i32
    %barrier3A_200 = arith.constant 0 : index
    tpu.barrier barrier_id(%barrier3A_200)
    %lt3A_201 = arith.constant 15 : i32
    %lt3A_202 = arith.cmpi slt, %arg1, %lt3A_201 : i32
    %convert_element_type3A_203 = arith.extui %lt3A_202 : i1 to i32
    %cond3A_204 = arith.constant 0 : i32
    %cond3A_205 = arith.cmpi ne, %convert_element_type3A_203, %cond3A_204 : i32
    scf.if %cond3A_205 {
      %add3A_222 = arith.constant 0 : i32
      %add3A_223 = arith.addi %multiple_of3A, %add3A_222 : i32
      %add3A_224 = arith.constant 0 : i32
      %add3A_225 = arith.addi %multiple_of3A, %add3A_224 : i32
      "tpu.region"() ({
        %run_scoped3A_242 = tpu.sem_alloc : memref<!tpu.dma_semaphore, #tpu.memory_space<semaphore_mem>>
        %dma_start3A = arith.constant 0 : i32
        %dma_start3A_243 = tpu.memref_slice %arg10[%arg0, %add3A_225, %dma_start3A] : memref<2x10000x64xf32, #tpu.memory_space<hbm>> -> memref<1x128x64xf32, #tpu.memory_space<hbm>>
        %dma_start3A_244 = tpu.memref_squeeze %dma_start3A_243 : memref<1x128x64xf32, #tpu.memory_space<hbm>> -> memref<128x64xf32, #tpu.memory_space<hbm>>
        %dma_start3A_245 = arith.constant 0 : i32
        %dma_start3A_246 = tpu.memref_slice %arg18[%add3A_223, %dma_start3A_245] : memref<10000x64xf32, #tpu.memory_space<vmem_shared>> -> memref<128x64xf32, #tpu.memory_space<vmem_shared>>
        tpu.enqueue_dma source(%dma_start3A_246 : memref<128x64xf32, #tpu.memory_space<vmem_shared>>) target(%dma_start3A_244 : memref<128x64xf32, #tpu.memory_space<hbm>>) target_semaphore(%run_scoped3A_242 : memref<!tpu.dma_semaphore, #tpu.memory_space<semaphore_mem>>)
        %dma_wait3A = arith.constant 0 : i32
        %dma_wait3A_247 = tpu.memref_slice %arg10[%arg0, %add3A_225, %dma_wait3A] : memref<2x10000x64xf32, #tpu.memory_space<hbm>> -> memref<1x128x64xf32, #tpu.memory_space<hbm>>
        %dma_wait3A_248 = tpu.memref_squeeze %dma_wait3A_247 : memref<1x128x64xf32, #tpu.memory_space<hbm>> -> memref<128x64xf32, #tpu.memory_space<hbm>>
        %dma_wait3A_249 = arith.constant 0 : i32
        %dma_wait3A_250 = tpu.memref_slice %arg18[%add3A_223, %dma_wait3A_249] : memref<10000x64xf32, #tpu.memory_space<vmem_shared>> -> memref<128x64xf32, #tpu.memory_space<vmem_shared>>
        tpu.wait_dma2 semaphore(%run_scoped3A_242 : memref<!tpu.dma_semaphore, #tpu.memory_space<semaphore_mem>>) src(%dma_wait3A_250 : memref<128x64xf32, #tpu.memory_space<vmem_shared>>) dst(%dma_wait3A_248 : memref<128x64xf32, #tpu.memory_space<hbm>>)
        tpu.yield
      }) : () -> ()
      %add3A_226 = arith.constant 128 : i32
      %add3A_227 = arith.addi %multiple_of3A, %add3A_226 : i32
      %add3A_228 = arith.constant 128 : i32
      %add3A_229 = arith.addi %multiple_of3A, %add3A_228 : i32
      "tpu.region"() ({
        %run_scoped3A_242 = tpu.sem_alloc : memref<!tpu.dma_semaphore, #tpu.memory_space<semaphore_mem>>
        %dma_start3A = arith.constant 0 : i32
        %dma_start3A_243 = tpu.memref_slice %arg10[%arg0, %add3A_229, %dma_start3A] : memref<2x10000x64xf32, #tpu.memory_space<hbm>> -> memref<1x128x64xf32, #tpu.memory_space<hbm>>
        %dma_start3A_244 = tpu.memref_squeeze %dma_start3A_243 : memref<1x128x64xf32, #tpu.memory_space<hbm>> -> memref<128x64xf32, #tpu.memory_space<hbm>>
        %dma_start3A_245 = arith.constant 0 : i32
        %dma_start3A_246 = tpu.memref_slice %arg18[%add3A_227, %dma_start3A_245] : memref<10000x64xf32, #tpu.memory_space<vmem_shared>> -> memref<128x64xf32, #tpu.memory_space<vmem_shared>>
        tpu.enqueue_dma source(%dma_start3A_246 : memref<128x64xf32, #tpu.memory_space<vmem_shared>>) target(%dma_start3A_244 : memref<128x64xf32, #tpu.memory_space<hbm>>) target_semaphore(%run_scoped3A_242 : memref<!tpu.dma_semaphore, #tpu.memory_space<semaphore_mem>>)
        %dma_wait3A = arith.constant 0 : i32
        %dma_wait3A_247 = tpu.memref_slice %arg10[%arg0, %add3A_229, %dma_wait3A] : memref<2x10000x64xf32, #tpu.memory_space<hbm>> -> memref<1x128x64xf32, #tpu.memory_space<hbm>>
        %dma_wait3A_248 = tpu.memref_squeeze %dma_wait3A_247 : memref<1x128x64xf32, #tpu.memory_space<hbm>> -> memref<128x64xf32, #tpu.memory_space<hbm>>
        %dma_wait3A_249 = arith.constant 0 : i32
        %dma_wait3A_250 = tpu.memref_slice %arg18[%add3A_227, %dma_wait3A_249] : memref<10000x64xf32, #tpu.memory_space<vmem_shared>> -> memref<128x64xf32, #tpu.memory_space<vmem_shared>>
        tpu.wait_dma2 semaphore(%run_scoped3A_242 : memref<!tpu.dma_semaphore, #tpu.memory_space<semaphore_mem>>) src(%dma_wait3A_250 : memref<128x64xf32, #tpu.memory_space<vmem_shared>>) dst(%dma_wait3A_248 : memref<128x64xf32, #tpu.memory_space<hbm>>)
        tpu.yield
      }) : () -> ()
      %add3A_230 = arith.constant 256 : i32
      %add3A_231 = arith.addi %multiple_of3A, %add3A_230 : i32
      %add3A_232 = arith.constant 256 : i32
      %add3A_233 = arith.addi %multiple_of3A, %add3A_232 : i32
      "tpu.region"() ({
        %run_scoped3A_242 = tpu.sem_alloc : memref<!tpu.dma_semaphore, #tpu.memory_space<semaphore_mem>>
        %dma_start3A = arith.constant 0 : i32
        %dma_start3A_243 = tpu.memref_slice %arg10[%arg0, %add3A_233, %dma_start3A] : memref<2x10000x64xf32, #tpu.memory_space<hbm>> -> memref<1x128x64xf32, #tpu.memory_space<hbm>>
        %dma_start3A_244 = tpu.memref_squeeze %dma_start3A_243 : memref<1x128x64xf32, #tpu.memory_space<hbm>> -> memref<128x64xf32, #tpu.memory_space<hbm>>
        %dma_start3A_245 = arith.constant 0 : i32
        %dma_start3A_246 = tpu.memref_slice %arg18[%add3A_231, %dma_start3A_245] : memref<10000x64xf32, #tpu.memory_space<vmem_shared>> -> memref<128x64xf32, #tpu.memory_space<vmem_shared>>
        tpu.enqueue_dma source(%dma_start3A_246 : memref<128x64xf32, #tpu.memory_space<vmem_shared>>) target(%dma_start3A_244 : memref<128x64xf32, #tpu.memory_space<hbm>>) target_semaphore(%run_scoped3A_242 : memref<!tpu.dma_semaphore, #tpu.memory_space<semaphore_mem>>)
        %dma_wait3A = arith.constant 0 : i32
        %dma_wait3A_247 = tpu.memref_slice %arg10[%arg0, %add3A_233, %dma_wait3A] : memref<2x10000x64xf32, #tpu.memory_space<hbm>> -> memref<1x128x64xf32, #tpu.memory_space<hbm>>
        %dma_wait3A_248 = tpu.memref_squeeze %dma_wait3A_247 : memref<1x128x64xf32, #tpu.memory_space<hbm>> -> memref<128x64xf32, #tpu.memory_space<hbm>>
        %dma_wait3A_249 = arith.constant 0 : i32
        %dma_wait3A_250 = tpu.memref_slice %arg18[%add3A_231, %dma_wait3A_249] : memref<10000x64xf32, #tpu.memory_space<vmem_shared>> -> memref<128x64xf32, #tpu.memory_space<vmem_shared>>
        tpu.wait_dma2 semaphore(%run_scoped3A_242 : memref<!tpu.dma_semaphore, #tpu.memory_space<semaphore_mem>>) src(%dma_wait3A_250 : memref<128x64xf32, #tpu.memory_space<vmem_shared>>) dst(%dma_wait3A_248 : memref<128x64xf32, #tpu.memory_space<hbm>>)
        tpu.yield
      }) : () -> ()
      %add3A_234 = arith.constant 384 : i32
      %add3A_235 = arith.addi %multiple_of3A, %add3A_234 : i32
      %add3A_236 = arith.constant 384 : i32
      %add3A_237 = arith.addi %multiple_of3A, %add3A_236 : i32
      "tpu.region"() ({
        %run_scoped3A_242 = tpu.sem_alloc : memref<!tpu.dma_semaphore, #tpu.memory_space<semaphore_mem>>
        %dma_start3A = arith.constant 0 : i32
        %dma_start3A_243 = tpu.memref_slice %arg10[%arg0, %add3A_237, %dma_start3A] : memref<2x10000x64xf32, #tpu.memory_space<hbm>> -> memref<1x128x64xf32, #tpu.memory_space<hbm>>
        %dma_start3A_244 = tpu.memref_squeeze %dma_start3A_243 : memref<1x128x64xf32, #tpu.memory_space<hbm>> -> memref<128x64xf32, #tpu.memory_space<hbm>>
        %dma_start3A_245 = arith.constant 0 : i32
        %dma_start3A_246 = tpu.memref_slice %arg18[%add3A_235, %dma_start3A_245] : memref<10000x64xf32, #tpu.memory_space<vmem_shared>> -> memref<128x64xf32, #tpu.memory_space<vmem_shared>>
        tpu.enqueue_dma source(%dma_start3A_246 : memref<128x64xf32, #tpu.memory_space<vmem_shared>>) target(%dma_start3A_244 : memref<128x64xf32, #tpu.memory_space<hbm>>) target_semaphore(%run_scoped3A_242 : memref<!tpu.dma_semaphore, #tpu.memory_space<semaphore_mem>>)
        %dma_wait3A = arith.constant 0 : i32
        %dma_wait3A_247 = tpu.memref_slice %arg10[%arg0, %add3A_237, %dma_wait3A] : memref<2x10000x64xf32, #tpu.memory_space<hbm>> -> memref<1x128x64xf32, #tpu.memory_space<hbm>>
        %dma_wait3A_248 = tpu.memref_squeeze %dma_wait3A_247 : memref<1x128x64xf32, #tpu.memory_space<hbm>> -> memref<128x64xf32, #tpu.memory_space<hbm>>
        %dma_wait3A_249 = arith.constant 0 : i32
        %dma_wait3A_250 = tpu.memref_slice %arg18[%add3A_235, %dma_wait3A_249] : memref<10000x64xf32, #tpu.memory_space<vmem_shared>> -> memref<128x64xf32, #tpu.memory_space<vmem_shared>>
        tpu.wait_dma2 semaphore(%run_scoped3A_242 : memref<!tpu.dma_semaphore, #tpu.memory_space<semaphore_mem>>) src(%dma_wait3A_250 : memref<128x64xf32, #tpu.memory_space<vmem_shared>>) dst(%dma_wait3A_248 : memref<128x64xf32, #tpu.memory_space<hbm>>)
        tpu.yield
      }) : () -> ()
      %add3A_238 = arith.constant 512 : i32
      %add3A_239 = arith.addi %multiple_of3A, %add3A_238 : i32
      %add3A_240 = arith.constant 512 : i32
      %add3A_241 = arith.addi %multiple_of3A, %add3A_240 : i32
      "tpu.region"() ({
        %run_scoped3A_242 = tpu.sem_alloc : memref<!tpu.dma_semaphore, #tpu.memory_space<semaphore_mem>>
        %dma_start3A = arith.constant 0 : i32
        %dma_start3A_243 = tpu.memref_slice %arg10[%arg0, %add3A_241, %dma_start3A] : memref<2x10000x64xf32, #tpu.memory_space<hbm>> -> memref<1x128x64xf32, #tpu.memory_space<hbm>>
        %dma_start3A_244 = tpu.memref_squeeze %dma_start3A_243 : memref<1x128x64xf32, #tpu.memory_space<hbm>> -> memref<128x64xf32, #tpu.memory_space<hbm>>
        %dma_start3A_245 = arith.constant 0 : i32
        %dma_start3A_246 = tpu.memref_slice %arg18[%add3A_239, %dma_start3A_245] : memref<10000x64xf32, #tpu.memory_space<vmem_shared>> -> memref<128x64xf32, #tpu.memory_space<vmem_shared>>
        tpu.enqueue_dma source(%dma_start3A_246 : memref<128x64xf32, #tpu.memory_space<vmem_shared>>) target(%dma_start3A_244 : memref<128x64xf32, #tpu.memory_space<hbm>>) target_semaphore(%run_scoped3A_242 : memref<!tpu.dma_semaphore, #tpu.memory_space<semaphore_mem>>)
        %dma_wait3A = arith.constant 0 : i32
        %dma_wait3A_247 = tpu.memref_slice %arg10[%arg0, %add3A_241, %dma_wait3A] : memref<2x10000x64xf32, #tpu.memory_space<hbm>> -> memref<1x128x64xf32, #tpu.memory_space<hbm>>
        %dma_wait3A_248 = tpu.memref_squeeze %dma_wait3A_247 : memref<1x128x64xf32, #tpu.memory_space<hbm>> -> memref<128x64xf32, #tpu.memory_space<hbm>>
        %dma_wait3A_249 = arith.constant 0 : i32
        %dma_wait3A_250 = tpu.memref_slice %arg18[%add3A_239, %dma_wait3A_249] : memref<10000x64xf32, #tpu.memory_space<vmem_shared>> -> memref<128x64xf32, #tpu.memory_space<vmem_shared>>
        tpu.wait_dma2 semaphore(%run_scoped3A_242 : memref<!tpu.dma_semaphore, #tpu.memory_space<semaphore_mem>>) src(%dma_wait3A_250 : memref<128x64xf32, #tpu.memory_space<vmem_shared>>) dst(%dma_wait3A_248 : memref<128x64xf32, #tpu.memory_space<hbm>>)
        tpu.yield
      }) : () -> ()
    } else {
    }
    %eq3A_206 = arith.constant 15 : i32
    %eq3A_207 = arith.cmpi eq, %arg1, %eq3A_206 : i32
    %convert_element_type3A_208 = arith.extui %eq3A_207 : i1 to i32
    %cond3A_209 = arith.constant 0 : i32
    %cond3A_210 = arith.cmpi ne, %convert_element_type3A_208, %cond3A_209 : i32
    scf.if %cond3A_210 {
      %add3A_222 = arith.constant 0 : i32
      %add3A_223 = arith.addi %multiple_of3A, %add3A_222 : i32
      %add3A_224 = arith.constant 0 : i32
      %add3A_225 = arith.addi %multiple_of3A, %add3A_224 : i32
      "tpu.region"() ({
        %run_scoped3A_238 = tpu.sem_alloc : memref<!tpu.dma_semaphore, #tpu.memory_space<semaphore_mem>>
        %dma_start3A = arith.constant 0 : i32
        %dma_start3A_239 = tpu.memref_slice %arg10[%arg0, %add3A_225, %dma_start3A] : memref<2x10000x64xf32, #tpu.memory_space<hbm>> -> memref<1x128x64xf32, #tpu.memory_space<hbm>>
        %dma_start3A_240 = tpu.memref_squeeze %dma_start3A_239 : memref<1x128x64xf32, #tpu.memory_space<hbm>> -> memref<128x64xf32, #tpu.memory_space<hbm>>
        %dma_start3A_241 = arith.constant 0 : i32
        %dma_start3A_242 = tpu.memref_slice %arg18[%add3A_223, %dma_start3A_241] : memref<10000x64xf32, #tpu.memory_space<vmem_shared>> -> memref<128x64xf32, #tpu.memory_space<vmem_shared>>
        tpu.enqueue_dma source(%dma_start3A_242 : memref<128x64xf32, #tpu.memory_space<vmem_shared>>) target(%dma_start3A_240 : memref<128x64xf32, #tpu.memory_space<hbm>>) target_semaphore(%run_scoped3A_238 : memref<!tpu.dma_semaphore, #tpu.memory_space<semaphore_mem>>)
        %dma_wait3A = arith.constant 0 : i32
        %dma_wait3A_243 = tpu.memref_slice %arg10[%arg0, %add3A_225, %dma_wait3A] : memref<2x10000x64xf32, #tpu.memory_space<hbm>> -> memref<1x128x64xf32, #tpu.memory_space<hbm>>
        %dma_wait3A_244 = tpu.memref_squeeze %dma_wait3A_243 : memref<1x128x64xf32, #tpu.memory_space<hbm>> -> memref<128x64xf32, #tpu.memory_space<hbm>>
        %dma_wait3A_245 = arith.constant 0 : i32
        %dma_wait3A_246 = tpu.memref_slice %arg18[%add3A_223, %dma_wait3A_245] : memref<10000x64xf32, #tpu.memory_space<vmem_shared>> -> memref<128x64xf32, #tpu.memory_space<vmem_shared>>
        tpu.wait_dma2 semaphore(%run_scoped3A_238 : memref<!tpu.dma_semaphore, #tpu.memory_space<semaphore_mem>>) src(%dma_wait3A_246 : memref<128x64xf32, #tpu.memory_space<vmem_shared>>) dst(%dma_wait3A_244 : memref<128x64xf32, #tpu.memory_space<hbm>>)
        tpu.yield
      }) : () -> ()
      %add3A_226 = arith.constant 128 : i32
      %add3A_227 = arith.addi %multiple_of3A, %add3A_226 : i32
      %add3A_228 = arith.constant 128 : i32
      %add3A_229 = arith.addi %multiple_of3A, %add3A_228 : i32
      "tpu.region"() ({
        %run_scoped3A_238 = tpu.sem_alloc : memref<!tpu.dma_semaphore, #tpu.memory_space<semaphore_mem>>
        %dma_start3A = arith.constant 0 : i32
        %dma_start3A_239 = tpu.memref_slice %arg10[%arg0, %add3A_229, %dma_start3A] : memref<2x10000x64xf32, #tpu.memory_space<hbm>> -> memref<1x128x64xf32, #tpu.memory_space<hbm>>
        %dma_start3A_240 = tpu.memref_squeeze %dma_start3A_239 : memref<1x128x64xf32, #tpu.memory_space<hbm>> -> memref<128x64xf32, #tpu.memory_space<hbm>>
        %dma_start3A_241 = arith.constant 0 : i32
        %dma_start3A_242 = tpu.memref_slice %arg18[%add3A_227, %dma_start3A_241] : memref<10000x64xf32, #tpu.memory_space<vmem_shared>> -> memref<128x64xf32, #tpu.memory_space<vmem_shared>>
        tpu.enqueue_dma source(%dma_start3A_242 : memref<128x64xf32, #tpu.memory_space<vmem_shared>>) target(%dma_start3A_240 : memref<128x64xf32, #tpu.memory_space<hbm>>) target_semaphore(%run_scoped3A_238 : memref<!tpu.dma_semaphore, #tpu.memory_space<semaphore_mem>>)
        %dma_wait3A = arith.constant 0 : i32
        %dma_wait3A_243 = tpu.memref_slice %arg10[%arg0, %add3A_229, %dma_wait3A] : memref<2x10000x64xf32, #tpu.memory_space<hbm>> -> memref<1x128x64xf32, #tpu.memory_space<hbm>>
        %dma_wait3A_244 = tpu.memref_squeeze %dma_wait3A_243 : memref<1x128x64xf32, #tpu.memory_space<hbm>> -> memref<128x64xf32, #tpu.memory_space<hbm>>
        %dma_wait3A_245 = arith.constant 0 : i32
        %dma_wait3A_246 = tpu.memref_slice %arg18[%add3A_227, %dma_wait3A_245] : memref<10000x64xf32, #tpu.memory_space<vmem_shared>> -> memref<128x64xf32, #tpu.memory_space<vmem_shared>>
        tpu.wait_dma2 semaphore(%run_scoped3A_238 : memref<!tpu.dma_semaphore, #tpu.memory_space<semaphore_mem>>) src(%dma_wait3A_246 : memref<128x64xf32, #tpu.memory_space<vmem_shared>>) dst(%dma_wait3A_244 : memref<128x64xf32, #tpu.memory_space<hbm>>)
        tpu.yield
      }) : () -> ()
      %add3A_230 = arith.constant 256 : i32
      %add3A_231 = arith.addi %multiple_of3A, %add3A_230 : i32
      %add3A_232 = arith.constant 256 : i32
      %add3A_233 = arith.addi %multiple_of3A, %add3A_232 : i32
      "tpu.region"() ({
        %run_scoped3A_238 = tpu.sem_alloc : memref<!tpu.dma_semaphore, #tpu.memory_space<semaphore_mem>>
        %dma_start3A = arith.constant 0 : i32
        %dma_start3A_239 = tpu.memref_slice %arg10[%arg0, %add3A_233, %dma_start3A] : memref<2x10000x64xf32, #tpu.memory_space<hbm>> -> memref<1x128x64xf32, #tpu.memory_space<hbm>>
        %dma_start3A_240 = tpu.memref_squeeze %dma_start3A_239 : memref<1x128x64xf32, #tpu.memory_space<hbm>> -> memref<128x64xf32, #tpu.memory_space<hbm>>
        %dma_start3A_241 = arith.constant 0 : i32
        %dma_start3A_242 = tpu.memref_slice %arg18[%add3A_231, %dma_start3A_241] : memref<10000x64xf32, #tpu.memory_space<vmem_shared>> -> memref<128x64xf32, #tpu.memory_space<vmem_shared>>
        tpu.enqueue_dma source(%dma_start3A_242 : memref<128x64xf32, #tpu.memory_space<vmem_shared>>) target(%dma_start3A_240 : memref<128x64xf32, #tpu.memory_space<hbm>>) target_semaphore(%run_scoped3A_238 : memref<!tpu.dma_semaphore, #tpu.memory_space<semaphore_mem>>)
        %dma_wait3A = arith.constant 0 : i32
        %dma_wait3A_243 = tpu.memref_slice %arg10[%arg0, %add3A_233, %dma_wait3A] : memref<2x10000x64xf32, #tpu.memory_space<hbm>> -> memref<1x128x64xf32, #tpu.memory_space<hbm>>
        %dma_wait3A_244 = tpu.memref_squeeze %dma_wait3A_243 : memref<1x128x64xf32, #tpu.memory_space<hbm>> -> memref<128x64xf32, #tpu.memory_space<hbm>>
        %dma_wait3A_245 = arith.constant 0 : i32
        %dma_wait3A_246 = tpu.memref_slice %arg18[%add3A_231, %dma_wait3A_245] : memref<10000x64xf32, #tpu.memory_space<vmem_shared>> -> memref<128x64xf32, #tpu.memory_space<vmem_shared>>
        tpu.wait_dma2 semaphore(%run_scoped3A_238 : memref<!tpu.dma_semaphore, #tpu.memory_space<semaphore_mem>>) src(%dma_wait3A_246 : memref<128x64xf32, #tpu.memory_space<vmem_shared>>) dst(%dma_wait3A_244 : memref<128x64xf32, #tpu.memory_space<hbm>>)
        tpu.yield
      }) : () -> ()
      %add3A_234 = arith.constant 384 : i32
      %add3A_235 = arith.addi %multiple_of3A, %add3A_234 : i32
      %add3A_236 = arith.constant 384 : i32
      %add3A_237 = arith.addi %multiple_of3A, %add3A_236 : i32
      "tpu.region"() ({
        %run_scoped3A_238 = tpu.sem_alloc : memref<!tpu.dma_semaphore, #tpu.memory_space<semaphore_mem>>
        %dma_start3A = arith.constant 0 : i32
        %dma_start3A_239 = tpu.memref_slice %arg10[%arg0, %add3A_237, %dma_start3A] : memref<2x10000x64xf32, #tpu.memory_space<hbm>> -> memref<1x16x64xf32, #tpu.memory_space<hbm>>
        %dma_start3A_240 = tpu.memref_squeeze %dma_start3A_239 : memref<1x16x64xf32, #tpu.memory_space<hbm>> -> memref<16x64xf32, #tpu.memory_space<hbm>>
        %dma_start3A_241 = arith.constant 0 : i32
        %dma_start3A_242 = tpu.memref_slice %arg18[%add3A_235, %dma_start3A_241] : memref<10000x64xf32, #tpu.memory_space<vmem_shared>> -> memref<16x64xf32, #tpu.memory_space<vmem_shared>>
        tpu.enqueue_dma source(%dma_start3A_242 : memref<16x64xf32, #tpu.memory_space<vmem_shared>>) target(%dma_start3A_240 : memref<16x64xf32, #tpu.memory_space<hbm>>) target_semaphore(%run_scoped3A_238 : memref<!tpu.dma_semaphore, #tpu.memory_space<semaphore_mem>>)
        %dma_wait3A = arith.constant 0 : i32
        %dma_wait3A_243 = tpu.memref_slice %arg10[%arg0, %add3A_237, %dma_wait3A] : memref<2x10000x64xf32, #tpu.memory_space<hbm>> -> memref<1x16x64xf32, #tpu.memory_space<hbm>>
        %dma_wait3A_244 = tpu.memref_squeeze %dma_wait3A_243 : memref<1x16x64xf32, #tpu.memory_space<hbm>> -> memref<16x64xf32, #tpu.memory_space<hbm>>
        %dma_wait3A_245 = arith.constant 0 : i32
        %dma_wait3A_246 = tpu.memref_slice %arg18[%add3A_235, %dma_wait3A_245] : memref<10000x64xf32, #tpu.memory_space<vmem_shared>> -> memref<16x64xf32, #tpu.memory_space<vmem_shared>>
        tpu.wait_dma2 semaphore(%run_scoped3A_238 : memref<!tpu.dma_semaphore, #tpu.memory_space<semaphore_mem>>) src(%dma_wait3A_246 : memref<16x64xf32, #tpu.memory_space<vmem_shared>>) dst(%dma_wait3A_244 : memref<16x64xf32, #tpu.memory_space<hbm>>)
        tpu.yield
      }) : () -> ()
    } else {
    }
    %lt3A_211 = arith.constant 15 : i32
    %lt3A_212 = arith.cmpi slt, %arg1, %lt3A_211 : i32
    %convert_element_type3A_213 = arith.extui %lt3A_212 : i1 to i32
    %cond3A_214 = arith.constant 0 : i32
    %cond3A_215 = arith.cmpi ne, %convert_element_type3A_213, %cond3A_214 : i32
    scf.if %cond3A_215 {
      %add3A_222 = arith.constant 0 : i32
      %add3A_223 = arith.addi %multiple_of3A_5, %add3A_222 : i32
      %add3A_224 = arith.constant 0 : i32
      %add3A_225 = arith.addi %multiple_of3A_5, %add3A_224 : i32
      "tpu.region"() ({
        %run_scoped3A_234 = tpu.sem_alloc : memref<!tpu.dma_semaphore, #tpu.memory_space<semaphore_mem>>
        %dma_start3A = arith.constant 0 : i32
        %dma_start3A_235 = tpu.memref_slice %arg11[%add3A_225, %dma_start3A] : memref<10000x16xf32, #tpu.memory_space<hbm>> -> memref<128x16xf32, #tpu.memory_space<hbm>>
        %dma_start3A_236 = arith.constant 0 : i32
        %dma_start3A_237 = tpu.memref_slice %arg19[%add3A_223, %dma_start3A_236] : memref<10000x16xf32, #tpu.memory_space<vmem_shared>> -> memref<128x16xf32, #tpu.memory_space<vmem_shared>>
        tpu.enqueue_dma source(%dma_start3A_237 : memref<128x16xf32, #tpu.memory_space<vmem_shared>>) target(%dma_start3A_235 : memref<128x16xf32, #tpu.memory_space<hbm>>) target_semaphore(%run_scoped3A_234 : memref<!tpu.dma_semaphore, #tpu.memory_space<semaphore_mem>>)
        %dma_wait3A = arith.constant 0 : i32
        %dma_wait3A_238 = tpu.memref_slice %arg11[%add3A_225, %dma_wait3A] : memref<10000x16xf32, #tpu.memory_space<hbm>> -> memref<128x16xf32, #tpu.memory_space<hbm>>
        %dma_wait3A_239 = arith.constant 0 : i32
        %dma_wait3A_240 = tpu.memref_slice %arg19[%add3A_223, %dma_wait3A_239] : memref<10000x16xf32, #tpu.memory_space<vmem_shared>> -> memref<128x16xf32, #tpu.memory_space<vmem_shared>>
        tpu.wait_dma2 semaphore(%run_scoped3A_234 : memref<!tpu.dma_semaphore, #tpu.memory_space<semaphore_mem>>) src(%dma_wait3A_240 : memref<128x16xf32, #tpu.memory_space<vmem_shared>>) dst(%dma_wait3A_238 : memref<128x16xf32, #tpu.memory_space<hbm>>)
        tpu.yield
      }) : () -> ()
      %add3A_226 = arith.constant 128 : i32
      %add3A_227 = arith.addi %multiple_of3A_5, %add3A_226 : i32
      %add3A_228 = arith.constant 128 : i32
      %add3A_229 = arith.addi %multiple_of3A_5, %add3A_228 : i32
      "tpu.region"() ({
        %run_scoped3A_234 = tpu.sem_alloc : memref<!tpu.dma_semaphore, #tpu.memory_space<semaphore_mem>>
        %dma_start3A = arith.constant 0 : i32
        %dma_start3A_235 = tpu.memref_slice %arg11[%add3A_229, %dma_start3A] : memref<10000x16xf32, #tpu.memory_space<hbm>> -> memref<128x16xf32, #tpu.memory_space<hbm>>
        %dma_start3A_236 = arith.constant 0 : i32
        %dma_start3A_237 = tpu.memref_slice %arg19[%add3A_227, %dma_start3A_236] : memref<10000x16xf32, #tpu.memory_space<vmem_shared>> -> memref<128x16xf32, #tpu.memory_space<vmem_shared>>
        tpu.enqueue_dma source(%dma_start3A_237 : memref<128x16xf32, #tpu.memory_space<vmem_shared>>) target(%dma_start3A_235 : memref<128x16xf32, #tpu.memory_space<hbm>>) target_semaphore(%run_scoped3A_234 : memref<!tpu.dma_semaphore, #tpu.memory_space<semaphore_mem>>)
        %dma_wait3A = arith.constant 0 : i32
        %dma_wait3A_238 = tpu.memref_slice %arg11[%add3A_229, %dma_wait3A] : memref<10000x16xf32, #tpu.memory_space<hbm>> -> memref<128x16xf32, #tpu.memory_space<hbm>>
        %dma_wait3A_239 = arith.constant 0 : i32
        %dma_wait3A_240 = tpu.memref_slice %arg19[%add3A_227, %dma_wait3A_239] : memref<10000x16xf32, #tpu.memory_space<vmem_shared>> -> memref<128x16xf32, #tpu.memory_space<vmem_shared>>
        tpu.wait_dma2 semaphore(%run_scoped3A_234 : memref<!tpu.dma_semaphore, #tpu.memory_space<semaphore_mem>>) src(%dma_wait3A_240 : memref<128x16xf32, #tpu.memory_space<vmem_shared>>) dst(%dma_wait3A_238 : memref<128x16xf32, #tpu.memory_space<hbm>>)
        tpu.yield
      }) : () -> ()
      %add3A_230 = arith.constant 256 : i32
      %add3A_231 = arith.addi %multiple_of3A_5, %add3A_230 : i32
      %add3A_232 = arith.constant 256 : i32
      %add3A_233 = arith.addi %multiple_of3A_5, %add3A_232 : i32
      "tpu.region"() ({
        %run_scoped3A_234 = tpu.sem_alloc : memref<!tpu.dma_semaphore, #tpu.memory_space<semaphore_mem>>
        %dma_start3A = arith.constant 0 : i32
        %dma_start3A_235 = tpu.memref_slice %arg11[%add3A_233, %dma_start3A] : memref<10000x16xf32, #tpu.memory_space<hbm>> -> memref<64x16xf32, #tpu.memory_space<hbm>>
        %dma_start3A_236 = arith.constant 0 : i32
        %dma_start3A_237 = tpu.memref_slice %arg19[%add3A_231, %dma_start3A_236] : memref<10000x16xf32, #tpu.memory_space<vmem_shared>> -> memref<64x16xf32, #tpu.memory_space<vmem_shared>>
        tpu.enqueue_dma source(%dma_start3A_237 : memref<64x16xf32, #tpu.memory_space<vmem_shared>>) target(%dma_start3A_235 : memref<64x16xf32, #tpu.memory_space<hbm>>) target_semaphore(%run_scoped3A_234 : memref<!tpu.dma_semaphore, #tpu.memory_space<semaphore_mem>>)
        %dma_wait3A = arith.constant 0 : i32
        %dma_wait3A_238 = tpu.memref_slice %arg11[%add3A_233, %dma_wait3A] : memref<10000x16xf32, #tpu.memory_space<hbm>> -> memref<64x16xf32, #tpu.memory_space<hbm>>
        %dma_wait3A_239 = arith.constant 0 : i32
        %dma_wait3A_240 = tpu.memref_slice %arg19[%add3A_231, %dma_wait3A_239] : memref<10000x16xf32, #tpu.memory_space<vmem_shared>> -> memref<64x16xf32, #tpu.memory_space<vmem_shared>>
        tpu.wait_dma2 semaphore(%run_scoped3A_234 : memref<!tpu.dma_semaphore, #tpu.memory_space<semaphore_mem>>) src(%dma_wait3A_240 : memref<64x16xf32, #tpu.memory_space<vmem_shared>>) dst(%dma_wait3A_238 : memref<64x16xf32, #tpu.memory_space<hbm>>)
        tpu.yield
      }) : () -> ()
    } else {
    }
    %eq3A_216 = arith.constant 15 : i32
    %eq3A_217 = arith.cmpi eq, %arg1, %eq3A_216 : i32
    %convert_element_type3A_218 = arith.extui %eq3A_217 : i1 to i32
    %cond3A_219 = arith.constant 0 : i32
    %cond3A_220 = arith.cmpi ne, %convert_element_type3A_218, %cond3A_219 : i32
    scf.if %cond3A_220 {
      %add3A_222 = arith.constant 0 : i32
      %add3A_223 = arith.addi %multiple_of3A_5, %add3A_222 : i32
      %add3A_224 = arith.constant 0 : i32
      %add3A_225 = arith.addi %multiple_of3A_5, %add3A_224 : i32
      "tpu.region"() ({
        %run_scoped3A_230 = tpu.sem_alloc : memref<!tpu.dma_semaphore, #tpu.memory_space<semaphore_mem>>
        %dma_start3A = arith.constant 0 : i32
        %dma_start3A_231 = tpu.memref_slice %arg11[%add3A_225, %dma_start3A] : memref<10000x16xf32, #tpu.memory_space<hbm>> -> memref<128x16xf32, #tpu.memory_space<hbm>>
        %dma_start3A_232 = arith.constant 0 : i32
        %dma_start3A_233 = tpu.memref_slice %arg19[%add3A_223, %dma_start3A_232] : memref<10000x16xf32, #tpu.memory_space<vmem_shared>> -> memref<128x16xf32, #tpu.memory_space<vmem_shared>>
        tpu.enqueue_dma source(%dma_start3A_233 : memref<128x16xf32, #tpu.memory_space<vmem_shared>>) target(%dma_start3A_231 : memref<128x16xf32, #tpu.memory_space<hbm>>) target_semaphore(%run_scoped3A_230 : memref<!tpu.dma_semaphore, #tpu.memory_space<semaphore_mem>>)
        %dma_wait3A = arith.constant 0 : i32
        %dma_wait3A_234 = tpu.memref_slice %arg11[%add3A_225, %dma_wait3A] : memref<10000x16xf32, #tpu.memory_space<hbm>> -> memref<128x16xf32, #tpu.memory_space<hbm>>
        %dma_wait3A_235 = arith.constant 0 : i32
        %dma_wait3A_236 = tpu.memref_slice %arg19[%add3A_223, %dma_wait3A_235] : memref<10000x16xf32, #tpu.memory_space<vmem_shared>> -> memref<128x16xf32, #tpu.memory_space<vmem_shared>>
        tpu.wait_dma2 semaphore(%run_scoped3A_230 : memref<!tpu.dma_semaphore, #tpu.memory_space<semaphore_mem>>) src(%dma_wait3A_236 : memref<128x16xf32, #tpu.memory_space<vmem_shared>>) dst(%dma_wait3A_234 : memref<128x16xf32, #tpu.memory_space<hbm>>)
        tpu.yield
      }) : () -> ()
      %add3A_226 = arith.constant 128 : i32
      %add3A_227 = arith.addi %multiple_of3A_5, %add3A_226 : i32
      %add3A_228 = arith.constant 128 : i32
      %add3A_229 = arith.addi %multiple_of3A_5, %add3A_228 : i32
      "tpu.region"() ({
        %run_scoped3A_230 = tpu.sem_alloc : memref<!tpu.dma_semaphore, #tpu.memory_space<semaphore_mem>>
        %dma_start3A = arith.constant 0 : i32
        %dma_start3A_231 = tpu.memref_slice %arg11[%add3A_229, %dma_start3A] : memref<10000x16xf32, #tpu.memory_space<hbm>> -> memref<72x16xf32, #tpu.memory_space<hbm>>
        %dma_start3A_232 = arith.constant 0 : i32
        %dma_start3A_233 = tpu.memref_slice %arg19[%add3A_227, %dma_start3A_232] : memref<10000x16xf32, #tpu.memory_space<vmem_shared>> -> memref<72x16xf32, #tpu.memory_space<vmem_shared>>
        tpu.enqueue_dma source(%dma_start3A_233 : memref<72x16xf32, #tpu.memory_space<vmem_shared>>) target(%dma_start3A_231 : memref<72x16xf32, #tpu.memory_space<hbm>>) target_semaphore(%run_scoped3A_230 : memref<!tpu.dma_semaphore, #tpu.memory_space<semaphore_mem>>)
        %dma_wait3A = arith.constant 0 : i32
        %dma_wait3A_234 = tpu.memref_slice %arg11[%add3A_229, %dma_wait3A] : memref<10000x16xf32, #tpu.memory_space<hbm>> -> memref<72x16xf32, #tpu.memory_space<hbm>>
        %dma_wait3A_235 = arith.constant 0 : i32
        %dma_wait3A_236 = tpu.memref_slice %arg19[%add3A_227, %dma_wait3A_235] : memref<10000x16xf32, #tpu.memory_space<vmem_shared>> -> memref<72x16xf32, #tpu.memory_space<vmem_shared>>
        tpu.wait_dma2 semaphore(%run_scoped3A_230 : memref<!tpu.dma_semaphore, #tpu.memory_space<semaphore_mem>>) src(%dma_wait3A_236 : memref<72x16xf32, #tpu.memory_space<vmem_shared>>) dst(%dma_wait3A_234 : memref<72x16xf32, #tpu.memory_space<hbm>>)
        tpu.yield
      }) : () -> ()
    } else {
    }
    %barrier3A_221 = arith.constant 0 : index
    tpu.barrier barrier_id(%barrier3A_221)
    return
  }
}

#map = affine_map<(d0, d1) -> (0)>
#map1 = affine_map<(d0, d1) -> (0, 0)>
module attributes {stable_mosaic.version = 14 : i64} {
  func.func @score(%arg0: i32, %arg1: i32, %arg2: memref<4096xi32, #tpu.memory_space<hbm>>, %arg3: memref<4096xi32, #tpu.memory_space<hbm>>, %arg4: memref<10000x128xf32, #tpu.memory_space<hbm>>, %arg5: memref<10000x128xf32, #tpu.memory_space<hbm>>, %arg6: memref<4096xf32, #tpu.memory_space<hbm>>, %arg7: memref<128xi32, #tpu.memory_space<vmem>>, %arg8: memref<128xi32, #tpu.memory_space<vmem>>, %arg9: memref<128x128xf32, #tpu.memory_space<vmem>>, %arg10: memref<128x128xf32, #tpu.memory_space<vmem>>, %arg11: memref<2048xf32, #tpu.memory_space<vmem>>, %arg12: memref<128xf32, #tpu.memory_space<vmem>>, %arg13: memref<!tpu.dma_semaphore, #tpu.memory_space<semaphore_mem>>, %arg14: memref<!tpu.dma_semaphore, #tpu.memory_space<semaphore_mem>>) attributes {dimension_semantics = [#tpu.dimension_semantics<core_parallel>, #tpu.dimension_semantics<subcore_parallel>], iteration_bounds = array<i64: 2, 16>, scalar_prefetch = 0 : i64, scratch_operands = 8 : i64, tpu.core_type = #tpu.core_type<sc_vector_subcore>, window_params = [{transform_indices = #map}, {transform_indices = #map}, {transform_indices = #map1}, {transform_indices = #map1}, {transform_indices = #map}]} {
    %mul3A = arith.constant 2 : i32
    %mul3A_0 = arith.muli %arg1, %mul3A : i32
    %add3A = arith.addi %mul3A_0, %arg0 : i32
    %mul3A_1 = arith.constant 128 : i32
    %mul3A_2 = arith.muli %add3A, %mul3A_1 : i32
    %multiple_of3A = tpu.assume_multiple %mul3A_2, 8 : i32
    "tpu.region"() ({
      %run_scoped3A = tpu.sem_alloc : memref<!tpu.dma_semaphore, #tpu.memory_space<semaphore_mem>>
      %dma_start3A_695 = tpu.memref_slice %arg2[%multiple_of3A] : memref<4096xi32, #tpu.memory_space<hbm>> -> memref<128xi32, #tpu.memory_space<hbm>>
      %dma_start3A_696 = tpu.memref_slice %arg2[%multiple_of3A] : memref<4096xi32, #tpu.memory_space<hbm>> -> memref<128xi32, #tpu.memory_space<hbm>>
      tpu.enqueue_dma source(%dma_start3A_696 : memref<128xi32, #tpu.memory_space<hbm>>) target(%arg7 : memref<128xi32, #tpu.memory_space<vmem>>) target_semaphore(%run_scoped3A : memref<!tpu.dma_semaphore, #tpu.memory_space<semaphore_mem>>)
      %dma_wait3A_697 = tpu.memref_slice %arg2[%multiple_of3A] : memref<4096xi32, #tpu.memory_space<hbm>> -> memref<128xi32, #tpu.memory_space<hbm>>
      %dma_wait3A_698 = tpu.memref_slice %arg2[%multiple_of3A] : memref<4096xi32, #tpu.memory_space<hbm>> -> memref<128xi32, #tpu.memory_space<hbm>>
      tpu.wait_dma2 semaphore(%run_scoped3A : memref<!tpu.dma_semaphore, #tpu.memory_space<semaphore_mem>>) src(%dma_wait3A_698 : memref<128xi32, #tpu.memory_space<hbm>>) dst(%arg7 : memref<128xi32, #tpu.memory_space<vmem>>)
      tpu.yield
    }) : () -> ()
    "tpu.region"() ({
      %run_scoped3A = tpu.sem_alloc : memref<!tpu.dma_semaphore, #tpu.memory_space<semaphore_mem>>
      %dma_start3A_695 = tpu.memref_slice %arg3[%multiple_of3A] : memref<4096xi32, #tpu.memory_space<hbm>> -> memref<128xi32, #tpu.memory_space<hbm>>
      %dma_start3A_696 = tpu.memref_slice %arg3[%multiple_of3A] : memref<4096xi32, #tpu.memory_space<hbm>> -> memref<128xi32, #tpu.memory_space<hbm>>
      tpu.enqueue_dma source(%dma_start3A_696 : memref<128xi32, #tpu.memory_space<hbm>>) target(%arg8 : memref<128xi32, #tpu.memory_space<vmem>>) target_semaphore(%run_scoped3A : memref<!tpu.dma_semaphore, #tpu.memory_space<semaphore_mem>>)
      %dma_wait3A_697 = tpu.memref_slice %arg3[%multiple_of3A] : memref<4096xi32, #tpu.memory_space<hbm>> -> memref<128xi32, #tpu.memory_space<hbm>>
      %dma_wait3A_698 = tpu.memref_slice %arg3[%multiple_of3A] : memref<4096xi32, #tpu.memory_space<hbm>> -> memref<128xi32, #tpu.memory_space<hbm>>
      tpu.wait_dma2 semaphore(%run_scoped3A : memref<!tpu.dma_semaphore, #tpu.memory_space<semaphore_mem>>) src(%dma_wait3A_698 : memref<128xi32, #tpu.memory_space<hbm>>) dst(%arg8 : memref<128xi32, #tpu.memory_space<vmem>>)
      tpu.yield
    }) : () -> ()
    %dma_start3A = arith.constant 0 : i32
    %dma_start3A_3 = arith.constant 0 : i32
    %dma_start3A_4 = tpu.memref_slice %arg4[%dma_start3A, %dma_start3A_3] : memref<10000x128xf32, #tpu.memory_space<hbm>> -> memref<10000x128xf32, #tpu.memory_space<hbm>>
    tpu.enqueue_indirect_dma source(%dma_start3A_4 : memref<10000x128xf32, #tpu.memory_space<hbm>>) target(%arg9 : memref<128x128xf32, #tpu.memory_space<vmem>>) offsets(%arg7 : memref<128xi32, #tpu.memory_space<vmem>>) semaphore(%arg13 : memref<!tpu.dma_semaphore, #tpu.memory_space<semaphore_mem>>)
    %dma_start3A_5 = arith.constant 0 : i32
    %dma_start3A_6 = arith.constant 0 : i32
    %dma_start3A_7 = tpu.memref_slice %arg5[%dma_start3A_5, %dma_start3A_6] : memref<10000x128xf32, #tpu.memory_space<hbm>> -> memref<10000x128xf32, #tpu.memory_space<hbm>>
    tpu.enqueue_indirect_dma source(%dma_start3A_7 : memref<10000x128xf32, #tpu.memory_space<hbm>>) target(%arg10 : memref<128x128xf32, #tpu.memory_space<vmem>>) offsets(%arg8 : memref<128xi32, #tpu.memory_space<vmem>>) semaphore(%arg14 : memref<!tpu.dma_semaphore, #tpu.memory_space<semaphore_mem>>)
    %dma_wait3A = arith.constant 0 : i32
    %dma_wait3A_8 = arith.constant 0 : i32
    %dma_wait3A_9 = tpu.memref_slice %arg4[%dma_wait3A, %dma_wait3A_8] : memref<10000x128xf32, #tpu.memory_space<hbm>> -> memref<10000x128xf32, #tpu.memory_space<hbm>>
    tpu.wait_indirect_dma semaphore(%arg13 : memref<!tpu.dma_semaphore, #tpu.memory_space<semaphore_mem>>) src(%dma_wait3A_9 : memref<10000x128xf32, #tpu.memory_space<hbm>>) dst(%arg9 : memref<128x128xf32, #tpu.memory_space<vmem>>)
    %dma_wait3A_10 = arith.constant 0 : i32
    %dma_wait3A_11 = arith.constant 0 : i32
    %dma_wait3A_12 = tpu.memref_slice %arg5[%dma_wait3A_10, %dma_wait3A_11] : memref<10000x128xf32, #tpu.memory_space<hbm>> -> memref<10000x128xf32, #tpu.memory_space<hbm>>
    tpu.wait_indirect_dma semaphore(%arg14 : memref<!tpu.dma_semaphore, #tpu.memory_space<semaphore_mem>>) src(%dma_wait3A_12 : memref<10000x128xf32, #tpu.memory_space<hbm>>) dst(%arg10 : memref<128x128xf32, #tpu.memory_space<vmem>>)
    %scan3A = arith.constant 0 : i32
    %scan3A_13 = arith.constant 0 : i32
    %scan3A_14 = arith.constant 128 : i32
    %scan3A_15 = arith.addi %scan3A_13, %scan3A_14 : i32
    %scan3A_16 = arith.constant 1 : i32
    scf.for %scan3A_695 = %scan3A_13 to %scan3A_15 step %scan3A_16  : i32 {
      %get3A = arith.index_cast %scan3A_695 : i32 to index
      %get3A_696 = arith.constant 0 : index
      %get3A_697 = tpu.vector_load %arg9[%get3A, %get3A_696] {strides = array<i32>} : memref<128x128xf32, #tpu.memory_space<vmem>>, vector<16xf32>,
      %get3A_698 = arith.index_cast %scan3A_695 : i32 to index
      %get3A_699 = arith.constant 0 : index
      %get3A_700 = tpu.vector_load %arg10[%get3A_698, %get3A_699] {strides = array<i32>} : memref<128x128xf32, #tpu.memory_space<vmem>>, vector<16xf32>,
      %mul3A_701 = arith.mulf %get3A_697, %get3A_700 : vector<16xf32>
      %get3A_702 = arith.index_cast %scan3A_695 : i32 to index
      %get3A_703 = arith.constant 16 : index
      %get3A_704 = tpu.vector_load %arg9[%get3A_702, %get3A_703] {strides = array<i32>} : memref<128x128xf32, #tpu.memory_space<vmem>>, vector<16xf32>,
      %get3A_705 = arith.index_cast %scan3A_695 : i32 to index
      %get3A_706 = arith.constant 16 : index
      %get3A_707 = tpu.vector_load %arg10[%get3A_705, %get3A_706] {strides = array<i32>} : memref<128x128xf32, #tpu.memory_space<vmem>>, vector<16xf32>,
      %mul3A_708 = arith.mulf %get3A_704, %get3A_707 : vector<16xf32>
      %add3A_709 = arith.addf %mul3A_701, %mul3A_708 : vector<16xf32>
      %get3A_710 = arith.index_cast %scan3A_695 : i32 to index
      %get3A_711 = arith.constant 32 : index
      %get3A_712 = tpu.vector_load %arg9[%get3A_710, %get3A_711] {strides = array<i32>} : memref<128x128xf32, #tpu.memory_space<vmem>>, vector<16xf32>,
      %get3A_713 = arith.index_cast %scan3A_695 : i32 to index
      %get3A_714 = arith.constant 32 : index
      %get3A_715 = tpu.vector_load %arg10[%get3A_713, %get3A_714] {strides = array<i32>} : memref<128x128xf32, #tpu.memory_space<vmem>>, vector<16xf32>,
      %mul3A_716 = arith.mulf %get3A_712, %get3A_715 : vector<16xf32>
      %add3A_717 = arith.addf %add3A_709, %mul3A_716 : vector<16xf32>
      %get3A_718 = arith.index_cast %scan3A_695 : i32 to index
      %get3A_719 = arith.constant 48 : index
      %get3A_720 = tpu.vector_load %arg9[%get3A_718, %get3A_719] {strides = array<i32>} : memref<128x128xf32, #tpu.memory_space<vmem>>, vector<16xf32>,
      %get3A_721 = arith.index_cast %scan3A_695 : i32 to index
      %get3A_722 = arith.constant 48 : index
      %get3A_723 = tpu.vector_load %arg10[%get3A_721, %get3A_722] {strides = array<i32>} : memref<128x128xf32, #tpu.memory_space<vmem>>, vector<16xf32>,
      %mul3A_724 = arith.mulf %get3A_720, %get3A_723 : vector<16xf32>
      %add3A_725 = arith.addf %add3A_717, %mul3A_724 : vector<16xf32>
      %get3A_726 = arith.index_cast %scan3A_695 : i32 to index
      %get3A_727 = arith.constant 64 : index
      %get3A_728 = tpu.vector_load %arg9[%get3A_726, %get3A_727] {strides = array<i32>} : memref<128x128xf32, #tpu.memory_space<vmem>>, vector<16xf32>,
      %get3A_729 = arith.index_cast %scan3A_695 : i32 to index
      %get3A_730 = arith.constant 64 : index
      %get3A_731 = tpu.vector_load %arg10[%get3A_729, %get3A_730] {strides = array<i32>} : memref<128x128xf32, #tpu.memory_space<vmem>>, vector<16xf32>,
      %mul3A_732 = arith.mulf %get3A_728, %get3A_731 : vector<16xf32>
      %add3A_733 = arith.addf %add3A_725, %mul3A_732 : vector<16xf32>
      %get3A_734 = arith.index_cast %scan3A_695 : i32 to index
      %get3A_735 = arith.constant 80 : index
      %get3A_736 = tpu.vector_load %arg9[%get3A_734, %get3A_735] {strides = array<i32>} : memref<128x128xf32, #tpu.memory_space<vmem>>, vector<16xf32>,
      %get3A_737 = arith.index_cast %scan3A_695 : i32 to index
      %get3A_738 = arith.constant 80 : index
      %get3A_739 = tpu.vector_load %arg10[%get3A_737, %get3A_738] {strides = array<i32>} : memref<128x128xf32, #tpu.memory_space<vmem>>, vector<16xf32>,
      %mul3A_740 = arith.mulf %get3A_736, %get3A_739 : vector<16xf32>
      %add3A_741 = arith.addf %add3A_733, %mul3A_740 : vector<16xf32>
      %get3A_742 = arith.index_cast %scan3A_695 : i32 to index
      %get3A_743 = arith.constant 96 : index
      %get3A_744 = tpu.vector_load %arg9[%get3A_742, %get3A_743] {strides = array<i32>} : memref<128x128xf32, #tpu.memory_space<vmem>>, vector<16xf32>,
      %get3A_745 = arith.index_cast %scan3A_695 : i32 to index
      %get3A_746 = arith.constant 96 : index
      %get3A_747 = tpu.vector_load %arg10[%get3A_745, %get3A_746] {strides = array<i32>} : memref<128x128xf32, #tpu.memory_space<vmem>>, vector<16xf32>,
      %mul3A_748 = arith.mulf %get3A_744, %get3A_747 : vector<16xf32>
      %add3A_749 = arith.addf %add3A_741, %mul3A_748 : vector<16xf32>
      %get3A_750 = arith.index_cast %scan3A_695 : i32 to index
      %get3A_751 = arith.constant 112 : index
      %get3A_752 = tpu.vector_load %arg9[%get3A_750, %get3A_751] {strides = array<i32>} : memref<128x128xf32, #tpu.memory_space<vmem>>, vector<16xf32>,
      %get3A_753 = arith.index_cast %scan3A_695 : i32 to index
      %get3A_754 = arith.constant 112 : index
      %get3A_755 = tpu.vector_load %arg10[%get3A_753, %get3A_754] {strides = array<i32>} : memref<128x128xf32, #tpu.memory_space<vmem>>, vector<16xf32>,
      %mul3A_756 = arith.mulf %get3A_752, %get3A_755 : vector<16xf32>
      %add3A_757 = arith.addf %add3A_749, %mul3A_756 : vector<16xf32>
      %mul3A_758 = arith.constant 16 : i32
      %mul3A_759 = arith.muli %scan3A_695, %mul3A_758 : i32
      %swap3A_760 = arith.index_cast %mul3A_759 : i32 to index
      %swap3A_761 = tpu.vector_load %arg11[%swap3A_760] {strides = array<i32>} : memref<2048xf32, #tpu.memory_space<vmem>>, vector<16xf32>,
      tpu.vector_store %arg11[%swap3A_760], %add3A_757 {strides = array<i32>} : memref<2048xf32, #tpu.memory_space<vmem>>, vector<16xf32>,
    }
    %scan3A_17 = arith.constant 128 : i32
    %iota3A = tpu.iota {dimensions = array<i32: 0>} : vector<16xi32>
    %add3A_18 = arith.constant 0 : i32
    %add3A_19 = vector.broadcast %add3A_18 : i32 to vector<16xi32>
    %add3A_20 = arith.addi %iota3A, %add3A_19 : vector<16xi32>
    %mul3A_21 = arith.constant 16 : i32
    %mul3A_22 = vector.broadcast %mul3A_21 : i32 to vector<16xi32>
    %mul3A_23 = arith.muli %add3A_20, %mul3A_22 : vector<16xi32>
    %gather3A = tpu.vector_load_idx %arg11[%mul3A_23] : memref<2048xf32, #tpu.memory_space<vmem>>[vector<16xi32>], vector<16xf32>,
    %add3A_24 = arith.constant 1 : i32
    %add3A_25 = vector.broadcast %add3A_24 : i32 to vector<16xi32>
    %add3A_26 = arith.addi %mul3A_23, %add3A_25 : vector<16xi32>
    %gather3A_27 = tpu.vector_load_idx %arg11[%add3A_26] : memref<2048xf32, #tpu.memory_space<vmem>>[vector<16xi32>], vector<16xf32>,
    %add3A_28 = arith.addf %gather3A, %gather3A_27 : vector<16xf32>
    %add3A_29 = arith.constant 2 : i32
    %add3A_30 = vector.broadcast %add3A_29 : i32 to vector<16xi32>
    %add3A_31 = arith.addi %mul3A_23, %add3A_30 : vector<16xi32>
    %gather3A_32 = tpu.vector_load_idx %arg11[%add3A_31] : memref<2048xf32, #tpu.memory_space<vmem>>[vector<16xi32>], vector<16xf32>,
    %add3A_33 = arith.addf %add3A_28, %gather3A_32 : vector<16xf32>
    %add3A_34 = arith.constant 3 : i32
    %add3A_35 = vector.broadcast %add3A_34 : i32 to vector<16xi32>
    %add3A_36 = arith.addi %mul3A_23, %add3A_35 : vector<16xi32>
    %gather3A_37 = tpu.vector_load_idx %arg11[%add3A_36] : memref<2048xf32, #tpu.memory_space<vmem>>[vector<16xi32>], vector<16xf32>,
    %add3A_38 = arith.addf %add3A_33, %gather3A_37 : vector<16xf32>
    %add3A_39 = arith.constant 4 : i32
    %add3A_40 = vector.broadcast %add3A_39 : i32 to vector<16xi32>
    %add3A_41 = arith.addi %mul3A_23, %add3A_40 : vector<16xi32>
    %gather3A_42 = tpu.vector_load_idx %arg11[%add3A_41] : memref<2048xf32, #tpu.memory_space<vmem>>[vector<16xi32>], vector<16xf32>,
    %add3A_43 = arith.addf %add3A_38, %gather3A_42 : vector<16xf32>
    %add3A_44 = arith.constant 5 : i32
    %add3A_45 = vector.broadcast %add3A_44 : i32 to vector<16xi32>
    %add3A_46 = arith.addi %mul3A_23, %add3A_45 : vector<16xi32>
    %gather3A_47 = tpu.vector_load_idx %arg11[%add3A_46] : memref<2048xf32, #tpu.memory_space<vmem>>[vector<16xi32>], vector<16xf32>,
    %add3A_48 = arith.addf %add3A_43, %gather3A_47 : vector<16xf32>
    %add3A_49 = arith.constant 6 : i32
    %add3A_50 = vector.broadcast %add3A_49 : i32 to vector<16xi32>
    %add3A_51 = arith.addi %mul3A_23, %add3A_50 : vector<16xi32>
    %gather3A_52 = tpu.vector_load_idx %arg11[%add3A_51] : memref<2048xf32, #tpu.memory_space<vmem>>[vector<16xi32>], vector<16xf32>,
    %add3A_53 = arith.addf %add3A_48, %gather3A_52 : vector<16xf32>
    %add3A_54 = arith.constant 7 : i32
    %add3A_55 = vector.broadcast %add3A_54 : i32 to vector<16xi32>
    %add3A_56 = arith.addi %mul3A_23, %add3A_55 : vector<16xi32>
    %gather3A_57 = tpu.vector_load_idx %arg11[%add3A_56] : memref<2048xf32, #tpu.memory_space<vmem>>[vector<16xi32>], vector<16xf32>,
    %add3A_58 = arith.addf %add3A_53, %gather3A_57 : vector<16xf32>
    %add3A_59 = arith.constant 8 : i32
    %add3A_60 = vector.broadcast %add3A_59 : i32 to vector<16xi32>
    %add3A_61 = arith.addi %mul3A_23, %add3A_60 : vector<16xi32>
    %gather3A_62 = tpu.vector_load_idx %arg11[%add3A_61] : memref<2048xf32, #tpu.memory_space<vmem>>[vector<16xi32>], vector<16xf32>,
    %add3A_63 = arith.addf %add3A_58, %gather3A_62 : vector<16xf32>
    %add3A_64 = arith.constant 9 : i32
    %add3A_65 = vector.broadcast %add3A_64 : i32 to vector<16xi32>
    %add3A_66 = arith.addi %mul3A_23, %add3A_65 : vector<16xi32>
    %gather3A_67 = tpu.vector_load_idx %arg11[%add3A_66] : memref<2048xf32, #tpu.memory_space<vmem>>[vector<16xi32>], vector<16xf32>,
    %add3A_68 = arith.addf %add3A_63, %gather3A_67 : vector<16xf32>
    %add3A_69 = arith.constant 10 : i32
    %add3A_70 = vector.broadcast %add3A_69 : i32 to vector<16xi32>
    %add3A_71 = arith.addi %mul3A_23, %add3A_70 : vector<16xi32>
    %gather3A_72 = tpu.vector_load_idx %arg11[%add3A_71] : memref<2048xf32, #tpu.memory_space<vmem>>[vector<16xi32>], vector<16xf32>,
    %add3A_73 = arith.addf %add3A_68, %gather3A_72 : vector<16xf32>
    %add3A_74 = arith.constant 11 : i32
    %add3A_75 = vector.broadcast %add3A_74 : i32 to vector<16xi32>
    %add3A_76 = arith.addi %mul3A_23, %add3A_75 : vector<16xi32>
    %gather3A_77 = tpu.vector_load_idx %arg11[%add3A_76] : memref<2048xf32, #tpu.memory_space<vmem>>[vector<16xi32>], vector<16xf32>,
    %add3A_78 = arith.addf %add3A_73, %gather3A_77 : vector<16xf32>
    %add3A_79 = arith.constant 12 : i32
    %add3A_80 = vector.broadcast %add3A_79 : i32 to vector<16xi32>
    %add3A_81 = arith.addi %mul3A_23, %add3A_80 : vector<16xi32>
    %gather3A_82 = tpu.vector_load_idx %arg11[%add3A_81] : memref<2048xf32, #tpu.memory_space<vmem>>[vector<16xi32>], vector<16xf32>,
    %add3A_83 = arith.addf %add3A_78, %gather3A_82 : vector<16xf32>
    %add3A_84 = arith.constant 13 : i32
    %add3A_85 = vector.broadcast %add3A_84 : i32 to vector<16xi32>
    %add3A_86 = arith.addi %mul3A_23, %add3A_85 : vector<16xi32>
    %gather3A_87 = tpu.vector_load_idx %arg11[%add3A_86] : memref<2048xf32, #tpu.memory_space<vmem>>[vector<16xi32>], vector<16xf32>,
    %add3A_88 = arith.addf %add3A_83, %gather3A_87 : vector<16xf32>
    %add3A_89 = arith.constant 14 : i32
    %add3A_90 = vector.broadcast %add3A_89 : i32 to vector<16xi32>
    %add3A_91 = arith.addi %mul3A_23, %add3A_90 : vector<16xi32>
    %gather3A_92 = tpu.vector_load_idx %arg11[%add3A_91] : memref<2048xf32, #tpu.memory_space<vmem>>[vector<16xi32>], vector<16xf32>,
    %add3A_93 = arith.addf %add3A_88, %gather3A_92 : vector<16xf32>
    %add3A_94 = arith.constant 15 : i32
    %add3A_95 = vector.broadcast %add3A_94 : i32 to vector<16xi32>
    %add3A_96 = arith.addi %mul3A_23, %add3A_95 : vector<16xi32>
    %gather3A_97 = tpu.vector_load_idx %arg11[%add3A_96] : memref<2048xf32, #tpu.memory_space<vmem>>[vector<16xi32>], vector<16xf32>,
    %add3A_98 = arith.addf %add3A_93, %gather3A_97 : vector<16xf32>
    %swap3A = arith.constant 0 : index
    %swap3A_99 = tpu.vector_load %arg12[%swap3A] {strides = array<i32>} : memref<128xf32, #tpu.memory_space<vmem>>, vector<16xf32>,
    tpu.vector_store %arg12[%swap3A], %add3A_98 {strides = array<i32>} : memref<128xf32, #tpu.memory_space<vmem>>, vector<16xf32>,
    %iota3A_100 = tpu.iota {dimensions = array<i32: 0>} : vector<16xi32>
    %add3A_101 = arith.constant 16 : i32
    %add3A_102 = vector.broadcast %add3A_101 : i32 to vector<16xi32>
    %add3A_103 = arith.addi %iota3A_100, %add3A_102 : vector<16xi32>
    %mul3A_104 = arith.constant 16 : i32
    %mul3A_105 = vector.broadcast %mul3A_104 : i32 to vector<16xi32>
    %mul3A_106 = arith.muli %add3A_103, %mul3A_105 : vector<16xi32>
    %gather3A_107 = tpu.vector_load_idx %arg11[%mul3A_106] : memref<2048xf32, #tpu.memory_space<vmem>>[vector<16xi32>], vector<16xf32>,
    %add3A_108 = arith.constant 1 : i32
    %add3A_109 = vector.broadcast %add3A_108 : i32 to vector<16xi32>
    %add3A_110 = arith.addi %mul3A_106, %add3A_109 : vector<16xi32>
    %gather3A_111 = tpu.vector_load_idx %arg11[%add3A_110] : memref<2048xf32, #tpu.memory_space<vmem>>[vector<16xi32>], vector<16xf32>,
    %add3A_112 = arith.addf %gather3A_107, %gather3A_111 : vector<16xf32>
    %add3A_113 = arith.constant 2 : i32
    %add3A_114 = vector.broadcast %add3A_113 : i32 to vector<16xi32>
    %add3A_115 = arith.addi %mul3A_106, %add3A_114 : vector<16xi32>
    %gather3A_116 = tpu.vector_load_idx %arg11[%add3A_115] : memref<2048xf32, #tpu.memory_space<vmem>>[vector<16xi32>], vector<16xf32>,
    %add3A_117 = arith.addf %add3A_112, %gather3A_116 : vector<16xf32>
    %add3A_118 = arith.constant 3 : i32
    %add3A_119 = vector.broadcast %add3A_118 : i32 to vector<16xi32>
    %add3A_120 = arith.addi %mul3A_106, %add3A_119 : vector<16xi32>
    %gather3A_121 = tpu.vector_load_idx %arg11[%add3A_120] : memref<2048xf32, #tpu.memory_space<vmem>>[vector<16xi32>], vector<16xf32>,
    %add3A_122 = arith.addf %add3A_117, %gather3A_121 : vector<16xf32>
    %add3A_123 = arith.constant 4 : i32
    %add3A_124 = vector.broadcast %add3A_123 : i32 to vector<16xi32>
    %add3A_125 = arith.addi %mul3A_106, %add3A_124 : vector<16xi32>
    %gather3A_126 = tpu.vector_load_idx %arg11[%add3A_125] : memref<2048xf32, #tpu.memory_space<vmem>>[vector<16xi32>], vector<16xf32>,
    %add3A_127 = arith.addf %add3A_122, %gather3A_126 : vector<16xf32>
    %add3A_128 = arith.constant 5 : i32
    %add3A_129 = vector.broadcast %add3A_128 : i32 to vector<16xi32>
    %add3A_130 = arith.addi %mul3A_106, %add3A_129 : vector<16xi32>
    %gather3A_131 = tpu.vector_load_idx %arg11[%add3A_130] : memref<2048xf32, #tpu.memory_space<vmem>>[vector<16xi32>], vector<16xf32>,
    %add3A_132 = arith.addf %add3A_127, %gather3A_131 : vector<16xf32>
    %add3A_133 = arith.constant 6 : i32
    %add3A_134 = vector.broadcast %add3A_133 : i32 to vector<16xi32>
    %add3A_135 = arith.addi %mul3A_106, %add3A_134 : vector<16xi32>
    %gather3A_136 = tpu.vector_load_idx %arg11[%add3A_135] : memref<2048xf32, #tpu.memory_space<vmem>>[vector<16xi32>], vector<16xf32>,
    %add3A_137 = arith.addf %add3A_132, %gather3A_136 : vector<16xf32>
    %add3A_138 = arith.constant 7 : i32
    %add3A_139 = vector.broadcast %add3A_138 : i32 to vector<16xi32>
    %add3A_140 = arith.addi %mul3A_106, %add3A_139 : vector<16xi32>
    %gather3A_141 = tpu.vector_load_idx %arg11[%add3A_140] : memref<2048xf32, #tpu.memory_space<vmem>>[vector<16xi32>], vector<16xf32>,
    %add3A_142 = arith.addf %add3A_137, %gather3A_141 : vector<16xf32>
    %add3A_143 = arith.constant 8 : i32
    %add3A_144 = vector.broadcast %add3A_143 : i32 to vector<16xi32>
    %add3A_145 = arith.addi %mul3A_106, %add3A_144 : vector<16xi32>
    %gather3A_146 = tpu.vector_load_idx %arg11[%add3A_145] : memref<2048xf32, #tpu.memory_space<vmem>>[vector<16xi32>], vector<16xf32>,
    %add3A_147 = arith.addf %add3A_142, %gather3A_146 : vector<16xf32>
    %add3A_148 = arith.constant 9 : i32
    %add3A_149 = vector.broadcast %add3A_148 : i32 to vector<16xi32>
    %add3A_150 = arith.addi %mul3A_106, %add3A_149 : vector<16xi32>
    %gather3A_151 = tpu.vector_load_idx %arg11[%add3A_150] : memref<2048xf32, #tpu.memory_space<vmem>>[vector<16xi32>], vector<16xf32>,
    %add3A_152 = arith.addf %add3A_147, %gather3A_151 : vector<16xf32>
    %add3A_153 = arith.constant 10 : i32
    %add3A_154 = vector.broadcast %add3A_153 : i32 to vector<16xi32>
    %add3A_155 = arith.addi %mul3A_106, %add3A_154 : vector<16xi32>
    %gather3A_156 = tpu.vector_load_idx %arg11[%add3A_155] : memref<2048xf32, #tpu.memory_space<vmem>>[vector<16xi32>], vector<16xf32>,
    %add3A_157 = arith.addf %add3A_152, %gather3A_156 : vector<16xf32>
    %add3A_158 = arith.constant 11 : i32
    %add3A_159 = vector.broadcast %add3A_158 : i32 to vector<16xi32>
    %add3A_160 = arith.addi %mul3A_106, %add3A_159 : vector<16xi32>
    %gather3A_161 = tpu.vector_load_idx %arg11[%add3A_160] : memref<2048xf32, #tpu.memory_space<vmem>>[vector<16xi32>], vector<16xf32>,
    %add3A_162 = arith.addf %add3A_157, %gather3A_161 : vector<16xf32>
    %add3A_163 = arith.constant 12 : i32
    %add3A_164 = vector.broadcast %add3A_163 : i32 to vector<16xi32>
    %add3A_165 = arith.addi %mul3A_106, %add3A_164 : vector<16xi32>
    %gather3A_166 = tpu.vector_load_idx %arg11[%add3A_165] : memref<2048xf32, #tpu.memory_space<vmem>>[vector<16xi32>], vector<16xf32>,
    %add3A_167 = arith.addf %add3A_162, %gather3A_166 : vector<16xf32>
    %add3A_168 = arith.constant 13 : i32
    %add3A_169 = vector.broadcast %add3A_168 : i32 to vector<16xi32>
    %add3A_170 = arith.addi %mul3A_106, %add3A_169 : vector<16xi32>
    %gather3A_171 = tpu.vector_load_idx %arg11[%add3A_170] : memref<2048xf32, #tpu.memory_space<vmem>>[vector<16xi32>], vector<16xf32>,
    %add3A_172 = arith.addf %add3A_167, %gather3A_171 : vector<16xf32>
    %add3A_173 = arith.constant 14 : i32
    %add3A_174 = vector.broadcast %add3A_173 : i32 to vector<16xi32>
    %add3A_175 = arith.addi %mul3A_106, %add3A_174 : vector<16xi32>
    %gather3A_176 = tpu.vector_load_idx %arg11[%add3A_175] : memref<2048xf32, #tpu.memory_space<vmem>>[vector<16xi32>], vector<16xf32>,
    %add3A_177 = arith.addf %add3A_172, %gather3A_176 : vector<16xf32>
    %add3A_178 = arith.constant 15 : i32
    %add3A_179 = vector.broadcast %add3A_178 : i32 to vector<16xi32>
    %add3A_180 = arith.addi %mul3A_106, %add3A_179 : vector<16xi32>
    %gather3A_181 = tpu.vector_load_idx %arg11[%add3A_180] : memref<2048xf32, #tpu.memory_space<vmem>>[vector<16xi32>], vector<16xf32>,
    %add3A_182 = arith.addf %add3A_177, %gather3A_181 : vector<16xf32>
    %swap3A_183 = arith.constant 16 : index
    %swap3A_184 = tpu.vector_load %arg12[%swap3A_183] {strides = array<i32>} : memref<128xf32, #tpu.memory_space<vmem>>, vector<16xf32>,
    tpu.vector_store %arg12[%swap3A_183], %add3A_182 {strides = array<i32>} : memref<128xf32, #tpu.memory_space<vmem>>, vector<16xf32>,
    %iota3A_185 = tpu.iota {dimensions = array<i32: 0>} : vector<16xi32>
    %add3A_186 = arith.constant 32 : i32
    %add3A_187 = vector.broadcast %add3A_186 : i32 to vector<16xi32>
    %add3A_188 = arith.addi %iota3A_185, %add3A_187 : vector<16xi32>
    %mul3A_189 = arith.constant 16 : i32
    %mul3A_190 = vector.broadcast %mul3A_189 : i32 to vector<16xi32>
    %mul3A_191 = arith.muli %add3A_188, %mul3A_190 : vector<16xi32>
    %gather3A_192 = tpu.vector_load_idx %arg11[%mul3A_191] : memref<2048xf32, #tpu.memory_space<vmem>>[vector<16xi32>], vector<16xf32>,
    %add3A_193 = arith.constant 1 : i32
    %add3A_194 = vector.broadcast %add3A_193 : i32 to vector<16xi32>
    %add3A_195 = arith.addi %mul3A_191, %add3A_194 : vector<16xi32>
    %gather3A_196 = tpu.vector_load_idx %arg11[%add3A_195] : memref<2048xf32, #tpu.memory_space<vmem>>[vector<16xi32>], vector<16xf32>,
    %add3A_197 = arith.addf %gather3A_192, %gather3A_196 : vector<16xf32>
    %add3A_198 = arith.constant 2 : i32
    %add3A_199 = vector.broadcast %add3A_198 : i32 to vector<16xi32>
    %add3A_200 = arith.addi %mul3A_191, %add3A_199 : vector<16xi32>
    %gather3A_201 = tpu.vector_load_idx %arg11[%add3A_200] : memref<2048xf32, #tpu.memory_space<vmem>>[vector<16xi32>], vector<16xf32>,
    %add3A_202 = arith.addf %add3A_197, %gather3A_201 : vector<16xf32>
    %add3A_203 = arith.constant 3 : i32
    %add3A_204 = vector.broadcast %add3A_203 : i32 to vector<16xi32>
    %add3A_205 = arith.addi %mul3A_191, %add3A_204 : vector<16xi32>
    %gather3A_206 = tpu.vector_load_idx %arg11[%add3A_205] : memref<2048xf32, #tpu.memory_space<vmem>>[vector<16xi32>], vector<16xf32>,
    %add3A_207 = arith.addf %add3A_202, %gather3A_206 : vector<16xf32>
    %add3A_208 = arith.constant 4 : i32
    %add3A_209 = vector.broadcast %add3A_208 : i32 to vector<16xi32>
    %add3A_210 = arith.addi %mul3A_191, %add3A_209 : vector<16xi32>
    %gather3A_211 = tpu.vector_load_idx %arg11[%add3A_210] : memref<2048xf32, #tpu.memory_space<vmem>>[vector<16xi32>], vector<16xf32>,
    %add3A_212 = arith.addf %add3A_207, %gather3A_211 : vector<16xf32>
    %add3A_213 = arith.constant 5 : i32
    %add3A_214 = vector.broadcast %add3A_213 : i32 to vector<16xi32>
    %add3A_215 = arith.addi %mul3A_191, %add3A_214 : vector<16xi32>
    %gather3A_216 = tpu.vector_load_idx %arg11[%add3A_215] : memref<2048xf32, #tpu.memory_space<vmem>>[vector<16xi32>], vector<16xf32>,
    %add3A_217 = arith.addf %add3A_212, %gather3A_216 : vector<16xf32>
    %add3A_218 = arith.constant 6 : i32
    %add3A_219 = vector.broadcast %add3A_218 : i32 to vector<16xi32>
    %add3A_220 = arith.addi %mul3A_191, %add3A_219 : vector<16xi32>
    %gather3A_221 = tpu.vector_load_idx %arg11[%add3A_220] : memref<2048xf32, #tpu.memory_space<vmem>>[vector<16xi32>], vector<16xf32>,
    %add3A_222 = arith.addf %add3A_217, %gather3A_221 : vector<16xf32>
    %add3A_223 = arith.constant 7 : i32
    %add3A_224 = vector.broadcast %add3A_223 : i32 to vector<16xi32>
    %add3A_225 = arith.addi %mul3A_191, %add3A_224 : vector<16xi32>
    %gather3A_226 = tpu.vector_load_idx %arg11[%add3A_225] : memref<2048xf32, #tpu.memory_space<vmem>>[vector<16xi32>], vector<16xf32>,
    %add3A_227 = arith.addf %add3A_222, %gather3A_226 : vector<16xf32>
    %add3A_228 = arith.constant 8 : i32
    %add3A_229 = vector.broadcast %add3A_228 : i32 to vector<16xi32>
    %add3A_230 = arith.addi %mul3A_191, %add3A_229 : vector<16xi32>
    %gather3A_231 = tpu.vector_load_idx %arg11[%add3A_230] : memref<2048xf32, #tpu.memory_space<vmem>>[vector<16xi32>], vector<16xf32>,
    %add3A_232 = arith.addf %add3A_227, %gather3A_231 : vector<16xf32>
    %add3A_233 = arith.constant 9 : i32
    %add3A_234 = vector.broadcast %add3A_233 : i32 to vector<16xi32>
    %add3A_235 = arith.addi %mul3A_191, %add3A_234 : vector<16xi32>
    %gather3A_236 = tpu.vector_load_idx %arg11[%add3A_235] : memref<2048xf32, #tpu.memory_space<vmem>>[vector<16xi32>], vector<16xf32>,
    %add3A_237 = arith.addf %add3A_232, %gather3A_236 : vector<16xf32>
    %add3A_238 = arith.constant 10 : i32
    %add3A_239 = vector.broadcast %add3A_238 : i32 to vector<16xi32>
    %add3A_240 = arith.addi %mul3A_191, %add3A_239 : vector<16xi32>
    %gather3A_241 = tpu.vector_load_idx %arg11[%add3A_240] : memref<2048xf32, #tpu.memory_space<vmem>>[vector<16xi32>], vector<16xf32>,
    %add3A_242 = arith.addf %add3A_237, %gather3A_241 : vector<16xf32>
    %add3A_243 = arith.constant 11 : i32
    %add3A_244 = vector.broadcast %add3A_243 : i32 to vector<16xi32>
    %add3A_245 = arith.addi %mul3A_191, %add3A_244 : vector<16xi32>
    %gather3A_246 = tpu.vector_load_idx %arg11[%add3A_245] : memref<2048xf32, #tpu.memory_space<vmem>>[vector<16xi32>], vector<16xf32>,
    %add3A_247 = arith.addf %add3A_242, %gather3A_246 : vector<16xf32>
    %add3A_248 = arith.constant 12 : i32
    %add3A_249 = vector.broadcast %add3A_248 : i32 to vector<16xi32>
    %add3A_250 = arith.addi %mul3A_191, %add3A_249 : vector<16xi32>
    %gather3A_251 = tpu.vector_load_idx %arg11[%add3A_250] : memref<2048xf32, #tpu.memory_space<vmem>>[vector<16xi32>], vector<16xf32>,
    %add3A_252 = arith.addf %add3A_247, %gather3A_251 : vector<16xf32>
    %add3A_253 = arith.constant 13 : i32
    %add3A_254 = vector.broadcast %add3A_253 : i32 to vector<16xi32>
    %add3A_255 = arith.addi %mul3A_191, %add3A_254 : vector<16xi32>
    %gather3A_256 = tpu.vector_load_idx %arg11[%add3A_255] : memref<2048xf32, #tpu.memory_space<vmem>>[vector<16xi32>], vector<16xf32>,
    %add3A_257 = arith.addf %add3A_252, %gather3A_256 : vector<16xf32>
    %add3A_258 = arith.constant 14 : i32
    %add3A_259 = vector.broadcast %add3A_258 : i32 to vector<16xi32>
    %add3A_260 = arith.addi %mul3A_191, %add3A_259 : vector<16xi32>
    %gather3A_261 = tpu.vector_load_idx %arg11[%add3A_260] : memref<2048xf32, #tpu.memory_space<vmem>>[vector<16xi32>], vector<16xf32>,
    %add3A_262 = arith.addf %add3A_257, %gather3A_261 : vector<16xf32>
    %add3A_263 = arith.constant 15 : i32
    %add3A_264 = vector.broadcast %add3A_263 : i32 to vector<16xi32>
    %add3A_265 = arith.addi %mul3A_191, %add3A_264 : vector<16xi32>
    %gather3A_266 = tpu.vector_load_idx %arg11[%add3A_265] : memref<2048xf32, #tpu.memory_space<vmem>>[vector<16xi32>], vector<16xf32>,
    %add3A_267 = arith.addf %add3A_262, %gather3A_266 : vector<16xf32>
    %swap3A_268 = arith.constant 32 : index
    %swap3A_269 = tpu.vector_load %arg12[%swap3A_268] {strides = array<i32>} : memref<128xf32, #tpu.memory_space<vmem>>, vector<16xf32>,
    tpu.vector_store %arg12[%swap3A_268], %add3A_267 {strides = array<i32>} : memref<128xf32, #tpu.memory_space<vmem>>, vector<16xf32>,
    %iota3A_270 = tpu.iota {dimensions = array<i32: 0>} : vector<16xi32>
    %add3A_271 = arith.constant 48 : i32
    %add3A_272 = vector.broadcast %add3A_271 : i32 to vector<16xi32>
    %add3A_273 = arith.addi %iota3A_270, %add3A_272 : vector<16xi32>
    %mul3A_274 = arith.constant 16 : i32
    %mul3A_275 = vector.broadcast %mul3A_274 : i32 to vector<16xi32>
    %mul3A_276 = arith.muli %add3A_273, %mul3A_275 : vector<16xi32>
    %gather3A_277 = tpu.vector_load_idx %arg11[%mul3A_276] : memref<2048xf32, #tpu.memory_space<vmem>>[vector<16xi32>], vector<16xf32>,
    %add3A_278 = arith.constant 1 : i32
    %add3A_279 = vector.broadcast %add3A_278 : i32 to vector<16xi32>
    %add3A_280 = arith.addi %mul3A_276, %add3A_279 : vector<16xi32>
    %gather3A_281 = tpu.vector_load_idx %arg11[%add3A_280] : memref<2048xf32, #tpu.memory_space<vmem>>[vector<16xi32>], vector<16xf32>,
    %add3A_282 = arith.addf %gather3A_277, %gather3A_281 : vector<16xf32>
    %add3A_283 = arith.constant 2 : i32
    %add3A_284 = vector.broadcast %add3A_283 : i32 to vector<16xi32>
    %add3A_285 = arith.addi %mul3A_276, %add3A_284 : vector<16xi32>
    %gather3A_286 = tpu.vector_load_idx %arg11[%add3A_285] : memref<2048xf32, #tpu.memory_space<vmem>>[vector<16xi32>], vector<16xf32>,
    %add3A_287 = arith.addf %add3A_282, %gather3A_286 : vector<16xf32>
    %add3A_288 = arith.constant 3 : i32
    %add3A_289 = vector.broadcast %add3A_288 : i32 to vector<16xi32>
    %add3A_290 = arith.addi %mul3A_276, %add3A_289 : vector<16xi32>
    %gather3A_291 = tpu.vector_load_idx %arg11[%add3A_290] : memref<2048xf32, #tpu.memory_space<vmem>>[vector<16xi32>], vector<16xf32>,
    %add3A_292 = arith.addf %add3A_287, %gather3A_291 : vector<16xf32>
    %add3A_293 = arith.constant 4 : i32
    %add3A_294 = vector.broadcast %add3A_293 : i32 to vector<16xi32>
    %add3A_295 = arith.addi %mul3A_276, %add3A_294 : vector<16xi32>
    %gather3A_296 = tpu.vector_load_idx %arg11[%add3A_295] : memref<2048xf32, #tpu.memory_space<vmem>>[vector<16xi32>], vector<16xf32>,
    %add3A_297 = arith.addf %add3A_292, %gather3A_296 : vector<16xf32>
    %add3A_298 = arith.constant 5 : i32
    %add3A_299 = vector.broadcast %add3A_298 : i32 to vector<16xi32>
    %add3A_300 = arith.addi %mul3A_276, %add3A_299 : vector<16xi32>
    %gather3A_301 = tpu.vector_load_idx %arg11[%add3A_300] : memref<2048xf32, #tpu.memory_space<vmem>>[vector<16xi32>], vector<16xf32>,
    %add3A_302 = arith.addf %add3A_297, %gather3A_301 : vector<16xf32>
    %add3A_303 = arith.constant 6 : i32
    %add3A_304 = vector.broadcast %add3A_303 : i32 to vector<16xi32>
    %add3A_305 = arith.addi %mul3A_276, %add3A_304 : vector<16xi32>
    %gather3A_306 = tpu.vector_load_idx %arg11[%add3A_305] : memref<2048xf32, #tpu.memory_space<vmem>>[vector<16xi32>], vector<16xf32>,
    %add3A_307 = arith.addf %add3A_302, %gather3A_306 : vector<16xf32>
    %add3A_308 = arith.constant 7 : i32
    %add3A_309 = vector.broadcast %add3A_308 : i32 to vector<16xi32>
    %add3A_310 = arith.addi %mul3A_276, %add3A_309 : vector<16xi32>
    %gather3A_311 = tpu.vector_load_idx %arg11[%add3A_310] : memref<2048xf32, #tpu.memory_space<vmem>>[vector<16xi32>], vector<16xf32>,
    %add3A_312 = arith.addf %add3A_307, %gather3A_311 : vector<16xf32>
    %add3A_313 = arith.constant 8 : i32
    %add3A_314 = vector.broadcast %add3A_313 : i32 to vector<16xi32>
    %add3A_315 = arith.addi %mul3A_276, %add3A_314 : vector<16xi32>
    %gather3A_316 = tpu.vector_load_idx %arg11[%add3A_315] : memref<2048xf32, #tpu.memory_space<vmem>>[vector<16xi32>], vector<16xf32>,
    %add3A_317 = arith.addf %add3A_312, %gather3A_316 : vector<16xf32>
    %add3A_318 = arith.constant 9 : i32
    %add3A_319 = vector.broadcast %add3A_318 : i32 to vector<16xi32>
    %add3A_320 = arith.addi %mul3A_276, %add3A_319 : vector<16xi32>
    %gather3A_321 = tpu.vector_load_idx %arg11[%add3A_320] : memref<2048xf32, #tpu.memory_space<vmem>>[vector<16xi32>], vector<16xf32>,
    %add3A_322 = arith.addf %add3A_317, %gather3A_321 : vector<16xf32>
    %add3A_323 = arith.constant 10 : i32
    %add3A_324 = vector.broadcast %add3A_323 : i32 to vector<16xi32>
    %add3A_325 = arith.addi %mul3A_276, %add3A_324 : vector<16xi32>
    %gather3A_326 = tpu.vector_load_idx %arg11[%add3A_325] : memref<2048xf32, #tpu.memory_space<vmem>>[vector<16xi32>], vector<16xf32>,
    %add3A_327 = arith.addf %add3A_322, %gather3A_326 : vector<16xf32>
    %add3A_328 = arith.constant 11 : i32
    %add3A_329 = vector.broadcast %add3A_328 : i32 to vector<16xi32>
    %add3A_330 = arith.addi %mul3A_276, %add3A_329 : vector<16xi32>
    %gather3A_331 = tpu.vector_load_idx %arg11[%add3A_330] : memref<2048xf32, #tpu.memory_space<vmem>>[vector<16xi32>], vector<16xf32>,
    %add3A_332 = arith.addf %add3A_327, %gather3A_331 : vector<16xf32>
    %add3A_333 = arith.constant 12 : i32
    %add3A_334 = vector.broadcast %add3A_333 : i32 to vector<16xi32>
    %add3A_335 = arith.addi %mul3A_276, %add3A_334 : vector<16xi32>
    %gather3A_336 = tpu.vector_load_idx %arg11[%add3A_335] : memref<2048xf32, #tpu.memory_space<vmem>>[vector<16xi32>], vector<16xf32>,
    %add3A_337 = arith.addf %add3A_332, %gather3A_336 : vector<16xf32>
    %add3A_338 = arith.constant 13 : i32
    %add3A_339 = vector.broadcast %add3A_338 : i32 to vector<16xi32>
    %add3A_340 = arith.addi %mul3A_276, %add3A_339 : vector<16xi32>
    %gather3A_341 = tpu.vector_load_idx %arg11[%add3A_340] : memref<2048xf32, #tpu.memory_space<vmem>>[vector<16xi32>], vector<16xf32>,
    %add3A_342 = arith.addf %add3A_337, %gather3A_341 : vector<16xf32>
    %add3A_343 = arith.constant 14 : i32
    %add3A_344 = vector.broadcast %add3A_343 : i32 to vector<16xi32>
    %add3A_345 = arith.addi %mul3A_276, %add3A_344 : vector<16xi32>
    %gather3A_346 = tpu.vector_load_idx %arg11[%add3A_345] : memref<2048xf32, #tpu.memory_space<vmem>>[vector<16xi32>], vector<16xf32>,
    %add3A_347 = arith.addf %add3A_342, %gather3A_346 : vector<16xf32>
    %add3A_348 = arith.constant 15 : i32
    %add3A_349 = vector.broadcast %add3A_348 : i32 to vector<16xi32>
    %add3A_350 = arith.addi %mul3A_276, %add3A_349 : vector<16xi32>
    %gather3A_351 = tpu.vector_load_idx %arg11[%add3A_350] : memref<2048xf32, #tpu.memory_space<vmem>>[vector<16xi32>], vector<16xf32>,
    %add3A_352 = arith.addf %add3A_347, %gather3A_351 : vector<16xf32>
    %swap3A_353 = arith.constant 48 : index
    %swap3A_354 = tpu.vector_load %arg12[%swap3A_353] {strides = array<i32>} : memref<128xf32, #tpu.memory_space<vmem>>, vector<16xf32>,
    tpu.vector_store %arg12[%swap3A_353], %add3A_352 {strides = array<i32>} : memref<128xf32, #tpu.memory_space<vmem>>, vector<16xf32>,
    %iota3A_355 = tpu.iota {dimensions = array<i32: 0>} : vector<16xi32>
    %add3A_356 = arith.constant 64 : i32
    %add3A_357 = vector.broadcast %add3A_356 : i32 to vector<16xi32>
    %add3A_358 = arith.addi %iota3A_355, %add3A_357 : vector<16xi32>
    %mul3A_359 = arith.constant 16 : i32
    %mul3A_360 = vector.broadcast %mul3A_359 : i32 to vector<16xi32>
    %mul3A_361 = arith.muli %add3A_358, %mul3A_360 : vector<16xi32>
    %gather3A_362 = tpu.vector_load_idx %arg11[%mul3A_361] : memref<2048xf32, #tpu.memory_space<vmem>>[vector<16xi32>], vector<16xf32>,
    %add3A_363 = arith.constant 1 : i32
    %add3A_364 = vector.broadcast %add3A_363 : i32 to vector<16xi32>
    %add3A_365 = arith.addi %mul3A_361, %add3A_364 : vector<16xi32>
    %gather3A_366 = tpu.vector_load_idx %arg11[%add3A_365] : memref<2048xf32, #tpu.memory_space<vmem>>[vector<16xi32>], vector<16xf32>,
    %add3A_367 = arith.addf %gather3A_362, %gather3A_366 : vector<16xf32>
    %add3A_368 = arith.constant 2 : i32
    %add3A_369 = vector.broadcast %add3A_368 : i32 to vector<16xi32>
    %add3A_370 = arith.addi %mul3A_361, %add3A_369 : vector<16xi32>
    %gather3A_371 = tpu.vector_load_idx %arg11[%add3A_370] : memref<2048xf32, #tpu.memory_space<vmem>>[vector<16xi32>], vector<16xf32>,
    %add3A_372 = arith.addf %add3A_367, %gather3A_371 : vector<16xf32>
    %add3A_373 = arith.constant 3 : i32
    %add3A_374 = vector.broadcast %add3A_373 : i32 to vector<16xi32>
    %add3A_375 = arith.addi %mul3A_361, %add3A_374 : vector<16xi32>
    %gather3A_376 = tpu.vector_load_idx %arg11[%add3A_375] : memref<2048xf32, #tpu.memory_space<vmem>>[vector<16xi32>], vector<16xf32>,
    %add3A_377 = arith.addf %add3A_372, %gather3A_376 : vector<16xf32>
    %add3A_378 = arith.constant 4 : i32
    %add3A_379 = vector.broadcast %add3A_378 : i32 to vector<16xi32>
    %add3A_380 = arith.addi %mul3A_361, %add3A_379 : vector<16xi32>
    %gather3A_381 = tpu.vector_load_idx %arg11[%add3A_380] : memref<2048xf32, #tpu.memory_space<vmem>>[vector<16xi32>], vector<16xf32>,
    %add3A_382 = arith.addf %add3A_377, %gather3A_381 : vector<16xf32>
    %add3A_383 = arith.constant 5 : i32
    %add3A_384 = vector.broadcast %add3A_383 : i32 to vector<16xi32>
    %add3A_385 = arith.addi %mul3A_361, %add3A_384 : vector<16xi32>
    %gather3A_386 = tpu.vector_load_idx %arg11[%add3A_385] : memref<2048xf32, #tpu.memory_space<vmem>>[vector<16xi32>], vector<16xf32>,
    %add3A_387 = arith.addf %add3A_382, %gather3A_386 : vector<16xf32>
    %add3A_388 = arith.constant 6 : i32
    %add3A_389 = vector.broadcast %add3A_388 : i32 to vector<16xi32>
    %add3A_390 = arith.addi %mul3A_361, %add3A_389 : vector<16xi32>
    %gather3A_391 = tpu.vector_load_idx %arg11[%add3A_390] : memref<2048xf32, #tpu.memory_space<vmem>>[vector<16xi32>], vector<16xf32>,
    %add3A_392 = arith.addf %add3A_387, %gather3A_391 : vector<16xf32>
    %add3A_393 = arith.constant 7 : i32
    %add3A_394 = vector.broadcast %add3A_393 : i32 to vector<16xi32>
    %add3A_395 = arith.addi %mul3A_361, %add3A_394 : vector<16xi32>
    %gather3A_396 = tpu.vector_load_idx %arg11[%add3A_395] : memref<2048xf32, #tpu.memory_space<vmem>>[vector<16xi32>], vector<16xf32>,
    %add3A_397 = arith.addf %add3A_392, %gather3A_396 : vector<16xf32>
    %add3A_398 = arith.constant 8 : i32
    %add3A_399 = vector.broadcast %add3A_398 : i32 to vector<16xi32>
    %add3A_400 = arith.addi %mul3A_361, %add3A_399 : vector<16xi32>
    %gather3A_401 = tpu.vector_load_idx %arg11[%add3A_400] : memref<2048xf32, #tpu.memory_space<vmem>>[vector<16xi32>], vector<16xf32>,
    %add3A_402 = arith.addf %add3A_397, %gather3A_401 : vector<16xf32>
    %add3A_403 = arith.constant 9 : i32
    %add3A_404 = vector.broadcast %add3A_403 : i32 to vector<16xi32>
    %add3A_405 = arith.addi %mul3A_361, %add3A_404 : vector<16xi32>
    %gather3A_406 = tpu.vector_load_idx %arg11[%add3A_405] : memref<2048xf32, #tpu.memory_space<vmem>>[vector<16xi32>], vector<16xf32>,
    %add3A_407 = arith.addf %add3A_402, %gather3A_406 : vector<16xf32>
    %add3A_408 = arith.constant 10 : i32
    %add3A_409 = vector.broadcast %add3A_408 : i32 to vector<16xi32>
    %add3A_410 = arith.addi %mul3A_361, %add3A_409 : vector<16xi32>
    %gather3A_411 = tpu.vector_load_idx %arg11[%add3A_410] : memref<2048xf32, #tpu.memory_space<vmem>>[vector<16xi32>], vector<16xf32>,
    %add3A_412 = arith.addf %add3A_407, %gather3A_411 : vector<16xf32>
    %add3A_413 = arith.constant 11 : i32
    %add3A_414 = vector.broadcast %add3A_413 : i32 to vector<16xi32>
    %add3A_415 = arith.addi %mul3A_361, %add3A_414 : vector<16xi32>
    %gather3A_416 = tpu.vector_load_idx %arg11[%add3A_415] : memref<2048xf32, #tpu.memory_space<vmem>>[vector<16xi32>], vector<16xf32>,
    %add3A_417 = arith.addf %add3A_412, %gather3A_416 : vector<16xf32>
    %add3A_418 = arith.constant 12 : i32
    %add3A_419 = vector.broadcast %add3A_418 : i32 to vector<16xi32>
    %add3A_420 = arith.addi %mul3A_361, %add3A_419 : vector<16xi32>
    %gather3A_421 = tpu.vector_load_idx %arg11[%add3A_420] : memref<2048xf32, #tpu.memory_space<vmem>>[vector<16xi32>], vector<16xf32>,
    %add3A_422 = arith.addf %add3A_417, %gather3A_421 : vector<16xf32>
    %add3A_423 = arith.constant 13 : i32
    %add3A_424 = vector.broadcast %add3A_423 : i32 to vector<16xi32>
    %add3A_425 = arith.addi %mul3A_361, %add3A_424 : vector<16xi32>
    %gather3A_426 = tpu.vector_load_idx %arg11[%add3A_425] : memref<2048xf32, #tpu.memory_space<vmem>>[vector<16xi32>], vector<16xf32>,
    %add3A_427 = arith.addf %add3A_422, %gather3A_426 : vector<16xf32>
    %add3A_428 = arith.constant 14 : i32
    %add3A_429 = vector.broadcast %add3A_428 : i32 to vector<16xi32>
    %add3A_430 = arith.addi %mul3A_361, %add3A_429 : vector<16xi32>
    %gather3A_431 = tpu.vector_load_idx %arg11[%add3A_430] : memref<2048xf32, #tpu.memory_space<vmem>>[vector<16xi32>], vector<16xf32>,
    %add3A_432 = arith.addf %add3A_427, %gather3A_431 : vector<16xf32>
    %add3A_433 = arith.constant 15 : i32
    %add3A_434 = vector.broadcast %add3A_433 : i32 to vector<16xi32>
    %add3A_435 = arith.addi %mul3A_361, %add3A_434 : vector<16xi32>
    %gather3A_436 = tpu.vector_load_idx %arg11[%add3A_435] : memref<2048xf32, #tpu.memory_space<vmem>>[vector<16xi32>], vector<16xf32>,
    %add3A_437 = arith.addf %add3A_432, %gather3A_436 : vector<16xf32>
    %swap3A_438 = arith.constant 64 : index
    %swap3A_439 = tpu.vector_load %arg12[%swap3A_438] {strides = array<i32>} : memref<128xf32, #tpu.memory_space<vmem>>, vector<16xf32>,
    tpu.vector_store %arg12[%swap3A_438], %add3A_437 {strides = array<i32>} : memref<128xf32, #tpu.memory_space<vmem>>, vector<16xf32>,
    %iota3A_440 = tpu.iota {dimensions = array<i32: 0>} : vector<16xi32>
    %add3A_441 = arith.constant 80 : i32
    %add3A_442 = vector.broadcast %add3A_441 : i32 to vector<16xi32>
    %add3A_443 = arith.addi %iota3A_440, %add3A_442 : vector<16xi32>
    %mul3A_444 = arith.constant 16 : i32
    %mul3A_445 = vector.broadcast %mul3A_444 : i32 to vector<16xi32>
    %mul3A_446 = arith.muli %add3A_443, %mul3A_445 : vector<16xi32>
    %gather3A_447 = tpu.vector_load_idx %arg11[%mul3A_446] : memref<2048xf32, #tpu.memory_space<vmem>>[vector<16xi32>], vector<16xf32>,
    %add3A_448 = arith.constant 1 : i32
    %add3A_449 = vector.broadcast %add3A_448 : i32 to vector<16xi32>
    %add3A_450 = arith.addi %mul3A_446, %add3A_449 : vector<16xi32>
    %gather3A_451 = tpu.vector_load_idx %arg11[%add3A_450] : memref<2048xf32, #tpu.memory_space<vmem>>[vector<16xi32>], vector<16xf32>,
    %add3A_452 = arith.addf %gather3A_447, %gather3A_451 : vector<16xf32>
    %add3A_453 = arith.constant 2 : i32
    %add3A_454 = vector.broadcast %add3A_453 : i32 to vector<16xi32>
    %add3A_455 = arith.addi %mul3A_446, %add3A_454 : vector<16xi32>
    %gather3A_456 = tpu.vector_load_idx %arg11[%add3A_455] : memref<2048xf32, #tpu.memory_space<vmem>>[vector<16xi32>], vector<16xf32>,
    %add3A_457 = arith.addf %add3A_452, %gather3A_456 : vector<16xf32>
    %add3A_458 = arith.constant 3 : i32
    %add3A_459 = vector.broadcast %add3A_458 : i32 to vector<16xi32>
    %add3A_460 = arith.addi %mul3A_446, %add3A_459 : vector<16xi32>
    %gather3A_461 = tpu.vector_load_idx %arg11[%add3A_460] : memref<2048xf32, #tpu.memory_space<vmem>>[vector<16xi32>], vector<16xf32>,
    %add3A_462 = arith.addf %add3A_457, %gather3A_461 : vector<16xf32>
    %add3A_463 = arith.constant 4 : i32
    %add3A_464 = vector.broadcast %add3A_463 : i32 to vector<16xi32>
    %add3A_465 = arith.addi %mul3A_446, %add3A_464 : vector<16xi32>
    %gather3A_466 = tpu.vector_load_idx %arg11[%add3A_465] : memref<2048xf32, #tpu.memory_space<vmem>>[vector<16xi32>], vector<16xf32>,
    %add3A_467 = arith.addf %add3A_462, %gather3A_466 : vector<16xf32>
    %add3A_468 = arith.constant 5 : i32
    %add3A_469 = vector.broadcast %add3A_468 : i32 to vector<16xi32>
    %add3A_470 = arith.addi %mul3A_446, %add3A_469 : vector<16xi32>
    %gather3A_471 = tpu.vector_load_idx %arg11[%add3A_470] : memref<2048xf32, #tpu.memory_space<vmem>>[vector<16xi32>], vector<16xf32>,
    %add3A_472 = arith.addf %add3A_467, %gather3A_471 : vector<16xf32>
    %add3A_473 = arith.constant 6 : i32
    %add3A_474 = vector.broadcast %add3A_473 : i32 to vector<16xi32>
    %add3A_475 = arith.addi %mul3A_446, %add3A_474 : vector<16xi32>
    %gather3A_476 = tpu.vector_load_idx %arg11[%add3A_475] : memref<2048xf32, #tpu.memory_space<vmem>>[vector<16xi32>], vector<16xf32>,
    %add3A_477 = arith.addf %add3A_472, %gather3A_476 : vector<16xf32>
    %add3A_478 = arith.constant 7 : i32
    %add3A_479 = vector.broadcast %add3A_478 : i32 to vector<16xi32>
    %add3A_480 = arith.addi %mul3A_446, %add3A_479 : vector<16xi32>
    %gather3A_481 = tpu.vector_load_idx %arg11[%add3A_480] : memref<2048xf32, #tpu.memory_space<vmem>>[vector<16xi32>], vector<16xf32>,
    %add3A_482 = arith.addf %add3A_477, %gather3A_481 : vector<16xf32>
    %add3A_483 = arith.constant 8 : i32
    %add3A_484 = vector.broadcast %add3A_483 : i32 to vector<16xi32>
    %add3A_485 = arith.addi %mul3A_446, %add3A_484 : vector<16xi32>
    %gather3A_486 = tpu.vector_load_idx %arg11[%add3A_485] : memref<2048xf32, #tpu.memory_space<vmem>>[vector<16xi32>], vector<16xf32>,
    %add3A_487 = arith.addf %add3A_482, %gather3A_486 : vector<16xf32>
    %add3A_488 = arith.constant 9 : i32
    %add3A_489 = vector.broadcast %add3A_488 : i32 to vector<16xi32>
    %add3A_490 = arith.addi %mul3A_446, %add3A_489 : vector<16xi32>
    %gather3A_491 = tpu.vector_load_idx %arg11[%add3A_490] : memref<2048xf32, #tpu.memory_space<vmem>>[vector<16xi32>], vector<16xf32>,
    %add3A_492 = arith.addf %add3A_487, %gather3A_491 : vector<16xf32>
    %add3A_493 = arith.constant 10 : i32
    %add3A_494 = vector.broadcast %add3A_493 : i32 to vector<16xi32>
    %add3A_495 = arith.addi %mul3A_446, %add3A_494 : vector<16xi32>
    %gather3A_496 = tpu.vector_load_idx %arg11[%add3A_495] : memref<2048xf32, #tpu.memory_space<vmem>>[vector<16xi32>], vector<16xf32>,
    %add3A_497 = arith.addf %add3A_492, %gather3A_496 : vector<16xf32>
    %add3A_498 = arith.constant 11 : i32
    %add3A_499 = vector.broadcast %add3A_498 : i32 to vector<16xi32>
    %add3A_500 = arith.addi %mul3A_446, %add3A_499 : vector<16xi32>
    %gather3A_501 = tpu.vector_load_idx %arg11[%add3A_500] : memref<2048xf32, #tpu.memory_space<vmem>>[vector<16xi32>], vector<16xf32>,
    %add3A_502 = arith.addf %add3A_497, %gather3A_501 : vector<16xf32>
    %add3A_503 = arith.constant 12 : i32
    %add3A_504 = vector.broadcast %add3A_503 : i32 to vector<16xi32>
    %add3A_505 = arith.addi %mul3A_446, %add3A_504 : vector<16xi32>
    %gather3A_506 = tpu.vector_load_idx %arg11[%add3A_505] : memref<2048xf32, #tpu.memory_space<vmem>>[vector<16xi32>], vector<16xf32>,
    %add3A_507 = arith.addf %add3A_502, %gather3A_506 : vector<16xf32>
    %add3A_508 = arith.constant 13 : i32
    %add3A_509 = vector.broadcast %add3A_508 : i32 to vector<16xi32>
    %add3A_510 = arith.addi %mul3A_446, %add3A_509 : vector<16xi32>
    %gather3A_511 = tpu.vector_load_idx %arg11[%add3A_510] : memref<2048xf32, #tpu.memory_space<vmem>>[vector<16xi32>], vector<16xf32>,
    %add3A_512 = arith.addf %add3A_507, %gather3A_511 : vector<16xf32>
    %add3A_513 = arith.constant 14 : i32
    %add3A_514 = vector.broadcast %add3A_513 : i32 to vector<16xi32>
    %add3A_515 = arith.addi %mul3A_446, %add3A_514 : vector<16xi32>
    %gather3A_516 = tpu.vector_load_idx %arg11[%add3A_515] : memref<2048xf32, #tpu.memory_space<vmem>>[vector<16xi32>], vector<16xf32>,
    %add3A_517 = arith.addf %add3A_512, %gather3A_516 : vector<16xf32>
    %add3A_518 = arith.constant 15 : i32
    %add3A_519 = vector.broadcast %add3A_518 : i32 to vector<16xi32>
    %add3A_520 = arith.addi %mul3A_446, %add3A_519 : vector<16xi32>
    %gather3A_521 = tpu.vector_load_idx %arg11[%add3A_520] : memref<2048xf32, #tpu.memory_space<vmem>>[vector<16xi32>], vector<16xf32>,
    %add3A_522 = arith.addf %add3A_517, %gather3A_521 : vector<16xf32>
    %swap3A_523 = arith.constant 80 : index
    %swap3A_524 = tpu.vector_load %arg12[%swap3A_523] {strides = array<i32>} : memref<128xf32, #tpu.memory_space<vmem>>, vector<16xf32>,
    tpu.vector_store %arg12[%swap3A_523], %add3A_522 {strides = array<i32>} : memref<128xf32, #tpu.memory_space<vmem>>, vector<16xf32>,
    %iota3A_525 = tpu.iota {dimensions = array<i32: 0>} : vector<16xi32>
    %add3A_526 = arith.constant 96 : i32
    %add3A_527 = vector.broadcast %add3A_526 : i32 to vector<16xi32>
    %add3A_528 = arith.addi %iota3A_525, %add3A_527 : vector<16xi32>
    %mul3A_529 = arith.constant 16 : i32
    %mul3A_530 = vector.broadcast %mul3A_529 : i32 to vector<16xi32>
    %mul3A_531 = arith.muli %add3A_528, %mul3A_530 : vector<16xi32>
    %gather3A_532 = tpu.vector_load_idx %arg11[%mul3A_531] : memref<2048xf32, #tpu.memory_space<vmem>>[vector<16xi32>], vector<16xf32>,
    %add3A_533 = arith.constant 1 : i32
    %add3A_534 = vector.broadcast %add3A_533 : i32 to vector<16xi32>
    %add3A_535 = arith.addi %mul3A_531, %add3A_534 : vector<16xi32>
    %gather3A_536 = tpu.vector_load_idx %arg11[%add3A_535] : memref<2048xf32, #tpu.memory_space<vmem>>[vector<16xi32>], vector<16xf32>,
    %add3A_537 = arith.addf %gather3A_532, %gather3A_536 : vector<16xf32>
    %add3A_538 = arith.constant 2 : i32
    %add3A_539 = vector.broadcast %add3A_538 : i32 to vector<16xi32>
    %add3A_540 = arith.addi %mul3A_531, %add3A_539 : vector<16xi32>
    %gather3A_541 = tpu.vector_load_idx %arg11[%add3A_540] : memref<2048xf32, #tpu.memory_space<vmem>>[vector<16xi32>], vector<16xf32>,
    %add3A_542 = arith.addf %add3A_537, %gather3A_541 : vector<16xf32>
    %add3A_543 = arith.constant 3 : i32
    %add3A_544 = vector.broadcast %add3A_543 : i32 to vector<16xi32>
    %add3A_545 = arith.addi %mul3A_531, %add3A_544 : vector<16xi32>
    %gather3A_546 = tpu.vector_load_idx %arg11[%add3A_545] : memref<2048xf32, #tpu.memory_space<vmem>>[vector<16xi32>], vector<16xf32>,
    %add3A_547 = arith.addf %add3A_542, %gather3A_546 : vector<16xf32>
    %add3A_548 = arith.constant 4 : i32
    %add3A_549 = vector.broadcast %add3A_548 : i32 to vector<16xi32>
    %add3A_550 = arith.addi %mul3A_531, %add3A_549 : vector<16xi32>
    %gather3A_551 = tpu.vector_load_idx %arg11[%add3A_550] : memref<2048xf32, #tpu.memory_space<vmem>>[vector<16xi32>], vector<16xf32>,
    %add3A_552 = arith.addf %add3A_547, %gather3A_551 : vector<16xf32>
    %add3A_553 = arith.constant 5 : i32
    %add3A_554 = vector.broadcast %add3A_553 : i32 to vector<16xi32>
    %add3A_555 = arith.addi %mul3A_531, %add3A_554 : vector<16xi32>
    %gather3A_556 = tpu.vector_load_idx %arg11[%add3A_555] : memref<2048xf32, #tpu.memory_space<vmem>>[vector<16xi32>], vector<16xf32>,
    %add3A_557 = arith.addf %add3A_552, %gather3A_556 : vector<16xf32>
    %add3A_558 = arith.constant 6 : i32
    %add3A_559 = vector.broadcast %add3A_558 : i32 to vector<16xi32>
    %add3A_560 = arith.addi %mul3A_531, %add3A_559 : vector<16xi32>
    %gather3A_561 = tpu.vector_load_idx %arg11[%add3A_560] : memref<2048xf32, #tpu.memory_space<vmem>>[vector<16xi32>], vector<16xf32>,
    %add3A_562 = arith.addf %add3A_557, %gather3A_561 : vector<16xf32>
    %add3A_563 = arith.constant 7 : i32
    %add3A_564 = vector.broadcast %add3A_563 : i32 to vector<16xi32>
    %add3A_565 = arith.addi %mul3A_531, %add3A_564 : vector<16xi32>
    %gather3A_566 = tpu.vector_load_idx %arg11[%add3A_565] : memref<2048xf32, #tpu.memory_space<vmem>>[vector<16xi32>], vector<16xf32>,
    %add3A_567 = arith.addf %add3A_562, %gather3A_566 : vector<16xf32>
    %add3A_568 = arith.constant 8 : i32
    %add3A_569 = vector.broadcast %add3A_568 : i32 to vector<16xi32>
    %add3A_570 = arith.addi %mul3A_531, %add3A_569 : vector<16xi32>
    %gather3A_571 = tpu.vector_load_idx %arg11[%add3A_570] : memref<2048xf32, #tpu.memory_space<vmem>>[vector<16xi32>], vector<16xf32>,
    %add3A_572 = arith.addf %add3A_567, %gather3A_571 : vector<16xf32>
    %add3A_573 = arith.constant 9 : i32
    %add3A_574 = vector.broadcast %add3A_573 : i32 to vector<16xi32>
    %add3A_575 = arith.addi %mul3A_531, %add3A_574 : vector<16xi32>
    %gather3A_576 = tpu.vector_load_idx %arg11[%add3A_575] : memref<2048xf32, #tpu.memory_space<vmem>>[vector<16xi32>], vector<16xf32>,
    %add3A_577 = arith.addf %add3A_572, %gather3A_576 : vector<16xf32>
    %add3A_578 = arith.constant 10 : i32
    %add3A_579 = vector.broadcast %add3A_578 : i32 to vector<16xi32>
    %add3A_580 = arith.addi %mul3A_531, %add3A_579 : vector<16xi32>
    %gather3A_581 = tpu.vector_load_idx %arg11[%add3A_580] : memref<2048xf32, #tpu.memory_space<vmem>>[vector<16xi32>], vector<16xf32>,
    %add3A_582 = arith.addf %add3A_577, %gather3A_581 : vector<16xf32>
    %add3A_583 = arith.constant 11 : i32
    %add3A_584 = vector.broadcast %add3A_583 : i32 to vector<16xi32>
    %add3A_585 = arith.addi %mul3A_531, %add3A_584 : vector<16xi32>
    %gather3A_586 = tpu.vector_load_idx %arg11[%add3A_585] : memref<2048xf32, #tpu.memory_space<vmem>>[vector<16xi32>], vector<16xf32>,
    %add3A_587 = arith.addf %add3A_582, %gather3A_586 : vector<16xf32>
    %add3A_588 = arith.constant 12 : i32
    %add3A_589 = vector.broadcast %add3A_588 : i32 to vector<16xi32>
    %add3A_590 = arith.addi %mul3A_531, %add3A_589 : vector<16xi32>
    %gather3A_591 = tpu.vector_load_idx %arg11[%add3A_590] : memref<2048xf32, #tpu.memory_space<vmem>>[vector<16xi32>], vector<16xf32>,
    %add3A_592 = arith.addf %add3A_587, %gather3A_591 : vector<16xf32>
    %add3A_593 = arith.constant 13 : i32
    %add3A_594 = vector.broadcast %add3A_593 : i32 to vector<16xi32>
    %add3A_595 = arith.addi %mul3A_531, %add3A_594 : vector<16xi32>
    %gather3A_596 = tpu.vector_load_idx %arg11[%add3A_595] : memref<2048xf32, #tpu.memory_space<vmem>>[vector<16xi32>], vector<16xf32>,
    %add3A_597 = arith.addf %add3A_592, %gather3A_596 : vector<16xf32>
    %add3A_598 = arith.constant 14 : i32
    %add3A_599 = vector.broadcast %add3A_598 : i32 to vector<16xi32>
    %add3A_600 = arith.addi %mul3A_531, %add3A_599 : vector<16xi32>
    %gather3A_601 = tpu.vector_load_idx %arg11[%add3A_600] : memref<2048xf32, #tpu.memory_space<vmem>>[vector<16xi32>], vector<16xf32>,
    %add3A_602 = arith.addf %add3A_597, %gather3A_601 : vector<16xf32>
    %add3A_603 = arith.constant 15 : i32
    %add3A_604 = vector.broadcast %add3A_603 : i32 to vector<16xi32>
    %add3A_605 = arith.addi %mul3A_531, %add3A_604 : vector<16xi32>
    %gather3A_606 = tpu.vector_load_idx %arg11[%add3A_605] : memref<2048xf32, #tpu.memory_space<vmem>>[vector<16xi32>], vector<16xf32>,
    %add3A_607 = arith.addf %add3A_602, %gather3A_606 : vector<16xf32>
    %swap3A_608 = arith.constant 96 : index
    %swap3A_609 = tpu.vector_load %arg12[%swap3A_608] {strides = array<i32>} : memref<128xf32, #tpu.memory_space<vmem>>, vector<16xf32>,
    tpu.vector_store %arg12[%swap3A_608], %add3A_607 {strides = array<i32>} : memref<128xf32, #tpu.memory_space<vmem>>, vector<16xf32>,
    %iota3A_610 = tpu.iota {dimensions = array<i32: 0>} : vector<16xi32>
    %add3A_611 = arith.constant 112 : i32
    %add3A_612 = vector.broadcast %add3A_611 : i32 to vector<16xi32>
    %add3A_613 = arith.addi %iota3A_610, %add3A_612 : vector<16xi32>
    %mul3A_614 = arith.constant 16 : i32
    %mul3A_615 = vector.broadcast %mul3A_614 : i32 to vector<16xi32>
    %mul3A_616 = arith.muli %add3A_613, %mul3A_615 : vector<16xi32>
    %gather3A_617 = tpu.vector_load_idx %arg11[%mul3A_616] : memref<2048xf32, #tpu.memory_space<vmem>>[vector<16xi32>], vector<16xf32>,
    %add3A_618 = arith.constant 1 : i32
    %add3A_619 = vector.broadcast %add3A_618 : i32 to vector<16xi32>
    %add3A_620 = arith.addi %mul3A_616, %add3A_619 : vector<16xi32>
    %gather3A_621 = tpu.vector_load_idx %arg11[%add3A_620] : memref<2048xf32, #tpu.memory_space<vmem>>[vector<16xi32>], vector<16xf32>,
    %add3A_622 = arith.addf %gather3A_617, %gather3A_621 : vector<16xf32>
    %add3A_623 = arith.constant 2 : i32
    %add3A_624 = vector.broadcast %add3A_623 : i32 to vector<16xi32>
    %add3A_625 = arith.addi %mul3A_616, %add3A_624 : vector<16xi32>
    %gather3A_626 = tpu.vector_load_idx %arg11[%add3A_625] : memref<2048xf32, #tpu.memory_space<vmem>>[vector<16xi32>], vector<16xf32>,
    %add3A_627 = arith.addf %add3A_622, %gather3A_626 : vector<16xf32>
    %add3A_628 = arith.constant 3 : i32
    %add3A_629 = vector.broadcast %add3A_628 : i32 to vector<16xi32>
    %add3A_630 = arith.addi %mul3A_616, %add3A_629 : vector<16xi32>
    %gather3A_631 = tpu.vector_load_idx %arg11[%add3A_630] : memref<2048xf32, #tpu.memory_space<vmem>>[vector<16xi32>], vector<16xf32>,
    %add3A_632 = arith.addf %add3A_627, %gather3A_631 : vector<16xf32>
    %add3A_633 = arith.constant 4 : i32
    %add3A_634 = vector.broadcast %add3A_633 : i32 to vector<16xi32>
    %add3A_635 = arith.addi %mul3A_616, %add3A_634 : vector<16xi32>
    %gather3A_636 = tpu.vector_load_idx %arg11[%add3A_635] : memref<2048xf32, #tpu.memory_space<vmem>>[vector<16xi32>], vector<16xf32>,
    %add3A_637 = arith.addf %add3A_632, %gather3A_636 : vector<16xf32>
    %add3A_638 = arith.constant 5 : i32
    %add3A_639 = vector.broadcast %add3A_638 : i32 to vector<16xi32>
    %add3A_640 = arith.addi %mul3A_616, %add3A_639 : vector<16xi32>
    %gather3A_641 = tpu.vector_load_idx %arg11[%add3A_640] : memref<2048xf32, #tpu.memory_space<vmem>>[vector<16xi32>], vector<16xf32>,
    %add3A_642 = arith.addf %add3A_637, %gather3A_641 : vector<16xf32>
    %add3A_643 = arith.constant 6 : i32
    %add3A_644 = vector.broadcast %add3A_643 : i32 to vector<16xi32>
    %add3A_645 = arith.addi %mul3A_616, %add3A_644 : vector<16xi32>
    %gather3A_646 = tpu.vector_load_idx %arg11[%add3A_645] : memref<2048xf32, #tpu.memory_space<vmem>>[vector<16xi32>], vector<16xf32>,
    %add3A_647 = arith.addf %add3A_642, %gather3A_646 : vector<16xf32>
    %add3A_648 = arith.constant 7 : i32
    %add3A_649 = vector.broadcast %add3A_648 : i32 to vector<16xi32>
    %add3A_650 = arith.addi %mul3A_616, %add3A_649 : vector<16xi32>
    %gather3A_651 = tpu.vector_load_idx %arg11[%add3A_650] : memref<2048xf32, #tpu.memory_space<vmem>>[vector<16xi32>], vector<16xf32>,
    %add3A_652 = arith.addf %add3A_647, %gather3A_651 : vector<16xf32>
    %add3A_653 = arith.constant 8 : i32
    %add3A_654 = vector.broadcast %add3A_653 : i32 to vector<16xi32>
    %add3A_655 = arith.addi %mul3A_616, %add3A_654 : vector<16xi32>
    %gather3A_656 = tpu.vector_load_idx %arg11[%add3A_655] : memref<2048xf32, #tpu.memory_space<vmem>>[vector<16xi32>], vector<16xf32>,
    %add3A_657 = arith.addf %add3A_652, %gather3A_656 : vector<16xf32>
    %add3A_658 = arith.constant 9 : i32
    %add3A_659 = vector.broadcast %add3A_658 : i32 to vector<16xi32>
    %add3A_660 = arith.addi %mul3A_616, %add3A_659 : vector<16xi32>
    %gather3A_661 = tpu.vector_load_idx %arg11[%add3A_660] : memref<2048xf32, #tpu.memory_space<vmem>>[vector<16xi32>], vector<16xf32>,
    %add3A_662 = arith.addf %add3A_657, %gather3A_661 : vector<16xf32>
    %add3A_663 = arith.constant 10 : i32
    %add3A_664 = vector.broadcast %add3A_663 : i32 to vector<16xi32>
    %add3A_665 = arith.addi %mul3A_616, %add3A_664 : vector<16xi32>
    %gather3A_666 = tpu.vector_load_idx %arg11[%add3A_665] : memref<2048xf32, #tpu.memory_space<vmem>>[vector<16xi32>], vector<16xf32>,
    %add3A_667 = arith.addf %add3A_662, %gather3A_666 : vector<16xf32>
    %add3A_668 = arith.constant 11 : i32
    %add3A_669 = vector.broadcast %add3A_668 : i32 to vector<16xi32>
    %add3A_670 = arith.addi %mul3A_616, %add3A_669 : vector<16xi32>
    %gather3A_671 = tpu.vector_load_idx %arg11[%add3A_670] : memref<2048xf32, #tpu.memory_space<vmem>>[vector<16xi32>], vector<16xf32>,
    %add3A_672 = arith.addf %add3A_667, %gather3A_671 : vector<16xf32>
    %add3A_673 = arith.constant 12 : i32
    %add3A_674 = vector.broadcast %add3A_673 : i32 to vector<16xi32>
    %add3A_675 = arith.addi %mul3A_616, %add3A_674 : vector<16xi32>
    %gather3A_676 = tpu.vector_load_idx %arg11[%add3A_675] : memref<2048xf32, #tpu.memory_space<vmem>>[vector<16xi32>], vector<16xf32>,
    %add3A_677 = arith.addf %add3A_672, %gather3A_676 : vector<16xf32>
    %add3A_678 = arith.constant 13 : i32
    %add3A_679 = vector.broadcast %add3A_678 : i32 to vector<16xi32>
    %add3A_680 = arith.addi %mul3A_616, %add3A_679 : vector<16xi32>
    %gather3A_681 = tpu.vector_load_idx %arg11[%add3A_680] : memref<2048xf32, #tpu.memory_space<vmem>>[vector<16xi32>], vector<16xf32>,
    %add3A_682 = arith.addf %add3A_677, %gather3A_681 : vector<16xf32>
    %add3A_683 = arith.constant 14 : i32
    %add3A_684 = vector.broadcast %add3A_683 : i32 to vector<16xi32>
    %add3A_685 = arith.addi %mul3A_616, %add3A_684 : vector<16xi32>
    %gather3A_686 = tpu.vector_load_idx %arg11[%add3A_685] : memref<2048xf32, #tpu.memory_space<vmem>>[vector<16xi32>], vector<16xf32>,
    %add3A_687 = arith.addf %add3A_682, %gather3A_686 : vector<16xf32>
    %add3A_688 = arith.constant 15 : i32
    %add3A_689 = vector.broadcast %add3A_688 : i32 to vector<16xi32>
    %add3A_690 = arith.addi %mul3A_616, %add3A_689 : vector<16xi32>
    %gather3A_691 = tpu.vector_load_idx %arg11[%add3A_690] : memref<2048xf32, #tpu.memory_space<vmem>>[vector<16xi32>], vector<16xf32>,
    %add3A_692 = arith.addf %add3A_687, %gather3A_691 : vector<16xf32>
    %swap3A_693 = arith.constant 112 : index
    %swap3A_694 = tpu.vector_load %arg12[%swap3A_693] {strides = array<i32>} : memref<128xf32, #tpu.memory_space<vmem>>, vector<16xf32>,
    tpu.vector_store %arg12[%swap3A_693], %add3A_692 {strides = array<i32>} : memref<128xf32, #tpu.memory_space<vmem>>, vector<16xf32>,
    "tpu.region"() ({
      %run_scoped3A = tpu.sem_alloc : memref<!tpu.dma_semaphore, #tpu.memory_space<semaphore_mem>>
      %dma_start3A_695 = tpu.memref_slice %arg6[%multiple_of3A] : memref<4096xf32, #tpu.memory_space<hbm>> -> memref<128xf32, #tpu.memory_space<hbm>>
      %dma_start3A_696 = tpu.memref_slice %arg6[%multiple_of3A] : memref<4096xf32, #tpu.memory_space<hbm>> -> memref<128xf32, #tpu.memory_space<hbm>>
      tpu.enqueue_dma source(%arg12 : memref<128xf32, #tpu.memory_space<vmem>>) target(%dma_start3A_696 : memref<128xf32, #tpu.memory_space<hbm>>) target_semaphore(%run_scoped3A : memref<!tpu.dma_semaphore, #tpu.memory_space<semaphore_mem>>)
      %dma_wait3A_697 = tpu.memref_slice %arg6[%multiple_of3A] : memref<4096xf32, #tpu.memory_space<hbm>> -> memref<128xf32, #tpu.memory_space<hbm>>
      %dma_wait3A_698 = tpu.memref_slice %arg6[%multiple_of3A] : memref<4096xf32, #tpu.memory_space<hbm>> -> memref<128xf32, #tpu.memory_space<hbm>>
      tpu.wait_dma2 semaphore(%run_scoped3A : memref<!tpu.dma_semaphore, #tpu.memory_space<semaphore_mem>>) src(%arg12 : memref<128xf32, #tpu.memory_space<vmem>>) dst(%dma_wait3A_698 : memref<128xf32, #tpu.memory_space<hbm>>)
      tpu.yield
    }) : () -> ()
    return
  }
}

module attributes {stable_mosaic.version = 14 : i64} {
  func.func @_dense_body(%arg0: i32, %arg1: memref<2000x128xf32, #tpu.memory_space<vmem>>, %arg2: memref<2x2000x64xf32, #tpu.memory_space<vmem>>, %arg3: memref<2000x16xf32, #tpu.memory_space<vmem>>, %arg4: memref<128x128xf32, #tpu.memory_space<vmem>>, %arg5: memref<128x128xf32, #tpu.memory_space<vmem>>, %arg6: memref<2000x128xf32, #tpu.memory_space<vmem>>, %arg7: memref<2x2000x64xf32, #tpu.memory_space<vmem>>, %arg8: memref<2000x16xf32, #tpu.memory_space<vmem>>, %arg9: memref<128x128xf32, #tpu.memory_space<vmem>>, %arg10: memref<128x128xf32, #tpu.memory_space<vmem>>, %arg11: memref<2000x128xf32, #tpu.memory_space<vmem>>, %arg12: memref<2000x128xf32, #tpu.memory_space<vmem>>) attributes {dimension_semantics = [#tpu.dimension_semantics<arbitrary>], iteration_bounds = array<i64: 5>, scalar_prefetch = 0 : i64, scratch_operands = 0 : i64, tpu.core_type = #tpu.core_type<tc>, window_params = [{transform_indices = @transform_0, window_bounds = array<i64: 2000, 128>}, {transform_indices = @transform_1, window_bounds = array<i64: 2, 2000, 64>}, {transform_indices = @transform_2, window_bounds = array<i64: 2000, 16>}, {pipeline_mode = #tpu.pipeline_mode<synchronous>, transform_indices = @transform_3, window_bounds = array<i64: 128, 128>}, {pipeline_mode = #tpu.pipeline_mode<synchronous>, transform_indices = @transform_4, window_bounds = array<i64: 128, 128>}, {transform_indices = @transform_5, window_bounds = array<i64: 2000, 128>}, {transform_indices = @transform_6, window_bounds = array<i64: 2, 2000, 64>}, {transform_indices = @transform_7, window_bounds = array<i64: 2000, 16>}, {pipeline_mode = #tpu.pipeline_mode<synchronous>, transform_indices = @transform_8, window_bounds = array<i64: 128, 128>}, {pipeline_mode = #tpu.pipeline_mode<synchronous>, transform_indices = @transform_9, window_bounds = array<i64: 128, 128>}, {transform_indices = @transform_10, window_bounds = array<i64: 2000, 128>}, {transform_indices = @transform_11, window_bounds = array<i64: 2000, 128>}]} {
    %get3A = arith.constant 0 : index
    %get3A_0 = arith.constant 0 : index
    %get3A_1 = arith.constant 0 : index
    %get3A_2 = vector.load %arg2[%get3A, %get3A_0, %get3A_1] : memref<2x2000x64xf32, #tpu.memory_space<vmem>>, vector<1x2000x64xf32>
    %get3A_3 = vector.shape_cast %get3A_2 : vector<1x2000x64xf32> to vector<2000x64xf32>
    %get3A_4 = arith.constant 1 : index
    %get3A_5 = arith.constant 0 : index
    %get3A_6 = arith.constant 0 : index
    %get3A_7 = vector.load %arg2[%get3A_4, %get3A_5, %get3A_6] : memref<2x2000x64xf32, #tpu.memory_space<vmem>>, vector<1x2000x64xf32>
    %get3A_8 = vector.shape_cast %get3A_7 : vector<1x2000x64xf32> to vector<2000x64xf32>
    %concatenate3A = tpu.concatenate %get3A_3, %get3A_8 in 1 : vector<2000x64xf32>, vector<2000x64xf32> -> vector<2000x128xf32>
    %get3A_9 = arith.constant 0 : index
    %get3A_10 = arith.constant 0 : index
    %get3A_11 = vector.load %arg3[%get3A_9, %get3A_10] : memref<2000x16xf32, #tpu.memory_space<vmem>>, vector<2000x1xf32>
    %jit3A = arith.constant 1.000000e+00 : f32
    %max3A = vector.broadcast %jit3A : f32 to vector<2000x1xf32>
    %max3A_12 = arith.maximumf %max3A, %get3A_11 : vector<2000x1xf32>
    %div3A = vector.broadcast %max3A_12 : vector<2000x1xf32> to vector<2000x128xf32>
    %div3A_13 = arith.divf %concatenate3A, %div3A : vector<2000x128xf32>
    %get3A_14 = arith.constant 0 : index
    %get3A_15 = arith.constant 0 : index
    %get3A_16 = vector.load %arg1[%get3A_14, %get3A_15] : memref<2000x128xf32, #tpu.memory_space<vmem>>, vector<2000x128xf32>
    %get3A_17 = arith.constant 0 : index
    %get3A_18 = arith.constant 0 : index
    %get3A_19 = vector.load %arg4[%get3A_17, %get3A_18] : memref<128x128xf32, #tpu.memory_space<vmem>>, vector<128x128xf32>
    %dot_general3A = arith.constant dense<0.000000e+00> : vector<2000x128xf32>
    %dot_general3A_20 = tpu.matmul %get3A_16, %get3A_19, %dot_general3A {dimension_numbers = #tpu.dot_dimension_numbers<[1], [0], [0], [1], [0, 0, 1, 1], [], []>, precision = #tpu.contract_precision<fp32>, transpose_lhs_hint = false} : vector<2000x128xf32>, vector<128x128xf32>, vector<2000x128xf32> -> vector<2000x128xf32>
    %get3A_21 = arith.constant 0 : index
    %get3A_22 = arith.constant 0 : index
    %get3A_23 = vector.load %arg5[%get3A_21, %get3A_22] : memref<128x128xf32, #tpu.memory_space<vmem>>, vector<128x128xf32>
    %dot_general3A_24 = arith.constant dense<0.000000e+00> : vector<2000x128xf32>
    %dot_general3A_25 = tpu.matmul %div3A_13, %get3A_23, %dot_general3A_24 {dimension_numbers = #tpu.dot_dimension_numbers<[1], [0], [0], [1], [0, 0, 1, 1], [], []>, precision = #tpu.contract_precision<fp32>, transpose_lhs_hint = false} : vector<2000x128xf32>, vector<128x128xf32>, vector<2000x128xf32> -> vector<2000x128xf32>
    %add3A = arith.addf %dot_general3A_20, %dot_general3A_25 : vector<2000x128xf32>
    %max3A_26 = arith.constant 0.000000e+00 : f32
    %max3A_27 = vector.broadcast %max3A_26 : f32 to vector<2000x128xf32>
    %max3A_28 = arith.maximumf %add3A, %max3A_27 : vector<2000x128xf32>
    %swap3A = arith.constant 0 : index
    %swap3A_29 = arith.constant 0 : index
    %swap3A_30 = vector.load %arg11[%swap3A, %swap3A_29] : memref<2000x128xf32, #tpu.memory_space<vmem>>, vector<2000x128xf32>
    tpu.vector_store %arg11[%swap3A, %swap3A_29], %max3A_28 {strides = array<i32>} : memref<2000x128xf32, #tpu.memory_space<vmem>>, vector<2000x128xf32>,
    %get3A_31 = arith.constant 0 : index
    %get3A_32 = arith.constant 0 : index
    %get3A_33 = arith.constant 0 : index
    %get3A_34 = vector.load %arg7[%get3A_31, %get3A_32, %get3A_33] : memref<2x2000x64xf32, #tpu.memory_space<vmem>>, vector<1x2000x64xf32>
    %get3A_35 = vector.shape_cast %get3A_34 : vector<1x2000x64xf32> to vector<2000x64xf32>
    %get3A_36 = arith.constant 1 : index
    %get3A_37 = arith.constant 0 : index
    %get3A_38 = arith.constant 0 : index
    %get3A_39 = vector.load %arg7[%get3A_36, %get3A_37, %get3A_38] : memref<2x2000x64xf32, #tpu.memory_space<vmem>>, vector<1x2000x64xf32>
    %get3A_40 = vector.shape_cast %get3A_39 : vector<1x2000x64xf32> to vector<2000x64xf32>
    %concatenate3A_41 = tpu.concatenate %get3A_35, %get3A_40 in 1 : vector<2000x64xf32>, vector<2000x64xf32> -> vector<2000x128xf32>
    %get3A_42 = arith.constant 0 : index
    %get3A_43 = arith.constant 0 : index
    %get3A_44 = vector.load %arg8[%get3A_42, %get3A_43] : memref<2000x16xf32, #tpu.memory_space<vmem>>, vector<2000x1xf32>
    %jit3A_45 = arith.constant 1.000000e+00 : f32
    %max3A_46 = vector.broadcast %jit3A_45 : f32 to vector<2000x1xf32>
    %max3A_47 = arith.maximumf %max3A_46, %get3A_44 : vector<2000x1xf32>
    %div3A_48 = vector.broadcast %max3A_47 : vector<2000x1xf32> to vector<2000x128xf32>
    %div3A_49 = arith.divf %concatenate3A_41, %div3A_48 : vector<2000x128xf32>
    %get3A_50 = arith.constant 0 : index
    %get3A_51 = arith.constant 0 : index
    %get3A_52 = vector.load %arg6[%get3A_50, %get3A_51] : memref<2000x128xf32, #tpu.memory_space<vmem>>, vector<2000x128xf32>
    %get3A_53 = arith.constant 0 : index
    %get3A_54 = arith.constant 0 : index
    %get3A_55 = vector.load %arg9[%get3A_53, %get3A_54] : memref<128x128xf32, #tpu.memory_space<vmem>>, vector<128x128xf32>
    %dot_general3A_56 = arith.constant dense<0.000000e+00> : vector<2000x128xf32>
    %dot_general3A_57 = tpu.matmul %get3A_52, %get3A_55, %dot_general3A_56 {dimension_numbers = #tpu.dot_dimension_numbers<[1], [0], [0], [1], [0, 0, 1, 1], [], []>, precision = #tpu.contract_precision<fp32>, transpose_lhs_hint = false} : vector<2000x128xf32>, vector<128x128xf32>, vector<2000x128xf32> -> vector<2000x128xf32>
    %get3A_58 = arith.constant 0 : index
    %get3A_59 = arith.constant 0 : index
    %get3A_60 = vector.load %arg10[%get3A_58, %get3A_59] : memref<128x128xf32, #tpu.memory_space<vmem>>, vector<128x128xf32>
    %dot_general3A_61 = arith.constant dense<0.000000e+00> : vector<2000x128xf32>
    %dot_general3A_62 = tpu.matmul %div3A_49, %get3A_60, %dot_general3A_61 {dimension_numbers = #tpu.dot_dimension_numbers<[1], [0], [0], [1], [0, 0, 1, 1], [], []>, precision = #tpu.contract_precision<fp32>, transpose_lhs_hint = false} : vector<2000x128xf32>, vector<128x128xf32>, vector<2000x128xf32> -> vector<2000x128xf32>
    %add3A_63 = arith.addf %dot_general3A_57, %dot_general3A_62 : vector<2000x128xf32>
    %max3A_64 = arith.constant 0.000000e+00 : f32
    %max3A_65 = vector.broadcast %max3A_64 : f32 to vector<2000x128xf32>
    %max3A_66 = arith.maximumf %add3A_63, %max3A_65 : vector<2000x128xf32>
    %swap3A_67 = arith.constant 0 : index
    %swap3A_68 = arith.constant 0 : index
    %swap3A_69 = vector.load %arg12[%swap3A_67, %swap3A_68] : memref<2000x128xf32, #tpu.memory_space<vmem>>, vector<2000x128xf32>
    tpu.vector_store %arg12[%swap3A_67, %swap3A_68], %max3A_66 {strides = array<i32>} : memref<2000x128xf32, #tpu.memory_space<vmem>>, vector<2000x128xf32>,
    return
  }
  func.func @transform_0(%arg0: i32) -> (i32, i32) {
    %c0_i32 = arith.constant 0 : i32
    %c0_i32_0 = arith.constant 0 : i32
    return %arg0, %c0_i32 : i32, i32
  }
  func.func @transform_1(%arg0: i32) -> (i32, i32, i32) {
    %c0_i32 = arith.constant 0 : i32
    %c0_i32_0 = arith.constant 0 : i32
    %c0_i32_1 = arith.constant 0 : i32
    return %c0_i32, %arg0, %c0_i32_0 : i32, i32, i32
  }
  func.func @transform_2(%arg0: i32) -> (i32, i32) {
    %c0_i32 = arith.constant 0 : i32
    %c0_i32_0 = arith.constant 0 : i32
    return %arg0, %c0_i32 : i32, i32
  }
  func.func @transform_3(%arg0: i32) -> (i32, i32) {
    %c0_i32 = arith.constant 0 : i32
    %c0_i32_0 = arith.constant 0 : i32
    %c0_i32_1 = arith.constant 0 : i32
    return %c0_i32, %c0_i32_0 : i32, i32
  }
  func.func @transform_4(%arg0: i32) -> (i32, i32) {
    %c0_i32 = arith.constant 0 : i32
    %c0_i32_0 = arith.constant 0 : i32
    %c0_i32_1 = arith.constant 0 : i32
    return %c0_i32, %c0_i32_0 : i32, i32
  }
  func.func @transform_5(%arg0: i32) -> (i32, i32) {
    %c0_i32 = arith.constant 0 : i32
    %c0_i32_0 = arith.constant 0 : i32
    return %arg0, %c0_i32 : i32, i32
  }
  func.func @transform_6(%arg0: i32) -> (i32, i32, i32) {
    %c0_i32 = arith.constant 0 : i32
    %c0_i32_0 = arith.constant 0 : i32
    %c0_i32_1 = arith.constant 0 : i32
    return %c0_i32, %arg0, %c0_i32_0 : i32, i32, i32
  }
  func.func @transform_7(%arg0: i32) -> (i32, i32) {
    %c0_i32 = arith.constant 0 : i32
    %c0_i32_0 = arith.constant 0 : i32
    return %arg0, %c0_i32 : i32, i32
  }
  func.func @transform_8(%arg0: i32) -> (i32, i32) {
    %c0_i32 = arith.constant 0 : i32
    %c0_i32_0 = arith.constant 0 : i32
    %c0_i32_1 = arith.constant 0 : i32
    return %c0_i32, %c0_i32_0 : i32, i32
  }
  func.func @transform_9(%arg0: i32) -> (i32, i32) {
    %c0_i32 = arith.constant 0 : i32
    %c0_i32_0 = arith.constant 0 : i32
    %c0_i32_1 = arith.constant 0 : i32
    return %c0_i32, %c0_i32_0 : i32, i32
  }
  func.func @transform_10(%arg0: i32) -> (i32, i32) {
    %c0_i32 = arith.constant 0 : i32
    %c0_i32_0 = arith.constant 0 : i32
    return %arg0, %c0_i32 : i32, i32
  }
  func.func @transform_11(%arg0: i32) -> (i32, i32) {
    %c0_i32 = arith.constant 0 : i32
    %c0_i32_0 = arith.constant 0 : i32
    return %arg0, %c0_i32 : i32, i32
  }
}

</mosaic_0001>

<sc_bundles>
// kernel: kernel.5.cloned.1.call-start
scs
__scs_entry_jumppad:
0x0: {  	(pc) =	sbr.rel $0x88, $3  }
0x1: {  	(tag) =	ssettag $0x0;
	lr =	simm.s32 $0x1  }
0x2: {  	[smem:$0x3F98] =	sst lr;
	_ =	strace $0xD0000000  }
0x3: {  	_ = 	snop  }
0x4: {  	_ = 	snop  }
0x5: {  	_ = 	snop  }
0x6: {  	_ = 	snop  }
0x7: {  	_ = 	snop  }
__scs_overlays_trampoline_lowered:
0x8: {  	[smem:$0x3FA7] =	sst s0  }
0x9: {  	[smem:$0x3FA8] =	sst s1  }
0xa: {  	[smem:$0x3FA9] =	sst s2  }
0xb: {  	[smem:$0x3FAA] =	sst s3  }
0xc: {  	[smem:$0x3FAB] =	sst s4  }
0xd: {  	[smem:$0x3FAC] =	sst s5  }
0xe: {  	[smem:$0x3FAD] =	sst s6  }
0xf: {  	[smem:$0x3FAE] =	sst s7  }
0x10: {  	[smem:$0x3FAF] =	sst s8  }
0x11: {  	[smem:$0x3FB0] =	sst s9;
	s0 =	simm.s32 @!p0 $0x0  }
0x12: {  	s1 =	sld [smem:$0x3F96];
	s0 =	simm.s32 @p0 $0x1  }
0x13: {  	[smem:$0x3FB1] =	sst s0;
	s0 =	simm.s32 @!p1 $0x0  }
0x14: {  	s2 =	sld [smem:$0x3F95];
	s0 =	simm.s32 @p1 $0x1  }
0x15: {  	[smem:$0x3FB2] =	sst s0;
	s0 =	simm.s32 @!p2 $0x0  }
0x16: {  	s3 =	sld [smem:$0x3FDB];
	s0 =	simm.s32 @p2 $0x1  }
0x17: {  	s4 =	simm.s32 $0x1BF5;
	[smem:$0x3FB4] =	sst s0  }
0x18: {  	s0 =	sld [smem:$0x3F97];
	_ =	swait.ge [sflag:s4], $0x0  }
0x19: {  	s7 =	sld [smem:$0x3F98]  }
0x1a: {  	s8 =	sadd.s32 $0xFFFFE003, lr  }
0x1b: {  	s9 =	sadd.s32 $0xFFFFFEF7, lr;
	s5 =	simm.s32 $0xFFFFFFFF;
	p2 =	slt.u32 s8, $0xFFFFF086  }
0x1c: {  	p1 =	slt.u32 s9, $0xF7A;
	s5 =	simm.s32 @!p2 $0x0  }
0x1d: {  	s5 =	simm.s32 @p1 $0x1;
	p0 =	seq.s32 s7, s2  }
0x1e: {  	s7 =	smul.u32 @!p0 $0xF7A, s2;
	p2 =	seq.s32 @!p0 s5, $0x0  }
0x1f: {  	s9 =	smul.u32 $0xF7A, s1;
	s8 =	simm.s32 @!p0 $0x1BF5;
	p2 =	por !p2, p0  }
0x20: {  	[sflag:s8] =	ssyncset.s32 @!p0 $0xFFFFF086;
	s6 =	sadd.s32 @!p0 s3, s7;
	s7 =	simm.s32 @!p0 $0x108  }
0x21: {  	s3 =	sadd.s32 s3, s9;
	s6 =	sadd.s32 @!p0 $0x88, s6;
	s7 =	simm.s32 @p2 $0x1082  }
0x22: {  	[simem:s7], [sflag:s8] =	dma.local @!p0 [hbm:s6], $0xF7A  }
0x23: {  	s9 =	sor.u32 $0xD0000000, s2;
	s6 =	simm.s32 $0x108;
	_ =	swait.ge @!p0 [sflag:s8], $0x0  }
0x24: {  	s3 =	sadd.s32 $0x88, s3;
	s6 =	simm.s32 @!p1 $0x1082;
	[sflag:s4] =	ssyncset.s32 $0xFFFFF086  }
0x25: {  	[simem:s6], [sflag:s4] =	dma.local [hbm:s3], $0xF7A  }
0x26: {  	[smem:$0x3F98] =	sst s1;
	(tag) =	ssettag s2;
	_ =	strace s9  }
0x27: {  	s1 =	sld [smem:$0x3FA8]  }
0x28: {  	s2 =	sld [smem:$0x3FA9]  }
0x29: {  	s4 =	sld [smem:$0x3FAB]  }
0x2a: {  	p0 =	seq.s32 s5, $0x0;
	s5 =	sld [smem:$0x3FAC]  }
0x2b: {  	s6 =	sld [smem:$0x3FAD]  }
0x2c: {  	s7 =	sld [smem:$0x3FAE]  }
0x2d: {  	s3 =	simm.s32 $0x108;
	s8 =	sld [smem:$0x3FAF]  }
0x2e: {  	s3 =	simm.s32 @!p0 $0x1082;
	s9 =	sld [smem:$0x3FB0]  }
0x2f: {  	lr =	sadd.s32 s0, s3;
	s0 =	sld [smem:$0x3FA7]  }
0x30: {  	s3 =	sld [smem:$0x3FAA]  }
0x31: {  	[smem:$0x3FB3] =	sst s10  }
0x32: {  	s10 =	sld [smem:$0x3FB1];
	_ =	sdelay $0x3  }
0x33: {  	p0 =	seq.s32 s10, $0x1;
	s10 =	sld [smem:$0x3FB3];
	_ =	sdelay $0x3  }
0x34: {  	[smem:$0x3FB3] =	sst s10  }
0x35: {  	s10 =	sld [smem:$0x3FB2];
	_ =	sdelay $0x3  }
0x36: {  	p1 =	seq.s32 s10, $0x1;
	s10 =	sld [smem:$0x3FB3];
	_ =	sdelay $0x3  }
0x37: {  	[smem:$0x3FB3] =	sst s10  }
0x38: {  	s10 =	sld [smem:$0x3FB4]  }
0x39: {  	_ = 	snop;
	(pc) =	sbr.ind lr, $3  }
0x3a: {  	_ = 	snop  }
0x3b: {  	_ = 	snop  }
0x3c: {  	p2 =	seq.s32 s10, $0x1;
	s10 =	sld [smem:$0x3FB3]  }
0x3d: {  	_ =	shalt  }
0x3e: {  	_ =	shalt  }
0x3f: {  	_ =	shalt  }
0x40: {  	_ =	shalt  }
0x41: {  	_ =	shalt  }
0x42: {  	_ =	shalt  }
0x43: {  	_ =	shalt  }
0x44: {  	_ =	shalt  }
0x45: {  	_ =	shalt  }
0x46: {  	_ =	shalt  }
0x47: {  	_ =	shalt  }
0x48: {  	_ =	shalt  }
0x49: {  	_ =	shalt  }
0x4a: {  	_ =	shalt  }
0x4b: {  	_ =	shalt  }
0x4c: {  	_ =	shalt  }
0x4d: {  	_ =	shalt  }
0x4e: {  	_ =	shalt  }
0x4f: {  	_ =	shalt  }
0x50: {  	_ =	shalt  }
0x51: {  	_ =	shalt  }
0x52: {  	_ =	shalt  }
0x53: {  	_ =	shalt  }
0x54: {  	_ =	shalt  }
0x55: {  	_ =	shalt  }
0x56: {  	_ =	shalt  }
0x57: {  	_ =	shalt  }
0x58: {  	_ =	shalt  }
0x59: {  	_ =	shalt  }
0x5a: {  	_ =	shalt  }
0x5b: {  	_ =	shalt  }
0x5c: {  	_ =	shalt  }
0x5d: {  	_ =	shalt  }
0x5e: {  	_ =	shalt  }
0x5f: {  	_ =	shalt  }
0x60: {  	_ =	shalt  }
0x61: {  	_ =	shalt  }
0x62: {  	_ =	shalt  }
0x63: {  	_ =	shalt  }
0x64: {  	_ =	shalt  }
0x65: {  	_ =	shalt  }
0x66: {  	_ =	shalt  }
0x67: {  	_ =	shalt  }
0x68: {  	_ =	shalt  }
0x69: {  	_ =	shalt  }
0x6a: {  	_ =	shalt  }
0x6b: {  	_ =	shalt  }
0x6c: {  	_ =	shalt  }
0x6d: {  	_ =	shalt  }
0x6e: {  	_ =	shalt  }
0x6f: {  	_ =	shalt  }
0x70: {  	_ =	shalt  }
0x71: {  	_ =	shalt  }
0x72: {  	_ =	shalt  }
0x73: {  	_ =	shalt  }
0x74: {  	_ =	shalt  }
0x75: {  	_ =	shalt  }
0x76: {  	_ =	shalt  }
0x77: {  	_ =	shalt  }
0x78: {  	_ =	shalt  }
0x79: {  	_ =	shalt  }
0x7a: {  	_ =	shalt  }
0x7b: {  	_ =	shalt  }
0x7c: {  	_ =	shalt  }
0x7d: {  	_ =	shalt  }
0x7e: {  	_ =	shalt  }
0x7f: {  	_ =	shalt  }
0x80: {  	_ =	shalt  }
0x81: {  	_ =	shalt  }
0x82: {  	_ =	shalt  }
0x83: {  	_ =	shalt  }
0x84: {  	_ =	shalt  }
0x85: {  	_ =	shalt  }
0x86: {  	_ =	shalt  }
0x87: {  	_ =	shalt  }
.Lfunc_end0:
.L_simem_size_0:
called_computation_lowered:
.L_overlay_start_0:
0x88: {  	s2 =	sld [smem:$0x3FD9]  }
0x89: {  	s3 =	sld [smem:$0x3FFE];
	_ =	sdelay $0x1  }
0x8a: {  	s1 =	srdreg.scid  }
0x8b: {  	s0 =	sand.u32 $0x1, s1  }
0x8c: {  	s16 =	sshll.u32 s0, $0xA;
	s2 =	sadd.s32 s3, s2  }
0x8d: {  	s2 =	sadd.s32 s2, s16  }
0x8e: {  	[smem:$0x3FBF] =	sst s2  }
0x8f: {  	_ = 	snop  }
0x90: {  	(tm) =	ssettm $0x1  }
0x91: {  	s17 =	sld [smem:$0x3FFB];
	_ =	sdelay $0x3  }
0x92: {  	_ =	strace s17  }
0x93: {  	s2 =	sld [smem:$0x3FFC];
	_ =	sdelay $0x3  }
0x94: {  	_ =	strace s2  }
0x95: {  	s2 =	sld [smem:$0x3FFD];
	_ =	sdelay $0x3  }
0x96: {  	_ =	strace s2  }
0x97: {  	_ =	strace $0x8FFFFFFF  }
0x98: {  	s18 =	sld [smem:$0x3FDB];
	_ =	sdelay $0x1  }
0x99: {  	s19 =	simm.s32 $_scs_section_size  }
0x9a: {  	s4 =	simm.s32 $_size__tile_overlayer_lowered;
	s5 =	simm.s32 $_tile_overlayer_lowered  }
0x9b: {  	s22 =	simm.s32 $0x1BFF;
	s21 =	sshll.u32 s5, $0x1;
	s2 =	sadd.s32 s19, s18  }
0x9c: {  	s6 =	simm.s32 $0x0;
	s20 =	sshll.u32 s4, $0x1;
	s4 =	sadd.s32 s21, s2  }
0x9d: {  	[timem:s6], [sflag:s22] =	dma.local [hbm:s4], s20  }
0x9e: {  	_ =	swait.ge [sflag:s22], s20  }
0x9f: {  	s3 =	ssub.s32 $0x0, s20;
	[sflag:s22] =	ssyncset.done $0x0  }
0xa0: {  	[sflag:s22] =	ssyncadd.s32 s3;
	_ =	sdelay $0x1  }
0xa1: {  	s23 =	simm.s32 $0x1B8B  }
0xa2: {  	_ =	swait.ge [sflag:s23], $0x1  }
0xa3: {  	[sflag:s23] =	ssyncset.done $0x0  }
0xa4: {  	s25 =	simm.s32 $0x1B8E;
	s24 =	sld [smem:$0x3FFE];
	[sflag:s23] =	ssyncadd.s32 $0xFFFFFFFF  }
0xa5: {  	s26 =	simm.s32 $execute0_lowered;
	[smem:$0x3FD2] =	sst s25  }
0xa6: {  	s4 =	sshll.u32 s26, $0x1;
	_ =	strace $0x80000046;
	[dreg:$0x1] =	wrdreg $0xFFFFFFFF  }
0xa7: {  	s28 =	simm.s32 $_size_execute0_lowered;
	s2 =	sadd.s32 s2, s4;
	[dreg:$0x0] =	wrdreg $0x0  }
0xa8: {  	s4 =	sshll.u32 s28, $0x1;
	[dreg:$0x2] =	wrdreg s2  }
0xa9: {  	[dreg:$0x3] =	wrdreg s4  }
0xaa: {  	[dreg:$0x4] =	wrdreg $0xC0  }
0xab: {  	_ =	task [dreg:s6], $0x5FFFF  }
0xac: {  	[dreg:$0x1] =	wrdreg $0xFFFFFFFF  }
0xad: {  	[dreg:$0x0] =	wrdreg $0x60  }
0xae: {  	[dreg:$0x2] =	wrdreg s24  }
0xaf: {  	[dreg:$0x3] =	wrdreg $0x12D400  }
0xb0: {  	[dreg:$0x4] =	wrdreg $0x1C9800  }
0xb1: {  	[dreg:$0x5] =	wrdreg $0x9  }
0xb2: {  	_ =	task.clear_ibuf [dreg:s6], $0x6FFFF;
	_ =	strace $0x90000046  }
0xb3: {  	s29 =	simm.s32 $0x9;
	_ =	strace $0x80000048  }
0xb4: {  	_ =	swait.ge [sflag:s29], $0x1  }
0xb5: {  	[sflag:s29] =	ssyncadd.s32 $0xFFFFFFFF  }
0xb6: {  	_ =	strace $0x90000048  }
0xb7: {  	_ =	sfence  }
0xb8: {  	s30 =	sld [smem:$0x0];
	_ =	sdelay $0x2  }
0xb9: {  	s31 =	sshll.u32 s1, $0xD;
	s1 =	sshrl.u32 s1, $0x2  }
0xba: {  	s3 =	sand.u32 $0x4000, s31;
	s1 =	sadd.s32 s1, s30  }
0xbb: {  	s0 =	sor.u32 s3, s0;
	s1 =	sshll.u32 s1, $0x11  }
0xbc: {  	s0 =	sor.u32 s1, s0  }
0xbd: {  	s0 =	sadd.s32 $0x8F2B, s0  }
0xbe: {  	[sflag:s0] =	ssyncadd.remote.s32 $0x1  }
0xbf: {  	_ =	sfence.sel $0xFFFF  }
0xc0: {  	[dreg:$0x0] =	wrdreg $0xFFFFFFFF;
	(pc) =	sbr.abs _section_cstart, $3  }
0xc1: {  	[dreg:$0x1] =	wrdreg $0xFFFFFFFF  }
0xc2: {  	_ =	task.clear_ibuf [dreg:s6], $0x2FFFF;
	_ =	strace $0x9FFFFFFF  }
0xc3: {  	(tm) =	ssettm $0x7FFFFFFF  }
tec
execute0_lowered:
.L_overlay_start_1:
0x0: {  	(tag) =	ssettag $0x1  }
0x1: {  	s4 =	rddreg [dreg:$0x0]  }
0x2: {  	s0 =	simm.s32 $0x0;
	s1 =	srdreg.scid;
	s26 =	stileid.u32  }
0x3: {  	s31 =	rddreg [dreg:$0x1];
	s7 =	sadd.s32 $0x65600, s4;
	s11 =	sadd.s32 $0x51C00, s4  }
0x4: {  	s13 =	sadd.s32 $0x3E200, s4;
	s2 =	sadd.s32 $0x2A800, s4;
	s8 =	sand.u32 $0x1, s1  }
0x5: {  	s1 =	sadd.s32 $0x16E00, s4;
	s3 =	sadd.s32 $0x3400, s4;
	s10 =	smul.u32 $0x140, s26  }
0x6: {  	s14 =	sadd.s32 $0x79000, s4;
	s12 =	sadd.s32 $0xC7400, s4;
	s15 =	smul.u32 $0x4E20, s26  }
0x7: {  	s6 =	sadd.s32 $0xA0200, s4;
	s16 =	sadd.s32 $0xCC400, s4;
	s4 =	smul.u32 $0xA000, s26  }
0x8: {  	[smem:$0x7FF] =	sst s0;
	s9 =	smul.u32 $0x1388, s8;
	s5 =	ssub.s32 $0x2, s8  }
0x9: {  	p0 =	seq.s32 s8, $0x0;
	s18 =	smul.u32 $0x9C400, s8;
	s24 =	sshrl.u32 s5, $0x1  }
0xa: {  	s15 =	sshrl.u32 s15, $0x3;
	s2 =	smov.u32 @p0 s13;
	s5 =	ssub.s32 s5, s24  }
0xb: {  	s9 =	sadd.s32 s10, s9;
	s25 =	sadd.s32 s7, s15;
	s17 =	sadd.s32 $0x9C40, s15  }
0xc: {  	s10 =	sadd.s32 $0x2000, s4;
	s15 =	sadd.s32 s11, s15;
	s23 =	sadd.s32 s4, s18  }
0xd: {  	[dreg:$0x4] =	wrdreg s25;
	s7 =	sadd.s32 s7, s17;
	s19 =	sshll.u32 s9, $0x1  }
0xe: {  	[dreg:$0x7] =	wrdreg s15;
	s11 =	sadd.s32 s11, s17;
	s24 =	sadd.s32 s18, s10  }
0xf: {  	[dreg:$0x5] =	wrdreg s7;
	s7 =	sshll.u32 s9, $0x4;
	s9 =	sadd.s32 s12, s19  }
0x10: {  	[dreg:$0x8] =	wrdreg s11;
	s19 =	sadd.s32 s16, s19;
	s13 =	sshrl.u32 s24, $0x3  }
0x11: {  	[dreg:$0x6] =	wrdreg s9;
	s8 =	sadd.s32 $0x800, s7;
	s9 =	sadd.s32 $0x1000, s7  }
0x12: {  	[dreg:$0xb] =	wrdreg s19;
	s19 =	sadd.s32 $0x6000, s4;
	s20 =	sshrl.u32 s8, $0x3  }
0x13: {  	s21 =	sshrl.u32 s9, $0x3;
	s11 =	sadd.s32 s18, s19;
	s15 =	sadd.s32 s12, s20  }
0x14: {  	s17 =	sadd.s32 s12, s21;
	s20 =	sadd.s32 s16, s20;
	[dreg:$0x9] =	wrdreg s15  }
0x15: {  	s22 =	sadd.s32 s16, s21;
	s16 =	sadd.s32 $0x4000, s4;
	[dreg:$0xa] =	wrdreg s17  }
0x16: {  	s21 =	sshrl.u32 s11, $0x3;
	[dreg:$0xc] =	wrdreg s20;
	s15 =	sshrl.u32 s23, $0x3  }
0x17: {  	[dreg:$0xd] =	wrdreg s22;
	s25 =	sadd.s32 s18, s16;
	s12 =	sadd.s32 s14, s15  }
0x18: {  	s17 =	sshrl.u32 s25, $0x3;
	[dreg:$0xe] =	wrdreg s12;
	s12 =	sadd.s32 s14, s13  }
0x19: {  	s20 =	sadd.s32 $0x8000, s4;
	[dreg:$0xf] =	wrdreg s12;
	s12 =	sadd.s32 s14, s17  }
0x1a: {  	s22 =	sadd.s32 s18, s20;
	s17 =	sadd.s32 s6, s17;
	[dreg:$0x10] =	wrdreg s12  }
0x1b: {  	s18 =	sshrl.u32 s18, $0x3;
	s12 =	sadd.s32 s14, s21;
	[dreg:$0x19] =	wrdreg s17  }
0x1c: {  	s22 =	sshrl.u32 s22, $0x3;
	s21 =	sadd.s32 s6, s21;
	[dreg:$0x11] =	wrdreg s12  }
0x1d: {  	s23 =	sadd.s32 $0x12C00, s18;
	s12 =	sadd.s32 s14, s22;
	[dreg:$0x1a] =	wrdreg s21  }
0x1e: {  	s24 =	sadd.s32 $0x13000, s18;
	[dreg:$0x12] =	wrdreg s12;
	s12 =	sadd.s32 s14, s23  }
0x1f: {  	s25 =	sadd.s32 $0x13400, s18;
	[dreg:$0x13] =	wrdreg s12;
	s12 =	sadd.s32 s14, s24  }
0x20: {  	s18 =	sadd.s32 $0x13800, s18;
	[dreg:$0x14] =	wrdreg s12;
	s12 =	sadd.s32 s14, s25  }
0x21: {  	[dreg:$0x15] =	wrdreg s12;
	s12 =	sadd.s32 s14, s18  }
0x22: {  	s14 =	sadd.s32 s6, s15;
	[dreg:$0x16] =	wrdreg s12  }
0x23: {  	s15 =	sadd.s32 s6, s13;
	[dreg:$0x17] =	wrdreg s14  }
0x24: {  	s13 =	sadd.s32 s6, s23;
	[dreg:$0x18] =	wrdreg s15  }
0x25: {  	s12 =	sadd.s32 s6, s22;
	[dreg:$0x1c] =	wrdreg s13  }
0x26: {  	s14 =	sadd.s32 s6, s24;
	[dreg:$0x1b] =	wrdreg s12  }
0x27: {  	s15 =	sadd.s32 s6, s25;
	[dreg:$0x1d] =	wrdreg s14  }
0x28: {  	[dreg:$0x1e] =	wrdreg s15  }
0x29: {  	s28 =	sadd.s32 $0x96000, s31;
	s6 =	sadd.s32 s6, s18;
	s14 =	rddreg [dreg:$0x2]  }
0x2a: {  	s17 =	smul.u32 $0x28000, s26;
	s24 =	sadd.s32 s4, s31;
	[dreg:$0x1f] =	wrdreg s6  }
0x2b: {  	s25 =	sadd.s32 s10, s31;
	_ =	strace $0x80000047;
	[smem:$0x7E9] =	sst s24  }
0x2c: {  	s22 =	sshrl.u32 s4, $0x2;
	s4 =	sadd.s32 s16, s31;
	[smem:$0x7EA] =	sst s25  }
0x2d: {  	s29 =	sadd.s32 $0x98000, s31;
	s10 =	sadd.s32 s19, s31;
	[smem:$0x7EB] =	sst s4  }
0x2e: {  	s21 =	sshrl.u32 s17, $0x2;
	s12 =	sadd.s32 s20, s31;
	[smem:$0x7EC] =	sst s10  }
0x2f: {  	s5 =	smax.u32 s5, $0x1;
	s23 =	sadd.s32 s21, s31;
	[smem:$0x7ED] =	sst s12  }
0x30: {  	s30 =	sadd.s32 $0x9A000, s31;
	s15 =	sadd.s32 $0x2000, s23;
	[smem:$0x7EF] =	sst s5  }
0x31: {  	s3 =	smov.u32 @p0 s1;
	s16 =	sadd.s32 $0x4000, s23;
	[smem:$0x7F0] =	sst s15  }
0x32: {  	p0 =	seq.s32 s26, $0xF;
	s17 =	sadd.s32 $0x6000, s23;
	[smem:$0x7F1] =	sst s16  }
0x33: {  	s18 =	sadd.s32 $0x8000, s23;
	s6 =	sadd.s32 s22, s14;
	[smem:$0x7F2] =	sst s17  }
0x34: {  	s1 =	sadd.s32 s7, s14;
	s4 =	sadd.s32 s8, s14;
	[smem:$0x7F3] =	sst s23  }
0x35: {  	s13 =	sadd.s32 s9, s14;
	[smem:$0x7F4] =	sst s18;
	s10 =	sadd.s32 $0x9C000, s31  }
0x36: {  	s23 =	sadd.s32 $0x25800, s14;
	s24 =	sadd.s32 $0x26000, s14;
	[smem:$0x7EE] =	sst s13  }
0x37: {  	s25 =	sadd.s32 $0x26800, s14;
	s26 =	sadd.s32 $0x27000, s14;
	[smem:$0x7F8] =	sst s6  }
0x38: {  	s5 =	simm.s32 $0xB040;
	s7 =	simm.s32 $0xC440;
	[smem:$0x7FA] =	sst s23  }
0x39: {  	s8 =	simm.s32 $0xD840;
	s9 =	simm.s32 $0xEC40;
	[smem:$0x7FB] =	sst s24  }
0x3a: {  	s15 =	simm.s32 $0x5;
	s19 =	sadd.s32 $0x800, s6;
	[smem:$0x7FC] =	sst s25  }
0x3b: {  	s20 =	sadd.s32 $0x1000, s6;
	s21 =	sadd.s32 $0x1800, s6;
	[smem:$0x7FD] =	sst s26  }
.Ltmp0:
0x3c: {  	s22 =	sadd.s32 $0x2000, s6;
	[smem:$0x7F5] =	sst s19;
	(pc) =	sbr.rel .LBB2_1-.Ltmp0, $4  }
0x3d: {  	s13 =	simm.s32 $0x1;
	s23 =	simm.s32 $0x12840;
	[smem:$0x7F6] =	sst s20  }
0x3e: {  	s24 =	simm.s32 $0x2;
	s25 =	simm.s32 $0x3;
	[smem:$0x7F7] =	sst s21  }
0x3f: {  	s26 =	simm.s32 $0x4;
	[smem:$0x7F9] =	sst s22;
	s20 =	simm.s32 $0x6  }
0x40: {  	v0 =	vimm.f32 $0.0e+00;
	v1 =	vimm.f32 $1.000000000e+00;
	s21 =	simm.s32 $0x50;
	s22 =	simm.s32 $0x9C40;
	s19 =	simm.s32 $0x12040  }
.LBB2_16:
0x41: {  	[bflag:$0x0] =	sbarrier.arrive $0xFFFF  }
0x42: {  	s6 =	sshrl.u32 @p0 s28, $0x3;
	s11 =	simm.s32 @p0 $0x1FC6;
	s12 =	rddreg [dreg:$0x1c]  }
0x43: {  	[hbm:s12], [sflag:s11] =	dma.local @p0 [spmem:s6], $0x400  }
0x44: {  	s6 =	simm.s32 @p0 $0x6  }
0x45: {  	_ =	swait.ge @p0 [sflag:s6], $0x400  }
0x46: {  	[sflag:s6] =	ssyncset.done @p0 $0x0  }
0x47: {  	s12 =	sshrl.u32 @p0 s29, $0x3;
	s16 =	rddreg [dreg:$0x1d];
	[sflag:s6] =	ssyncadd.s32 @p0 $0xFFFFFC00  }
0x48: {  	[hbm:s16], [sflag:s11] =	dma.local @p0 [spmem:s12], $0x400  }
0x49: {  	_ =	swait.ge @p0 [sflag:s6], $0x400  }
0x4a: {  	[sflag:s6] =	ssyncset.done @p0 $0x0  }
0x4b: {  	s12 =	sshrl.u32 @p0 s30, $0x3;
	s16 =	rddreg [dreg:$0x1e];
	[sflag:s6] =	ssyncadd.s32 @p0 $0xFFFFFC00  }
0x4c: {  	[hbm:s16], [sflag:s11] =	dma.local @p0 [spmem:s12], $0x400  }
0x4d: {  	_ =	swait.ge @p0 [sflag:s6], $0x400  }
0x4e: {  	[sflag:s6] =	ssyncset.done @p0 $0x0  }
0x4f: {  	s12 =	sshrl.u32 @p0 s10, $0x3;
	s16 =	rddreg [dreg:$0x1f];
	[sflag:s6] =	ssyncadd.s32 @p0 $0xFFFFFC00  }
0x50: {  	[hbm:s16], [sflag:s11] =	dma.local @p0 [spmem:s12], $0x80  }
0x51: {  	_ =	swait.ge @p0 [sflag:s6], $0x80  }
0x52: {  	[sflag:s6] =	ssyncset.done @p0 $0x0  }
0x53: {  	s12 =	sshrl.u32 @p0 s1, $0x3;
	s16 =	rddreg [dreg:$0xb];
	[sflag:s6] =	ssyncadd.s32 @p0 $0xFFFFFF80  }
0x54: {  	[hbm:s16], [sflag:s11] =	dma.local @p0 [spmem:s12], $0x100  }
0x55: {  	_ =	swait.ge @p0 [sflag:s6], $0x100  }
0x56: {  	[sflag:s6] =	ssyncset.done @p0 $0x0  }
0x57: {  	s12 =	sshrl.u32 @p0 s4, $0x3;
	s17 =	rddreg [dreg:$0xc];
	[sflag:s6] =	ssyncadd.s32 @p0 $0xFFFFFF00  }
0x58: {  	[hbm:s17], [sflag:s11] =	dma.local @p0 [spmem:s12], $0x90  }
0x59: {  	s11 =	stileid.u32;
	_ =	swait.ge @p0 [sflag:s6], $0x90  }
0x5a: {  	s11 =	sshll.u32 @!p0 s11, $0x6;
	[sflag:s6] =	ssyncset.done @p0 $0x0  }
0x5b: {  	[sflag:s6] =	ssyncadd.s32 @p0 $0xFFFFFF70;
	s6 =	sor.u32 @!p0 $0x1C06, s11;
	s11 =	sld [smem:$0x7E9]  }
0x5c: {  	_ =	sdelay $0x1  }
0x5d: {  	s12 =	rddreg [dreg:$0x17];
	s11 =	sshrl.u32 @!p0 s11, $0x3  }
0x5e: {  	[hbm:s12], [sflag:s6] =	dma.local @!p0 [spmem:s11], $0x400  }
0x5f: {  	s11 =	simm.s32 @!p0 $0x6  }
0x60: {  	_ =	swait.ge @!p0 [sflag:s11], $0x400  }
0x61: {  	s12 =	sld [smem:$0x7EA];
	_ =	sdelay $0x1  }
0x62: {  	[sflag:s11] =	ssyncset.done @!p0 $0x0  }
0x63: {  	s18 =	rddreg [dreg:$0x18];
	[sflag:s11] =	ssyncadd.s32 @!p0 $0xFFFFFC00;
	s12 =	sshrl.u32 @!p0 s12, $0x3  }
0x64: {  	[hbm:s18], [sflag:s6] =	dma.local @!p0 [spmem:s12], $0x400  }
0x65: {  	_ =	swait.ge @!p0 [sflag:s11], $0x400  }
0x66: {  	s12 =	sld [smem:$0x7EB];
	_ =	sdelay $0x1  }
0x67: {  	[sflag:s11] =	ssyncset.done @!p0 $0x0  }
0x68: {  	s18 =	rddreg [dreg:$0x19];
	[sflag:s11] =	ssyncadd.s32 @!p0 $0xFFFFFC00;
	s12 =	sshrl.u32 @!p0 s12, $0x3  }
0x69: {  	[hbm:s18], [sflag:s6] =	dma.local @!p0 [spmem:s12], $0x400  }
0x6a: {  	_ =	swait.ge @!p0 [sflag:s11], $0x400  }
0x6b: {  	s12 =	sld [smem:$0x7EC];
	_ =	sdelay $0x1  }
0x6c: {  	[sflag:s11] =	ssyncset.done @!p0 $0x0  }
0x6d: {  	s18 =	rddreg [dreg:$0x1a];
	[sflag:s11] =	ssyncadd.s32 @!p0 $0xFFFFFC00;
	s12 =	sshrl.u32 @!p0 s12, $0x3  }
0x6e: {  	[hbm:s18], [sflag:s6] =	dma.local @!p0 [spmem:s12], $0x400  }
0x6f: {  	_ =	swait.ge @!p0 [sflag:s11], $0x400  }
0x70: {  	s12 =	sld [smem:$0x7ED];
	_ =	sdelay $0x1  }
0x71: {  	[sflag:s11] =	ssyncset.done @!p0 $0x0  }
0x72: {  	s18 =	rddreg [dreg:$0x1b];
	[sflag:s11] =	ssyncadd.s32 @!p0 $0xFFFFFC00;
	s12 =	sshrl.u32 @!p0 s12, $0x3  }
0x73: {  	[hbm:s18], [sflag:s6] =	dma.local @!p0 [spmem:s12], $0x400  }
0x74: {  	_ =	swait.ge @!p0 [sflag:s11], $0x400  }
0x75: {  	[sflag:s11] =	ssyncset.done @!p0 $0x0  }
0x76: {  	s12 =	sshrl.u32 @!p0 s1, $0x3;
	[sflag:s11] =	ssyncadd.s32 @!p0 $0xFFFFFC00  }
0x77: {  	[hbm:s16], [sflag:s6] =	dma.local @!p0 [spmem:s12], $0x100  }
0x78: {  	_ =	swait.ge @!p0 [sflag:s11], $0x100  }
0x79: {  	[sflag:s11] =	ssyncset.done @!p0 $0x0  }
0x7a: {  	s12 =	sshrl.u32 @!p0 s4, $0x3;
	[sflag:s11] =	ssyncadd.s32 @!p0 $0xFFFFFF00  }
0x7b: {  	[hbm:s17], [sflag:s6] =	dma.local @!p0 [spmem:s12], $0x100  }
0x7c: {  	_ =	swait.ge @!p0 [sflag:s11], $0x100  }
0x7d: {  	s12 =	sld [smem:$0x7EE];
	_ =	sdelay $0x1  }
0x7e: {  	[sflag:s11] =	ssyncset.done @!p0 $0x0  }
0x7f: {  	s16 =	rddreg [dreg:$0xd];
	[sflag:s11] =	ssyncadd.s32 @!p0 $0xFFFFFF00;
	s12 =	sshrl.u32 @!p0 s12, $0x3  }
0x80: {  	[hbm:s16], [sflag:s6] =	dma.local @!p0 [spmem:s12], $0x80  }
0x81: {  	_ =	swait.ge @!p0 [sflag:s11], $0x80  }
0x82: {  	s18 =	sld [smem:$0x7EF];
	_ =	sdelay $0x1  }
0x83: {  	s0 =	sadd.s32 $0x1, s0  }
0x84: {  	p1 =	sne.s32 s0, s18  }
.Ltmp1:
0x85: {  	_ = 	snop;
	(pc) =	sbr.rel @!p1 .LBB2_17-.Ltmp1, $3  }
0x86: {  	[sflag:s11] =	ssyncset.done @!p0 $0x0  }
0x87: {  	[sflag:s11] =	ssyncadd.s32 @!p0 $0xFFFFFF80  }
0x88: {  	[bflag:$0x0] =	sbarrier.arrive $0xFFFF;
	_ =	sdelay $0x1  }
.LBB2_1:
0x89: {  	s16 =	simm.s32 $0x100;
	s6 =	simm.s32 $0x0  }
.LBB2_2:
0x8a: {  	p1 =	sne.s32 s16, $0x7F00;
	[tilespmem:s6+$0x10070] =	vst v0;
	s17 =	smov.u32 s16;
	s16 =	sadd.s32 $0x100, s16  }
.Ltmp2:
0x8b: {  	[tilespmem:s6+$0x10060] =	vst v0;
	(pc) =	sbr.rel @p1 .LBB2_2-.Ltmp2, $3  }
0x8c: {  	[tilespmem:s6+$0x10040] =	vst v0  }
0x8d: {  	[tilespmem:s6+$0x10050] =	vst v0;
	_ =	sdelay $0x1  }
0x8e: {  	s6 =	sshra.s32 s17, $0x2  }
0x8f: {  	[tilespmem:s6+$0x10070] =	vst v0  }
0x90: {  	[tilespmem:s6+$0x10060] =	vst v0  }
0x91: {  	[tilespmem:s6+$0x10040] =	vst v0  }
0x92: {  	[tilespmem:s6+$0x10050] =	vst v0;
	s6 =	simm.s32 $0x40;
	s16 =	simm.s32 $0x0  }
.LBB2_4:
0x93: {  	p1 =	sne.s32 s6, $0x1FC0;
	[tilespmem:s16+$0x12040] =	vst v0;
	s16 =	smov.u32 s6;
	s6 =	sadd.s32 $0x40, s6  }
.Ltmp3:
0x94: {  	(pc) =	sbr.rel @p1 .LBB2_4-.Ltmp3, $2  }
0x95: {  	_ =	sdelay $0x2  }
0x96: {  	s16 =	sshra.s32 s16, $0x2  }
0x97: {  	[tilespmem:s16+$0x12040] =	vst v0;
	s6 =	simm.s32 $0x40;
	s16 =	simm.s32 $0x0  }
.LBB2_6:
0x98: {  	p1 =	sne.s32 s6, $0x13C0;
	[tilespmem:s16+$0x12840] =	vst v1;
	s16 =	smov.u32 s6;
	s6 =	sadd.s32 $0x40, s6  }
.Ltmp4:
0x99: {  	(pc) =	sbr.rel @p1 .LBB2_6-.Ltmp4, $2  }
0x9a: {  	_ =	sdelay $0x2  }
0x9b: {  	s16 =	sshra.s32 s16, $0x2  }
0x9c: {  	[tilespmem:s16+$0x12840] =	vst v1;
	s6 =	simm.s32 @p0 $0x10040;
	s16 =	simm.s32 @p0 $0x6  }
0x9d: {  	[spmem:s28] =	stream.linear.scatter @p0 [tilespmem:s6], [sflag:$0x6], $0x2000, $0x38;
	[tilespmem:$0x1F090] =	vst v63  }
0x9e: {  	_ =	swait.ge @p0 [sflag:s16], $0x2000  }
0x9f: {  	[sflag:s16] =	ssyncset.done @p0 $0x0  }
0xa0: {  	[sflag:s16] =	ssyncadd.s32 @p0 $0xFFFFE000  }
0xa1: {  	[spmem:s29] =	stream.linear.scatter @p0 [tilespmem:s6], [sflag:$0x6], $0x2000, $0x38;
	[tilespmem:$0x1F090] =	vst v63  }
0xa2: {  	_ =	swait.ge @p0 [sflag:s16], $0x2000  }
0xa3: {  	[sflag:s16] =	ssyncset.done @p0 $0x0  }
0xa4: {  	[sflag:s16] =	ssyncadd.s32 @p0 $0xFFFFE000  }
0xa5: {  	[spmem:s30] =	stream.linear.scatter @p0 [tilespmem:s6], [sflag:$0x6], $0x2000, $0x38;
	[tilespmem:$0x1F090] =	vst v63  }
0xa6: {  	_ =	swait.ge @p0 [sflag:s16], $0x2000  }
0xa7: {  	[sflag:s16] =	ssyncset.done @p0 $0x0  }
0xa8: {  	[sflag:s16] =	ssyncadd.s32 @p0 $0xFFFFE000  }
0xa9: {  	[spmem:s10] =	stream.linear.scatter @p0 [tilespmem:s6], [sflag:$0x6], $0x400, $0x38;
	[tilespmem:$0x1F090] =	vst v63  }
0xaa: {  	_ =	swait.ge @p0 [sflag:s16], $0x400  }
0xab: {  	s11 =	sld [smem:$0x7FA]  }
0xac: {  	[sflag:s16] =	ssyncset.done @p0 $0x0  }
0xad: {  	s6 =	simm.s32 @p0 $0x12040;
	[sflag:s16] =	ssyncadd.s32 @p0 $0xFFFFFC00  }
0xae: {  	[spmem:s11] =	stream.linear.scatter @p0 [tilespmem:s6], [sflag:$0x6], $0x800, $0x38;
	[tilespmem:$0x1F090] =	vst v63  }
0xaf: {  	_ =	swait.ge @p0 [sflag:s16], $0x800  }
0xb0: {  	s11 =	sld [smem:$0x7FB]  }
0xb1: {  	[sflag:s16] =	ssyncset.done @p0 $0x0  }
0xb2: {  	[sflag:s16] =	ssyncadd.s32 @p0 $0xFFFFF800  }
0xb3: {  	[spmem:s11] =	stream.linear.scatter @p0 [tilespmem:s6], [sflag:$0x6], $0x800, $0x38;
	[tilespmem:$0x1F090] =	vst v63  }
0xb4: {  	_ =	swait.ge @p0 [sflag:s16], $0x800  }
0xb5: {  	s11 =	sld [smem:$0x7FC]  }
0xb6: {  	[sflag:s16] =	ssyncset.done @p0 $0x0  }
0xb7: {  	[sflag:s16] =	ssyncadd.s32 @p0 $0xFFFFF800  }
0xb8: {  	[spmem:s11] =	stream.linear.scatter @p0 [tilespmem:s6], [sflag:$0x6], $0x800, $0x38;
	[tilespmem:$0x1F090] =	vst v63  }
0xb9: {  	_ =	swait.ge @p0 [sflag:s16], $0x800  }
0xba: {  	s11 =	sld [smem:$0x7FD]  }
0xbb: {  	[sflag:s16] =	ssyncset.done @p0 $0x0  }
0xbc: {  	[sflag:s16] =	ssyncadd.s32 @p0 $0xFFFFF800  }
0xbd: {  	[spmem:s11] =	stream.linear.scatter @p0 [tilespmem:s6], [sflag:$0x6], $0x100, $0x38;
	[tilespmem:$0x1F090] =	vst v63  }
0xbe: {  	_ =	swait.ge @p0 [sflag:s16], $0x100  }
0xbf: {  	s11 =	sld [smem:$0x7F3]  }
0xc0: {  	[sflag:s16] =	ssyncset.done @p0 $0x0  }
0xc1: {  	s6 =	simm.s32 @!p0 $0x10040;
	[sflag:s16] =	ssyncadd.s32 @p0 $0xFFFFFF00;
	s16 =	simm.s32 @!p0 $0x6  }
0xc2: {  	[spmem:s11] =	stream.linear.scatter @!p0 [tilespmem:s6], [sflag:$0x6], $0x2000, $0x38;
	[tilespmem:$0x1F090] =	vst v63  }
0xc3: {  	_ =	swait.ge @!p0 [sflag:s16], $0x2000  }
0xc4: {  	s11 =	sld [smem:$0x7F0]  }
0xc5: {  	[sflag:s16] =	ssyncset.done @!p0 $0x0  }
0xc6: {  	[sflag:s16] =	ssyncadd.s32 @!p0 $0xFFFFE000  }
0xc7: {  	[spmem:s11] =	stream.linear.scatter @!p0 [tilespmem:s6], [sflag:$0x6], $0x2000, $0x38;
	[tilespmem:$0x1F090] =	vst v63  }
0xc8: {  	_ =	swait.ge @!p0 [sflag:s16], $0x2000  }
0xc9: {  	s11 =	sld [smem:$0x7F1]  }
0xca: {  	[sflag:s16] =	ssyncset.done @!p0 $0x0  }
0xcb: {  	[sflag:s16] =	ssyncadd.s32 @!p0 $0xFFFFE000  }
0xcc: {  	[spmem:s11] =	stream.linear.scatter @!p0 [tilespmem:s6], [sflag:$0x6], $0x2000, $0x38;
	[tilespmem:$0x1F090] =	vst v63  }
0xcd: {  	_ =	swait.ge @!p0 [sflag:s16], $0x2000  }
0xce: {  	s11 =	sld [smem:$0x7F2]  }
0xcf: {  	[sflag:s16] =	ssyncset.done @!p0 $0x0  }
0xd0: {  	[sflag:s16] =	ssyncadd.s32 @!p0 $0xFFFFE000  }
0xd1: {  	[spmem:s11] =	stream.linear.scatter @!p0 [tilespmem:s6], [sflag:$0x6], $0x2000, $0x38;
	[tilespmem:$0x1F090] =	vst v63  }
0xd2: {  	_ =	swait.ge @!p0 [sflag:s16], $0x2000  }
0xd3: {  	s11 =	sld [smem:$0x7F4]  }
0xd4: {  	[sflag:s16] =	ssyncset.done @!p0 $0x0  }
0xd5: {  	[sflag:s16] =	ssyncadd.s32 @!p0 $0xFFFFE000  }
0xd6: {  	[spmem:s11] =	stream.linear.scatter @!p0 [tilespmem:s6], [sflag:$0x6], $0x2000, $0x38;
	[tilespmem:$0x1F090] =	vst v63  }
0xd7: {  	_ =	swait.ge @!p0 [sflag:s16], $0x2000  }
0xd8: {  	s11 =	sld [smem:$0x7F8]  }
0xd9: {  	[sflag:s16] =	ssyncset.done @!p0 $0x0  }
0xda: {  	s6 =	simm.s32 @!p0 $0x12040;
	[sflag:s16] =	ssyncadd.s32 @!p0 $0xFFFFE000  }
0xdb: {  	[spmem:s11] =	stream.linear.scatter @!p0 [tilespmem:s6], [sflag:$0x6], $0x800, $0x38;
	[tilespmem:$0x1F090] =	vst v63  }
0xdc: {  	_ =	swait.ge @!p0 [sflag:s16], $0x800  }
0xdd: {  	s11 =	sld [smem:$0x7F5]  }
0xde: {  	[sflag:s16] =	ssyncset.done @!p0 $0x0  }
0xdf: {  	[sflag:s16] =	ssyncadd.s32 @!p0 $0xFFFFF800  }
0xe0: {  	[spmem:s11] =	stream.linear.scatter @!p0 [tilespmem:s6], [sflag:$0x6], $0x800, $0x38;
	[tilespmem:$0x1F090] =	vst v63  }
0xe1: {  	_ =	swait.ge @!p0 [sflag:s16], $0x800  }
0xe2: {  	s11 =	sld [smem:$0x7F6]  }
0xe3: {  	[sflag:s16] =	ssyncset.done @!p0 $0x0  }
0xe4: {  	[sflag:s16] =	ssyncadd.s32 @!p0 $0xFFFFF800  }
0xe5: {  	[spmem:s11] =	stream.linear.scatter @!p0 [tilespmem:s6], [sflag:$0x6], $0x800, $0x38;
	[tilespmem:$0x1F090] =	vst v63  }
0xe6: {  	_ =	swait.ge @!p0 [sflag:s16], $0x800  }
0xe7: {  	s11 =	sld [smem:$0x7F7]  }
0xe8: {  	[sflag:s16] =	ssyncset.done @!p0 $0x0  }
0xe9: {  	[sflag:s16] =	ssyncadd.s32 @!p0 $0xFFFFF800  }
0xea: {  	[spmem:s11] =	stream.linear.scatter @!p0 [tilespmem:s6], [sflag:$0x6], $0x800, $0x38;
	[tilespmem:$0x1F090] =	vst v63  }
0xeb: {  	_ =	swait.ge @!p0 [sflag:s16], $0x800  }
0xec: {  	s11 =	sld [smem:$0x7F9]  }
0xed: {  	[sflag:s16] =	ssyncset.done @!p0 $0x0  }
0xee: {  	[sflag:s16] =	ssyncadd.s32 @!p0 $0xFFFFF800  }
0xef: {  	[spmem:s11] =	stream.linear.scatter @!p0 [tilespmem:s6], [sflag:$0x6], $0x800, $0x38;
	[tilespmem:$0x1F090] =	vst v63  }
0xf0: {  	_ =	swait.ge @!p0 [sflag:s16], $0x800  }
0xf1: {  	[sflag:s16] =	ssyncset.done @!p0 $0x0  }
0xf2: {  	[sflag:s16] =	ssyncadd.s32 @!p0 $0xFFFFF800  }
0xf3: {  	[bflag:$0x0] =	sbarrier.arrive $0xFFFF  }
0xf4: {  	s6 =	simm.s32 $0x0;
	s17 =	rddreg [dreg:$0x4]  }
0xf5: {  	[tilespmem:s6], [sflag:$0x6] =	stream.linear.gather [hbm4b:s17+s6], $0x4E20, $0x38;
	[tilespmem:$0x1F090] =	vst v63  }
0xf6: {  	_ =	swait.ge [sflag:s20], $0x4E20  }
0xf7: {  	[sflag:s20] =	ssyncset.done $0x0  }
0xf8: {  	s12 =	simm.s32 $0x4E20;
	s18 =	rddreg [dreg:$0x5];
	[sflag:s20] =	ssyncadd.s32 $0xFFFFB1E0  }
0xf9: {  	[tilespmem:s12], [sflag:$0x6] =	stream.linear.gather [hbm4b:s18+s6], $0x4E20, $0x38;
	[tilespmem:$0x1F090] =	vst v63  }
0xfa: {  	_ =	swait.ge [sflag:s20], $0x4E20  }
0xfb: {  	[sflag:s20] =	ssyncset.done $0x0  }
0xfc: {  	[sflag:s20] =	ssyncadd.s32 $0xFFFFB1E0  }
0xfd: {  	[tilespmem:s22], [sflag:$0x1] =	stream.indirect.gather [hbm4b:s2+s21], $0x40, s6, s21, $0xb8;
	[tilespmem:$0x1F090] =	vst v63  }
0xfe: {  	_ = 	snop  }
0xff: {  	[tilespmem:s5], [sflag:$0x2] =	stream.indirect.gather [hbm4b:s2+s21], $0x40, s21, s21, $0xb8;
	[tilespmem:$0x1F090] =	vst v63  }
0x100: {  	s16 =	simm.s32 $0xA0  }
0x101: {  	[tilespmem:s7], [sflag:$0x3] =	stream.indirect.gather [hbm4b:s2+s21], $0x40, s16, s21, $0xb8;
	[tilespmem:$0x1F090] =	vst v63  }
0x102: {  	s17 =	simm.s32 $0xF0  }
0x103: {  	[tilespmem:s8], [sflag:$0x4] =	stream.indirect.gather [hbm4b:s2+s21], $0x40, s17, s21, $0xb8;
	[tilespmem:$0x1F090] =	vst v63  }
0x104: {  	s18 =	simm.s32 $0x140  }
0x105: {  	[tilespmem:s9], [sflag:$0x5] =	stream.indirect.gather [hbm4b:s2+s21], $0x40, s18, s21, $0xb8;
	[tilespmem:$0x1F090] =	vst v63  }
.LBB2_8:
0x106: {  	_ =	swait.ge [sflag:s13], $0x1400  }
0x107: {  	s16 =	sshra.s32 s6, $0x2;
	[sflag:s13] =	ssyncset.done $0x0  }
0x108: {  	s17 =	sadd.s32 $0x4E20, s16;
	[sflag:s13] =	ssyncadd.s32 $0xFFFFEC00  }
0x109: {  	[spmem:s31] =	stream.indirect.scatter.add.f32 [tilespmem:s22], [sflag:$0x6], $0x40, s17, s21, $0xb8;
	[tilespmem:$0x1F090] =	vst v63  }
0x10a: {  	_ =	swait.ge [sflag:s20], $0x1400  }
0x10b: {  	[sflag:s20] =	ssyncset.done $0x0  }
0x10c: {  	[sflag:s20] =	ssyncadd.s32 $0xFFFFEC00  }
0x10d: {  	[spmem:s14] =	stream.indirect.scatter.add.f32 [tilespmem:s23], [sflag:$0x6], $0x10, s17, s21, $0xb8;
	[tilespmem:$0x1F090] =	vst v63  }
0x10e: {  	p1 =	seq.s32 s6, $0x13240;
	_ =	swait.ge [sflag:s20], $0x500  }
0x10f: {  	s12 =	simm.s32 @!p1 $0x50;
	s17 =	sshra.s32 @!p1 s6, $0x2;
	[sflag:s20] =	ssyncset.done $0x0  }
0x110: {  	s18 =	simm.s32 @!p1 $0x9C40;
	s11 =	sadd.s32 @!p1 $0x190, s17;
	[sflag:s20] =	ssyncadd.s32 $0xFFFFFB00  }
0x111: {  	[tilespmem:s18], [sflag:$0x1] =	stream.indirect.gather @!p1 [hbm4b:s2+s12], $0x40, s11, s12, $0xb8;
	[tilespmem:$0x1F090] =	vst v63  }
0x112: {  	_ =	swait.ge [sflag:s24], $0x1400  }
0x113: {  	[sflag:s24] =	ssyncset.done $0x0  }
0x114: {  	s18 =	sadd.s32 $0x4E70, s16;
	[sflag:s24] =	ssyncadd.s32 $0xFFFFEC00  }
0x115: {  	[spmem:s31] =	stream.indirect.scatter.add.f32 [tilespmem:s5], [sflag:$0x6], $0x40, s18, s21, $0xb8;
	[tilespmem:$0x1F090] =	vst v63  }
0x116: {  	_ =	swait.ge [sflag:s20], $0x1400  }
0x117: {  	[sflag:s20] =	ssyncset.done $0x0  }
0x118: {  	[sflag:s20] =	ssyncadd.s32 $0xFFFFEC00  }
0x119: {  	[spmem:s14] =	stream.indirect.scatter.add.f32 [tilespmem:s23], [sflag:$0x6], $0x10, s18, s21, $0xb8;
	[tilespmem:$0x1F090] =	vst v63  }
0x11a: {  	_ =	swait.ge [sflag:s20], $0x500  }
0x11b: {  	[sflag:s20] =	ssyncset.done $0x0  }
0x11c: {  	s11 =	sadd.s32 @!p1 $0x1E0, s17;
	s18 =	simm.s32 @!p1 $0xB040;
	[sflag:s20] =	ssyncadd.s32 $0xFFFFFB00  }
0x11d: {  	[tilespmem:s18], [sflag:$0x2] =	stream.indirect.gather @!p1 [hbm4b:s2+s12], $0x40, s11, s12, $0xb8;
	[tilespmem:$0x1F090] =	vst v63  }
0x11e: {  	_ =	swait.ge [sflag:s25], $0x1400  }
0x11f: {  	[sflag:s25] =	ssyncset.done $0x0  }
0x120: {  	s18 =	sadd.s32 $0x4EC0, s16;
	[sflag:s25] =	ssyncadd.s32 $0xFFFFEC00  }
0x121: {  	[spmem:s31] =	stream.indirect.scatter.add.f32 [tilespmem:s7], [sflag:$0x6], $0x40, s18, s21, $0xb8;
	[tilespmem:$0x1F090] =	vst v63  }
0x122: {  	_ =	swait.ge [sflag:s20], $0x1400  }
0x123: {  	[sflag:s20] =	ssyncset.done $0x0  }
0x124: {  	[sflag:s20] =	ssyncadd.s32 $0xFFFFEC00  }
0x125: {  	[spmem:s14] =	stream.indirect.scatter.add.f32 [tilespmem:s23], [sflag:$0x6], $0x10, s18, s21, $0xb8;
	[tilespmem:$0x1F090] =	vst v63  }
0x126: {  	_ =	swait.ge [sflag:s20], $0x500  }
0x127: {  	[sflag:s20] =	ssyncset.done $0x0  }
0x128: {  	s11 =	sadd.s32 @!p1 $0x230, s17;
	s18 =	simm.s32 @!p1 $0xC440;
	[sflag:s20] =	ssyncadd.s32 $0xFFFFFB00  }
0x129: {  	[tilespmem:s18], [sflag:$0x3] =	stream.indirect.gather @!p1 [hbm4b:s2+s12], $0x40, s11, s12, $0xb8;
	[tilespmem:$0x1F090] =	vst v63  }
0x12a: {  	_ =	swait.ge [sflag:s26], $0x1400  }
0x12b: {  	[sflag:s26] =	ssyncset.done $0x0  }
0x12c: {  	s18 =	sadd.s32 $0x4F10, s16;
	[sflag:s26] =	ssyncadd.s32 $0xFFFFEC00  }
0x12d: {  	[spmem:s31] =	stream.indirect.scatter.add.f32 [tilespmem:s8], [sflag:$0x6], $0x40, s18, s21, $0xb8;
	[tilespmem:$0x1F090] =	vst v63  }
0x12e: {  	_ =	swait.ge [sflag:s20], $0x1400  }
0x12f: {  	[sflag:s20] =	ssyncset.done $0x0  }
0x130: {  	[sflag:s20] =	ssyncadd.s32 $0xFFFFEC00  }
0x131: {  	[spmem:s14] =	stream.indirect.scatter.add.f32 [tilespmem:s23], [sflag:$0x6], $0x10, s18, s21, $0xb8;
	[tilespmem:$0x1F090] =	vst v63  }
0x132: {  	_ =	swait.ge [sflag:s20], $0x500  }
0x133: {  	[sflag:s20] =	ssyncset.done $0x0  }
0x134: {  	s11 =	sadd.s32 @!p1 $0x280, s17;
	s17 =	simm.s32 @!p1 $0xD840;
	[sflag:s20] =	ssyncadd.s32 $0xFFFFFB00  }
0x135: {  	[tilespmem:s17], [sflag:$0x4] =	stream.indirect.gather @!p1 [hbm4b:s2+s12], $0x40, s11, s12, $0xb8;
	[tilespmem:$0x1F090] =	vst v63  }
0x136: {  	_ =	swait.ge [sflag:s15], $0x1400  }
0x137: {  	[sflag:s15] =	ssyncset.done $0x0  }
0x138: {  	s18 =	sadd.s32 $0x4F60, s16;
	[sflag:s15] =	ssyncadd.s32 $0xFFFFEC00  }
0x139: {  	[spmem:s31] =	stream.indirect.scatter.add.f32 [tilespmem:s9], [sflag:$0x6], $0x40, s18, s21, $0xb8;
	[tilespmem:$0x1F090] =	vst v63  }
0x13a: {  	_ =	swait.ge [sflag:s20], $0x1400  }
0x13b: {  	[sflag:s20] =	ssyncset.done $0x0  }
.Ltmp5:
0x13c: {  	[sflag:s20] =	ssyncadd.s32 $0xFFFFEC00;
	(pc) =	sbr.rel @p1 .LBB2_10-.Ltmp5, $4  }
0x13d: {  	[spmem:s14] =	stream.indirect.scatter.add.f32 [tilespmem:s23], [sflag:$0x6], $0x10, s18, s21, $0xb8;
	[tilespmem:$0x1F090] =	vst v63  }
0x13e: {  	_ =	swait.ge [sflag:s20], $0x500  }
0x13f: {  	[sflag:s20] =	ssyncset.done $0x0  }
0x140: {  	[sflag:s20] =	ssyncadd.s32 $0xFFFFFB00  }
.Ltmp6:
0x141: {  	(pc) =	sbr.rel .LBB2_8-.Ltmp6, $3  }
0x142: {  	_ =	sdelay $0x1  }
0x143: {  	s11 =	sadd.s32 $0x2D0, s16;
	s6 =	sadd.s32 $0x640, s6  }
0x144: {  	[tilespmem:s9], [sflag:$0x5] =	stream.indirect.gather [hbm4b:s2+s21], $0x40, s11, s21, $0xb8;
	[tilespmem:$0x1F090] =	vst v63  }
.LBB2_10:
.Ltmp7:
0x145: {  	(pc) =	sbr.rel @!p0 .LBB2_11-.Ltmp7, $2  }
0x146: {  	_ =	sdelay $0x1  }
0x147: {  	[bflag:$0x0] =	sbarrier.arrive $0xFFFF;
	_ =	sdelay $0x1  }
0x148: {  	s6 =	sshrl.u32 s28, $0x3;
	s11 =	rddreg [dreg:$0x13];
	s12 =	simm.s32 $0x1FC6  }
0x149: {  	[hbm:s11], [sflag:s12] =	dma.local [spmem:s6], $0x400  }
0x14a: {  	_ =	swait.ge [sflag:s20], $0x400  }
0x14b: {  	[sflag:s20] =	ssyncset.done $0x0  }
0x14c: {  	s17 =	sshrl.u32 s29, $0x3;
	s18 =	rddreg [dreg:$0x14];
	[sflag:s20] =	ssyncadd.s32 $0xFFFFFC00  }
0x14d: {  	[hbm:s18], [sflag:s12] =	dma.local [spmem:s17], $0x400  }
0x14e: {  	_ =	swait.ge [sflag:s20], $0x400  }
0x14f: {  	[sflag:s20] =	ssyncset.done $0x0  }
0x150: {  	s11 =	sshrl.u32 s30, $0x3;
	s16 =	rddreg [dreg:$0x15];
	[sflag:s20] =	ssyncadd.s32 $0xFFFFFC00  }
0x151: {  	[hbm:s16], [sflag:s12] =	dma.local [spmem:s11], $0x400  }
0x152: {  	_ =	swait.ge [sflag:s20], $0x400  }
0x153: {  	[sflag:s20] =	ssyncset.done $0x0  }
0x154: {  	s17 =	sshrl.u32 s10, $0x3;
	s18 =	rddreg [dreg:$0x16];
	[sflag:s20] =	ssyncadd.s32 $0xFFFFFC00  }
0x155: {  	[hbm:s18], [sflag:s12] =	dma.local [spmem:s17], $0x80  }
0x156: {  	_ =	swait.ge [sflag:s20], $0x80  }
0x157: {  	[sflag:s20] =	ssyncset.done $0x0  }
0x158: {  	s11 =	sshrl.u32 s1, $0x3;
	s16 =	rddreg [dreg:$0x6];
	[sflag:s20] =	ssyncadd.s32 $0xFFFFFF80  }
0x159: {  	[hbm:s16], [sflag:s12] =	dma.local [spmem:s11], $0x100  }
0x15a: {  	_ =	swait.ge [sflag:s20], $0x100  }
0x15b: {  	[sflag:s20] =	ssyncset.done $0x0  }
0x15c: {  	s17 =	sshrl.u32 s4, $0x3;
	s18 =	rddreg [dreg:$0x9];
	[sflag:s20] =	ssyncadd.s32 $0xFFFFFF00  }
0x15d: {  	[hbm:s18], [sflag:s12] =	dma.local [spmem:s17], $0x90  }
0x15e: {  	_ =	swait.ge [sflag:s20], $0x90  }
0x15f: {  	[sflag:s20] =	ssyncset.done $0x0  }
0x160: {  	[sflag:s20] =	ssyncadd.s32 $0xFFFFFF70  }
0x161: {  	s11 =	simm.s32 $0x10040;
	[bflag:$0x0] =	sbarrier.arrive $0xFFFF  }
0x162: {  	[spmem:s28] =	stream.linear.scatter [tilespmem:s11], [sflag:$0x6], $0x2000, $0x38;
	[tilespmem:$0x1F090] =	vst v63  }
0x163: {  	_ =	swait.ge [sflag:s20], $0x2000  }
0x164: {  	[sflag:s20] =	ssyncset.done $0x0  }
0x165: {  	[sflag:s20] =	ssyncadd.s32 $0xFFFFE000  }
0x166: {  	[spmem:s29] =	stream.linear.scatter [tilespmem:s11], [sflag:$0x6], $0x2000, $0x38;
	[tilespmem:$0x1F090] =	vst v63  }
0x167: {  	_ =	swait.ge [sflag:s20], $0x2000  }
0x168: {  	[sflag:s20] =	ssyncset.done $0x0  }
0x169: {  	[sflag:s20] =	ssyncadd.s32 $0xFFFFE000  }
0x16a: {  	[spmem:s30] =	stream.linear.scatter [tilespmem:s11], [sflag:$0x6], $0x2000, $0x38;
	[tilespmem:$0x1F090] =	vst v63  }
0x16b: {  	_ =	swait.ge [sflag:s20], $0x2000  }
0x16c: {  	[sflag:s20] =	ssyncset.done $0x0  }
0x16d: {  	[sflag:s20] =	ssyncadd.s32 $0xFFFFE000  }
0x16e: {  	[spmem:s10] =	stream.linear.scatter [tilespmem:s11], [sflag:$0x6], $0x400, $0x38;
	[tilespmem:$0x1F090] =	vst v63  }
0x16f: {  	_ =	swait.ge [sflag:s20], $0x400  }
0x170: {  	s12 =	sld [smem:$0x7FA]  }
0x171: {  	[sflag:s20] =	ssyncset.done $0x0  }
0x172: {  	[sflag:s20] =	ssyncadd.s32 $0xFFFFFC00  }
0x173: {  	[spmem:s12] =	stream.linear.scatter [tilespmem:s19], [sflag:$0x6], $0x800, $0x38;
	[tilespmem:$0x1F090] =	vst v63  }
0x174: {  	_ =	swait.ge [sflag:s20], $0x800  }
0x175: {  	s16 =	sld [smem:$0x7FB]  }
0x176: {  	[sflag:s20] =	ssyncset.done $0x0  }
0x177: {  	[sflag:s20] =	ssyncadd.s32 $0xFFFFF800  }
0x178: {  	[spmem:s16] =	stream.linear.scatter [tilespmem:s19], [sflag:$0x6], $0x800, $0x38;
	[tilespmem:$0x1F090] =	vst v63  }
0x179: {  	_ =	swait.ge [sflag:s20], $0x800  }
0x17a: {  	s17 =	sld [smem:$0x7FC]  }
0x17b: {  	[sflag:s20] =	ssyncset.done $0x0  }
0x17c: {  	[sflag:s20] =	ssyncadd.s32 $0xFFFFF800  }
0x17d: {  	[spmem:s17] =	stream.linear.scatter [tilespmem:s19], [sflag:$0x6], $0x800, $0x38;
	[tilespmem:$0x1F090] =	vst v63  }
0x17e: {  	_ =	swait.ge [sflag:s20], $0x800  }
0x17f: {  	s18 =	sld [smem:$0x7FD]  }
0x180: {  	[sflag:s20] =	ssyncset.done $0x0  }
.Ltmp8:
0x181: {  	[sflag:s20] =	ssyncadd.s32 $0xFFFFF800;
	(pc) =	sbr.rel .LBB2_13-.Ltmp8, $4  }
0x182: {  	[spmem:s18] =	stream.linear.scatter [tilespmem:s19], [sflag:$0x6], $0x100, $0x38;
	[tilespmem:$0x1F090] =	vst v63  }
0x183: {  	_ =	swait.ge [sflag:s20], $0x100  }
0x184: {  	[sflag:s20] =	ssyncset.done $0x0  }
0x185: {  	[sflag:s20] =	ssyncadd.s32 $0xFFFFFF00  }
.LBB2_11:
0x186: {  	s11 =	sld [smem:$0x7E9]  }
0x187: {  	s6 =	stileid.u32  }
0x188: {  	s6 =	sshll.u32 s6, $0x6  }
0x189: {  	s12 =	rddreg [dreg:$0xe];
	s6 =	sor.u32 $0x1C06, s6;
	s11 =	sshrl.u32 s11, $0x3  }
0x18a: {  	[hbm:s12], [sflag:s6] =	dma.local [spmem:s11], $0x400  }
0x18b: {  	_ =	swait.ge [sflag:s20], $0x400  }
0x18c: {  	s12 =	sld [smem:$0x7EA];
	_ =	sdelay $0x1  }
0x18d: {  	[sflag:s20] =	ssyncset.done $0x0  }
0x18e: {  	s16 =	rddreg [dreg:$0xf];
	[sflag:s20] =	ssyncadd.s32 $0xFFFFFC00;
	s11 =	sshrl.u32 s12, $0x3  }
0x18f: {  	[hbm:s16], [sflag:s6] =	dma.local [spmem:s11], $0x400  }
0x190: {  	_ =	swait.ge [sflag:s20], $0x400  }
0x191: {  	s17 =	sld [smem:$0x7EB];
	_ =	sdelay $0x1  }
0x192: {  	[sflag:s20] =	ssyncset.done $0x0  }
0x193: {  	s18 =	rddreg [dreg:$0x10];
	[sflag:s20] =	ssyncadd.s32 $0xFFFFFC00;
	s11 =	sshrl.u32 s17, $0x3  }
0x194: {  	[hbm:s18], [sflag:s6] =	dma.local [spmem:s11], $0x400  }
0x195: {  	_ =	swait.ge [sflag:s20], $0x400  }
0x196: {  	s12 =	sld [smem:$0x7EC];
	_ =	sdelay $0x1  }
0x197: {  	[sflag:s20] =	ssyncset.done $0x0  }
0x198: {  	s16 =	rddreg [dreg:$0x11];
	[sflag:s20] =	ssyncadd.s32 $0xFFFFFC00;
	s11 =	sshrl.u32 s12, $0x3  }
0x199: {  	[hbm:s16], [sflag:s6] =	dma.local [spmem:s11], $0x400  }
0x19a: {  	_ =	swait.ge [sflag:s20], $0x400  }
0x19b: {  	s17 =	sld [smem:$0x7ED];
	_ =	sdelay $0x1  }
0x19c: {  	[sflag:s20] =	ssyncset.done $0x0  }
0x19d: {  	s18 =	rddreg [dreg:$0x12];
	[sflag:s20] =	ssyncadd.s32 $0xFFFFFC00;
	s11 =	sshrl.u32 s17, $0x3  }
0x19e: {  	[hbm:s18], [sflag:s6] =	dma.local [spmem:s11], $0x400  }
0x19f: {  	_ =	swait.ge [sflag:s20], $0x400  }
0x1a0: {  	[sflag:s20] =	ssyncset.done $0x0  }
0x1a1: {  	s12 =	sshrl.u32 s1, $0x3;
	s16 =	rddreg [dreg:$0x6];
	[sflag:s20] =	ssyncadd.s32 $0xFFFFFC00  }
0x1a2: {  	[hbm:s16], [sflag:s6] =	dma.local [spmem:s12], $0x100  }
0x1a3: {  	_ =	swait.ge [sflag:s20], $0x100  }
0x1a4: {  	[sflag:s20] =	ssyncset.done $0x0  }
0x1a5: {  	s17 =	sshrl.u32 s4, $0x3;
	s18 =	rddreg [dreg:$0x9];
	[sflag:s20] =	ssyncadd.s32 $0xFFFFFF00  }
0x1a6: {  	[hbm:s18], [sflag:s6] =	dma.local [spmem:s17], $0x100  }
0x1a7: {  	_ =	swait.ge [sflag:s20], $0x100  }
0x1a8: {  	s16 =	sld [smem:$0x7EE];
	_ =	sdelay $0x1  }
0x1a9: {  	[sflag:s20] =	ssyncset.done $0x0  }
0x1aa: {  	s17 =	rddreg [dreg:$0xa];
	[sflag:s20] =	ssyncadd.s32 $0xFFFFFF00;
	s11 =	sshrl.u32 s16, $0x3  }
0x1ab: {  	[hbm:s17], [sflag:s6] =	dma.local [spmem:s11], $0x80  }
0x1ac: {  	_ =	swait.ge [sflag:s20], $0x80  }
0x1ad: {  	[sflag:s20] =	ssyncset.done $0x0  }
0x1ae: {  	[sflag:s20] =	ssyncadd.s32 $0xFFFFFF80  }
0x1af: {  	[bflag:$0x0] =	sbarrier.arrive $0xFFFF  }
0x1b0: {  	s18 =	sld [smem:$0x7F3];
	_ =	sdelay $0x1  }
0x1b1: {  	s11 =	simm.s32 $0x10040  }
0x1b2: {  	[spmem:s18] =	stream.linear.scatter [tilespmem:s11], [sflag:$0x6], $0x2000, $0x38;
	[tilespmem:$0x1F090] =	vst v63  }
0x1b3: {  	_ =	swait.ge [sflag:s20], $0x2000  }
0x1b4: {  	s12 =	sld [smem:$0x7F0]  }
0x1b5: {  	[sflag:s20] =	ssyncset.done $0x0  }
0x1b6: {  	[sflag:s20] =	ssyncadd.s32 $0xFFFFE000  }
0x1b7: {  	[spmem:s12] =	stream.linear.scatter [tilespmem:s11], [sflag:$0x6], $0x2000, $0x38;
	[tilespmem:$0x1F090] =	vst v63  }
0x1b8: {  	_ =	swait.ge [sflag:s20], $0x2000  }
0x1b9: {  	s16 =	sld [smem:$0x7F1]  }
0x1ba: {  	[sflag:s20] =	ssyncset.done $0x0  }
0x1bb: {  	[sflag:s20] =	ssyncadd.s32 $0xFFFFE000  }
0x1bc: {  	[spmem:s16] =	stream.linear.scatter [tilespmem:s11], [sflag:$0x6], $0x2000, $0x38;
	[tilespmem:$0x1F090] =	vst v63  }
0x1bd: {  	_ =	swait.ge [sflag:s20], $0x2000  }
0x1be: {  	s17 =	sld [smem:$0x7F2]  }
0x1bf: {  	[sflag:s20] =	ssyncset.done $0x0  }
0x1c0: {  	[sflag:s20] =	ssyncadd.s32 $0xFFFFE000  }
0x1c1: {  	[spmem:s17] =	stream.linear.scatter [tilespmem:s11], [sflag:$0x6], $0x2000, $0x38;
	[tilespmem:$0x1F090] =	vst v63  }
0x1c2: {  	_ =	swait.ge [sflag:s20], $0x2000  }
0x1c3: {  	s18 =	sld [smem:$0x7F4]  }
0x1c4: {  	[sflag:s20] =	ssyncset.done $0x0  }
0x1c5: {  	[sflag:s20] =	ssyncadd.s32 $0xFFFFE000  }
0x1c6: {  	[spmem:s18] =	stream.linear.scatter [tilespmem:s11], [sflag:$0x6], $0x2000, $0x38;
	[tilespmem:$0x1F090] =	vst v63  }
0x1c7: {  	_ =	swait.ge [sflag:s20], $0x2000  }
0x1c8: {  	s11 =	sld [smem:$0x7F8]  }
0x1c9: {  	[sflag:s20] =	ssyncset.done $0x0  }
0x1ca: {  	[sflag:s20] =	ssyncadd.s32 $0xFFFFE000  }
0x1cb: {  	[spmem:s11] =	stream.linear.scatter [tilespmem:s19], [sflag:$0x6], $0x800, $0x38;
	[tilespmem:$0x1F090] =	vst v63  }
0x1cc: {  	_ =	swait.ge [sflag:s20], $0x800  }
0x1cd: {  	s12 =	sld [smem:$0x7F5]  }
0x1ce: {  	[sflag:s20] =	ssyncset.done $0x0  }
0x1cf: {  	[sflag:s20] =	ssyncadd.s32 $0xFFFFF800  }
0x1d0: {  	[spmem:s12] =	stream.linear.scatter [tilespmem:s19], [sflag:$0x6], $0x800, $0x38;
	[tilespmem:$0x1F090] =	vst v63  }
0x1d1: {  	_ =	swait.ge [sflag:s20], $0x800  }
0x1d2: {  	s16 =	sld [smem:$0x7F6]  }
0x1d3: {  	[sflag:s20] =	ssyncset.done $0x0  }
0x1d4: {  	[sflag:s20] =	ssyncadd.s32 $0xFFFFF800  }
0x1d5: {  	[spmem:s16] =	stream.linear.scatter [tilespmem:s19], [sflag:$0x6], $0x800, $0x38;
	[tilespmem:$0x1F090] =	vst v63  }
0x1d6: {  	_ =	swait.ge [sflag:s20], $0x800  }
0x1d7: {  	s17 =	sld [smem:$0x7F7]  }
0x1d8: {  	[sflag:s20] =	ssyncset.done $0x0  }
0x1d9: {  	[sflag:s20] =	ssyncadd.s32 $0xFFFFF800  }
0x1da: {  	[spmem:s17] =	stream.linear.scatter [tilespmem:s19], [sflag:$0x6], $0x800, $0x38;
	[tilespmem:$0x1F090] =	vst v63  }
0x1db: {  	_ =	swait.ge [sflag:s20], $0x800  }
0x1dc: {  	s18 =	sld [smem:$0x7F9]  }
0x1dd: {  	[sflag:s20] =	ssyncset.done $0x0  }
0x1de: {  	[sflag:s20] =	ssyncadd.s32 $0xFFFFF800  }
0x1df: {  	[spmem:s18] =	stream.linear.scatter [tilespmem:s19], [sflag:$0x6], $0x800, $0x38;
	[tilespmem:$0x1F090] =	vst v63  }
0x1e0: {  	_ =	swait.ge [sflag:s20], $0x800  }
0x1e1: {  	[sflag:s20] =	ssyncset.done $0x0  }
0x1e2: {  	[sflag:s20] =	ssyncadd.s32 $0xFFFFF800  }
.LBB2_13:
0x1e3: {  	[bflag:$0x0] =	sbarrier.arrive $0xFFFF  }
0x1e4: {  	s6 =	simm.s32 $0x0;
	s11 =	rddreg [dreg:$0x7]  }
0x1e5: {  	[tilespmem:s6], [sflag:$0x6] =	stream.linear.gather [hbm4b:s11+s6], $0x4E20, $0x38;
	[tilespmem:$0x1F090] =	vst v63  }
0x1e6: {  	_ =	swait.ge [sflag:s20], $0x4E20  }
0x1e7: {  	[sflag:s20] =	ssyncset.done $0x0  }
0x1e8: {  	s12 =	simm.s32 $0x4E20;
	s18 =	rddreg [dreg:$0x8];
	[sflag:s20] =	ssyncadd.s32 $0xFFFFB1E0  }
0x1e9: {  	[tilespmem:s12], [sflag:$0x6] =	stream.linear.gather [hbm4b:s18+s6], $0x4E20, $0x38;
	[tilespmem:$0x1F090] =	vst v63  }
0x1ea: {  	_ =	swait.ge [sflag:s20], $0x4E20  }
0x1eb: {  	[sflag:s20] =	ssyncset.done $0x0  }
0x1ec: {  	[sflag:s20] =	ssyncadd.s32 $0xFFFFB1E0  }
0x1ed: {  	[tilespmem:s22], [sflag:$0x1] =	stream.indirect.gather [hbm4b:s3+s21], $0x40, s6, s21, $0xb8;
	[tilespmem:$0x1F090] =	vst v63  }
0x1ee: {  	_ = 	snop  }
0x1ef: {  	[tilespmem:s5], [sflag:$0x2] =	stream.indirect.gather [hbm4b:s3+s21], $0x40, s21, s21, $0xb8;
	[tilespmem:$0x1F090] =	vst v63  }
0x1f0: {  	s16 =	simm.s32 $0xA0  }
0x1f1: {  	[tilespmem:s7], [sflag:$0x3] =	stream.indirect.gather [hbm4b:s3+s21], $0x40, s16, s21, $0xb8;
	[tilespmem:$0x1F090] =	vst v63  }
0x1f2: {  	s17 =	simm.s32 $0xF0  }
0x1f3: {  	[tilespmem:s8], [sflag:$0x4] =	stream.indirect.gather [hbm4b:s3+s21], $0x40, s17, s21, $0xb8;
	[tilespmem:$0x1F090] =	vst v63  }
0x1f4: {  	s18 =	simm.s32 $0x140  }
0x1f5: {  	[tilespmem:s9], [sflag:$0x5] =	stream.indirect.gather [hbm4b:s3+s21], $0x40, s18, s21, $0xb8;
	[tilespmem:$0x1F090] =	vst v63  }
.LBB2_14:
0x1f6: {  	_ =	swait.ge [sflag:s13], $0x1400  }
0x1f7: {  	s16 =	sshra.s32 s6, $0x2;
	[sflag:s13] =	ssyncset.done $0x0  }
0x1f8: {  	s11 =	sadd.s32 $0x4E20, s16;
	[sflag:s13] =	ssyncadd.s32 $0xFFFFEC00  }
0x1f9: {  	[spmem:s31] =	stream.indirect.scatter.add.f32 [tilespmem:s22], [sflag:$0x6], $0x40, s11, s21, $0xb8;
	[tilespmem:$0x1F090] =	vst v63  }
0x1fa: {  	_ =	swait.ge [sflag:s20], $0x1400  }
0x1fb: {  	[sflag:s20] =	ssyncset.done $0x0  }
0x1fc: {  	[sflag:s20] =	ssyncadd.s32 $0xFFFFEC00  }
0x1fd: {  	[spmem:s14] =	stream.indirect.scatter.add.f32 [tilespmem:s23], [sflag:$0x6], $0x10, s11, s21, $0xb8;
	[tilespmem:$0x1F090] =	vst v63  }
0x1fe: {  	p1 =	seq.s32 s6, $0x13240;
	_ =	swait.ge [sflag:s20], $0x500  }
0x1ff: {  	s17 =	simm.s32 @!p1 $0x50;
	s11 =	sshra.s32 @!p1 s6, $0x2;
	[sflag:s20] =	ssyncset.done $0x0  }
0x200: {  	s18 =	simm.s32 @!p1 $0x9C40;
	s12 =	sadd.s32 @!p1 $0x190, s11;
	[sflag:s20] =	ssyncadd.s32 $0xFFFFFB00  }
0x201: {  	[tilespmem:s18], [sflag:$0x1] =	stream.indirect.gather @!p1 [hbm4b:s3+s17], $0x40, s12, s17, $0xb8;
	[tilespmem:$0x1F090] =	vst v63  }
0x202: {  	_ =	swait.ge [sflag:s24], $0x1400  }
0x203: {  	[sflag:s24] =	ssyncset.done $0x0  }
0x204: {  	s18 =	sadd.s32 $0x4E70, s16;
	[sflag:s24] =	ssyncadd.s32 $0xFFFFEC00  }
0x205: {  	[spmem:s31] =	stream.indirect.scatter.add.f32 [tilespmem:s5], [sflag:$0x6], $0x40, s18, s21, $0xb8;
	[tilespmem:$0x1F090] =	vst v63  }
0x206: {  	_ =	swait.ge [sflag:s20], $0x1400  }
0x207: {  	[sflag:s20] =	ssyncset.done $0x0  }
0x208: {  	[sflag:s20] =	ssyncadd.s32 $0xFFFFEC00  }
0x209: {  	[spmem:s14] =	stream.indirect.scatter.add.f32 [tilespmem:s23], [sflag:$0x6], $0x10, s18, s21, $0xb8;
	[tilespmem:$0x1F090] =	vst v63  }
0x20a: {  	_ =	swait.ge [sflag:s20], $0x500  }
0x20b: {  	[sflag:s20] =	ssyncset.done $0x0  }
0x20c: {  	s12 =	sadd.s32 @!p1 $0x1E0, s11;
	s18 =	simm.s32 @!p1 $0xB040;
	[sflag:s20] =	ssyncadd.s32 $0xFFFFFB00  }
0x20d: {  	[tilespmem:s18], [sflag:$0x2] =	stream.indirect.gather @!p1 [hbm4b:s3+s17], $0x40, s12, s17, $0xb8;
	[tilespmem:$0x1F090] =	vst v63  }
0x20e: {  	_ =	swait.ge [sflag:s25], $0x1400  }
0x20f: {  	[sflag:s25] =	ssyncset.done $0x0  }
0x210: {  	s18 =	sadd.s32 $0x4EC0, s16;
	[sflag:s25] =	ssyncadd.s32 $0xFFFFEC00  }
0x211: {  	[spmem:s31] =	stream.indirect.scatter.add.f32 [tilespmem:s7], [sflag:$0x6], $0x40, s18, s21, $0xb8;
	[tilespmem:$0x1F090] =	vst v63  }
0x212: {  	_ =	swait.ge [sflag:s20], $0x1400  }
0x213: {  	[sflag:s20] =	ssyncset.done $0x0  }
0x214: {  	[sflag:s20] =	ssyncadd.s32 $0xFFFFEC00  }
0x215: {  	[spmem:s14] =	stream.indirect.scatter.add.f32 [tilespmem:s23], [sflag:$0x6], $0x10, s18, s21, $0xb8;
	[tilespmem:$0x1F090] =	vst v63  }
0x216: {  	_ =	swait.ge [sflag:s20], $0x500  }
0x217: {  	[sflag:s20] =	ssyncset.done $0x0  }
0x218: {  	s12 =	sadd.s32 @!p1 $0x230, s11;
	s18 =	simm.s32 @!p1 $0xC440;
	[sflag:s20] =	ssyncadd.s32 $0xFFFFFB00  }
0x219: {  	[tilespmem:s18], [sflag:$0x3] =	stream.indirect.gather @!p1 [hbm4b:s3+s17], $0x40, s12, s17, $0xb8;
	[tilespmem:$0x1F090] =	vst v63  }
0x21a: {  	_ =	swait.ge [sflag:s26], $0x1400  }
0x21b: {  	[sflag:s26] =	ssyncset.done $0x0  }
0x21c: {  	s18 =	sadd.s32 $0x4F10, s16;
	[sflag:s26] =	ssyncadd.s32 $0xFFFFEC00  }
0x21d: {  	[spmem:s31] =	stream.indirect.scatter.add.f32 [tilespmem:s8], [sflag:$0x6], $0x40, s18, s21, $0xb8;
	[tilespmem:$0x1F090] =	vst v63  }
0x21e: {  	_ =	swait.ge [sflag:s20], $0x1400  }
0x21f: {  	[sflag:s20] =	ssyncset.done $0x0  }
0x220: {  	[sflag:s20] =	ssyncadd.s32 $0xFFFFEC00  }
0x221: {  	[spmem:s14] =	stream.indirect.scatter.add.f32 [tilespmem:s23], [sflag:$0x6], $0x10, s18, s21, $0xb8;
	[tilespmem:$0x1F090] =	vst v63  }
0x222: {  	_ =	swait.ge [sflag:s20], $0x500  }
0x223: {  	[sflag:s20] =	ssyncset.done $0x0  }
0x224: {  	s11 =	sadd.s32 @!p1 $0x280, s11;
	s12 =	simm.s32 @!p1 $0xD840;
	[sflag:s20] =	ssyncadd.s32 $0xFFFFFB00  }
0x225: {  	[tilespmem:s12], [sflag:$0x4] =	stream.indirect.gather @!p1 [hbm4b:s3+s17], $0x40, s11, s17, $0xb8;
	[tilespmem:$0x1F090] =	vst v63  }
0x226: {  	_ =	swait.ge [sflag:s15], $0x1400  }
0x227: {  	[sflag:s15] =	ssyncset.done $0x0  }
0x228: {  	s18 =	sadd.s32 $0x4F60, s16;
	[sflag:s15] =	ssyncadd.s32 $0xFFFFEC00  }
0x229: {  	[spmem:s31] =	stream.indirect.scatter.add.f32 [tilespmem:s9], [sflag:$0x6], $0x40, s18, s21, $0xb8;
	[tilespmem:$0x1F090] =	vst v63  }
0x22a: {  	_ =	swait.ge [sflag:s20], $0x1400  }
0x22b: {  	[sflag:s20] =	ssyncset.done $0x0  }
.Ltmp9:
0x22c: {  	[sflag:s20] =	ssyncadd.s32 $0xFFFFEC00;
	(pc) =	sbr.rel @p1 .LBB2_16-.Ltmp9, $4  }
0x22d: {  	[spmem:s14] =	stream.indirect.scatter.add.f32 [tilespmem:s23], [sflag:$0x6], $0x10, s18, s21, $0xb8;
	[tilespmem:$0x1F090] =	vst v63  }
0x22e: {  	_ =	swait.ge [sflag:s20], $0x500  }
0x22f: {  	[sflag:s20] =	ssyncset.done $0x0  }
0x230: {  	[sflag:s20] =	ssyncadd.s32 $0xFFFFFB00  }
.Ltmp10:
0x231: {  	(pc) =	sbr.rel .LBB2_14-.Ltmp10, $3  }
0x232: {  	_ =	sdelay $0x1  }
0x233: {  	s11 =	sadd.s32 $0x2D0, s16;
	s6 =	sadd.s32 $0x640, s6  }
0x234: {  	[tilespmem:s9], [sflag:$0x5] =	stream.indirect.gather [hbm4b:s3+s21], $0x40, s11, s21, $0xb8;
	[tilespmem:$0x1F090] =	vst v63  }
.LBB2_17:
0x235: {  	_ =	sfence.sel $0x180000  }
0x236: {  	[bflag:$0x0] =	sbarrier.arrive $0xFFFF  }
0x237: {  	_ =	strace $0x90000047  }
0x238: {  	s0 =	stileid.u32;
	[bflag:$0x2] =	sbarrier.arrive $0xFFFF  }
0x239: {  	p0 =	sne.s32 s0, $0x0;
	s0 =	rddreg [dreg:$0x3]  }
0x23a: {  	s0 =	sadd.s32 @!p0 $0x100000, s0  }
0x23b: {  	[sflag:s0] =	ssyncadd.tile.s32 @!p0 $0x1;
	_ =	shalt  }
.Lfunc_end2:
_tile_overlayer_lowered:
.L_overlay_start_2:
0x23c: {  	(tag) =	ssettag $0x2  }
0x23d: {  	s0 =	rddreg [dreg:$0x0];
	s2 =	stileid.u32  }
0x23e: {  	s1 =	rddreg [dreg:$0x1];
	p0 =	sne.s32 s2, $0x0  }
0x23f: {  	s3 =	rddreg [dreg:$0x2];
	[bflag:$0x3] =	sbarrier.arrive $0xFFFF;
	s2 =	simm.s32 @!p0 $0x1C06  }
0x240: {  	[timem:s3], [sflag:s2] =	dma.local @!p0 [hbm:s0], s1  }
0x241: {  	s0 =	simm.s32 @!p0 $0x6  }
0x242: {  	_ =	swait.ge @!p0 [sflag:s0], s1  }
0x243: {  	s1 =	ssub.s32 @!p0 $0x0, s1;
	[sflag:s0] =	ssyncset.done @!p0 $0x0  }
0x244: {  	[sflag:s0] =	ssyncadd.s32 @!p0 s1  }
0x245: {  	[bflag:$0x3] =	sbarrier.arrive $0xFFFF  }
0x246: {  	_ =	shalt  }

// kernel: kernel.8.cloned.1.call-start
scs
__scs_entry_jumppad:
0x0: {  	(pc) =	sbr.rel $0x88, $3  }
0x1: {  	(tag) =	ssettag $0x0;
	lr =	simm.s32 $0x1  }
0x2: {  	[smem:$0x3F98] =	sst lr;
	_ =	strace $0xD0000000  }
0x3: {  	_ = 	snop  }
0x4: {  	_ = 	snop  }
0x5: {  	_ = 	snop  }
0x6: {  	_ = 	snop  }
0x7: {  	_ = 	snop  }
__scs_overlays_trampoline_lowered:
0x8: {  	[smem:$0x3FA7] =	sst s0  }
0x9: {  	[smem:$0x3FA8] =	sst s1  }
0xa: {  	[smem:$0x3FA9] =	sst s2  }
0xb: {  	[smem:$0x3FAA] =	sst s3  }
0xc: {  	[smem:$0x3FAB] =	sst s4  }
0xd: {  	[smem:$0x3FAC] =	sst s5  }
0xe: {  	[smem:$0x3FAD] =	sst s6  }
0xf: {  	[smem:$0x3FAE] =	sst s7  }
0x10: {  	[smem:$0x3FAF] =	sst s8  }
0x11: {  	[smem:$0x3FB0] =	sst s9;
	s0 =	simm.s32 @!p0 $0x0  }
0x12: {  	s1 =	sld [smem:$0x3F96];
	s0 =	simm.s32 @p0 $0x1  }
0x13: {  	[smem:$0x3FB1] =	sst s0;
	s0 =	simm.s32 @!p1 $0x0  }
0x14: {  	s2 =	sld [smem:$0x3F95];
	s0 =	simm.s32 @p1 $0x1  }
0x15: {  	[smem:$0x3FB2] =	sst s0;
	s0 =	simm.s32 @!p2 $0x0  }
0x16: {  	s3 =	sld [smem:$0x3FDB];
	s0 =	simm.s32 @p2 $0x1  }
0x17: {  	s4 =	simm.s32 $0x1BF5;
	[smem:$0x3FB4] =	sst s0  }
0x18: {  	s0 =	sld [smem:$0x3F97];
	_ =	swait.ge [sflag:s4], $0x0  }
0x19: {  	s7 =	sld [smem:$0x3F98]  }
0x1a: {  	s8 =	sadd.s32 $0xFFFFE003, lr  }
0x1b: {  	s9 =	sadd.s32 $0xFFFFFEF7, lr;
	s5 =	simm.s32 $0xFFFFFFFF;
	p2 =	slt.u32 s8, $0xFFFFF086  }
0x1c: {  	p1 =	slt.u32 s9, $0xF7A;
	s5 =	simm.s32 @!p2 $0x0  }
0x1d: {  	s5 =	simm.s32 @p1 $0x1;
	p0 =	seq.s32 s7, s2  }
0x1e: {  	s7 =	smul.u32 @!p0 $0xF7A, s2;
	p2 =	seq.s32 @!p0 s5, $0x0  }
0x1f: {  	s9 =	smul.u32 $0xF7A, s1;
	s8 =	simm.s32 @!p0 $0x1BF5;
	p2 =	por !p2, p0  }
0x20: {  	[sflag:s8] =	ssyncset.s32 @!p0 $0xFFFFF086;
	s6 =	sadd.s32 @!p0 s3, s7;
	s7 =	simm.s32 @!p0 $0x108  }
0x21: {  	s3 =	sadd.s32 s3, s9;
	s6 =	sadd.s32 @!p0 $0x88, s6;
	s7 =	simm.s32 @p2 $0x1082  }
0x22: {  	[simem:s7], [sflag:s8] =	dma.local @!p0 [hbm:s6], $0xF7A  }
0x23: {  	s9 =	sor.u32 $0xD0000000, s2;
	s6 =	simm.s32 $0x108;
	_ =	swait.ge @!p0 [sflag:s8], $0x0  }
0x24: {  	s3 =	sadd.s32 $0x88, s3;
	s6 =	simm.s32 @!p1 $0x1082;
	[sflag:s4] =	ssyncset.s32 $0xFFFFF086  }
0x25: {  	[simem:s6], [sflag:s4] =	dma.local [hbm:s3], $0xF7A  }
0x26: {  	[smem:$0x3F98] =	sst s1;
	(tag) =	ssettag s2;
	_ =	strace s9  }
0x27: {  	s1 =	sld [smem:$0x3FA8]  }
0x28: {  	s2 =	sld [smem:$0x3FA9]  }
0x29: {  	s4 =	sld [smem:$0x3FAB]  }
0x2a: {  	p0 =	seq.s32 s5, $0x0;
	s5 =	sld [smem:$0x3FAC]  }
0x2b: {  	s6 =	sld [smem:$0x3FAD]  }
0x2c: {  	s7 =	sld [smem:$0x3FAE]  }
0x2d: {  	s3 =	simm.s32 $0x108;
	s8 =	sld [smem:$0x3FAF]  }
0x2e: {  	s3 =	simm.s32 @!p0 $0x1082;
	s9 =	sld [smem:$0x3FB0]  }
0x2f: {  	lr =	sadd.s32 s0, s3;
	s0 =	sld [smem:$0x3FA7]  }
0x30: {  	s3 =	sld [smem:$0x3FAA]  }
0x31: {  	[smem:$0x3FB3] =	sst s10  }
0x32: {  	s10 =	sld [smem:$0x3FB1];
	_ =	sdelay $0x3  }
0x33: {  	p0 =	seq.s32 s10, $0x1;
	s10 =	sld [smem:$0x3FB3];
	_ =	sdelay $0x3  }
0x34: {  	[smem:$0x3FB3] =	sst s10  }
0x35: {  	s10 =	sld [smem:$0x3FB2];
	_ =	sdelay $0x3  }
0x36: {  	p1 =	seq.s32 s10, $0x1;
	s10 =	sld [smem:$0x3FB3];
	_ =	sdelay $0x3  }
0x37: {  	[smem:$0x3FB3] =	sst s10  }
0x38: {  	s10 =	sld [smem:$0x3FB4]  }
0x39: {  	_ = 	snop;
	(pc) =	sbr.ind lr, $3  }
0x3a: {  	_ = 	snop  }
0x3b: {  	_ = 	snop  }
0x3c: {  	p2 =	seq.s32 s10, $0x1;
	s10 =	sld [smem:$0x3FB3]  }
0x3d: {  	_ =	shalt  }
0x3e: {  	_ =	shalt  }
0x3f: {  	_ =	shalt  }
0x40: {  	_ =	shalt  }
0x41: {  	_ =	shalt  }
0x42: {  	_ =	shalt  }
0x43: {  	_ =	shalt  }
0x44: {  	_ =	shalt  }
0x45: {  	_ =	shalt  }
0x46: {  	_ =	shalt  }
0x47: {  	_ =	shalt  }
0x48: {  	_ =	shalt  }
0x49: {  	_ =	shalt  }
0x4a: {  	_ =	shalt  }
0x4b: {  	_ =	shalt  }
0x4c: {  	_ =	shalt  }
0x4d: {  	_ =	shalt  }
0x4e: {  	_ =	shalt  }
0x4f: {  	_ =	shalt  }
0x50: {  	_ =	shalt  }
0x51: {  	_ =	shalt  }
0x52: {  	_ =	shalt  }
0x53: {  	_ =	shalt  }
0x54: {  	_ =	shalt  }
0x55: {  	_ =	shalt  }
0x56: {  	_ =	shalt  }
0x57: {  	_ =	shalt  }
0x58: {  	_ =	shalt  }
0x59: {  	_ =	shalt  }
0x5a: {  	_ =	shalt  }
0x5b: {  	_ =	shalt  }
0x5c: {  	_ =	shalt  }
0x5d: {  	_ =	shalt  }
0x5e: {  	_ =	shalt  }
0x5f: {  	_ =	shalt  }
0x60: {  	_ =	shalt  }
0x61: {  	_ =	shalt  }
0x62: {  	_ =	shalt  }
0x63: {  	_ =	shalt  }
0x64: {  	_ =	shalt  }
0x65: {  	_ =	shalt  }
0x66: {  	_ =	shalt  }
0x67: {  	_ =	shalt  }
0x68: {  	_ =	shalt  }
0x69: {  	_ =	shalt  }
0x6a: {  	_ =	shalt  }
0x6b: {  	_ =	shalt  }
0x6c: {  	_ =	shalt  }
0x6d: {  	_ =	shalt  }
0x6e: {  	_ =	shalt  }
0x6f: {  	_ =	shalt  }
0x70: {  	_ =	shalt  }
0x71: {  	_ =	shalt  }
0x72: {  	_ =	shalt  }
0x73: {  	_ =	shalt  }
0x74: {  	_ =	shalt  }
0x75: {  	_ =	shalt  }
0x76: {  	_ =	shalt  }
0x77: {  	_ =	shalt  }
0x78: {  	_ =	shalt  }
0x79: {  	_ =	shalt  }
0x7a: {  	_ =	shalt  }
0x7b: {  	_ =	shalt  }
0x7c: {  	_ =	shalt  }
0x7d: {  	_ =	shalt  }
0x7e: {  	_ =	shalt  }
0x7f: {  	_ =	shalt  }
0x80: {  	_ =	shalt  }
0x81: {  	_ =	shalt  }
0x82: {  	_ =	shalt  }
0x83: {  	_ =	shalt  }
0x84: {  	_ =	shalt  }
0x85: {  	_ =	shalt  }
0x86: {  	_ =	shalt  }
0x87: {  	_ =	shalt  }
.Lfunc_end0:
.L_simem_size_0:
called_computation.1_lowered:
.L_overlay_start_0:
0x88: {  	s2 =	sld [smem:$0x3FD9]  }
0x89: {  	s3 =	sld [smem:$0x3FFE];
	_ =	sdelay $0x1  }
0x8a: {  	s1 =	srdreg.scid  }
0x8b: {  	s0 =	sand.u32 $0x1, s1  }
0x8c: {  	s17 =	sshll.u32 s0, $0xA;
	s2 =	sadd.s32 s3, s2  }
0x8d: {  	s2 =	sadd.s32 s2, s17  }
0x8e: {  	[smem:$0x3FBF] =	sst s2  }
0x8f: {  	_ = 	snop  }
0x90: {  	s2 =	sld [smem:$0x3FD0];
	(tm) =	ssettm $0x1  }
0x91: {  	s18 =	sld [smem:$0x3FFB];
	_ =	sdelay $0x3  }
0x92: {  	_ =	strace s18  }
0x93: {  	s3 =	sld [smem:$0x3FFC];
	_ =	sdelay $0x3  }
0x94: {  	_ =	strace s3  }
0x95: {  	s3 =	sld [smem:$0x3FFD];
	_ =	sdelay $0x3  }
0x96: {  	_ =	strace s3  }
0x97: {  	_ =	strace $0x8FFFFFFF  }
0x98: {  	s19 =	sld [smem:$0x3FDB];
	_ =	sdelay $0x1  }
0x99: {  	s4 =	simm.s32 $_scs_section_size  }
0x9a: {  	s5 =	simm.s32 $_size__tile_overlayer_lowered;
	s6 =	simm.s32 $_tile_overlayer_lowered  }
0x9b: {  	s22 =	simm.s32 $0x1BFF;
	s21 =	sshll.u32 s6, $0x1;
	s3 =	sadd.s32 s4, s19  }
0x9c: {  	s7 =	simm.s32 $0x0;
	s20 =	sshll.u32 s5, $0x1;
	s5 =	sadd.s32 s21, s3  }
0x9d: {  	[timem:s7], [sflag:s22] =	dma.local [hbm:s5], s20  }
0x9e: {  	_ =	swait.ge [sflag:s22], s20  }
0x9f: {  	s4 =	ssub.s32 $0x0, s20;
	[sflag:s22] =	ssyncset.done $0x0  }
0xa0: {  	[sflag:s22] =	ssyncadd.s32 s4;
	_ =	sdelay $0x1  }
0xa1: {  	s23 =	simm.s32 $0x1B8B  }
0xa2: {  	_ =	swait.ge [sflag:s23], $0x1  }
0xa3: {  	[sflag:s23] =	ssyncset.done $0x0  }
0xa4: {  	s25 =	simm.s32 $0x1B8E;
	s24 =	sld [smem:$0x3FFE];
	[sflag:s23] =	ssyncadd.s32 $0xFFFFFFFF  }
0xa5: {  	s26 =	simm.s32 $execute0_lowered;
	[smem:$0x3FD2] =	sst s25  }
0xa6: {  	s5 =	sshll.u32 s26, $0x1;
	_ =	strace $0x80000049;
	[dreg:$0x1] =	wrdreg $0xFFFFFFFF  }
0xa7: {  	s28 =	simm.s32 $_size_execute0_lowered;
	s3 =	sadd.s32 s3, s5;
	[dreg:$0x0] =	wrdreg $0x0  }
0xa8: {  	s5 =	sshll.u32 s28, $0x1;
	[dreg:$0x2] =	wrdreg s3  }
0xa9: {  	[dreg:$0x3] =	wrdreg s5  }
0xaa: {  	[dreg:$0x4] =	wrdreg $0xC0  }
0xab: {  	_ =	task [dreg:s7], $0x5FFFF  }
0xac: {  	[dreg:$0x1] =	wrdreg $0xFFFFFFFF  }
0xad: {  	[dreg:$0x0] =	wrdreg $0x60  }
0xae: {  	[dreg:$0x2] =	wrdreg s24  }
0xaf: {  	[dreg:$0x3] =	wrdreg s2  }
0xb0: {  	[dreg:$0x4] =	wrdreg $0x9  }
0xb1: {  	_ =	task.clear_ibuf [dreg:s7], $0x5FFFF;
	_ =	strace $0x90000049  }
0xb2: {  	s29 =	simm.s32 $0x9;
	_ =	strace $0x8000004B  }
0xb3: {  	_ =	swait.ge [sflag:s29], $0x1  }
0xb4: {  	[sflag:s29] =	ssyncadd.s32 $0xFFFFFFFF  }
0xb5: {  	_ =	strace $0x9000004B  }
0xb6: {  	_ =	sfence  }
0xb7: {  	s30 =	sld [smem:$0x0];
	_ =	sdelay $0x2  }
0xb8: {  	s31 =	sshll.u32 s1, $0xD;
	s1 =	sshrl.u32 s1, $0x2  }
0xb9: {  	s3 =	sand.u32 $0x4000, s31;
	s1 =	sadd.s32 s1, s30  }
0xba: {  	s0 =	sor.u32 s3, s0;
	s1 =	sshll.u32 s1, $0x11  }
0xbb: {  	s0 =	sor.u32 s1, s0  }
0xbc: {  	s0 =	sadd.s32 $0x8F2B, s0  }
0xbd: {  	[sflag:s0] =	ssyncadd.remote.s32 $0x1  }
0xbe: {  	_ =	sfence.sel $0xFFFF  }
0xbf: {  	[dreg:$0x0] =	wrdreg $0xFFFFFFFF;
	(pc) =	sbr.abs _section_cstart, $3  }
0xc0: {  	[dreg:$0x1] =	wrdreg $0xFFFFFFFF  }
0xc1: {  	_ =	task.clear_ibuf [dreg:s7], $0x2FFFF;
	_ =	strace $0x9FFFFFFF  }
0xc2: {  	(tm) =	ssettm $0x7FFFFFFF  }
0xc3: {  	_ =	shalt  }
tec
execute0_lowered:
.L_overlay_start_1:
0x0: {  	(tag) =	ssettag $0x1  }
0x1: {  	v0 =	vlaneseq.u32  }
0x2: {  	v0 =	vmul.u32 $0x10, v0;
	_ =	sdelay $0x1  }
0x3: {  	v1 =	vor.u32 $0x1, v0;
	v9 =	vor.u32 $0x9, v0;
	v10 =	vor.u32 $0xA, v0  }
0x4: {  	v11 =	vor.u32 $0xB, v0;
	v12 =	vor.u32 $0xC, v0;
	v13 =	vor.u32 $0xD, v0  }
0x5: {  	v14 =	vor.u32 $0xE, v0;
	v15 =	vor.u32 $0xF, v0;
	v16 =	vor.u32 $0x100, v0  }
0x6: {  	v17 =	vor.u32 $0x101, v0;
	v18 =	vor.u32 $0x102, v0;
	v19 =	vor.u32 $0x103, v0  }
0x7: {  	v20 =	vor.u32 $0x104, v0;
	v21 =	vor.u32 $0x105, v0;
	v22 =	vor.u32 $0x106, v0  }
0x8: {  	v23 =	vor.u32 $0x107, v0;
	v24 =	vor.u32 $0x108, v0;
	v25 =	vor.u32 $0x109, v0  }
0x9: {  	v26 =	vor.u32 $0x10A, v0;
	v27 =	vor.u32 $0x10B, v0;
	v28 =	vor.u32 $0x10C, v0  }
0xa: {  	v29 =	vor.u32 $0x10D, v0;
	v30 =	vor.u32 $0x10E, v0;
	v31 =	vor.u32 $0x10F, v0  }
0xb: {  	v32 =	vor.u32 $0x200, v0;
	v33 =	vor.u32 $0x201, v0;
	v34 =	vor.u32 $0x202, v0  }
0xc: {  	s4 =	rddreg [dreg:$0x0];
	v35 =	vor.u32 $0x203, v0;
	v36 =	vor.u32 $0x204, v0;
	v37 =	vor.u32 $0x205, v0  }
0xd: {  	s7 =	rddreg [dreg:$0x1];
	v38 =	vor.u32 $0x206, v0;
	v39 =	vor.u32 $0x207, v0;
	v40 =	vor.u32 $0x208, v0  }
0xe: {  	s0 =	rddreg [dreg:$0x2];
	s3 =	srdreg.scid;
	v41 =	vor.u32 $0x209, v0;
	v42 =	vor.u32 $0x20A, v0;
	v43 =	vor.u32 $0x20B, v0  }
0xf: {  	s2 =	simm.s32 $0x0;
	s1 =	stileid.u32;
	s10 =	simm.s32 $0x80;
	v44 =	vor.u32 $0x20C, v0;
	v45 =	vor.u32 $0x20D, v0;
	[tilespmem:$0x1FF80] =	vst v1;
	v1 =	vor.u32 $0x2, v0  }
0x10: {  	s11 =	simm.s32 $0x100;
	s12 =	simm.s32 $0x4100;
	s13 =	simm.s32 $0x1;
	v46 =	vor.u32 $0x20E, v0;
	v47 =	vor.u32 $0x20F, v0;
	[tilespmem:$0x1FF90] =	vst v1;
	v1 =	vor.u32 $0x3, v0  }
0x11: {  	s14 =	simm.s32 $0x2;
	s15 =	simm.s32 $0x8100;
	s16 =	simm.s32 $0x8900;
	v48 =	vor.u32 $0x300, v0;
	v49 =	vor.u32 $0x301, v0;
	[tilespmem:$0x1FFA0] =	vst v1;
	v1 =	vor.u32 $0x4, v0  }
0x12: {  	s17 =	simm.s32 $0x0;
	s3 =	sand.u32 $0x1, s3;
	[smem:$0x7FF] =	sst s2;
	v50 =	vor.u32 $0x302, v0;
	v51 =	vor.u32 $0x303, v0;
	[tilespmem:$0x1FFB0] =	vst v1;
	v1 =	vor.u32 $0x5, v0  }
0x13: {  	s5 =	sshll.u32 s1, $0x5;
	s6 =	sshll.u32 s3, $0x4;
	s31 =	ssub.s32 $0x2, s3;
	v52 =	vor.u32 $0x304, v0;
	v53 =	vor.u32 $0x305, v0;
	[tilespmem:$0x1FFC0] =	vst v1;
	v1 =	vor.u32 $0x6, v0  }
0x14: {  	s3 =	sadd.s32 $0x3400, s4;
	s8 =	sor.u32 s6, s5;
	s9 =	sshrl.u32 s31, $0x1;
	v54 =	vor.u32 $0x306, v0;
	v55 =	vor.u32 $0x307, v0;
	[tilespmem:$0x1FFD0] =	vst v1;
	v1 =	vor.u32 $0x7, v0  }
0x15: {  	v56 =	vor.u32 $0x308, v0;
	v57 =	vor.u32 $0x309, v0;
	s6 =	sadd.s32 s8, s4;
	s4 =	sadd.s32 $0x2A600, s4;
	s9 =	ssub.s32 s31, s9;
	[tilespmem:$0x1FFE0] =	vst v1;
	v1 =	vor.u32 $0x8, v0  }
0x16: {  	v58 =	vor.u32 $0x30A, v0;
	v59 =	vor.u32 $0x30B, v0;
	v60 =	vor.u32 $0x30C, v0;
	s7 =	sadd.s32 s7, s8;
	s5 =	sadd.s32 $0xD1600, s6;
	s6 =	sadd.s32 $0xD1400, s6;
	[tilespmem:$0x1FFF0] =	vst v1  }
0x17: {  	v61 =	vor.u32 $0x30D, v0;
	v62 =	vor.u32 $0x30E, v0;
	v63 =	vor.u32 $0x30F, v0;
	s8 =	smax.u32 s9, $0x1;
	s9 =	simm.s32 $0x3;
	_ =	strace $0x8000004A  }
.LBB2_1:
0x18: {  	[tilespmem:s2], [sflag:$0x3] =	stream.linear.gather [hbm4b:s5+s2], $0x80, $0x38;
	[tilespmem:$0x8980] =	vst v63  }
0x19: {  	_ =	swait.ge [sflag:s9], $0x80  }
0x1a: {  	[sflag:s9] =	ssyncset.done $0x0  }
0x1b: {  	[sflag:s9] =	ssyncadd.s32 $0xFFFFFF80  }
0x1c: {  	[tilespmem:s10], [sflag:$0x3] =	stream.linear.gather [hbm4b:s6+s2], $0x80, $0x38;
	[tilespmem:$0x8980] =	vst v63  }
0x1d: {  	_ =	swait.ge [sflag:s9], $0x80  }
0x1e: {  	[sflag:s9] =	ssyncset.done $0x0  }
0x1f: {  	[sflag:s9] =	ssyncadd.s32 $0xFFFFFF80  }
0x20: {  	[tilespmem:s11], [sflag:$0x1] =	stream.indirect.gather [hbm4b:s3+s10], $0x80, s2, s10, $0xb8;
	[tilespmem:$0x8980] =	vst v63  }
0x21: {  	_ = 	snop  }
0x22: {  	[tilespmem:s12], [sflag:$0x2] =	stream.indirect.gather [hbm4b:s4+s10], $0x80, s10, s10, $0xb8;
	[tilespmem:$0x8980] =	vst v63  }
0x23: {  	_ =	swait.ge [sflag:s13], $0x4000  }
0x24: {  	[sflag:s13] =	ssyncset.done $0x0  }
0x25: {  	[sflag:s13] =	ssyncadd.s32 $0xFFFFC000  }
0x26: {  	_ =	swait.ge [sflag:s14], $0x4000  }
0x27: {  	[sflag:s14] =	ssyncset.done $0x0  }
0x28: {  	s18 =	simm.s32 $0x0;
	[sflag:s14] =	ssyncadd.s32 $0xFFFFC000  }
0x29: {  	v1 =	vld [tilespmem:s18+$0x4100]  }
0x2a: {  	v2 =	vld [tilespmem:s18+$0x100]  }
0x2b: {  	v3 =	vld [tilespmem:s18+$0x110]  }
0x2c: {  	v4 =	vld [tilespmem:s18+$0x4110]  }
0x2d: {  	v5 =	vld [tilespmem:s18+$0x120]  }
0x2e: {  	v6 =	vld [tilespmem:s18+$0x4120]  }
0x2f: {  	v7 =	vld [tilespmem:s18+$0x130]  }
0x30: {  	v8 =	vld [tilespmem:s18+$0x4130]  }
0x31: {  	v1 =	vmul.f32 v1, v2;
	v2 =	vmul.f32 v4, v3;
	v3 =	vld [tilespmem:s18+$0x140]  }
0x32: {  	v4 =	vld [tilespmem:s18+$0x4140]  }
0x33: {  	v1 =	vadd.f32 v2, v1;
	v2 =	vmul.f32 v6, v5;
	v5 =	vld [tilespmem:s18+$0x150]  }
0x34: {  	v6 =	vld [tilespmem:s18+$0x4150]  }
0x35: {  	v1 =	vadd.f32 v2, v1;
	v2 =	vmul.f32 v8, v7;
	v7 =	vld [tilespmem:s18+$0x160]  }
0x36: {  	v8 =	vld [tilespmem:s18+$0x4160]  }
0x37: {  	v1 =	vadd.f32 v2, v1;
	v2 =	vmul.f32 v4, v3;
	v3 =	vld [tilespmem:s18+$0x170]  }
0x38: {  	v4 =	vld [tilespmem:s18+$0x4170]  }
0x39: {  	v1 =	vadd.f32 v2, v1;
	v2 =	vmul.f32 v6, v5;
	_ =	sdelay $0x1  }
0x3a: {  	v1 =	vadd.f32 v2, v1;
	v2 =	vmul.f32 v8, v7;
	_ =	sdelay $0x1  }
0x3b: {  	v1 =	vadd.f32 v2, v1;
	v2 =	vmul.f32 v4, v3;
	_ =	sdelay $0x1  }
0x3c: {  	v1 =	vadd.f32 v2, v1;
	_ =	sdelay $0x1  }
0x3d: {  	s19 =	simm.s32 $0x80;
	[tilespmem:s15+$0x0] =	vst v1  }
0x3e: {  	v1 =	vld [tilespmem:s19+$0x4100]  }
0x3f: {  	v2 =	vld [tilespmem:s19+$0x100]  }
0x40: {  	s20 =	simm.s32 $0x400;
	s18 =	simm.s32 $0x8100;
	v3 =	vld [tilespmem:s19+$0x110]  }
.LBB2_2:
0x41: {  	p0 =	sne.s32 s20, $0xFE00;
	v4 =	vld [tilespmem:s19+$0x4110]  }
0x42: {  	v5 =	vld [tilespmem:s19+$0x120]  }
0x43: {  	v6 =	vld [tilespmem:s19+$0x4120]  }
0x44: {  	v7 =	vld [tilespmem:s19+$0x130]  }
0x45: {  	v8 =	vld [tilespmem:s19+$0x4130]  }
0x46: {  	v1 =	vmul.f32 v1, v2;
	v2 =	vmul.f32 v4, v3;
	v3 =	vld [tilespmem:s19+$0x140]  }
0x47: {  	v4 =	vld [tilespmem:s19+$0x4140]  }
0x48: {  	v1 =	vadd.f32 v2, v1;
	v2 =	vmul.f32 v6, v5;
	v5 =	vld [tilespmem:s19+$0x150]  }
0x49: {  	v6 =	vld [tilespmem:s19+$0x4150]  }
0x4a: {  	v1 =	vadd.f32 v2, v1;
	v2 =	vmul.f32 v8, v7;
	v7 =	vld [tilespmem:s19+$0x160]  }
0x4b: {  	v8 =	vld [tilespmem:s19+$0x4160]  }
0x4c: {  	v1 =	vadd.f32 v2, v1;
	v2 =	vmul.f32 v4, v3;
	v3 =	vld [tilespmem:s19+$0x170]  }
0x4d: {  	v4 =	vld [tilespmem:s19+$0x4170]  }
0x4e: {  	v1 =	vadd.f32 v2, v1;
	v2 =	vmul.f32 v6, v5;
	_ =	sdelay $0x1  }
0x4f: {  	v1 =	vadd.f32 v2, v1;
	v2 =	vmul.f32 v8, v7;
	_ =	sdelay $0x1  }
0x50: {  	v1 =	vadd.f32 v2, v1;
	v2 =	vmul.f32 v4, v3;
	_ =	sdelay $0x1  }
0x51: {  	v1 =	vadd.f32 v2, v1  }
.Ltmp0:
0x52: {  	s18 =	sadd.s32 $0x10, s18;
	(pc) =	sbr.rel @p0 .LBB2_2-.Ltmp0, $4  }
0x53: {  	s19 =	sshra.s32 s20, $0x2;
	[tilespmem:s18+$0x0] =	vst v1  }
0x54: {  	v1 =	vld [tilespmem:s19+$0x4100]  }
0x55: {  	v2 =	vld [tilespmem:s19+$0x100]  }
0x56: {  	s20 =	sadd.s32 $0x200, s20;
	v3 =	vld [tilespmem:s19+$0x110]  }
0x57: {  	v4 =	vld [tilespmem:s19+$0x4110]  }
0x58: {  	v5 =	vld [tilespmem:s19+$0x120]  }
0x59: {  	v6 =	vld [tilespmem:s19+$0x4120]  }
0x5a: {  	v7 =	vld [tilespmem:s19+$0x130]  }
0x5b: {  	v8 =	vld [tilespmem:s19+$0x4130]  }
0x5c: {  	v1 =	vmul.f32 v1, v2;
	v2 =	vmul.f32 v4, v3;
	v3 =	vld [tilespmem:s19+$0x140]  }
0x5d: {  	v4 =	vld [tilespmem:s19+$0x4140]  }
0x5e: {  	v1 =	vadd.f32 v2, v1;
	v2 =	vmul.f32 v6, v5;
	v5 =	vld [tilespmem:s19+$0x150]  }
0x5f: {  	v6 =	vld [tilespmem:s19+$0x4150]  }
0x60: {  	v1 =	vadd.f32 v2, v1;
	v2 =	vmul.f32 v8, v7;
	v7 =	vld [tilespmem:s19+$0x160]  }
0x61: {  	v8 =	vld [tilespmem:s19+$0x4160]  }
0x62: {  	v1 =	vadd.f32 v2, v1;
	v2 =	vmul.f32 v4, v3;
	v3 =	vld [tilespmem:s19+$0x170]  }
0x63: {  	v4 =	vld [tilespmem:s19+$0x4170]  }
0x64: {  	v1 =	vadd.f32 v2, v1;
	v2 =	vmul.f32 v6, v5;
	_ =	sdelay $0x1  }
0x65: {  	v1 =	vadd.f32 v2, v1;
	v2 =	vmul.f32 v8, v7;
	_ =	sdelay $0x1  }
0x66: {  	v1 =	vadd.f32 v2, v1;
	v2 =	vmul.f32 v4, v3;
	_ =	sdelay $0x1  }
0x67: {  	v1 =	vadd.f32 v2, v1;
	v2 =	vld [tilespmem:$0x1FF80];
	_ =	sdelay $0x1  }
0x68: {  	v3 =	vld [tilespmem:$0x1FF90];
	_ =	sdelay $0x2  }
0x69: {  	s18 =	sadd.s32 $0x10, s18  }
0x6a: {  	[tilespmem:s18+$0x0] =	vst v1  }
0x6b: {  	v1 =	vld.idx.msk [tilespmem:v0+s15+$0x0], $0xffff  }
0x6c: {  	v2 =	vld.idx.msk [tilespmem:v2+s15+$0x0], $0xffff;
	_ =	sdelay $0x1  }
0x6d: {  	v3 =	vld.idx.msk [tilespmem:v3+s15+$0x0], $0xffff  }
0x6e: {  	v4 =	vld [tilespmem:$0x1FFA0];
	_ =	sdelay $0x1  }
0x6f: {  	v1 =	vadd.f32 v2, v1;
	v2 =	vld [tilespmem:$0x1FFB0];
	_ =	sdelay $0x1  }
0x70: {  	v1 =	vadd.f32 v3, v1;
	v3 =	vld [tilespmem:$0x1FFC0];
	_ =	sdelay $0x3  }
0x71: {  	v4 =	vld.idx.msk [tilespmem:v4+s15+$0x0], $0xffff;
	_ =	sdelay $0x1  }
0x72: {  	v2 =	vld.idx.msk [tilespmem:v2+s15+$0x0], $0xffff;
	_ =	sdelay $0x1  }
0x73: {  	v3 =	vld.idx.msk [tilespmem:v3+s15+$0x0], $0xffff  }
0x74: {  	v1 =	vadd.f32 v4, v1;
	v4 =	vld [tilespmem:$0x1FFD0];
	_ =	sdelay $0x1  }
0x75: {  	v1 =	vadd.f32 v2, v1;
	v2 =	vld [tilespmem:$0x1FFE0];
	_ =	sdelay $0x1  }
0x76: {  	v1 =	vadd.f32 v3, v1;
	v3 =	vld [tilespmem:$0x1FFF0];
	_ =	sdelay $0x3  }
0x77: {  	v4 =	vld.idx.msk [tilespmem:v4+s15+$0x0], $0xffff;
	_ =	sdelay $0x1  }
0x78: {  	v2 =	vld.idx.msk [tilespmem:v2+s15+$0x0], $0xffff;
	_ =	sdelay $0x1  }
0x79: {  	v3 =	vld.idx.msk [tilespmem:v3+s15+$0x0], $0xffff  }
0x7a: {  	v1 =	vadd.f32 v4, v1  }
0x7b: {  	v4 =	vld.idx.msk [tilespmem:v9+s15+$0x0], $0xffff  }
0x7c: {  	v1 =	vadd.f32 v2, v1  }
0x7d: {  	v2 =	vld.idx.msk [tilespmem:v10+s15+$0x0], $0xffff  }
0x7e: {  	v1 =	vadd.f32 v3, v1  }
0x7f: {  	v3 =	vld.idx.msk [tilespmem:v11+s15+$0x0], $0xffff  }
0x80: {  	v1 =	vadd.f32 v4, v1  }
0x81: {  	v4 =	vld.idx.msk [tilespmem:v12+s15+$0x0], $0xffff  }
0x82: {  	v1 =	vadd.f32 v2, v1  }
0x83: {  	v2 =	vld.idx.msk [tilespmem:v13+s15+$0x0], $0xffff  }
0x84: {  	v1 =	vadd.f32 v3, v1  }
0x85: {  	v3 =	vld.idx.msk [tilespmem:v14+s15+$0x0], $0xffff  }
0x86: {  	v1 =	vadd.f32 v4, v1  }
0x87: {  	v4 =	vld.idx.msk [tilespmem:v15+s15+$0x0], $0xffff  }
0x88: {  	v1 =	vadd.f32 v2, v1;
	_ =	sdelay $0x1  }
0x89: {  	v1 =	vadd.f32 v3, v1;
	_ =	sdelay $0x1  }
0x8a: {  	v1 =	vadd.f32 v4, v1;
	_ =	sdelay $0x1  }
0x8b: {  	[tilespmem:$0x8900] =	vst v1  }
0x8c: {  	v1 =	vld.idx.msk [tilespmem:v16+s15+$0x0], $0xffff  }
0x8d: {  	v2 =	vld.idx.msk [tilespmem:v17+s15+$0x0], $0xffff;
	_ =	sdelay $0x1  }
0x8e: {  	v3 =	vld.idx.msk [tilespmem:v18+s15+$0x0], $0xffff;
	_ =	sdelay $0x1  }
0x8f: {  	v4 =	vld.idx.msk [tilespmem:v19+s15+$0x0], $0xffff  }
0x90: {  	v1 =	vadd.f32 v2, v1  }
0x91: {  	v2 =	vld.idx.msk [tilespmem:v20+s15+$0x0], $0xffff  }
0x92: {  	v1 =	vadd.f32 v3, v1  }
0x93: {  	v3 =	vld.idx.msk [tilespmem:v21+s15+$0x0], $0xffff  }
0x94: {  	v1 =	vadd.f32 v4, v1  }
0x95: {  	v4 =	vld.idx.msk [tilespmem:v22+s15+$0x0], $0xffff  }
0x96: {  	v1 =	vadd.f32 v2, v1  }
0x97: {  	v2 =	vld.idx.msk [tilespmem:v23+s15+$0x0], $0xffff  }
0x98: {  	v1 =	vadd.f32 v3, v1  }
0x99: {  	v3 =	vld.idx.msk [tilespmem:v24+s15+$0x0], $0xffff  }
0x9a: {  	v1 =	vadd.f32 v4, v1  }
0x9b: {  	v4 =	vld.idx.msk [tilespmem:v25+s15+$0x0], $0xffff  }
0x9c: {  	v1 =	vadd.f32 v2, v1  }
0x9d: {  	v2 =	vld.idx.msk [tilespmem:v26+s15+$0x0], $0xffff  }
0x9e: {  	v1 =	vadd.f32 v3, v1  }
0x9f: {  	v3 =	vld.idx.msk [tilespmem:v27+s15+$0x0], $0xffff  }
0xa0: {  	v1 =	vadd.f32 v4, v1  }
0xa1: {  	v4 =	vld.idx.msk [tilespmem:v28+s15+$0x0], $0xffff  }
0xa2: {  	v1 =	vadd.f32 v2, v1  }
0xa3: {  	v2 =	vld.idx.msk [tilespmem:v29+s15+$0x0], $0xffff  }
0xa4: {  	v1 =	vadd.f32 v3, v1  }
0xa5: {  	v3 =	vld.idx.msk [tilespmem:v30+s15+$0x0], $0xffff  }
0xa6: {  	v1 =	vadd.f32 v4, v1  }
0xa7: {  	v4 =	vld.idx.msk [tilespmem:v31+s15+$0x0], $0xffff  }
0xa8: {  	v1 =	vadd.f32 v2, v1;
	_ =	sdelay $0x1  }
0xa9: {  	v1 =	vadd.f32 v3, v1;
	_ =	sdelay $0x1  }
0xaa: {  	v1 =	vadd.f32 v4, v1;
	_ =	sdelay $0x1  }
0xab: {  	[tilespmem:$0x8910] =	vst v1  }
0xac: {  	v1 =	vld.idx.msk [tilespmem:v32+s15+$0x0], $0xffff  }
0xad: {  	v2 =	vld.idx.msk [tilespmem:v33+s15+$0x0], $0xffff;
	_ =	sdelay $0x1  }
0xae: {  	v3 =	vld.idx.msk [tilespmem:v34+s15+$0x0], $0xffff;
	_ =	sdelay $0x1  }
0xaf: {  	v4 =	vld.idx.msk [tilespmem:v35+s15+$0x0], $0xffff  }
0xb0: {  	v1 =	vadd.f32 v2, v1  }
0xb1: {  	v2 =	vld.idx.msk [tilespmem:v36+s15+$0x0], $0xffff  }
0xb2: {  	v1 =	vadd.f32 v3, v1  }
0xb3: {  	v3 =	vld.idx.msk [tilespmem:v37+s15+$0x0], $0xffff  }
0xb4: {  	v1 =	vadd.f32 v4, v1  }
0xb5: {  	v4 =	vld.idx.msk [tilespmem:v38+s15+$0x0], $0xffff  }
0xb6: {  	v1 =	vadd.f32 v2, v1  }
0xb7: {  	v2 =	vld.idx.msk [tilespmem:v39+s15+$0x0], $0xffff  }
0xb8: {  	v1 =	vadd.f32 v3, v1  }
0xb9: {  	v3 =	vld.idx.msk [tilespmem:v40+s15+$0x0], $0xffff  }
0xba: {  	v1 =	vadd.f32 v4, v1  }
0xbb: {  	v4 =	vld.idx.msk [tilespmem:v41+s15+$0x0], $0xffff  }
0xbc: {  	v1 =	vadd.f32 v2, v1  }
0xbd: {  	v2 =	vld.idx.msk [tilespmem:v42+s15+$0x0], $0xffff  }
0xbe: {  	v1 =	vadd.f32 v3, v1  }
0xbf: {  	v3 =	vld.idx.msk [tilespmem:v43+s15+$0x0], $0xffff  }
0xc0: {  	v1 =	vadd.f32 v4, v1  }
0xc1: {  	v4 =	vld.idx.msk [tilespmem:v44+s15+$0x0], $0xffff  }
0xc2: {  	v1 =	vadd.f32 v2, v1  }
0xc3: {  	v2 =	vld.idx.msk [tilespmem:v45+s15+$0x0], $0xffff  }
0xc4: {  	v1 =	vadd.f32 v3, v1  }
0xc5: {  	v3 =	vld.idx.msk [tilespmem:v46+s15+$0x0], $0xffff  }
0xc6: {  	v1 =	vadd.f32 v4, v1  }
0xc7: {  	v4 =	vld.idx.msk [tilespmem:v47+s15+$0x0], $0xffff  }
0xc8: {  	v1 =	vadd.f32 v2, v1;
	_ =	sdelay $0x1  }
0xc9: {  	v1 =	vadd.f32 v3, v1;
	_ =	sdelay $0x1  }
0xca: {  	v1 =	vadd.f32 v4, v1;
	_ =	sdelay $0x1  }
0xcb: {  	[tilespmem:$0x8920] =	vst v1  }
0xcc: {  	v1 =	vld.idx.msk [tilespmem:v48+s15+$0x0], $0xffff  }
0xcd: {  	v2 =	vld.idx.msk [tilespmem:v49+s15+$0x0], $0xffff;
	_ =	sdelay $0x1  }
0xce: {  	v3 =	vld.idx.msk [tilespmem:v50+s15+$0x0], $0xffff;
	_ =	sdelay $0x1  }
0xcf: {  	v4 =	vld.idx.msk [tilespmem:v51+s15+$0x0], $0xffff  }
0xd0: {  	v1 =	vadd.f32 v2, v1  }
0xd1: {  	v2 =	vld.idx.msk [tilespmem:v52+s15+$0x0], $0xffff  }
0xd2: {  	v1 =	vadd.f32 v3, v1  }
0xd3: {  	v3 =	vld.idx.msk [tilespmem:v53+s15+$0x0], $0xffff  }
0xd4: {  	v1 =	vadd.f32 v4, v1  }
0xd5: {  	v4 =	vld.idx.msk [tilespmem:v54+s15+$0x0], $0xffff  }
0xd6: {  	v1 =	vadd.f32 v2, v1  }
0xd7: {  	v2 =	vld.idx.msk [tilespmem:v55+s15+$0x0], $0xffff  }
0xd8: {  	v1 =	vadd.f32 v3, v1  }
0xd9: {  	v3 =	vld.idx.msk [tilespmem:v56+s15+$0x0], $0xffff  }
0xda: {  	v1 =	vadd.f32 v4, v1  }
0xdb: {  	v4 =	vld.idx.msk [tilespmem:v57+s15+$0x0], $0xffff  }
0xdc: {  	v1 =	vadd.f32 v2, v1  }
0xdd: {  	v2 =	vld.idx.msk [tilespmem:v58+s15+$0x0], $0xffff  }
0xde: {  	v1 =	vadd.f32 v3, v1  }
0xdf: {  	v3 =	vld.idx.msk [tilespmem:v59+s15+$0x0], $0xffff  }
0xe0: {  	v1 =	vadd.f32 v4, v1  }
0xe1: {  	v4 =	vld.idx.msk [tilespmem:v60+s15+$0x0], $0xffff  }
0xe2: {  	v1 =	vadd.f32 v2, v1  }
0xe3: {  	v2 =	vld.idx.msk [tilespmem:v61+s15+$0x0], $0xffff  }
0xe4: {  	v1 =	vadd.f32 v3, v1  }
0xe5: {  	v3 =	vld.idx.msk [tilespmem:v62+s15+$0x0], $0xffff  }
0xe6: {  	v1 =	vadd.f32 v4, v1  }
0xe7: {  	v4 =	vld.idx.msk [tilespmem:v63+s15+$0x0], $0xffff  }
0xe8: {  	v1 =	vadd.f32 v2, v1;
	_ =	sdelay $0x1  }
0xe9: {  	v2 =	vor.u32 $0x400, v0;
	v1 =	vadd.f32 v3, v1  }
0xea: {  	v3 =	vor.u32 $0x401, v0  }
0xeb: {  	v1 =	vadd.f32 v4, v1  }
0xec: {  	v4 =	vor.u32 $0x402, v0  }
0xed: {  	[tilespmem:$0x8930] =	vst v1  }
0xee: {  	v1 =	vld.idx.msk [tilespmem:v2+s15+$0x0], $0xffff;
	v2 =	vor.u32 $0x403, v0  }
0xef: {  	v3 =	vld.idx.msk [tilespmem:v3+s15+$0x0], $0xffff  }
0xf0: {  	v5 =	vor.u32 $0x404, v0  }
0xf1: {  	v4 =	vld.idx.msk [tilespmem:v4+s15+$0x0], $0xffff  }
0xf2: {  	v6 =	vor.u32 $0x405, v0  }
0xf3: {  	v2 =	vld.idx.msk [tilespmem:v2+s15+$0x0], $0xffff  }
0xf4: {  	v1 =	vadd.f32 v3, v1;
	v3 =	vor.u32 $0x406, v0  }
0xf5: {  	v5 =	vld.idx.msk [tilespmem:v5+s15+$0x0], $0xffff  }
0xf6: {  	v1 =	vadd.f32 v4, v1;
	v4 =	vor.u32 $0x407, v0  }
0xf7: {  	v6 =	vld.idx.msk [tilespmem:v6+s15+$0x0], $0xffff  }
0xf8: {  	v1 =	vadd.f32 v2, v1;
	v2 =	vor.u32 $0x408, v0  }
0xf9: {  	v3 =	vld.idx.msk [tilespmem:v3+s15+$0x0], $0xffff  }
0xfa: {  	v1 =	vadd.f32 v5, v1;
	v5 =	vor.u32 $0x409, v0  }
0xfb: {  	v4 =	vld.idx.msk [tilespmem:v4+s15+$0x0], $0xffff  }
0xfc: {  	v1 =	vadd.f32 v6, v1;
	v6 =	vor.u32 $0x40A, v0  }
0xfd: {  	v2 =	vld.idx.msk [tilespmem:v2+s15+$0x0], $0xffff  }
0xfe: {  	v1 =	vadd.f32 v3, v1;
	v3 =	vor.u32 $0x40B, v0  }
0xff: {  	v5 =	vld.idx.msk [tilespmem:v5+s15+$0x0], $0xffff  }
0x100: {  	v1 =	vadd.f32 v4, v1;
	v4 =	vor.u32 $0x40C, v0  }
0x101: {  	v6 =	vld.idx.msk [tilespmem:v6+s15+$0x0], $0xffff  }
0x102: {  	v1 =	vadd.f32 v2, v1;
	v2 =	vor.u32 $0x40D, v0  }
0x103: {  	v3 =	vld.idx.msk [tilespmem:v3+s15+$0x0], $0xffff  }
0x104: {  	v1 =	vadd.f32 v5, v1;
	v5 =	vor.u32 $0x40E, v0  }
0x105: {  	v4 =	vld.idx.msk [tilespmem:v4+s15+$0x0], $0xffff  }
0x106: {  	v1 =	vadd.f32 v6, v1;
	v6 =	vor.u32 $0x40F, v0  }
0x107: {  	v2 =	vld.idx.msk [tilespmem:v2+s15+$0x0], $0xffff  }
0x108: {  	v1 =	vadd.f32 v3, v1  }
0x109: {  	v3 =	vld.idx.msk [tilespmem:v5+s15+$0x0], $0xffff  }
0x10a: {  	v1 =	vadd.f32 v4, v1  }
0x10b: {  	v4 =	vld.idx.msk [tilespmem:v6+s15+$0x0], $0xffff  }
0x10c: {  	v1 =	vadd.f32 v2, v1;
	_ =	sdelay $0x1  }
0x10d: {  	v2 =	vor.u32 $0x500, v0;
	v1 =	vadd.f32 v3, v1  }
0x10e: {  	v3 =	vor.u32 $0x501, v0  }
0x10f: {  	v1 =	vadd.f32 v4, v1  }
0x110: {  	v4 =	vor.u32 $0x502, v0  }
0x111: {  	[tilespmem:$0x8940] =	vst v1  }
0x112: {  	v1 =	vld.idx.msk [tilespmem:v2+s15+$0x0], $0xffff;
	v2 =	vor.u32 $0x503, v0  }
0x113: {  	v3 =	vld.idx.msk [tilespmem:v3+s15+$0x0], $0xffff  }
0x114: {  	v5 =	vor.u32 $0x504, v0  }
0x115: {  	v4 =	vld.idx.msk [tilespmem:v4+s15+$0x0], $0xffff  }
0x116: {  	v6 =	vor.u32 $0x505, v0  }
0x117: {  	v2 =	vld.idx.msk [tilespmem:v2+s15+$0x0], $0xffff  }
0x118: {  	v1 =	vadd.f32 v3, v1;
	v3 =	vor.u32 $0x506, v0  }
0x119: {  	v5 =	vld.idx.msk [tilespmem:v5+s15+$0x0], $0xffff  }
0x11a: {  	v1 =	vadd.f32 v4, v1;
	v4 =	vor.u32 $0x507, v0  }
0x11b: {  	v6 =	vld.idx.msk [tilespmem:v6+s15+$0x0], $0xffff  }
0x11c: {  	v1 =	vadd.f32 v2, v1;
	v2 =	vor.u32 $0x508, v0  }
0x11d: {  	v3 =	vld.idx.msk [tilespmem:v3+s15+$0x0], $0xffff  }
0x11e: {  	v1 =	vadd.f32 v5, v1;
	v5 =	vor.u32 $0x509, v0  }
0x11f: {  	v4 =	vld.idx.msk [tilespmem:v4+s15+$0x0], $0xffff  }
0x120: {  	v1 =	vadd.f32 v6, v1;
	v6 =	vor.u32 $0x50A, v0  }
0x121: {  	v2 =	vld.idx.msk [tilespmem:v2+s15+$0x0], $0xffff  }
0x122: {  	v1 =	vadd.f32 v3, v1;
	v3 =	vor.u32 $0x50B, v0  }
0x123: {  	v5 =	vld.idx.msk [tilespmem:v5+s15+$0x0], $0xffff  }
0x124: {  	v1 =	vadd.f32 v4, v1;
	v4 =	vor.u32 $0x50C, v0  }
0x125: {  	v6 =	vld.idx.msk [tilespmem:v6+s15+$0x0], $0xffff  }
0x126: {  	v1 =	vadd.f32 v2, v1;
	v2 =	vor.u32 $0x50D, v0  }
0x127: {  	v3 =	vld.idx.msk [tilespmem:v3+s15+$0x0], $0xffff  }
0x128: {  	v1 =	vadd.f32 v5, v1;
	v5 =	vor.u32 $0x50E, v0  }
0x129: {  	v4 =	vld.idx.msk [tilespmem:v4+s15+$0x0], $0xffff  }
0x12a: {  	v1 =	vadd.f32 v6, v1;
	v6 =	vor.u32 $0x50F, v0  }
0x12b: {  	v2 =	vld.idx.msk [tilespmem:v2+s15+$0x0], $0xffff  }
0x12c: {  	v1 =	vadd.f32 v3, v1  }
0x12d: {  	v3 =	vld.idx.msk [tilespmem:v5+s15+$0x0], $0xffff  }
0x12e: {  	v1 =	vadd.f32 v4, v1  }
0x12f: {  	v4 =	vld.idx.msk [tilespmem:v6+s15+$0x0], $0xffff  }
0x130: {  	v1 =	vadd.f32 v2, v1;
	_ =	sdelay $0x1  }
0x131: {  	v2 =	vor.u32 $0x600, v0;
	v1 =	vadd.f32 v3, v1  }
0x132: {  	v3 =	vor.u32 $0x601, v0  }
0x133: {  	v1 =	vadd.f32 v4, v1  }
0x134: {  	v4 =	vor.u32 $0x602, v0  }
0x135: {  	[tilespmem:$0x8950] =	vst v1  }
0x136: {  	v1 =	vld.idx.msk [tilespmem:v2+s15+$0x0], $0xffff;
	v2 =	vor.u32 $0x603, v0  }
0x137: {  	v3 =	vld.idx.msk [tilespmem:v3+s15+$0x0], $0xffff  }
0x138: {  	v5 =	vor.u32 $0x604, v0  }
0x139: {  	v4 =	vld.idx.msk [tilespmem:v4+s15+$0x0], $0xffff  }
0x13a: {  	v6 =	vor.u32 $0x605, v0  }
0x13b: {  	v2 =	vld.idx.msk [tilespmem:v2+s15+$0x0], $0xffff  }
0x13c: {  	v1 =	vadd.f32 v3, v1;
	v3 =	vor.u32 $0x606, v0  }
0x13d: {  	v5 =	vld.idx.msk [tilespmem:v5+s15+$0x0], $0xffff  }
0x13e: {  	v1 =	vadd.f32 v4, v1;
	v4 =	vor.u32 $0x607, v0  }
0x13f: {  	v6 =	vld.idx.msk [tilespmem:v6+s15+$0x0], $0xffff  }
0x140: {  	v1 =	vadd.f32 v2, v1;
	v2 =	vor.u32 $0x608, v0  }
0x141: {  	v3 =	vld.idx.msk [tilespmem:v3+s15+$0x0], $0xffff  }
0x142: {  	v1 =	vadd.f32 v5, v1;
	v5 =	vor.u32 $0x609, v0  }
0x143: {  	v4 =	vld.idx.msk [tilespmem:v4+s15+$0x0], $0xffff  }
0x144: {  	v1 =	vadd.f32 v6, v1;
	v6 =	vor.u32 $0x60A, v0  }
0x145: {  	v2 =	vld.idx.msk [tilespmem:v2+s15+$0x0], $0xffff  }
0x146: {  	v1 =	vadd.f32 v3, v1;
	v3 =	vor.u32 $0x60B, v0  }
0x147: {  	v5 =	vld.idx.msk [tilespmem:v5+s15+$0x0], $0xffff  }
0x148: {  	v1 =	vadd.f32 v4, v1;
	v4 =	vor.u32 $0x60C, v0  }
0x149: {  	v6 =	vld.idx.msk [tilespmem:v6+s15+$0x0], $0xffff  }
0x14a: {  	v1 =	vadd.f32 v2, v1;
	v2 =	vor.u32 $0x60D, v0  }
0x14b: {  	v3 =	vld.idx.msk [tilespmem:v3+s15+$0x0], $0xffff  }
0x14c: {  	v1 =	vadd.f32 v5, v1;
	v5 =	vor.u32 $0x60E, v0  }
0x14d: {  	v4 =	vld.idx.msk [tilespmem:v4+s15+$0x0], $0xffff  }
0x14e: {  	v1 =	vadd.f32 v6, v1;
	v6 =	vor.u32 $0x60F, v0  }
0x14f: {  	v2 =	vld.idx.msk [tilespmem:v2+s15+$0x0], $0xffff  }
0x150: {  	v1 =	vadd.f32 v3, v1  }
0x151: {  	v3 =	vld.idx.msk [tilespmem:v5+s15+$0x0], $0xffff  }
0x152: {  	v1 =	vadd.f32 v4, v1  }
0x153: {  	v4 =	vld.idx.msk [tilespmem:v6+s15+$0x0], $0xffff  }
0x154: {  	v1 =	vadd.f32 v2, v1;
	_ =	sdelay $0x1  }
0x155: {  	v2 =	vor.u32 $0x700, v0;
	v1 =	vadd.f32 v3, v1  }
0x156: {  	v3 =	vor.u32 $0x701, v0  }
0x157: {  	v1 =	vadd.f32 v4, v1  }
0x158: {  	v4 =	vor.u32 $0x702, v0  }
0x159: {  	[tilespmem:$0x8960] =	vst v1  }
0x15a: {  	v1 =	vld.idx.msk [tilespmem:v2+s15+$0x0], $0xffff;
	v2 =	vor.u32 $0x703, v0  }
0x15b: {  	v3 =	vld.idx.msk [tilespmem:v3+s15+$0x0], $0xffff  }
0x15c: {  	v5 =	vor.u32 $0x704, v0  }
0x15d: {  	v4 =	vld.idx.msk [tilespmem:v4+s15+$0x0], $0xffff  }
0x15e: {  	v6 =	vor.u32 $0x705, v0  }
0x15f: {  	v2 =	vld.idx.msk [tilespmem:v2+s15+$0x0], $0xffff  }
0x160: {  	v1 =	vadd.f32 v3, v1;
	v3 =	vor.u32 $0x706, v0  }
0x161: {  	v5 =	vld.idx.msk [tilespmem:v5+s15+$0x0], $0xffff  }
0x162: {  	v1 =	vadd.f32 v4, v1;
	v4 =	vor.u32 $0x707, v0  }
0x163: {  	v6 =	vld.idx.msk [tilespmem:v6+s15+$0x0], $0xffff  }
0x164: {  	v1 =	vadd.f32 v2, v1;
	v2 =	vor.u32 $0x708, v0  }
0x165: {  	v3 =	vld.idx.msk [tilespmem:v3+s15+$0x0], $0xffff  }
0x166: {  	v1 =	vadd.f32 v5, v1;
	v5 =	vor.u32 $0x709, v0  }
0x167: {  	v4 =	vld.idx.msk [tilespmem:v4+s15+$0x0], $0xffff  }
0x168: {  	v1 =	vadd.f32 v6, v1;
	v6 =	vor.u32 $0x70A, v0  }
0x169: {  	v2 =	vld.idx.msk [tilespmem:v2+s15+$0x0], $0xffff  }
0x16a: {  	v1 =	vadd.f32 v3, v1;
	v3 =	vor.u32 $0x70B, v0  }
0x16b: {  	v5 =	vld.idx.msk [tilespmem:v5+s15+$0x0], $0xffff  }
0x16c: {  	v1 =	vadd.f32 v4, v1;
	v4 =	vor.u32 $0x70C, v0  }
0x16d: {  	v6 =	vld.idx.msk [tilespmem:v6+s15+$0x0], $0xffff  }
0x16e: {  	v1 =	vadd.f32 v2, v1;
	v2 =	vor.u32 $0x70D, v0  }
0x16f: {  	v3 =	vld.idx.msk [tilespmem:v3+s15+$0x0], $0xffff  }
0x170: {  	v1 =	vadd.f32 v5, v1;
	v5 =	vor.u32 $0x70E, v0  }
0x171: {  	v4 =	vld.idx.msk [tilespmem:v4+s15+$0x0], $0xffff  }
0x172: {  	v1 =	vadd.f32 v6, v1;
	v6 =	vor.u32 $0x70F, v0  }
0x173: {  	v2 =	vld.idx.msk [tilespmem:v2+s15+$0x0], $0xffff  }
0x174: {  	v1 =	vadd.f32 v3, v1  }
0x175: {  	v3 =	vld.idx.msk [tilespmem:v5+s15+$0x0], $0xffff  }
0x176: {  	v1 =	vadd.f32 v4, v1  }
0x177: {  	v4 =	vld.idx.msk [tilespmem:v6+s15+$0x0], $0xffff  }
0x178: {  	v1 =	vadd.f32 v2, v1;
	_ =	sdelay $0x1  }
0x179: {  	v1 =	vadd.f32 v3, v1;
	_ =	sdelay $0x1  }
0x17a: {  	s17 =	sadd.s32 $0x1, s17;
	v1 =	vadd.f32 v4, v1  }
0x17b: {  	p0 =	sne.s32 s17, s8  }
.Ltmp1:
0x17c: {  	[tilespmem:$0x8970] =	vst v1;
	(pc) =	sbr.rel @p0 .LBB2_1-.Ltmp1, $4  }
0x17d: {  	[hbm4b:s7+s2] =	stream.linear.scatter [tilespmem:s16], [sflag:$0x3], $0x80, $0x38;
	[tilespmem:$0x8980] =	vst v63  }
0x17e: {  	_ =	swait.ge [sflag:s9], $0x80  }
0x17f: {  	[sflag:s9] =	ssyncset.done $0x0  }
0x180: {  	[sflag:s9] =	ssyncadd.s32 $0xFFFFFF80  }
0x181: {  	_ =	sfence.sel $0x180000  }
0x182: {  	[bflag:$0x0] =	sbarrier.arrive $0xFFFF  }
0x183: {  	p0 =	sne.s32 s1, $0x0;
	_ =	strace $0x9000004A  }
0x184: {  	s0 =	sadd.s32 @!p0 $0x100000, s0;
	[bflag:$0x2] =	sbarrier.arrive $0xFFFF  }
0x185: {  	[sflag:s0] =	ssyncadd.tile.s32 @!p0 $0x1;
	_ =	shalt  }
.Lfunc_end2:
_tile_overlayer_lowered:
.L_overlay_start_2:
0x186: {  	(tag) =	ssettag $0x2  }
0x187: {  	s0 =	rddreg [dreg:$0x0];
	s2 =	stileid.u32  }
0x188: {  	s1 =	rddreg [dreg:$0x1];
	p0 =	sne.s32 s2, $0x0  }
0x189: {  	s3 =	rddreg [dreg:$0x2];
	[bflag:$0x3] =	sbarrier.arrive $0xFFFF;
	s2 =	simm.s32 @!p0 $0x1C03  }
0x18a: {  	[timem:s3], [sflag:s2] =	dma.local @!p0 [hbm:s0], s1  }
0x18b: {  	s0 =	simm.s32 @!p0 $0x3  }
0x18c: {  	_ =	swait.ge @!p0 [sflag:s0], s1  }
0x18d: {  	s1 =	ssub.s32 @!p0 $0x0, s1;
	[sflag:s0] =	ssyncset.done @!p0 $0x0  }
0x18e: {  	[sflag:s0] =	ssyncadd.s32 @!p0 s1  }
0x18f: {  	[bflag:$0x3] =	sbarrier.arrive $0xFFFF  }
0x190: {  	_ =	shalt  }

</sc_bundles>
